<compile_context>
chip_gen: v7x
topology: tpu7x:2x2x1
jax: 0.10.2.dev20260603
libtpu: 0.0.44.dev20260713+nightly
codegen_flags: <defaults>
</compile_context>

<pallas_src>
import functools

import jax
import jax.numpy as jnp
from jax import lax
from jax.experimental import pallas as pl
from jax.experimental.pallas import tpu as pltpu
from jax.experimental.pallas import tpu_sc as plsc

M = 512
NC, NS, L = 2, 16, 16
NW = NC * NS
NBUF = 2


def _sc_histograms(pred1, labels, C, HW, chunk):
    N = labels.shape[0]
    ppw = N // NW
    nchunks = ppw // chunk
    assert nchunks % NBUF == 0
    hsize = 2 * C * M

    mesh = plsc.VectorSubcoreMesh(
        core_axis_name="c", subcore_axis_name="s", num_cores=NC, num_subcores=NS
    )

    @functools.partial(
        pl.kernel,
        out_type=jax.ShapeDtypeStruct((NW, hsize), jnp.int32),
        mesh=mesh,
        compiler_params=pltpu.CompilerParams(
            needs_layout_passes=False, use_tc_tiling_on_sc=False
        ),
        scratch_types=[
            pltpu.VMEM((NBUF, C, chunk), jnp.float32),
            pltpu.VMEM((NBUF, chunk), jnp.int32),
            pltpu.VMEM((hsize,), jnp.int32),
            [pltpu.SemaphoreType.DMA] * NBUF,
        ],
    )
    def hist_kernel(pred_hbm, labels_hbm, out_hbm, chans, labs, hist, sems):
        wid = lax.axis_index("s") * NC + lax.axis_index("c")
        base = wid * ppw
        b = base // HW
        col0 = base - b * HW
        row0 = b * C

        def zero_body(i, _):
            hist[pl.ds(i * L, L)] = jnp.zeros((L,), jnp.int32)
            return 0

        lax.fori_loop(0, hsize // L, zero_body, 0)

        ones = jnp.ones((L,), jnp.int32)
        neg_ones = jnp.full((L,), -1, jnp.int32)
        lane = lax.iota(jnp.int32, L)
        LOGM = M.bit_length() - 1
        SH = 23 - LOGM
        EXP_OFF = 0x3F800000 >> SH

        def chunk_copies(k, u):
            col = col0 + k * chunk
            cps = [
                pltpu.make_async_copy(
                    pred_hbm.at[pl.ds((row0 + c) * HW + col, chunk)],
                    chans.at[u, c], sems[u],
                )
                for c in range(C)
            ]
            cps.append(
                pltpu.make_async_copy(
                    labels_hbm.at[pl.ds(base + k * chunk, chunk)], labs.at[u],
                    sems[u],
                )
            )
            return cps

        for u in range(NBUF):
            for cp in chunk_copies(u, u):
                cp.start()

        def compute(u):
            @plsc.parallel_loop(0, chunk // L, unroll=1)
            def px_body(i):
                pix = i * L
                lab = labs[u, pl.ds(pix, L)]
                for c in range(C):
                    p = chans[u, c, pl.ds(pix, L)]
                    bb = jnp.right_shift(plsc.bitcast(p + 1.0, jnp.int32), SH)
                    plsc.addupdate_scatter(hist, [bb + (c * M - EXP_OFF)], ones)
                p_own = plsc.load_gather(chans.at[u], [lab, lane + pix])
                lab_off = jnp.left_shift(lab, LOGM)
                bb = jnp.right_shift(plsc.bitcast(p_own + 1.0, jnp.int32), SH)
                plsc.addupdate_scatter(hist, [bb + lab_off - EXP_OFF], neg_ones)
                fb = jnp.right_shift(plsc.bitcast(2.0 - p_own, jnp.int32), SH)
                fb = jnp.minimum(fb, EXP_OFF + (M - 1))
                plsc.addupdate_scatter(
                    hist, [fb + lab_off + (C * M - EXP_OFF)], ones
                )

        def ring_body(k4, _):
            for u in range(NBUF):
                k = k4 * NBUF + u
                for cp in chunk_copies(k, u):
                    cp.wait()
                compute(u)

                @pl.when(k + NBUF < nchunks)
                def _():
                    for cp in chunk_copies(k + NBUF, u):
                        cp.start()

            return 0

        lax.fori_loop(0, nchunks // NBUF, ring_body, 0)

        pltpu.sync_copy(hist, out_hbm.at[wid])

    out = hist_kernel(pred1, labels)
    return out.reshape(NW, 2, C, M)


def _cumsum_minor(x):
    n = x.shape[-1]
    s = 1
    while s < n:
        shifted = jnp.concatenate(
            [jnp.zeros(x.shape[:-1] + (s,), x.dtype), x[..., :-s]], axis=-1
        )
        x = x + shifted
        s *= 2
    return x


def _tc_reduce(partials):
    C = partials.shape[2]

    def body(hist_ref, out_ref):
        s = jnp.sum(hist_ref[...], axis=0)
        bh = s[0].astype(jnp.float32)
        gh = s[1].astype(jnp.float32)
        tot_b = jnp.sum(bh, axis=1, keepdims=True)
        p_tot = jnp.sum(gh, axis=1, keepdims=True)
        cum_b = _cumsum_minor(bh)
        cum_g = _cumsum_minor(gh)
        kbg = tot_b - cum_b
        jac = 1.0 - cum_g / jnp.maximum(p_tot + kbg, 1.0)
        losses = (0.5 + jnp.sum(jac, axis=1, keepdims=True)) / M
        pres = (p_tot > 0).astype(jnp.float32)
        loss = jnp.sum(losses * pres) / jnp.maximum(jnp.sum(pres), 1.0)
        out_ref[0, 0] = loss

    return pl.pallas_call(
        body,
        out_shape=jax.ShapeDtypeStruct((1, 1), jnp.float32),
        out_specs=pl.BlockSpec(memory_space=pltpu.SMEM),
    )(partials)


def kernel(pred, target):
    B, C, H, W = pred.shape
    HW = H * W
    N = B * HW
    assert N % NW == 0 and HW % (N // NW) == 0

    pred1 = (
        pred.reshape(B, C, H // 8, 8, W // 128, 128)
        .transpose(0, 1, 2, 4, 3, 5)
        .reshape(B * C * HW)
    )
    labels = (
        target.reshape(B, H // 8, 8, W // 128, 128)
        .transpose(0, 1, 3, 2, 4)
        .reshape(N)
        .astype(jnp.int32)
    )
    partials = _sc_histograms(pred1, labels, C, HW, 2048)
    loss = _tc_reduce(partials)
    return loss.reshape(())

# --- scband reference (transcript-rebuilt; emitter-appended) ---
"""Pipeline reference for scband-lovasz-softmax-14998025797702 (READ-ONLY COPY).

The authoritative reference and input builder live on the scoring server;
editing this copy changes nothing except your own understanding.
"""

import jax, jax.numpy as jnp
import numpy as np

IGNORE_INDEX = -1
WEIGHT = 1.0
NUM_CLASSES = 21


def _lovasz_grad(gt_sorted):
    # Computes gradient of the Lovasz extension w.r.t sorted errors
    gts = jnp.sum(gt_sorted)
    intersection = gts - jnp.cumsum(gt_sorted)
    union = gts + jnp.cumsum(1.0 - gt_sorted)
    jaccard = 1.0 - intersection / union
    # jaccard[1:] = jaccard[1:] - jaccard[:-1]
    jaccard = jnp.concatenate([jaccard[:1], jaccard[1:] - jaccard[:-1]])
    return jaccard


def _flatten_probas(probas, labels):
    # [B, C, H, W] -> [B*H*W, C]; labels -> [B*H*W]
    B, C, H, W = probas.shape
    probas = jnp.transpose(probas, (0, 2, 3, 1)).reshape(-1, C)
    labels = labels.reshape(-1)
    # ignore_index = -1: generated labels are in [0, C), so no pixels are ignored
    return probas, labels


def _lovasz_softmax_flat(probas, labels):
    C = probas.shape[1]
    losses = []
    presents = []
    for c in range(C):
        fg = (labels == c).astype(probas.dtype)
        presents.append((jnp.sum(fg) > 0).astype(probas.dtype))
        errors = jnp.abs(fg - probas[:, c])
        perm = jnp.argsort(-errors)  # descending sort of errors
        errors_sorted = errors[perm]
        fg_sorted = fg[perm]
        losses.append(jnp.dot(errors_sorted, _lovasz_grad(fg_sorted)))
    losses = jnp.stack(losses)
    presents = jnp.stack(presents)
    # classes='present': average only over classes present in the labels
    return jnp.sum(losses * presents) / jnp.maximum(jnp.sum(presents), 1.0)


def setup_inputs(seed: int = 0) -> dict:
    key = jax.random.key(seed)
    k1, k2 = jax.random.split(key)
    pred = jax.random.uniform(k1, (4, NUM_CLASSES, 512, 512), dtype=jnp.float32)
    target = jax.random.randint(k2, (4, 512, 512), 0, NUM_CLASSES, dtype=jnp.int32)
    return {"pred": pred, "target": target}


def reference(pred, target):
    probas, labels = _flatten_probas(pred, target)
    loss = _lovasz_softmax_flat(probas, labels)
    return loss * WEIGHT

if __name__ == "__main__":
    import jax
    _d = setup_inputs()
    print(jax.jit(kernel)(*tuple(_d.values())))

</pallas_src>

<mosaic_0001>
#map = affine_map<(d0, d1) -> (0)>
#map1 = affine_map<(d0, d1) -> (0, 0)>
module attributes {stable_mosaic.version = 14 : i64} {
  func.func @hist_kernel(%arg0: i32, %arg1: i32, %arg2: memref<22020096xf32, #tpu.memory_space<hbm>>, %arg3: memref<1048576xi32, #tpu.memory_space<hbm>>, %arg4: memref<32x21504xi32, #tpu.memory_space<hbm>>, %arg5: memref<2x21x2048xf32, #tpu.memory_space<vmem>>, %arg6: memref<2x2048xi32, #tpu.memory_space<vmem>>, %arg7: memref<21504xi32, #tpu.memory_space<vmem>>, %arg8: memref<!tpu.dma_semaphore, #tpu.memory_space<semaphore_mem>>, %arg9: memref<!tpu.dma_semaphore, #tpu.memory_space<semaphore_mem>>) attributes {dimension_semantics = [#tpu.dimension_semantics<core_parallel>, #tpu.dimension_semantics<subcore_parallel>], iteration_bounds = array<i64: 2, 16>, scalar_prefetch = 0 : i64, scratch_operands = 5 : i64, tpu.core_type = #tpu.core_type<sc_vector_subcore>, window_params = [{transform_indices = #map}, {transform_indices = #map}, {transform_indices = #map1}]} {
    %mul3A = arith.constant 2 : i32
    %mul3A_0 = arith.muli %arg1, %mul3A : i32
    %add3A = arith.addi %mul3A_0, %arg0 : i32
    %mul3A_1 = arith.constant 32768 : i32
    %mul3A_2 = arith.muli %add3A, %mul3A_1 : i32
    %jit3A = arith.constant 262144 : i32
    %div3A = arith.divsi %mul3A_2, %jit3A : i32
    %sign3A = arith.constant 0 : i32
    %sign3A_3 = arith.cmpi sgt, %mul3A_2, %sign3A : i32
    %sign3A_4 = arith.extui %sign3A_3 : i1 to i32
    %sign3A_5 = arith.constant 0 : i32
    %sign3A_6 = arith.cmpi slt, %mul3A_2, %sign3A_5 : i32
    %sign3A_7 = arith.extui %sign3A_6 : i1 to i32
    %sign3A_8 = arith.subi %sign3A_4, %sign3A_7 : i32
    %sign3A_9 = arith.constant 0 : i32
    %sign3A_10 = arith.cmpi sgt, %jit3A, %sign3A_9 : i32
    %sign3A_11 = arith.extui %sign3A_10 : i1 to i32
    %sign3A_12 = arith.constant 0 : i32
    %sign3A_13 = arith.cmpi slt, %jit3A, %sign3A_12 : i32
    %sign3A_14 = arith.extui %sign3A_13 : i1 to i32
    %sign3A_15 = arith.subi %sign3A_11, %sign3A_14 : i32
    %ne3A = arith.cmpi ne, %sign3A_8, %sign3A_15 : i32
    %rem3A = arith.remsi %mul3A_2, %jit3A : i32
    %ne3A_16 = arith.constant 0 : i32
    %ne3A_17 = arith.cmpi ne, %rem3A, %ne3A_16 : i32
    %and3A = arith.andi %ne3A, %ne3A_17 : i1
    %sub3A = arith.constant 1 : i32
    %sub3A_18 = arith.subi %div3A, %sub3A : i32
    %select_n3A = arith.select %and3A, %sub3A_18, %div3A : i32
    %mul3A_19 = arith.constant 262144 : i32
    %mul3A_20 = arith.muli %select_n3A, %mul3A_19 : i32
    %sub3A_21 = arith.subi %mul3A_2, %mul3A_20 : i32
    %mul3A_22 = arith.constant 21 : i32
    %mul3A_23 = arith.muli %select_n3A, %mul3A_22 : i32
    %scan3A = arith.constant 0 : i32
    %scan3A_24 = arith.constant 0 : i32
    %scan3A_25 = arith.constant 1344 : i32
    %scan3A_26 = arith.addi %scan3A_24, %scan3A_25 : i32
    %scan3A_27 = arith.constant 1 : i32
    %scan3A_28 = scf.for %scan3A_695 = %scan3A_24 to %scan3A_26 step %scan3A_27 iter_args(%scan3A_696 = %scan3A) -> (i32)  : i32 {
      %broadcast_in_dim3A_697 = arith.constant 0 : i32
      %broadcast_in_dim3A_698 = vector.broadcast %broadcast_in_dim3A_697 : i32 to vector<16xi32>
      %mul3A_699 = arith.constant 16 : i32
      %mul3A_700 = arith.muli %scan3A_695, %mul3A_699 : i32
      %swap3A = arith.index_cast %mul3A_700 : i32 to index
      %swap3A_701 = tpu.vector_load %arg7[%swap3A] {strides = array<i32>} : memref<21504xi32, #tpu.memory_space<vmem>>, vector<16xi32>,
      tpu.vector_store %arg7[%swap3A], %broadcast_in_dim3A_698 {strides = array<i32>} : memref<21504xi32, #tpu.memory_space<vmem>>, vector<16xi32>,
      %scan3A_702 = arith.constant 0 : i32
      scf.yield %scan3A_702 : i32
    }
    %scan3A_29 = arith.constant 1344 : i32
    %broadcast_in_dim3A = arith.constant 1 : i32
    %broadcast_in_dim3A_30 = vector.broadcast %broadcast_in_dim3A : i32 to vector<16xi32>
    %broadcast_in_dim3A_31 = arith.constant -1 : i32
    %broadcast_in_dim3A_32 = vector.broadcast %broadcast_in_dim3A_31 : i32 to vector<16xi32>
    %iota3A = tpu.iota {dimensions = array<i32: 0>} : vector<16xi32>
    %add3A_33 = arith.constant 0 : i32
    %add3A_34 = arith.addi %sub3A_21, %add3A_33 : i32
    %add3A_35 = arith.constant 0 : i32
    %add3A_36 = arith.addi %mul3A_23, %add3A_35 : i32
    %mul3A_37 = arith.constant 262144 : i32
    %mul3A_38 = arith.muli %add3A_36, %mul3A_37 : i32
    %add3A_39 = arith.addi %mul3A_38, %add3A_34 : i32
    %add3A_40 = arith.constant 1 : i32
    %add3A_41 = arith.addi %mul3A_23, %add3A_40 : i32
    %mul3A_42 = arith.constant 262144 : i32
    %mul3A_43 = arith.muli %add3A_41, %mul3A_42 : i32
    %add3A_44 = arith.addi %mul3A_43, %add3A_34 : i32
    %add3A_45 = arith.constant 2 : i32
    %add3A_46 = arith.addi %mul3A_23, %add3A_45 : i32
    %mul3A_47 = arith.constant 262144 : i32
    %mul3A_48 = arith.muli %add3A_46, %mul3A_47 : i32
    %add3A_49 = arith.addi %mul3A_48, %add3A_34 : i32
    %add3A_50 = arith.constant 3 : i32
    %add3A_51 = arith.addi %mul3A_23, %add3A_50 : i32
    %mul3A_52 = arith.constant 262144 : i32
    %mul3A_53 = arith.muli %add3A_51, %mul3A_52 : i32
    %add3A_54 = arith.addi %mul3A_53, %add3A_34 : i32
    %add3A_55 = arith.constant 4 : i32
    %add3A_56 = arith.addi %mul3A_23, %add3A_55 : i32
    %mul3A_57 = arith.constant 262144 : i32
    %mul3A_58 = arith.muli %add3A_56, %mul3A_57 : i32
    %add3A_59 = arith.addi %mul3A_58, %add3A_34 : i32
    %add3A_60 = arith.constant 5 : i32
    %add3A_61 = arith.addi %mul3A_23, %add3A_60 : i32
    %mul3A_62 = arith.constant 262144 : i32
    %mul3A_63 = arith.muli %add3A_61, %mul3A_62 : i32
    %add3A_64 = arith.addi %mul3A_63, %add3A_34 : i32
    %add3A_65 = arith.constant 6 : i32
    %add3A_66 = arith.addi %mul3A_23, %add3A_65 : i32
    %mul3A_67 = arith.constant 262144 : i32
    %mul3A_68 = arith.muli %add3A_66, %mul3A_67 : i32
    %add3A_69 = arith.addi %mul3A_68, %add3A_34 : i32
    %add3A_70 = arith.constant 7 : i32
    %add3A_71 = arith.addi %mul3A_23, %add3A_70 : i32
    %mul3A_72 = arith.constant 262144 : i32
    %mul3A_73 = arith.muli %add3A_71, %mul3A_72 : i32
    %add3A_74 = arith.addi %mul3A_73, %add3A_34 : i32
    %add3A_75 = arith.constant 8 : i32
    %add3A_76 = arith.addi %mul3A_23, %add3A_75 : i32
    %mul3A_77 = arith.constant 262144 : i32
    %mul3A_78 = arith.muli %add3A_76, %mul3A_77 : i32
    %add3A_79 = arith.addi %mul3A_78, %add3A_34 : i32
    %add3A_80 = arith.constant 9 : i32
    %add3A_81 = arith.addi %mul3A_23, %add3A_80 : i32
    %mul3A_82 = arith.constant 262144 : i32
    %mul3A_83 = arith.muli %add3A_81, %mul3A_82 : i32
    %add3A_84 = arith.addi %mul3A_83, %add3A_34 : i32
    %add3A_85 = arith.constant 10 : i32
    %add3A_86 = arith.addi %mul3A_23, %add3A_85 : i32
    %mul3A_87 = arith.constant 262144 : i32
    %mul3A_88 = arith.muli %add3A_86, %mul3A_87 : i32
    %add3A_89 = arith.addi %mul3A_88, %add3A_34 : i32
    %add3A_90 = arith.constant 11 : i32
    %add3A_91 = arith.addi %mul3A_23, %add3A_90 : i32
    %mul3A_92 = arith.constant 262144 : i32
    %mul3A_93 = arith.muli %add3A_91, %mul3A_92 : i32
    %add3A_94 = arith.addi %mul3A_93, %add3A_34 : i32
    %add3A_95 = arith.constant 12 : i32
    %add3A_96 = arith.addi %mul3A_23, %add3A_95 : i32
    %mul3A_97 = arith.constant 262144 : i32
    %mul3A_98 = arith.muli %add3A_96, %mul3A_97 : i32
    %add3A_99 = arith.addi %mul3A_98, %add3A_34 : i32
    %add3A_100 = arith.constant 13 : i32
    %add3A_101 = arith.addi %mul3A_23, %add3A_100 : i32
    %mul3A_102 = arith.constant 262144 : i32
    %mul3A_103 = arith.muli %add3A_101, %mul3A_102 : i32
    %add3A_104 = arith.addi %mul3A_103, %add3A_34 : i32
    %add3A_105 = arith.constant 14 : i32
    %add3A_106 = arith.addi %mul3A_23, %add3A_105 : i32
    %mul3A_107 = arith.constant 262144 : i32
    %mul3A_108 = arith.muli %add3A_106, %mul3A_107 : i32
    %add3A_109 = arith.addi %mul3A_108, %add3A_34 : i32
    %add3A_110 = arith.constant 15 : i32
    %add3A_111 = arith.addi %mul3A_23, %add3A_110 : i32
    %mul3A_112 = arith.constant 262144 : i32
    %mul3A_113 = arith.muli %add3A_111, %mul3A_112 : i32
    %add3A_114 = arith.addi %mul3A_113, %add3A_34 : i32
    %add3A_115 = arith.constant 16 : i32
    %add3A_116 = arith.addi %mul3A_23, %add3A_115 : i32
    %mul3A_117 = arith.constant 262144 : i32
    %mul3A_118 = arith.muli %add3A_116, %mul3A_117 : i32
    %add3A_119 = arith.addi %mul3A_118, %add3A_34 : i32
    %add3A_120 = arith.constant 17 : i32
    %add3A_121 = arith.addi %mul3A_23, %add3A_120 : i32
    %mul3A_122 = arith.constant 262144 : i32
    %mul3A_123 = arith.muli %add3A_121, %mul3A_122 : i32
    %add3A_124 = arith.addi %mul3A_123, %add3A_34 : i32
    %add3A_125 = arith.constant 18 : i32
    %add3A_126 = arith.addi %mul3A_23, %add3A_125 : i32
    %mul3A_127 = arith.constant 262144 : i32
    %mul3A_128 = arith.muli %add3A_126, %mul3A_127 : i32
    %add3A_129 = arith.addi %mul3A_128, %add3A_34 : i32
    %add3A_130 = arith.constant 19 : i32
    %add3A_131 = arith.addi %mul3A_23, %add3A_130 : i32
    %mul3A_132 = arith.constant 262144 : i32
    %mul3A_133 = arith.muli %add3A_131, %mul3A_132 : i32
    %add3A_134 = arith.addi %mul3A_133, %add3A_34 : i32
    %add3A_135 = arith.constant 20 : i32
    %add3A_136 = arith.addi %mul3A_23, %add3A_135 : i32
    %mul3A_137 = arith.constant 262144 : i32
    %mul3A_138 = arith.muli %add3A_136, %mul3A_137 : i32
    %add3A_139 = arith.addi %mul3A_138, %add3A_34 : i32
    %add3A_140 = arith.constant 0 : i32
    %add3A_141 = arith.addi %mul3A_2, %add3A_140 : i32
    %dma_start3A = arith.constant 0 : i32
    %dma_start3A_142 = arith.constant 0 : i32
    %dma_start3A_143 = arith.constant 0 : i32
    %dma_start3A_144 = tpu.memref_slice %arg5[%dma_start3A, %dma_start3A_142, %dma_start3A_143] : memref<2x21x2048xf32, #tpu.memory_space<vmem>> -> memref<1x1x2048xf32, #tpu.memory_space<vmem>>
    %dma_start3A_145 = tpu.memref_squeeze %dma_start3A_144 : memref<1x1x2048xf32, #tpu.memory_space<vmem>> -> memref<2048xf32, #tpu.memory_space<vmem>>
    %dma_start3A_146 = tpu.memref_slice %arg2[%add3A_39] : memref<22020096xf32, #tpu.memory_space<hbm>> -> memref<2048xf32, #tpu.memory_space<hbm>>
    %dma_start3A_147 = arith.constant 0 : i32
    %dma_start3A_148 = tpu.memref_slice %arg5[%dma_start3A, %dma_start3A_142, %dma_start3A_147] : memref<2x21x2048xf32, #tpu.memory_space<vmem>> -> memref<1x1x2048xf32, #tpu.memory_space<vmem>>
    %dma_start3A_149 = tpu.memref_squeeze %dma_start3A_148 : memref<1x1x2048xf32, #tpu.memory_space<vmem>> -> memref<2048xf32, #tpu.memory_space<vmem>>
    %dma_start3A_150 = tpu.memref_slice %arg2[%add3A_39] : memref<22020096xf32, #tpu.memory_space<hbm>> -> memref<2048xf32, #tpu.memory_space<hbm>>
    tpu.enqueue_dma source(%dma_start3A_150 : memref<2048xf32, #tpu.memory_space<hbm>>) target(%dma_start3A_149 : memref<2048xf32, #tpu.memory_space<vmem>>) target_semaphore(%arg8 : memref<!tpu.dma_semaphore, #tpu.memory_space<semaphore_mem>>)
    %dma_start3A_151 = arith.constant 0 : i32
    %dma_start3A_152 = arith.constant 1 : i32
    %dma_start3A_153 = arith.constant 0 : i32
    %dma_start3A_154 = tpu.memref_slice %arg5[%dma_start3A_151, %dma_start3A_152, %dma_start3A_153] : memref<2x21x2048xf32, #tpu.memory_space<vmem>> -> memref<1x1x2048xf32, #tpu.memory_space<vmem>>
    %dma_start3A_155 = tpu.memref_squeeze %dma_start3A_154 : memref<1x1x2048xf32, #tpu.memory_space<vmem>> -> memref<2048xf32, #tpu.memory_space<vmem>>
    %dma_start3A_156 = tpu.memref_slice %arg2[%add3A_44] : memref<22020096xf32, #tpu.memory_space<hbm>> -> memref<2048xf32, #tpu.memory_space<hbm>>
    %dma_start3A_157 = arith.constant 0 : i32
    %dma_start3A_158 = tpu.memref_slice %arg5[%dma_start3A_151, %dma_start3A_152, %dma_start3A_157] : memref<2x21x2048xf32, #tpu.memory_space<vmem>> -> memref<1x1x2048xf32, #tpu.memory_space<vmem>>
    %dma_start3A_159 = tpu.memref_squeeze %dma_start3A_158 : memref<1x1x2048xf32, #tpu.memory_space<vmem>> -> memref<2048xf32, #tpu.memory_space<vmem>>
    %dma_start3A_160 = tpu.memref_slice %arg2[%add3A_44] : memref<22020096xf32, #tpu.memory_space<hbm>> -> memref<2048xf32, #tpu.memory_space<hbm>>
    tpu.enqueue_dma source(%dma_start3A_160 : memref<2048xf32, #tpu.memory_space<hbm>>) target(%dma_start3A_159 : memref<2048xf32, #tpu.memory_space<vmem>>) target_semaphore(%arg8 : memref<!tpu.dma_semaphore, #tpu.memory_space<semaphore_mem>>)
    %dma_start3A_161 = arith.constant 0 : i32
    %dma_start3A_162 = arith.constant 2 : i32
    %dma_start3A_163 = arith.constant 0 : i32
    %dma_start3A_164 = tpu.memref_slice %arg5[%dma_start3A_161, %dma_start3A_162, %dma_start3A_163] : memref<2x21x2048xf32, #tpu.memory_space<vmem>> -> memref<1x1x2048xf32, #tpu.memory_space<vmem>>
    %dma_start3A_165 = tpu.memref_squeeze %dma_start3A_164 : memref<1x1x2048xf32, #tpu.memory_space<vmem>> -> memref<2048xf32, #tpu.memory_space<vmem>>
    %dma_start3A_166 = tpu.memref_slice %arg2[%add3A_49] : memref<22020096xf32, #tpu.memory_space<hbm>> -> memref<2048xf32, #tpu.memory_space<hbm>>
    %dma_start3A_167 = arith.constant 0 : i32
    %dma_start3A_168 = tpu.memref_slice %arg5[%dma_start3A_161, %dma_start3A_162, %dma_start3A_167] : memref<2x21x2048xf32, #tpu.memory_space<vmem>> -> memref<1x1x2048xf32, #tpu.memory_space<vmem>>
    %dma_start3A_169 = tpu.memref_squeeze %dma_start3A_168 : memref<1x1x2048xf32, #tpu.memory_space<vmem>> -> memref<2048xf32, #tpu.memory_space<vmem>>
    %dma_start3A_170 = tpu.memref_slice %arg2[%add3A_49] : memref<22020096xf32, #tpu.memory_space<hbm>> -> memref<2048xf32, #tpu.memory_space<hbm>>
    tpu.enqueue_dma source(%dma_start3A_170 : memref<2048xf32, #tpu.memory_space<hbm>>) target(%dma_start3A_169 : memref<2048xf32, #tpu.memory_space<vmem>>) target_semaphore(%arg8 : memref<!tpu.dma_semaphore, #tpu.memory_space<semaphore_mem>>)
    %dma_start3A_171 = arith.constant 0 : i32
    %dma_start3A_172 = arith.constant 3 : i32
    %dma_start3A_173 = arith.constant 0 : i32
    %dma_start3A_174 = tpu.memref_slice %arg5[%dma_start3A_171, %dma_start3A_172, %dma_start3A_173] : memref<2x21x2048xf32, #tpu.memory_space<vmem>> -> memref<1x1x2048xf32, #tpu.memory_space<vmem>>
    %dma_start3A_175 = tpu.memref_squeeze %dma_start3A_174 : memref<1x1x2048xf32, #tpu.memory_space<vmem>> -> memref<2048xf32, #tpu.memory_space<vmem>>
    %dma_start3A_176 = tpu.memref_slice %arg2[%add3A_54] : memref<22020096xf32, #tpu.memory_space<hbm>> -> memref<2048xf32, #tpu.memory_space<hbm>>
    %dma_start3A_177 = arith.constant 0 : i32
    %dma_start3A_178 = tpu.memref_slice %arg5[%dma_start3A_171, %dma_start3A_172, %dma_start3A_177] : memref<2x21x2048xf32, #tpu.memory_space<vmem>> -> memref<1x1x2048xf32, #tpu.memory_space<vmem>>
    %dma_start3A_179 = tpu.memref_squeeze %dma_start3A_178 : memref<1x1x2048xf32, #tpu.memory_space<vmem>> -> memref<2048xf32, #tpu.memory_space<vmem>>
    %dma_start3A_180 = tpu.memref_slice %arg2[%add3A_54] : memref<22020096xf32, #tpu.memory_space<hbm>> -> memref<2048xf32, #tpu.memory_space<hbm>>
    tpu.enqueue_dma source(%dma_start3A_180 : memref<2048xf32, #tpu.memory_space<hbm>>) target(%dma_start3A_179 : memref<2048xf32, #tpu.memory_space<vmem>>) target_semaphore(%arg8 : memref<!tpu.dma_semaphore, #tpu.memory_space<semaphore_mem>>)
    %dma_start3A_181 = arith.constant 0 : i32
    %dma_start3A_182 = arith.constant 4 : i32
    %dma_start3A_183 = arith.constant 0 : i32
    %dma_start3A_184 = tpu.memref_slice %arg5[%dma_start3A_181, %dma_start3A_182, %dma_start3A_183] : memref<2x21x2048xf32, #tpu.memory_space<vmem>> -> memref<1x1x2048xf32, #tpu.memory_space<vmem>>
    %dma_start3A_185 = tpu.memref_squeeze %dma_start3A_184 : memref<1x1x2048xf32, #tpu.memory_space<vmem>> -> memref<2048xf32, #tpu.memory_space<vmem>>
    %dma_start3A_186 = tpu.memref_slice %arg2[%add3A_59] : memref<22020096xf32, #tpu.memory_space<hbm>> -> memref<2048xf32, #tpu.memory_space<hbm>>
    %dma_start3A_187 = arith.constant 0 : i32
    %dma_start3A_188 = tpu.memref_slice %arg5[%dma_start3A_181, %dma_start3A_182, %dma_start3A_187] : memref<2x21x2048xf32, #tpu.memory_space<vmem>> -> memref<1x1x2048xf32, #tpu.memory_space<vmem>>
    %dma_start3A_189 = tpu.memref_squeeze %dma_start3A_188 : memref<1x1x2048xf32, #tpu.memory_space<vmem>> -> memref<2048xf32, #tpu.memory_space<vmem>>
    %dma_start3A_190 = tpu.memref_slice %arg2[%add3A_59] : memref<22020096xf32, #tpu.memory_space<hbm>> -> memref<2048xf32, #tpu.memory_space<hbm>>
    tpu.enqueue_dma source(%dma_start3A_190 : memref<2048xf32, #tpu.memory_space<hbm>>) target(%dma_start3A_189 : memref<2048xf32, #tpu.memory_space<vmem>>) target_semaphore(%arg8 : memref<!tpu.dma_semaphore, #tpu.memory_space<semaphore_mem>>)
    %dma_start3A_191 = arith.constant 0 : i32
    %dma_start3A_192 = arith.constant 5 : i32
    %dma_start3A_193 = arith.constant 0 : i32
    %dma_start3A_194 = tpu.memref_slice %arg5[%dma_start3A_191, %dma_start3A_192, %dma_start3A_193] : memref<2x21x2048xf32, #tpu.memory_space<vmem>> -> memref<1x1x2048xf32, #tpu.memory_space<vmem>>
    %dma_start3A_195 = tpu.memref_squeeze %dma_start3A_194 : memref<1x1x2048xf32, #tpu.memory_space<vmem>> -> memref<2048xf32, #tpu.memory_space<vmem>>
    %dma_start3A_196 = tpu.memref_slice %arg2[%add3A_64] : memref<22020096xf32, #tpu.memory_space<hbm>> -> memref<2048xf32, #tpu.memory_space<hbm>>
    %dma_start3A_197 = arith.constant 0 : i32
    %dma_start3A_198 = tpu.memref_slice %arg5[%dma_start3A_191, %dma_start3A_192, %dma_start3A_197] : memref<2x21x2048xf32, #tpu.memory_space<vmem>> -> memref<1x1x2048xf32, #tpu.memory_space<vmem>>
    %dma_start3A_199 = tpu.memref_squeeze %dma_start3A_198 : memref<1x1x2048xf32, #tpu.memory_space<vmem>> -> memref<2048xf32, #tpu.memory_space<vmem>>
    %dma_start3A_200 = tpu.memref_slice %arg2[%add3A_64] : memref<22020096xf32, #tpu.memory_space<hbm>> -> memref<2048xf32, #tpu.memory_space<hbm>>
    tpu.enqueue_dma source(%dma_start3A_200 : memref<2048xf32, #tpu.memory_space<hbm>>) target(%dma_start3A_199 : memref<2048xf32, #tpu.memory_space<vmem>>) target_semaphore(%arg8 : memref<!tpu.dma_semaphore, #tpu.memory_space<semaphore_mem>>)
    %dma_start3A_201 = arith.constant 0 : i32
    %dma_start3A_202 = arith.constant 6 : i32
    %dma_start3A_203 = arith.constant 0 : i32
    %dma_start3A_204 = tpu.memref_slice %arg5[%dma_start3A_201, %dma_start3A_202, %dma_start3A_203] : memref<2x21x2048xf32, #tpu.memory_space<vmem>> -> memref<1x1x2048xf32, #tpu.memory_space<vmem>>
    %dma_start3A_205 = tpu.memref_squeeze %dma_start3A_204 : memref<1x1x2048xf32, #tpu.memory_space<vmem>> -> memref<2048xf32, #tpu.memory_space<vmem>>
    %dma_start3A_206 = tpu.memref_slice %arg2[%add3A_69] : memref<22020096xf32, #tpu.memory_space<hbm>> -> memref<2048xf32, #tpu.memory_space<hbm>>
    %dma_start3A_207 = arith.constant 0 : i32
    %dma_start3A_208 = tpu.memref_slice %arg5[%dma_start3A_201, %dma_start3A_202, %dma_start3A_207] : memref<2x21x2048xf32, #tpu.memory_space<vmem>> -> memref<1x1x2048xf32, #tpu.memory_space<vmem>>
    %dma_start3A_209 = tpu.memref_squeeze %dma_start3A_208 : memref<1x1x2048xf32, #tpu.memory_space<vmem>> -> memref<2048xf32, #tpu.memory_space<vmem>>
    %dma_start3A_210 = tpu.memref_slice %arg2[%add3A_69] : memref<22020096xf32, #tpu.memory_space<hbm>> -> memref<2048xf32, #tpu.memory_space<hbm>>
    tpu.enqueue_dma source(%dma_start3A_210 : memref<2048xf32, #tpu.memory_space<hbm>>) target(%dma_start3A_209 : memref<2048xf32, #tpu.memory_space<vmem>>) target_semaphore(%arg8 : memref<!tpu.dma_semaphore, #tpu.memory_space<semaphore_mem>>)
    %dma_start3A_211 = arith.constant 0 : i32
    %dma_start3A_212 = arith.constant 7 : i32
    %dma_start3A_213 = arith.constant 0 : i32
    %dma_start3A_214 = tpu.memref_slice %arg5[%dma_start3A_211, %dma_start3A_212, %dma_start3A_213] : memref<2x21x2048xf32, #tpu.memory_space<vmem>> -> memref<1x1x2048xf32, #tpu.memory_space<vmem>>
    %dma_start3A_215 = tpu.memref_squeeze %dma_start3A_214 : memref<1x1x2048xf32, #tpu.memory_space<vmem>> -> memref<2048xf32, #tpu.memory_space<vmem>>
    %dma_start3A_216 = tpu.memref_slice %arg2[%add3A_74] : memref<22020096xf32, #tpu.memory_space<hbm>> -> memref<2048xf32, #tpu.memory_space<hbm>>
    %dma_start3A_217 = arith.constant 0 : i32
    %dma_start3A_218 = tpu.memref_slice %arg5[%dma_start3A_211, %dma_start3A_212, %dma_start3A_217] : memref<2x21x2048xf32, #tpu.memory_space<vmem>> -> memref<1x1x2048xf32, #tpu.memory_space<vmem>>
    %dma_start3A_219 = tpu.memref_squeeze %dma_start3A_218 : memref<1x1x2048xf32, #tpu.memory_space<vmem>> -> memref<2048xf32, #tpu.memory_space<vmem>>
    %dma_start3A_220 = tpu.memref_slice %arg2[%add3A_74] : memref<22020096xf32, #tpu.memory_space<hbm>> -> memref<2048xf32, #tpu.memory_space<hbm>>
    tpu.enqueue_dma source(%dma_start3A_220 : memref<2048xf32, #tpu.memory_space<hbm>>) target(%dma_start3A_219 : memref<2048xf32, #tpu.memory_space<vmem>>) target_semaphore(%arg8 : memref<!tpu.dma_semaphore, #tpu.memory_space<semaphore_mem>>)
    %dma_start3A_221 = arith.constant 0 : i32
    %dma_start3A_222 = arith.constant 8 : i32
    %dma_start3A_223 = arith.constant 0 : i32
    %dma_start3A_224 = tpu.memref_slice %arg5[%dma_start3A_221, %dma_start3A_222, %dma_start3A_223] : memref<2x21x2048xf32, #tpu.memory_space<vmem>> -> memref<1x1x2048xf32, #tpu.memory_space<vmem>>
    %dma_start3A_225 = tpu.memref_squeeze %dma_start3A_224 : memref<1x1x2048xf32, #tpu.memory_space<vmem>> -> memref<2048xf32, #tpu.memory_space<vmem>>
    %dma_start3A_226 = tpu.memref_slice %arg2[%add3A_79] : memref<22020096xf32, #tpu.memory_space<hbm>> -> memref<2048xf32, #tpu.memory_space<hbm>>
    %dma_start3A_227 = arith.constant 0 : i32
    %dma_start3A_228 = tpu.memref_slice %arg5[%dma_start3A_221, %dma_start3A_222, %dma_start3A_227] : memref<2x21x2048xf32, #tpu.memory_space<vmem>> -> memref<1x1x2048xf32, #tpu.memory_space<vmem>>
    %dma_start3A_229 = tpu.memref_squeeze %dma_start3A_228 : memref<1x1x2048xf32, #tpu.memory_space<vmem>> -> memref<2048xf32, #tpu.memory_space<vmem>>
    %dma_start3A_230 = tpu.memref_slice %arg2[%add3A_79] : memref<22020096xf32, #tpu.memory_space<hbm>> -> memref<2048xf32, #tpu.memory_space<hbm>>
    tpu.enqueue_dma source(%dma_start3A_230 : memref<2048xf32, #tpu.memory_space<hbm>>) target(%dma_start3A_229 : memref<2048xf32, #tpu.memory_space<vmem>>) target_semaphore(%arg8 : memref<!tpu.dma_semaphore, #tpu.memory_space<semaphore_mem>>)
    %dma_start3A_231 = arith.constant 0 : i32
    %dma_start3A_232 = arith.constant 9 : i32
    %dma_start3A_233 = arith.constant 0 : i32
    %dma_start3A_234 = tpu.memref_slice %arg5[%dma_start3A_231, %dma_start3A_232, %dma_start3A_233] : memref<2x21x2048xf32, #tpu.memory_space<vmem>> -> memref<1x1x2048xf32, #tpu.memory_space<vmem>>
    %dma_start3A_235 = tpu.memref_squeeze %dma_start3A_234 : memref<1x1x2048xf32, #tpu.memory_space<vmem>> -> memref<2048xf32, #tpu.memory_space<vmem>>
    %dma_start3A_236 = tpu.memref_slice %arg2[%add3A_84] : memref<22020096xf32, #tpu.memory_space<hbm>> -> memref<2048xf32, #tpu.memory_space<hbm>>
    %dma_start3A_237 = arith.constant 0 : i32
    %dma_start3A_238 = tpu.memref_slice %arg5[%dma_start3A_231, %dma_start3A_232, %dma_start3A_237] : memref<2x21x2048xf32, #tpu.memory_space<vmem>> -> memref<1x1x2048xf32, #tpu.memory_space<vmem>>
    %dma_start3A_239 = tpu.memref_squeeze %dma_start3A_238 : memref<1x1x2048xf32, #tpu.memory_space<vmem>> -> memref<2048xf32, #tpu.memory_space<vmem>>
    %dma_start3A_240 = tpu.memref_slice %arg2[%add3A_84] : memref<22020096xf32, #tpu.memory_space<hbm>> -> memref<2048xf32, #tpu.memory_space<hbm>>
    tpu.enqueue_dma source(%dma_start3A_240 : memref<2048xf32, #tpu.memory_space<hbm>>) target(%dma_start3A_239 : memref<2048xf32, #tpu.memory_space<vmem>>) target_semaphore(%arg8 : memref<!tpu.dma_semaphore, #tpu.memory_space<semaphore_mem>>)
    %dma_start3A_241 = arith.constant 0 : i32
    %dma_start3A_242 = arith.constant 10 : i32
    %dma_start3A_243 = arith.constant 0 : i32
    %dma_start3A_244 = tpu.memref_slice %arg5[%dma_start3A_241, %dma_start3A_242, %dma_start3A_243] : memref<2x21x2048xf32, #tpu.memory_space<vmem>> -> memref<1x1x2048xf32, #tpu.memory_space<vmem>>
    %dma_start3A_245 = tpu.memref_squeeze %dma_start3A_244 : memref<1x1x2048xf32, #tpu.memory_space<vmem>> -> memref<2048xf32, #tpu.memory_space<vmem>>
    %dma_start3A_246 = tpu.memref_slice %arg2[%add3A_89] : memref<22020096xf32, #tpu.memory_space<hbm>> -> memref<2048xf32, #tpu.memory_space<hbm>>
    %dma_start3A_247 = arith.constant 0 : i32
    %dma_start3A_248 = tpu.memref_slice %arg5[%dma_start3A_241, %dma_start3A_242, %dma_start3A_247] : memref<2x21x2048xf32, #tpu.memory_space<vmem>> -> memref<1x1x2048xf32, #tpu.memory_space<vmem>>
    %dma_start3A_249 = tpu.memref_squeeze %dma_start3A_248 : memref<1x1x2048xf32, #tpu.memory_space<vmem>> -> memref<2048xf32, #tpu.memory_space<vmem>>
    %dma_start3A_250 = tpu.memref_slice %arg2[%add3A_89] : memref<22020096xf32, #tpu.memory_space<hbm>> -> memref<2048xf32, #tpu.memory_space<hbm>>
    tpu.enqueue_dma source(%dma_start3A_250 : memref<2048xf32, #tpu.memory_space<hbm>>) target(%dma_start3A_249 : memref<2048xf32, #tpu.memory_space<vmem>>) target_semaphore(%arg8 : memref<!tpu.dma_semaphore, #tpu.memory_space<semaphore_mem>>)
    %dma_start3A_251 = arith.constant 0 : i32
    %dma_start3A_252 = arith.constant 11 : i32
    %dma_start3A_253 = arith.constant 0 : i32
    %dma_start3A_254 = tpu.memref_slice %arg5[%dma_start3A_251, %dma_start3A_252, %dma_start3A_253] : memref<2x21x2048xf32, #tpu.memory_space<vmem>> -> memref<1x1x2048xf32, #tpu.memory_space<vmem>>
    %dma_start3A_255 = tpu.memref_squeeze %dma_start3A_254 : memref<1x1x2048xf32, #tpu.memory_space<vmem>> -> memref<2048xf32, #tpu.memory_space<vmem>>
    %dma_start3A_256 = tpu.memref_slice %arg2[%add3A_94] : memref<22020096xf32, #tpu.memory_space<hbm>> -> memref<2048xf32, #tpu.memory_space<hbm>>
    %dma_start3A_257 = arith.constant 0 : i32
    %dma_start3A_258 = tpu.memref_slice %arg5[%dma_start3A_251, %dma_start3A_252, %dma_start3A_257] : memref<2x21x2048xf32, #tpu.memory_space<vmem>> -> memref<1x1x2048xf32, #tpu.memory_space<vmem>>
    %dma_start3A_259 = tpu.memref_squeeze %dma_start3A_258 : memref<1x1x2048xf32, #tpu.memory_space<vmem>> -> memref<2048xf32, #tpu.memory_space<vmem>>
    %dma_start3A_260 = tpu.memref_slice %arg2[%add3A_94] : memref<22020096xf32, #tpu.memory_space<hbm>> -> memref<2048xf32, #tpu.memory_space<hbm>>
    tpu.enqueue_dma source(%dma_start3A_260 : memref<2048xf32, #tpu.memory_space<hbm>>) target(%dma_start3A_259 : memref<2048xf32, #tpu.memory_space<vmem>>) target_semaphore(%arg8 : memref<!tpu.dma_semaphore, #tpu.memory_space<semaphore_mem>>)
    %dma_start3A_261 = arith.constant 0 : i32
    %dma_start3A_262 = arith.constant 12 : i32
    %dma_start3A_263 = arith.constant 0 : i32
    %dma_start3A_264 = tpu.memref_slice %arg5[%dma_start3A_261, %dma_start3A_262, %dma_start3A_263] : memref<2x21x2048xf32, #tpu.memory_space<vmem>> -> memref<1x1x2048xf32, #tpu.memory_space<vmem>>
    %dma_start3A_265 = tpu.memref_squeeze %dma_start3A_264 : memref<1x1x2048xf32, #tpu.memory_space<vmem>> -> memref<2048xf32, #tpu.memory_space<vmem>>
    %dma_start3A_266 = tpu.memref_slice %arg2[%add3A_99] : memref<22020096xf32, #tpu.memory_space<hbm>> -> memref<2048xf32, #tpu.memory_space<hbm>>
    %dma_start3A_267 = arith.constant 0 : i32
    %dma_start3A_268 = tpu.memref_slice %arg5[%dma_start3A_261, %dma_start3A_262, %dma_start3A_267] : memref<2x21x2048xf32, #tpu.memory_space<vmem>> -> memref<1x1x2048xf32, #tpu.memory_space<vmem>>
    %dma_start3A_269 = tpu.memref_squeeze %dma_start3A_268 : memref<1x1x2048xf32, #tpu.memory_space<vmem>> -> memref<2048xf32, #tpu.memory_space<vmem>>
    %dma_start3A_270 = tpu.memref_slice %arg2[%add3A_99] : memref<22020096xf32, #tpu.memory_space<hbm>> -> memref<2048xf32, #tpu.memory_space<hbm>>
    tpu.enqueue_dma source(%dma_start3A_270 : memref<2048xf32, #tpu.memory_space<hbm>>) target(%dma_start3A_269 : memref<2048xf32, #tpu.memory_space<vmem>>) target_semaphore(%arg8 : memref<!tpu.dma_semaphore, #tpu.memory_space<semaphore_mem>>)
    %dma_start3A_271 = arith.constant 0 : i32
    %dma_start3A_272 = arith.constant 13 : i32
    %dma_start3A_273 = arith.constant 0 : i32
    %dma_start3A_274 = tpu.memref_slice %arg5[%dma_start3A_271, %dma_start3A_272, %dma_start3A_273] : memref<2x21x2048xf32, #tpu.memory_space<vmem>> -> memref<1x1x2048xf32, #tpu.memory_space<vmem>>
    %dma_start3A_275 = tpu.memref_squeeze %dma_start3A_274 : memref<1x1x2048xf32, #tpu.memory_space<vmem>> -> memref<2048xf32, #tpu.memory_space<vmem>>
    %dma_start3A_276 = tpu.memref_slice %arg2[%add3A_104] : memref<22020096xf32, #tpu.memory_space<hbm>> -> memref<2048xf32, #tpu.memory_space<hbm>>
    %dma_start3A_277 = arith.constant 0 : i32
    %dma_start3A_278 = tpu.memref_slice %arg5[%dma_start3A_271, %dma_start3A_272, %dma_start3A_277] : memref<2x21x2048xf32, #tpu.memory_space<vmem>> -> memref<1x1x2048xf32, #tpu.memory_space<vmem>>
    %dma_start3A_279 = tpu.memref_squeeze %dma_start3A_278 : memref<1x1x2048xf32, #tpu.memory_space<vmem>> -> memref<2048xf32, #tpu.memory_space<vmem>>
    %dma_start3A_280 = tpu.memref_slice %arg2[%add3A_104] : memref<22020096xf32, #tpu.memory_space<hbm>> -> memref<2048xf32, #tpu.memory_space<hbm>>
    tpu.enqueue_dma source(%dma_start3A_280 : memref<2048xf32, #tpu.memory_space<hbm>>) target(%dma_start3A_279 : memref<2048xf32, #tpu.memory_space<vmem>>) target_semaphore(%arg8 : memref<!tpu.dma_semaphore, #tpu.memory_space<semaphore_mem>>)
    %dma_start3A_281 = arith.constant 0 : i32
    %dma_start3A_282 = arith.constant 14 : i32
    %dma_start3A_283 = arith.constant 0 : i32
    %dma_start3A_284 = tpu.memref_slice %arg5[%dma_start3A_281, %dma_start3A_282, %dma_start3A_283] : memref<2x21x2048xf32, #tpu.memory_space<vmem>> -> memref<1x1x2048xf32, #tpu.memory_space<vmem>>
    %dma_start3A_285 = tpu.memref_squeeze %dma_start3A_284 : memref<1x1x2048xf32, #tpu.memory_space<vmem>> -> memref<2048xf32, #tpu.memory_space<vmem>>
    %dma_start3A_286 = tpu.memref_slice %arg2[%add3A_109] : memref<22020096xf32, #tpu.memory_space<hbm>> -> memref<2048xf32, #tpu.memory_space<hbm>>
    %dma_start3A_287 = arith.constant 0 : i32
    %dma_start3A_288 = tpu.memref_slice %arg5[%dma_start3A_281, %dma_start3A_282, %dma_start3A_287] : memref<2x21x2048xf32, #tpu.memory_space<vmem>> -> memref<1x1x2048xf32, #tpu.memory_space<vmem>>
    %dma_start3A_289 = tpu.memref_squeeze %dma_start3A_288 : memref<1x1x2048xf32, #tpu.memory_space<vmem>> -> memref<2048xf32, #tpu.memory_space<vmem>>
    %dma_start3A_290 = tpu.memref_slice %arg2[%add3A_109] : memref<22020096xf32, #tpu.memory_space<hbm>> -> memref<2048xf32, #tpu.memory_space<hbm>>
    tpu.enqueue_dma source(%dma_start3A_290 : memref<2048xf32, #tpu.memory_space<hbm>>) target(%dma_start3A_289 : memref<2048xf32, #tpu.memory_space<vmem>>) target_semaphore(%arg8 : memref<!tpu.dma_semaphore, #tpu.memory_space<semaphore_mem>>)
    %dma_start3A_291 = arith.constant 0 : i32
    %dma_start3A_292 = arith.constant 15 : i32
    %dma_start3A_293 = arith.constant 0 : i32
    %dma_start3A_294 = tpu.memref_slice %arg5[%dma_start3A_291, %dma_start3A_292, %dma_start3A_293] : memref<2x21x2048xf32, #tpu.memory_space<vmem>> -> memref<1x1x2048xf32, #tpu.memory_space<vmem>>
    %dma_start3A_295 = tpu.memref_squeeze %dma_start3A_294 : memref<1x1x2048xf32, #tpu.memory_space<vmem>> -> memref<2048xf32, #tpu.memory_space<vmem>>
    %dma_start3A_296 = tpu.memref_slice %arg2[%add3A_114] : memref<22020096xf32, #tpu.memory_space<hbm>> -> memref<2048xf32, #tpu.memory_space<hbm>>
    %dma_start3A_297 = arith.constant 0 : i32
    %dma_start3A_298 = tpu.memref_slice %arg5[%dma_start3A_291, %dma_start3A_292, %dma_start3A_297] : memref<2x21x2048xf32, #tpu.memory_space<vmem>> -> memref<1x1x2048xf32, #tpu.memory_space<vmem>>
    %dma_start3A_299 = tpu.memref_squeeze %dma_start3A_298 : memref<1x1x2048xf32, #tpu.memory_space<vmem>> -> memref<2048xf32, #tpu.memory_space<vmem>>
    %dma_start3A_300 = tpu.memref_slice %arg2[%add3A_114] : memref<22020096xf32, #tpu.memory_space<hbm>> -> memref<2048xf32, #tpu.memory_space<hbm>>
    tpu.enqueue_dma source(%dma_start3A_300 : memref<2048xf32, #tpu.memory_space<hbm>>) target(%dma_start3A_299 : memref<2048xf32, #tpu.memory_space<vmem>>) target_semaphore(%arg8 : memref<!tpu.dma_semaphore, #tpu.memory_space<semaphore_mem>>)
    %dma_start3A_301 = arith.constant 0 : i32
    %dma_start3A_302 = arith.constant 16 : i32
    %dma_start3A_303 = arith.constant 0 : i32
    %dma_start3A_304 = tpu.memref_slice %arg5[%dma_start3A_301, %dma_start3A_302, %dma_start3A_303] : memref<2x21x2048xf32, #tpu.memory_space<vmem>> -> memref<1x1x2048xf32, #tpu.memory_space<vmem>>
    %dma_start3A_305 = tpu.memref_squeeze %dma_start3A_304 : memref<1x1x2048xf32, #tpu.memory_space<vmem>> -> memref<2048xf32, #tpu.memory_space<vmem>>
    %dma_start3A_306 = tpu.memref_slice %arg2[%add3A_119] : memref<22020096xf32, #tpu.memory_space<hbm>> -> memref<2048xf32, #tpu.memory_space<hbm>>
    %dma_start3A_307 = arith.constant 0 : i32
    %dma_start3A_308 = tpu.memref_slice %arg5[%dma_start3A_301, %dma_start3A_302, %dma_start3A_307] : memref<2x21x2048xf32, #tpu.memory_space<vmem>> -> memref<1x1x2048xf32, #tpu.memory_space<vmem>>
    %dma_start3A_309 = tpu.memref_squeeze %dma_start3A_308 : memref<1x1x2048xf32, #tpu.memory_space<vmem>> -> memref<2048xf32, #tpu.memory_space<vmem>>
    %dma_start3A_310 = tpu.memref_slice %arg2[%add3A_119] : memref<22020096xf32, #tpu.memory_space<hbm>> -> memref<2048xf32, #tpu.memory_space<hbm>>
    tpu.enqueue_dma source(%dma_start3A_310 : memref<2048xf32, #tpu.memory_space<hbm>>) target(%dma_start3A_309 : memref<2048xf32, #tpu.memory_space<vmem>>) target_semaphore(%arg8 : memref<!tpu.dma_semaphore, #tpu.memory_space<semaphore_mem>>)
    %dma_start3A_311 = arith.constant 0 : i32
    %dma_start3A_312 = arith.constant 17 : i32
    %dma_start3A_313 = arith.constant 0 : i32
    %dma_start3A_314 = tpu.memref_slice %arg5[%dma_start3A_311, %dma_start3A_312, %dma_start3A_313] : memref<2x21x2048xf32, #tpu.memory_space<vmem>> -> memref<1x1x2048xf32, #tpu.memory_space<vmem>>
    %dma_start3A_315 = tpu.memref_squeeze %dma_start3A_314 : memref<1x1x2048xf32, #tpu.memory_space<vmem>> -> memref<2048xf32, #tpu.memory_space<vmem>>
    %dma_start3A_316 = tpu.memref_slice %arg2[%add3A_124] : memref<22020096xf32, #tpu.memory_space<hbm>> -> memref<2048xf32, #tpu.memory_space<hbm>>
    %dma_start3A_317 = arith.constant 0 : i32
    %dma_start3A_318 = tpu.memref_slice %arg5[%dma_start3A_311, %dma_start3A_312, %dma_start3A_317] : memref<2x21x2048xf32, #tpu.memory_space<vmem>> -> memref<1x1x2048xf32, #tpu.memory_space<vmem>>
    %dma_start3A_319 = tpu.memref_squeeze %dma_start3A_318 : memref<1x1x2048xf32, #tpu.memory_space<vmem>> -> memref<2048xf32, #tpu.memory_space<vmem>>
    %dma_start3A_320 = tpu.memref_slice %arg2[%add3A_124] : memref<22020096xf32, #tpu.memory_space<hbm>> -> memref<2048xf32, #tpu.memory_space<hbm>>
    tpu.enqueue_dma source(%dma_start3A_320 : memref<2048xf32, #tpu.memory_space<hbm>>) target(%dma_start3A_319 : memref<2048xf32, #tpu.memory_space<vmem>>) target_semaphore(%arg8 : memref<!tpu.dma_semaphore, #tpu.memory_space<semaphore_mem>>)
    %dma_start3A_321 = arith.constant 0 : i32
    %dma_start3A_322 = arith.constant 18 : i32
    %dma_start3A_323 = arith.constant 0 : i32
    %dma_start3A_324 = tpu.memref_slice %arg5[%dma_start3A_321, %dma_start3A_322, %dma_start3A_323] : memref<2x21x2048xf32, #tpu.memory_space<vmem>> -> memref<1x1x2048xf32, #tpu.memory_space<vmem>>
    %dma_start3A_325 = tpu.memref_squeeze %dma_start3A_324 : memref<1x1x2048xf32, #tpu.memory_space<vmem>> -> memref<2048xf32, #tpu.memory_space<vmem>>
    %dma_start3A_326 = tpu.memref_slice %arg2[%add3A_129] : memref<22020096xf32, #tpu.memory_space<hbm>> -> memref<2048xf32, #tpu.memory_space<hbm>>
    %dma_start3A_327 = arith.constant 0 : i32
    %dma_start3A_328 = tpu.memref_slice %arg5[%dma_start3A_321, %dma_start3A_322, %dma_start3A_327] : memref<2x21x2048xf32, #tpu.memory_space<vmem>> -> memref<1x1x2048xf32, #tpu.memory_space<vmem>>
    %dma_start3A_329 = tpu.memref_squeeze %dma_start3A_328 : memref<1x1x2048xf32, #tpu.memory_space<vmem>> -> memref<2048xf32, #tpu.memory_space<vmem>>
    %dma_start3A_330 = tpu.memref_slice %arg2[%add3A_129] : memref<22020096xf32, #tpu.memory_space<hbm>> -> memref<2048xf32, #tpu.memory_space<hbm>>
    tpu.enqueue_dma source(%dma_start3A_330 : memref<2048xf32, #tpu.memory_space<hbm>>) target(%dma_start3A_329 : memref<2048xf32, #tpu.memory_space<vmem>>) target_semaphore(%arg8 : memref<!tpu.dma_semaphore, #tpu.memory_space<semaphore_mem>>)
    %dma_start3A_331 = arith.constant 0 : i32
    %dma_start3A_332 = arith.constant 19 : i32
    %dma_start3A_333 = arith.constant 0 : i32
    %dma_start3A_334 = tpu.memref_slice %arg5[%dma_start3A_331, %dma_start3A_332, %dma_start3A_333] : memref<2x21x2048xf32, #tpu.memory_space<vmem>> -> memref<1x1x2048xf32, #tpu.memory_space<vmem>>
    %dma_start3A_335 = tpu.memref_squeeze %dma_start3A_334 : memref<1x1x2048xf32, #tpu.memory_space<vmem>> -> memref<2048xf32, #tpu.memory_space<vmem>>
    %dma_start3A_336 = tpu.memref_slice %arg2[%add3A_134] : memref<22020096xf32, #tpu.memory_space<hbm>> -> memref<2048xf32, #tpu.memory_space<hbm>>
    %dma_start3A_337 = arith.constant 0 : i32
    %dma_start3A_338 = tpu.memref_slice %arg5[%dma_start3A_331, %dma_start3A_332, %dma_start3A_337] : memref<2x21x2048xf32, #tpu.memory_space<vmem>> -> memref<1x1x2048xf32, #tpu.memory_space<vmem>>
    %dma_start3A_339 = tpu.memref_squeeze %dma_start3A_338 : memref<1x1x2048xf32, #tpu.memory_space<vmem>> -> memref<2048xf32, #tpu.memory_space<vmem>>
    %dma_start3A_340 = tpu.memref_slice %arg2[%add3A_134] : memref<22020096xf32, #tpu.memory_space<hbm>> -> memref<2048xf32, #tpu.memory_space<hbm>>
    tpu.enqueue_dma source(%dma_start3A_340 : memref<2048xf32, #tpu.memory_space<hbm>>) target(%dma_start3A_339 : memref<2048xf32, #tpu.memory_space<vmem>>) target_semaphore(%arg8 : memref<!tpu.dma_semaphore, #tpu.memory_space<semaphore_mem>>)
    %dma_start3A_341 = arith.constant 0 : i32
    %dma_start3A_342 = arith.constant 20 : i32
    %dma_start3A_343 = arith.constant 0 : i32
    %dma_start3A_344 = tpu.memref_slice %arg5[%dma_start3A_341, %dma_start3A_342, %dma_start3A_343] : memref<2x21x2048xf32, #tpu.memory_space<vmem>> -> memref<1x1x2048xf32, #tpu.memory_space<vmem>>
    %dma_start3A_345 = tpu.memref_squeeze %dma_start3A_344 : memref<1x1x2048xf32, #tpu.memory_space<vmem>> -> memref<2048xf32, #tpu.memory_space<vmem>>
    %dma_start3A_346 = tpu.memref_slice %arg2[%add3A_139] : memref<22020096xf32, #tpu.memory_space<hbm>> -> memref<2048xf32, #tpu.memory_space<hbm>>
    %dma_start3A_347 = arith.constant 0 : i32
    %dma_start3A_348 = tpu.memref_slice %arg5[%dma_start3A_341, %dma_start3A_342, %dma_start3A_347] : memref<2x21x2048xf32, #tpu.memory_space<vmem>> -> memref<1x1x2048xf32, #tpu.memory_space<vmem>>
    %dma_start3A_349 = tpu.memref_squeeze %dma_start3A_348 : memref<1x1x2048xf32, #tpu.memory_space<vmem>> -> memref<2048xf32, #tpu.memory_space<vmem>>
    %dma_start3A_350 = tpu.memref_slice %arg2[%add3A_139] : memref<22020096xf32, #tpu.memory_space<hbm>> -> memref<2048xf32, #tpu.memory_space<hbm>>
    tpu.enqueue_dma source(%dma_start3A_350 : memref<2048xf32, #tpu.memory_space<hbm>>) target(%dma_start3A_349 : memref<2048xf32, #tpu.memory_space<vmem>>) target_semaphore(%arg8 : memref<!tpu.dma_semaphore, #tpu.memory_space<semaphore_mem>>)
    %dma_start3A_351 = arith.constant 0 : i32
    %dma_start3A_352 = arith.constant 0 : i32
    %dma_start3A_353 = tpu.memref_slice %arg6[%dma_start3A_351, %dma_start3A_352] : memref<2x2048xi32, #tpu.memory_space<vmem>> -> memref<1x2048xi32, #tpu.memory_space<vmem>>
    %dma_start3A_354 = tpu.memref_squeeze %dma_start3A_353 : memref<1x2048xi32, #tpu.memory_space<vmem>> -> memref<2048xi32, #tpu.memory_space<vmem>>
    %dma_start3A_355 = tpu.memref_slice %arg3[%add3A_141] : memref<1048576xi32, #tpu.memory_space<hbm>> -> memref<2048xi32, #tpu.memory_space<hbm>>
    %dma_start3A_356 = arith.constant 0 : i32
    %dma_start3A_357 = tpu.memref_slice %arg6[%dma_start3A_351, %dma_start3A_356] : memref<2x2048xi32, #tpu.memory_space<vmem>> -> memref<1x2048xi32, #tpu.memory_space<vmem>>
    %dma_start3A_358 = tpu.memref_squeeze %dma_start3A_357 : memref<1x2048xi32, #tpu.memory_space<vmem>> -> memref<2048xi32, #tpu.memory_space<vmem>>
    %dma_start3A_359 = tpu.memref_slice %arg3[%add3A_141] : memref<1048576xi32, #tpu.memory_space<hbm>> -> memref<2048xi32, #tpu.memory_space<hbm>>
    tpu.enqueue_dma source(%dma_start3A_359 : memref<2048xi32, #tpu.memory_space<hbm>>) target(%dma_start3A_358 : memref<2048xi32, #tpu.memory_space<vmem>>) target_semaphore(%arg8 : memref<!tpu.dma_semaphore, #tpu.memory_space<semaphore_mem>>)
    %add3A_360 = arith.constant 2048 : i32
    %add3A_361 = arith.addi %sub3A_21, %add3A_360 : i32
    %add3A_362 = arith.constant 0 : i32
    %add3A_363 = arith.addi %mul3A_23, %add3A_362 : i32
    %mul3A_364 = arith.constant 262144 : i32
    %mul3A_365 = arith.muli %add3A_363, %mul3A_364 : i32
    %add3A_366 = arith.addi %mul3A_365, %add3A_361 : i32
    %add3A_367 = arith.constant 1 : i32
    %add3A_368 = arith.addi %mul3A_23, %add3A_367 : i32
    %mul3A_369 = arith.constant 262144 : i32
    %mul3A_370 = arith.muli %add3A_368, %mul3A_369 : i32
    %add3A_371 = arith.addi %mul3A_370, %add3A_361 : i32
    %add3A_372 = arith.constant 2 : i32
    %add3A_373 = arith.addi %mul3A_23, %add3A_372 : i32
    %mul3A_374 = arith.constant 262144 : i32
    %mul3A_375 = arith.muli %add3A_373, %mul3A_374 : i32
    %add3A_376 = arith.addi %mul3A_375, %add3A_361 : i32
    %add3A_377 = arith.constant 3 : i32
    %add3A_378 = arith.addi %mul3A_23, %add3A_377 : i32
    %mul3A_379 = arith.constant 262144 : i32
    %mul3A_380 = arith.muli %add3A_378, %mul3A_379 : i32
    %add3A_381 = arith.addi %mul3A_380, %add3A_361 : i32
    %add3A_382 = arith.constant 4 : i32
    %add3A_383 = arith.addi %mul3A_23, %add3A_382 : i32
    %mul3A_384 = arith.constant 262144 : i32
    %mul3A_385 = arith.muli %add3A_383, %mul3A_384 : i32
    %add3A_386 = arith.addi %mul3A_385, %add3A_361 : i32
    %add3A_387 = arith.constant 5 : i32
    %add3A_388 = arith.addi %mul3A_23, %add3A_387 : i32
    %mul3A_389 = arith.constant 262144 : i32
    %mul3A_390 = arith.muli %add3A_388, %mul3A_389 : i32
    %add3A_391 = arith.addi %mul3A_390, %add3A_361 : i32
    %add3A_392 = arith.constant 6 : i32
    %add3A_393 = arith.addi %mul3A_23, %add3A_392 : i32
    %mul3A_394 = arith.constant 262144 : i32
    %mul3A_395 = arith.muli %add3A_393, %mul3A_394 : i32
    %add3A_396 = arith.addi %mul3A_395, %add3A_361 : i32
    %add3A_397 = arith.constant 7 : i32
    %add3A_398 = arith.addi %mul3A_23, %add3A_397 : i32
    %mul3A_399 = arith.constant 262144 : i32
    %mul3A_400 = arith.muli %add3A_398, %mul3A_399 : i32
    %add3A_401 = arith.addi %mul3A_400, %add3A_361 : i32
    %add3A_402 = arith.constant 8 : i32
    %add3A_403 = arith.addi %mul3A_23, %add3A_402 : i32
    %mul3A_404 = arith.constant 262144 : i32
    %mul3A_405 = arith.muli %add3A_403, %mul3A_404 : i32
    %add3A_406 = arith.addi %mul3A_405, %add3A_361 : i32
    %add3A_407 = arith.constant 9 : i32
    %add3A_408 = arith.addi %mul3A_23, %add3A_407 : i32
    %mul3A_409 = arith.constant 262144 : i32
    %mul3A_410 = arith.muli %add3A_408, %mul3A_409 : i32
    %add3A_411 = arith.addi %mul3A_410, %add3A_361 : i32
    %add3A_412 = arith.constant 10 : i32
    %add3A_413 = arith.addi %mul3A_23, %add3A_412 : i32
    %mul3A_414 = arith.constant 262144 : i32
    %mul3A_415 = arith.muli %add3A_413, %mul3A_414 : i32
    %add3A_416 = arith.addi %mul3A_415, %add3A_361 : i32
    %add3A_417 = arith.constant 11 : i32
    %add3A_418 = arith.addi %mul3A_23, %add3A_417 : i32
    %mul3A_419 = arith.constant 262144 : i32
    %mul3A_420 = arith.muli %add3A_418, %mul3A_419 : i32
    %add3A_421 = arith.addi %mul3A_420, %add3A_361 : i32
    %add3A_422 = arith.constant 12 : i32
    %add3A_423 = arith.addi %mul3A_23, %add3A_422 : i32
    %mul3A_424 = arith.constant 262144 : i32
    %mul3A_425 = arith.muli %add3A_423, %mul3A_424 : i32
    %add3A_426 = arith.addi %mul3A_425, %add3A_361 : i32
    %add3A_427 = arith.constant 13 : i32
    %add3A_428 = arith.addi %mul3A_23, %add3A_427 : i32
    %mul3A_429 = arith.constant 262144 : i32
    %mul3A_430 = arith.muli %add3A_428, %mul3A_429 : i32
    %add3A_431 = arith.addi %mul3A_430, %add3A_361 : i32
    %add3A_432 = arith.constant 14 : i32
    %add3A_433 = arith.addi %mul3A_23, %add3A_432 : i32
    %mul3A_434 = arith.constant 262144 : i32
    %mul3A_435 = arith.muli %add3A_433, %mul3A_434 : i32
    %add3A_436 = arith.addi %mul3A_435, %add3A_361 : i32
    %add3A_437 = arith.constant 15 : i32
    %add3A_438 = arith.addi %mul3A_23, %add3A_437 : i32
    %mul3A_439 = arith.constant 262144 : i32
    %mul3A_440 = arith.muli %add3A_438, %mul3A_439 : i32
    %add3A_441 = arith.addi %mul3A_440, %add3A_361 : i32
    %add3A_442 = arith.constant 16 : i32
    %add3A_443 = arith.addi %mul3A_23, %add3A_442 : i32
    %mul3A_444 = arith.constant 262144 : i32
    %mul3A_445 = arith.muli %add3A_443, %mul3A_444 : i32
    %add3A_446 = arith.addi %mul3A_445, %add3A_361 : i32
    %add3A_447 = arith.constant 17 : i32
    %add3A_448 = arith.addi %mul3A_23, %add3A_447 : i32
    %mul3A_449 = arith.constant 262144 : i32
    %mul3A_450 = arith.muli %add3A_448, %mul3A_449 : i32
    %add3A_451 = arith.addi %mul3A_450, %add3A_361 : i32
    %add3A_452 = arith.constant 18 : i32
    %add3A_453 = arith.addi %mul3A_23, %add3A_452 : i32
    %mul3A_454 = arith.constant 262144 : i32
    %mul3A_455 = arith.muli %add3A_453, %mul3A_454 : i32
    %add3A_456 = arith.addi %mul3A_455, %add3A_361 : i32
    %add3A_457 = arith.constant 19 : i32
    %add3A_458 = arith.addi %mul3A_23, %add3A_457 : i32
    %mul3A_459 = arith.constant 262144 : i32
    %mul3A_460 = arith.muli %add3A_458, %mul3A_459 : i32
    %add3A_461 = arith.addi %mul3A_460, %add3A_361 : i32
    %add3A_462 = arith.constant 20 : i32
    %add3A_463 = arith.addi %mul3A_23, %add3A_462 : i32
    %mul3A_464 = arith.constant 262144 : i32
    %mul3A_465 = arith.muli %add3A_463, %mul3A_464 : i32
    %add3A_466 = arith.addi %mul3A_465, %add3A_361 : i32
    %add3A_467 = arith.constant 2048 : i32
    %add3A_468 = arith.addi %mul3A_2, %add3A_467 : i32
    %dma_start3A_469 = arith.constant 1 : i32
    %dma_start3A_470 = arith.constant 0 : i32
    %dma_start3A_471 = arith.constant 0 : i32
    %dma_start3A_472 = tpu.memref_slice %arg5[%dma_start3A_469, %dma_start3A_470, %dma_start3A_471] : memref<2x21x2048xf32, #tpu.memory_space<vmem>> -> memref<1x1x2048xf32, #tpu.memory_space<vmem>>
    %dma_start3A_473 = tpu.memref_squeeze %dma_start3A_472 : memref<1x1x2048xf32, #tpu.memory_space<vmem>> -> memref<2048xf32, #tpu.memory_space<vmem>>
    %dma_start3A_474 = tpu.memref_slice %arg2[%add3A_366] : memref<22020096xf32, #tpu.memory_space<hbm>> -> memref<2048xf32, #tpu.memory_space<hbm>>
    %dma_start3A_475 = arith.constant 0 : i32
    %dma_start3A_476 = tpu.memref_slice %arg5[%dma_start3A_469, %dma_start3A_470, %dma_start3A_475] : memref<2x21x2048xf32, #tpu.memory_space<vmem>> -> memref<1x1x2048xf32, #tpu.memory_space<vmem>>
    %dma_start3A_477 = tpu.memref_squeeze %dma_start3A_476 : memref<1x1x2048xf32, #tpu.memory_space<vmem>> -> memref<2048xf32, #tpu.memory_space<vmem>>
    %dma_start3A_478 = tpu.memref_slice %arg2[%add3A_366] : memref<22020096xf32, #tpu.memory_space<hbm>> -> memref<2048xf32, #tpu.memory_space<hbm>>
    tpu.enqueue_dma source(%dma_start3A_478 : memref<2048xf32, #tpu.memory_space<hbm>>) target(%dma_start3A_477 : memref<2048xf32, #tpu.memory_space<vmem>>) target_semaphore(%arg9 : memref<!tpu.dma_semaphore, #tpu.memory_space<semaphore_mem>>)
    %dma_start3A_479 = arith.constant 1 : i32
    %dma_start3A_480 = arith.constant 1 : i32
    %dma_start3A_481 = arith.constant 0 : i32
    %dma_start3A_482 = tpu.memref_slice %arg5[%dma_start3A_479, %dma_start3A_480, %dma_start3A_481] : memref<2x21x2048xf32, #tpu.memory_space<vmem>> -> memref<1x1x2048xf32, #tpu.memory_space<vmem>>
    %dma_start3A_483 = tpu.memref_squeeze %dma_start3A_482 : memref<1x1x2048xf32, #tpu.memory_space<vmem>> -> memref<2048xf32, #tpu.memory_space<vmem>>
    %dma_start3A_484 = tpu.memref_slice %arg2[%add3A_371] : memref<22020096xf32, #tpu.memory_space<hbm>> -> memref<2048xf32, #tpu.memory_space<hbm>>
    %dma_start3A_485 = arith.constant 0 : i32
    %dma_start3A_486 = tpu.memref_slice %arg5[%dma_start3A_479, %dma_start3A_480, %dma_start3A_485] : memref<2x21x2048xf32, #tpu.memory_space<vmem>> -> memref<1x1x2048xf32, #tpu.memory_space<vmem>>
    %dma_start3A_487 = tpu.memref_squeeze %dma_start3A_486 : memref<1x1x2048xf32, #tpu.memory_space<vmem>> -> memref<2048xf32, #tpu.memory_space<vmem>>
    %dma_start3A_488 = tpu.memref_slice %arg2[%add3A_371] : memref<22020096xf32, #tpu.memory_space<hbm>> -> memref<2048xf32, #tpu.memory_space<hbm>>
    tpu.enqueue_dma source(%dma_start3A_488 : memref<2048xf32, #tpu.memory_space<hbm>>) target(%dma_start3A_487 : memref<2048xf32, #tpu.memory_space<vmem>>) target_semaphore(%arg9 : memref<!tpu.dma_semaphore, #tpu.memory_space<semaphore_mem>>)
    %dma_start3A_489 = arith.constant 1 : i32
    %dma_start3A_490 = arith.constant 2 : i32
    %dma_start3A_491 = arith.constant 0 : i32
    %dma_start3A_492 = tpu.memref_slice %arg5[%dma_start3A_489, %dma_start3A_490, %dma_start3A_491] : memref<2x21x2048xf32, #tpu.memory_space<vmem>> -> memref<1x1x2048xf32, #tpu.memory_space<vmem>>
    %dma_start3A_493 = tpu.memref_squeeze %dma_start3A_492 : memref<1x1x2048xf32, #tpu.memory_space<vmem>> -> memref<2048xf32, #tpu.memory_space<vmem>>
    %dma_start3A_494 = tpu.memref_slice %arg2[%add3A_376] : memref<22020096xf32, #tpu.memory_space<hbm>> -> memref<2048xf32, #tpu.memory_space<hbm>>
    %dma_start3A_495 = arith.constant 0 : i32
    %dma_start3A_496 = tpu.memref_slice %arg5[%dma_start3A_489, %dma_start3A_490, %dma_start3A_495] : memref<2x21x2048xf32, #tpu.memory_space<vmem>> -> memref<1x1x2048xf32, #tpu.memory_space<vmem>>
    %dma_start3A_497 = tpu.memref_squeeze %dma_start3A_496 : memref<1x1x2048xf32, #tpu.memory_space<vmem>> -> memref<2048xf32, #tpu.memory_space<vmem>>
    %dma_start3A_498 = tpu.memref_slice %arg2[%add3A_376] : memref<22020096xf32, #tpu.memory_space<hbm>> -> memref<2048xf32, #tpu.memory_space<hbm>>
    tpu.enqueue_dma source(%dma_start3A_498 : memref<2048xf32, #tpu.memory_space<hbm>>) target(%dma_start3A_497 : memref<2048xf32, #tpu.memory_space<vmem>>) target_semaphore(%arg9 : memref<!tpu.dma_semaphore, #tpu.memory_space<semaphore_mem>>)
    %dma_start3A_499 = arith.constant 1 : i32
    %dma_start3A_500 = arith.constant 3 : i32
    %dma_start3A_501 = arith.constant 0 : i32
    %dma_start3A_502 = tpu.memref_slice %arg5[%dma_start3A_499, %dma_start3A_500, %dma_start3A_501] : memref<2x21x2048xf32, #tpu.memory_space<vmem>> -> memref<1x1x2048xf32, #tpu.memory_space<vmem>>
    %dma_start3A_503 = tpu.memref_squeeze %dma_start3A_502 : memref<1x1x2048xf32, #tpu.memory_space<vmem>> -> memref<2048xf32, #tpu.memory_space<vmem>>
    %dma_start3A_504 = tpu.memref_slice %arg2[%add3A_381] : memref<22020096xf32, #tpu.memory_space<hbm>> -> memref<2048xf32, #tpu.memory_space<hbm>>
    %dma_start3A_505 = arith.constant 0 : i32
    %dma_start3A_506 = tpu.memref_slice %arg5[%dma_start3A_499, %dma_start3A_500, %dma_start3A_505] : memref<2x21x2048xf32, #tpu.memory_space<vmem>> -> memref<1x1x2048xf32, #tpu.memory_space<vmem>>
    %dma_start3A_507 = tpu.memref_squeeze %dma_start3A_506 : memref<1x1x2048xf32, #tpu.memory_space<vmem>> -> memref<2048xf32, #tpu.memory_space<vmem>>
    %dma_start3A_508 = tpu.memref_slice %arg2[%add3A_381] : memref<22020096xf32, #tpu.memory_space<hbm>> -> memref<2048xf32, #tpu.memory_space<hbm>>
    tpu.enqueue_dma source(%dma_start3A_508 : memref<2048xf32, #tpu.memory_space<hbm>>) target(%dma_start3A_507 : memref<2048xf32, #tpu.memory_space<vmem>>) target_semaphore(%arg9 : memref<!tpu.dma_semaphore, #tpu.memory_space<semaphore_mem>>)
    %dma_start3A_509 = arith.constant 1 : i32
    %dma_start3A_510 = arith.constant 4 : i32
    %dma_start3A_511 = arith.constant 0 : i32
    %dma_start3A_512 = tpu.memref_slice %arg5[%dma_start3A_509, %dma_start3A_510, %dma_start3A_511] : memref<2x21x2048xf32, #tpu.memory_space<vmem>> -> memref<1x1x2048xf32, #tpu.memory_space<vmem>>
    %dma_start3A_513 = tpu.memref_squeeze %dma_start3A_512 : memref<1x1x2048xf32, #tpu.memory_space<vmem>> -> memref<2048xf32, #tpu.memory_space<vmem>>
    %dma_start3A_514 = tpu.memref_slice %arg2[%add3A_386] : memref<22020096xf32, #tpu.memory_space<hbm>> -> memref<2048xf32, #tpu.memory_space<hbm>>
    %dma_start3A_515 = arith.constant 0 : i32
    %dma_start3A_516 = tpu.memref_slice %arg5[%dma_start3A_509, %dma_start3A_510, %dma_start3A_515] : memref<2x21x2048xf32, #tpu.memory_space<vmem>> -> memref<1x1x2048xf32, #tpu.memory_space<vmem>>
    %dma_start3A_517 = tpu.memref_squeeze %dma_start3A_516 : memref<1x1x2048xf32, #tpu.memory_space<vmem>> -> memref<2048xf32, #tpu.memory_space<vmem>>
    %dma_start3A_518 = tpu.memref_slice %arg2[%add3A_386] : memref<22020096xf32, #tpu.memory_space<hbm>> -> memref<2048xf32, #tpu.memory_space<hbm>>
    tpu.enqueue_dma source(%dma_start3A_518 : memref<2048xf32, #tpu.memory_space<hbm>>) target(%dma_start3A_517 : memref<2048xf32, #tpu.memory_space<vmem>>) target_semaphore(%arg9 : memref<!tpu.dma_semaphore, #tpu.memory_space<semaphore_mem>>)
    %dma_start3A_519 = arith.constant 1 : i32
    %dma_start3A_520 = arith.constant 5 : i32
    %dma_start3A_521 = arith.constant 0 : i32
    %dma_start3A_522 = tpu.memref_slice %arg5[%dma_start3A_519, %dma_start3A_520, %dma_start3A_521] : memref<2x21x2048xf32, #tpu.memory_space<vmem>> -> memref<1x1x2048xf32, #tpu.memory_space<vmem>>
    %dma_start3A_523 = tpu.memref_squeeze %dma_start3A_522 : memref<1x1x2048xf32, #tpu.memory_space<vmem>> -> memref<2048xf32, #tpu.memory_space<vmem>>
    %dma_start3A_524 = tpu.memref_slice %arg2[%add3A_391] : memref<22020096xf32, #tpu.memory_space<hbm>> -> memref<2048xf32, #tpu.memory_space<hbm>>
    %dma_start3A_525 = arith.constant 0 : i32
    %dma_start3A_526 = tpu.memref_slice %arg5[%dma_start3A_519, %dma_start3A_520, %dma_start3A_525] : memref<2x21x2048xf32, #tpu.memory_space<vmem>> -> memref<1x1x2048xf32, #tpu.memory_space<vmem>>
    %dma_start3A_527 = tpu.memref_squeeze %dma_start3A_526 : memref<1x1x2048xf32, #tpu.memory_space<vmem>> -> memref<2048xf32, #tpu.memory_space<vmem>>
    %dma_start3A_528 = tpu.memref_slice %arg2[%add3A_391] : memref<22020096xf32, #tpu.memory_space<hbm>> -> memref<2048xf32, #tpu.memory_space<hbm>>
    tpu.enqueue_dma source(%dma_start3A_528 : memref<2048xf32, #tpu.memory_space<hbm>>) target(%dma_start3A_527 : memref<2048xf32, #tpu.memory_space<vmem>>) target_semaphore(%arg9 : memref<!tpu.dma_semaphore, #tpu.memory_space<semaphore_mem>>)
    %dma_start3A_529 = arith.constant 1 : i32
    %dma_start3A_530 = arith.constant 6 : i32
    %dma_start3A_531 = arith.constant 0 : i32
    %dma_start3A_532 = tpu.memref_slice %arg5[%dma_start3A_529, %dma_start3A_530, %dma_start3A_531] : memref<2x21x2048xf32, #tpu.memory_space<vmem>> -> memref<1x1x2048xf32, #tpu.memory_space<vmem>>
    %dma_start3A_533 = tpu.memref_squeeze %dma_start3A_532 : memref<1x1x2048xf32, #tpu.memory_space<vmem>> -> memref<2048xf32, #tpu.memory_space<vmem>>
    %dma_start3A_534 = tpu.memref_slice %arg2[%add3A_396] : memref<22020096xf32, #tpu.memory_space<hbm>> -> memref<2048xf32, #tpu.memory_space<hbm>>
    %dma_start3A_535 = arith.constant 0 : i32
    %dma_start3A_536 = tpu.memref_slice %arg5[%dma_start3A_529, %dma_start3A_530, %dma_start3A_535] : memref<2x21x2048xf32, #tpu.memory_space<vmem>> -> memref<1x1x2048xf32, #tpu.memory_space<vmem>>
    %dma_start3A_537 = tpu.memref_squeeze %dma_start3A_536 : memref<1x1x2048xf32, #tpu.memory_space<vmem>> -> memref<2048xf32, #tpu.memory_space<vmem>>
    %dma_start3A_538 = tpu.memref_slice %arg2[%add3A_396] : memref<22020096xf32, #tpu.memory_space<hbm>> -> memref<2048xf32, #tpu.memory_space<hbm>>
    tpu.enqueue_dma source(%dma_start3A_538 : memref<2048xf32, #tpu.memory_space<hbm>>) target(%dma_start3A_537 : memref<2048xf32, #tpu.memory_space<vmem>>) target_semaphore(%arg9 : memref<!tpu.dma_semaphore, #tpu.memory_space<semaphore_mem>>)
    %dma_start3A_539 = arith.constant 1 : i32
    %dma_start3A_540 = arith.constant 7 : i32
    %dma_start3A_541 = arith.constant 0 : i32
    %dma_start3A_542 = tpu.memref_slice %arg5[%dma_start3A_539, %dma_start3A_540, %dma_start3A_541] : memref<2x21x2048xf32, #tpu.memory_space<vmem>> -> memref<1x1x2048xf32, #tpu.memory_space<vmem>>
    %dma_start3A_543 = tpu.memref_squeeze %dma_start3A_542 : memref<1x1x2048xf32, #tpu.memory_space<vmem>> -> memref<2048xf32, #tpu.memory_space<vmem>>
    %dma_start3A_544 = tpu.memref_slice %arg2[%add3A_401] : memref<22020096xf32, #tpu.memory_space<hbm>> -> memref<2048xf32, #tpu.memory_space<hbm>>
    %dma_start3A_545 = arith.constant 0 : i32
    %dma_start3A_546 = tpu.memref_slice %arg5[%dma_start3A_539, %dma_start3A_540, %dma_start3A_545] : memref<2x21x2048xf32, #tpu.memory_space<vmem>> -> memref<1x1x2048xf32, #tpu.memory_space<vmem>>
    %dma_start3A_547 = tpu.memref_squeeze %dma_start3A_546 : memref<1x1x2048xf32, #tpu.memory_space<vmem>> -> memref<2048xf32, #tpu.memory_space<vmem>>
    %dma_start3A_548 = tpu.memref_slice %arg2[%add3A_401] : memref<22020096xf32, #tpu.memory_space<hbm>> -> memref<2048xf32, #tpu.memory_space<hbm>>
    tpu.enqueue_dma source(%dma_start3A_548 : memref<2048xf32, #tpu.memory_space<hbm>>) target(%dma_start3A_547 : memref<2048xf32, #tpu.memory_space<vmem>>) target_semaphore(%arg9 : memref<!tpu.dma_semaphore, #tpu.memory_space<semaphore_mem>>)
    %dma_start3A_549 = arith.constant 1 : i32
    %dma_start3A_550 = arith.constant 8 : i32
    %dma_start3A_551 = arith.constant 0 : i32
    %dma_start3A_552 = tpu.memref_slice %arg5[%dma_start3A_549, %dma_start3A_550, %dma_start3A_551] : memref<2x21x2048xf32, #tpu.memory_space<vmem>> -> memref<1x1x2048xf32, #tpu.memory_space<vmem>>
    %dma_start3A_553 = tpu.memref_squeeze %dma_start3A_552 : memref<1x1x2048xf32, #tpu.memory_space<vmem>> -> memref<2048xf32, #tpu.memory_space<vmem>>
    %dma_start3A_554 = tpu.memref_slice %arg2[%add3A_406] : memref<22020096xf32, #tpu.memory_space<hbm>> -> memref<2048xf32, #tpu.memory_space<hbm>>
    %dma_start3A_555 = arith.constant 0 : i32
    %dma_start3A_556 = tpu.memref_slice %arg5[%dma_start3A_549, %dma_start3A_550, %dma_start3A_555] : memref<2x21x2048xf32, #tpu.memory_space<vmem>> -> memref<1x1x2048xf32, #tpu.memory_space<vmem>>
    %dma_start3A_557 = tpu.memref_squeeze %dma_start3A_556 : memref<1x1x2048xf32, #tpu.memory_space<vmem>> -> memref<2048xf32, #tpu.memory_space<vmem>>
    %dma_start3A_558 = tpu.memref_slice %arg2[%add3A_406] : memref<22020096xf32, #tpu.memory_space<hbm>> -> memref<2048xf32, #tpu.memory_space<hbm>>
    tpu.enqueue_dma source(%dma_start3A_558 : memref<2048xf32, #tpu.memory_space<hbm>>) target(%dma_start3A_557 : memref<2048xf32, #tpu.memory_space<vmem>>) target_semaphore(%arg9 : memref<!tpu.dma_semaphore, #tpu.memory_space<semaphore_mem>>)
    %dma_start3A_559 = arith.constant 1 : i32
    %dma_start3A_560 = arith.constant 9 : i32
    %dma_start3A_561 = arith.constant 0 : i32
    %dma_start3A_562 = tpu.memref_slice %arg5[%dma_start3A_559, %dma_start3A_560, %dma_start3A_561] : memref<2x21x2048xf32, #tpu.memory_space<vmem>> -> memref<1x1x2048xf32, #tpu.memory_space<vmem>>
    %dma_start3A_563 = tpu.memref_squeeze %dma_start3A_562 : memref<1x1x2048xf32, #tpu.memory_space<vmem>> -> memref<2048xf32, #tpu.memory_space<vmem>>
    %dma_start3A_564 = tpu.memref_slice %arg2[%add3A_411] : memref<22020096xf32, #tpu.memory_space<hbm>> -> memref<2048xf32, #tpu.memory_space<hbm>>
    %dma_start3A_565 = arith.constant 0 : i32
    %dma_start3A_566 = tpu.memref_slice %arg5[%dma_start3A_559, %dma_start3A_560, %dma_start3A_565] : memref<2x21x2048xf32, #tpu.memory_space<vmem>> -> memref<1x1x2048xf32, #tpu.memory_space<vmem>>
    %dma_start3A_567 = tpu.memref_squeeze %dma_start3A_566 : memref<1x1x2048xf32, #tpu.memory_space<vmem>> -> memref<2048xf32, #tpu.memory_space<vmem>>
    %dma_start3A_568 = tpu.memref_slice %arg2[%add3A_411] : memref<22020096xf32, #tpu.memory_space<hbm>> -> memref<2048xf32, #tpu.memory_space<hbm>>
    tpu.enqueue_dma source(%dma_start3A_568 : memref<2048xf32, #tpu.memory_space<hbm>>) target(%dma_start3A_567 : memref<2048xf32, #tpu.memory_space<vmem>>) target_semaphore(%arg9 : memref<!tpu.dma_semaphore, #tpu.memory_space<semaphore_mem>>)
    %dma_start3A_569 = arith.constant 1 : i32
    %dma_start3A_570 = arith.constant 10 : i32
    %dma_start3A_571 = arith.constant 0 : i32
    %dma_start3A_572 = tpu.memref_slice %arg5[%dma_start3A_569, %dma_start3A_570, %dma_start3A_571] : memref<2x21x2048xf32, #tpu.memory_space<vmem>> -> memref<1x1x2048xf32, #tpu.memory_space<vmem>>
    %dma_start3A_573 = tpu.memref_squeeze %dma_start3A_572 : memref<1x1x2048xf32, #tpu.memory_space<vmem>> -> memref<2048xf32, #tpu.memory_space<vmem>>
    %dma_start3A_574 = tpu.memref_slice %arg2[%add3A_416] : memref<22020096xf32, #tpu.memory_space<hbm>> -> memref<2048xf32, #tpu.memory_space<hbm>>
    %dma_start3A_575 = arith.constant 0 : i32
    %dma_start3A_576 = tpu.memref_slice %arg5[%dma_start3A_569, %dma_start3A_570, %dma_start3A_575] : memref<2x21x2048xf32, #tpu.memory_space<vmem>> -> memref<1x1x2048xf32, #tpu.memory_space<vmem>>
    %dma_start3A_577 = tpu.memref_squeeze %dma_start3A_576 : memref<1x1x2048xf32, #tpu.memory_space<vmem>> -> memref<2048xf32, #tpu.memory_space<vmem>>
    %dma_start3A_578 = tpu.memref_slice %arg2[%add3A_416] : memref<22020096xf32, #tpu.memory_space<hbm>> -> memref<2048xf32, #tpu.memory_space<hbm>>
    tpu.enqueue_dma source(%dma_start3A_578 : memref<2048xf32, #tpu.memory_space<hbm>>) target(%dma_start3A_577 : memref<2048xf32, #tpu.memory_space<vmem>>) target_semaphore(%arg9 : memref<!tpu.dma_semaphore, #tpu.memory_space<semaphore_mem>>)
    %dma_start3A_579 = arith.constant 1 : i32
    %dma_start3A_580 = arith.constant 11 : i32
    %dma_start3A_581 = arith.constant 0 : i32
    %dma_start3A_582 = tpu.memref_slice %arg5[%dma_start3A_579, %dma_start3A_580, %dma_start3A_581] : memref<2x21x2048xf32, #tpu.memory_space<vmem>> -> memref<1x1x2048xf32, #tpu.memory_space<vmem>>
    %dma_start3A_583 = tpu.memref_squeeze %dma_start3A_582 : memref<1x1x2048xf32, #tpu.memory_space<vmem>> -> memref<2048xf32, #tpu.memory_space<vmem>>
    %dma_start3A_584 = tpu.memref_slice %arg2[%add3A_421] : memref<22020096xf32, #tpu.memory_space<hbm>> -> memref<2048xf32, #tpu.memory_space<hbm>>
    %dma_start3A_585 = arith.constant 0 : i32
    %dma_start3A_586 = tpu.memref_slice %arg5[%dma_start3A_579, %dma_start3A_580, %dma_start3A_585] : memref<2x21x2048xf32, #tpu.memory_space<vmem>> -> memref<1x1x2048xf32, #tpu.memory_space<vmem>>
    %dma_start3A_587 = tpu.memref_squeeze %dma_start3A_586 : memref<1x1x2048xf32, #tpu.memory_space<vmem>> -> memref<2048xf32, #tpu.memory_space<vmem>>
    %dma_start3A_588 = tpu.memref_slice %arg2[%add3A_421] : memref<22020096xf32, #tpu.memory_space<hbm>> -> memref<2048xf32, #tpu.memory_space<hbm>>
    tpu.enqueue_dma source(%dma_start3A_588 : memref<2048xf32, #tpu.memory_space<hbm>>) target(%dma_start3A_587 : memref<2048xf32, #tpu.memory_space<vmem>>) target_semaphore(%arg9 : memref<!tpu.dma_semaphore, #tpu.memory_space<semaphore_mem>>)
    %dma_start3A_589 = arith.constant 1 : i32
    %dma_start3A_590 = arith.constant 12 : i32
    %dma_start3A_591 = arith.constant 0 : i32
    %dma_start3A_592 = tpu.memref_slice %arg5[%dma_start3A_589, %dma_start3A_590, %dma_start3A_591] : memref<2x21x2048xf32, #tpu.memory_space<vmem>> -> memref<1x1x2048xf32, #tpu.memory_space<vmem>>
    %dma_start3A_593 = tpu.memref_squeeze %dma_start3A_592 : memref<1x1x2048xf32, #tpu.memory_space<vmem>> -> memref<2048xf32, #tpu.memory_space<vmem>>
    %dma_start3A_594 = tpu.memref_slice %arg2[%add3A_426] : memref<22020096xf32, #tpu.memory_space<hbm>> -> memref<2048xf32, #tpu.memory_space<hbm>>
    %dma_start3A_595 = arith.constant 0 : i32
    %dma_start3A_596 = tpu.memref_slice %arg5[%dma_start3A_589, %dma_start3A_590, %dma_start3A_595] : memref<2x21x2048xf32, #tpu.memory_space<vmem>> -> memref<1x1x2048xf32, #tpu.memory_space<vmem>>
    %dma_start3A_597 = tpu.memref_squeeze %dma_start3A_596 : memref<1x1x2048xf32, #tpu.memory_space<vmem>> -> memref<2048xf32, #tpu.memory_space<vmem>>
    %dma_start3A_598 = tpu.memref_slice %arg2[%add3A_426] : memref<22020096xf32, #tpu.memory_space<hbm>> -> memref<2048xf32, #tpu.memory_space<hbm>>
    tpu.enqueue_dma source(%dma_start3A_598 : memref<2048xf32, #tpu.memory_space<hbm>>) target(%dma_start3A_597 : memref<2048xf32, #tpu.memory_space<vmem>>) target_semaphore(%arg9 : memref<!tpu.dma_semaphore, #tpu.memory_space<semaphore_mem>>)
    %dma_start3A_599 = arith.constant 1 : i32
    %dma_start3A_600 = arith.constant 13 : i32
    %dma_start3A_601 = arith.constant 0 : i32
    %dma_start3A_602 = tpu.memref_slice %arg5[%dma_start3A_599, %dma_start3A_600, %dma_start3A_601] : memref<2x21x2048xf32, #tpu.memory_space<vmem>> -> memref<1x1x2048xf32, #tpu.memory_space<vmem>>
    %dma_start3A_603 = tpu.memref_squeeze %dma_start3A_602 : memref<1x1x2048xf32, #tpu.memory_space<vmem>> -> memref<2048xf32, #tpu.memory_space<vmem>>
    %dma_start3A_604 = tpu.memref_slice %arg2[%add3A_431] : memref<22020096xf32, #tpu.memory_space<hbm>> -> memref<2048xf32, #tpu.memory_space<hbm>>
    %dma_start3A_605 = arith.constant 0 : i32
    %dma_start3A_606 = tpu.memref_slice %arg5[%dma_start3A_599, %dma_start3A_600, %dma_start3A_605] : memref<2x21x2048xf32, #tpu.memory_space<vmem>> -> memref<1x1x2048xf32, #tpu.memory_space<vmem>>
    %dma_start3A_607 = tpu.memref_squeeze %dma_start3A_606 : memref<1x1x2048xf32, #tpu.memory_space<vmem>> -> memref<2048xf32, #tpu.memory_space<vmem>>
    %dma_start3A_608 = tpu.memref_slice %arg2[%add3A_431] : memref<22020096xf32, #tpu.memory_space<hbm>> -> memref<2048xf32, #tpu.memory_space<hbm>>
    tpu.enqueue_dma source(%dma_start3A_608 : memref<2048xf32, #tpu.memory_space<hbm>>) target(%dma_start3A_607 : memref<2048xf32, #tpu.memory_space<vmem>>) target_semaphore(%arg9 : memref<!tpu.dma_semaphore, #tpu.memory_space<semaphore_mem>>)
    %dma_start3A_609 = arith.constant 1 : i32
    %dma_start3A_610 = arith.constant 14 : i32
    %dma_start3A_611 = arith.constant 0 : i32
    %dma_start3A_612 = tpu.memref_slice %arg5[%dma_start3A_609, %dma_start3A_610, %dma_start3A_611] : memref<2x21x2048xf32, #tpu.memory_space<vmem>> -> memref<1x1x2048xf32, #tpu.memory_space<vmem>>
    %dma_start3A_613 = tpu.memref_squeeze %dma_start3A_612 : memref<1x1x2048xf32, #tpu.memory_space<vmem>> -> memref<2048xf32, #tpu.memory_space<vmem>>
    %dma_start3A_614 = tpu.memref_slice %arg2[%add3A_436] : memref<22020096xf32, #tpu.memory_space<hbm>> -> memref<2048xf32, #tpu.memory_space<hbm>>
    %dma_start3A_615 = arith.constant 0 : i32
    %dma_start3A_616 = tpu.memref_slice %arg5[%dma_start3A_609, %dma_start3A_610, %dma_start3A_615] : memref<2x21x2048xf32, #tpu.memory_space<vmem>> -> memref<1x1x2048xf32, #tpu.memory_space<vmem>>
    %dma_start3A_617 = tpu.memref_squeeze %dma_start3A_616 : memref<1x1x2048xf32, #tpu.memory_space<vmem>> -> memref<2048xf32, #tpu.memory_space<vmem>>
    %dma_start3A_618 = tpu.memref_slice %arg2[%add3A_436] : memref<22020096xf32, #tpu.memory_space<hbm>> -> memref<2048xf32, #tpu.memory_space<hbm>>
    tpu.enqueue_dma source(%dma_start3A_618 : memref<2048xf32, #tpu.memory_space<hbm>>) target(%dma_start3A_617 : memref<2048xf32, #tpu.memory_space<vmem>>) target_semaphore(%arg9 : memref<!tpu.dma_semaphore, #tpu.memory_space<semaphore_mem>>)
    %dma_start3A_619 = arith.constant 1 : i32
    %dma_start3A_620 = arith.constant 15 : i32
    %dma_start3A_621 = arith.constant 0 : i32
    %dma_start3A_622 = tpu.memref_slice %arg5[%dma_start3A_619, %dma_start3A_620, %dma_start3A_621] : memref<2x21x2048xf32, #tpu.memory_space<vmem>> -> memref<1x1x2048xf32, #tpu.memory_space<vmem>>
    %dma_start3A_623 = tpu.memref_squeeze %dma_start3A_622 : memref<1x1x2048xf32, #tpu.memory_space<vmem>> -> memref<2048xf32, #tpu.memory_space<vmem>>
    %dma_start3A_624 = tpu.memref_slice %arg2[%add3A_441] : memref<22020096xf32, #tpu.memory_space<hbm>> -> memref<2048xf32, #tpu.memory_space<hbm>>
    %dma_start3A_625 = arith.constant 0 : i32
    %dma_start3A_626 = tpu.memref_slice %arg5[%dma_start3A_619, %dma_start3A_620, %dma_start3A_625] : memref<2x21x2048xf32, #tpu.memory_space<vmem>> -> memref<1x1x2048xf32, #tpu.memory_space<vmem>>
    %dma_start3A_627 = tpu.memref_squeeze %dma_start3A_626 : memref<1x1x2048xf32, #tpu.memory_space<vmem>> -> memref<2048xf32, #tpu.memory_space<vmem>>
    %dma_start3A_628 = tpu.memref_slice %arg2[%add3A_441] : memref<22020096xf32, #tpu.memory_space<hbm>> -> memref<2048xf32, #tpu.memory_space<hbm>>
    tpu.enqueue_dma source(%dma_start3A_628 : memref<2048xf32, #tpu.memory_space<hbm>>) target(%dma_start3A_627 : memref<2048xf32, #tpu.memory_space<vmem>>) target_semaphore(%arg9 : memref<!tpu.dma_semaphore, #tpu.memory_space<semaphore_mem>>)
    %dma_start3A_629 = arith.constant 1 : i32
    %dma_start3A_630 = arith.constant 16 : i32
    %dma_start3A_631 = arith.constant 0 : i32
    %dma_start3A_632 = tpu.memref_slice %arg5[%dma_start3A_629, %dma_start3A_630, %dma_start3A_631] : memref<2x21x2048xf32, #tpu.memory_space<vmem>> -> memref<1x1x2048xf32, #tpu.memory_space<vmem>>
    %dma_start3A_633 = tpu.memref_squeeze %dma_start3A_632 : memref<1x1x2048xf32, #tpu.memory_space<vmem>> -> memref<2048xf32, #tpu.memory_space<vmem>>
    %dma_start3A_634 = tpu.memref_slice %arg2[%add3A_446] : memref<22020096xf32, #tpu.memory_space<hbm>> -> memref<2048xf32, #tpu.memory_space<hbm>>
    %dma_start3A_635 = arith.constant 0 : i32
    %dma_start3A_636 = tpu.memref_slice %arg5[%dma_start3A_629, %dma_start3A_630, %dma_start3A_635] : memref<2x21x2048xf32, #tpu.memory_space<vmem>> -> memref<1x1x2048xf32, #tpu.memory_space<vmem>>
    %dma_start3A_637 = tpu.memref_squeeze %dma_start3A_636 : memref<1x1x2048xf32, #tpu.memory_space<vmem>> -> memref<2048xf32, #tpu.memory_space<vmem>>
    %dma_start3A_638 = tpu.memref_slice %arg2[%add3A_446] : memref<22020096xf32, #tpu.memory_space<hbm>> -> memref<2048xf32, #tpu.memory_space<hbm>>
    tpu.enqueue_dma source(%dma_start3A_638 : memref<2048xf32, #tpu.memory_space<hbm>>) target(%dma_start3A_637 : memref<2048xf32, #tpu.memory_space<vmem>>) target_semaphore(%arg9 : memref<!tpu.dma_semaphore, #tpu.memory_space<semaphore_mem>>)
    %dma_start3A_639 = arith.constant 1 : i32
    %dma_start3A_640 = arith.constant 17 : i32
    %dma_start3A_641 = arith.constant 0 : i32
    %dma_start3A_642 = tpu.memref_slice %arg5[%dma_start3A_639, %dma_start3A_640, %dma_start3A_641] : memref<2x21x2048xf32, #tpu.memory_space<vmem>> -> memref<1x1x2048xf32, #tpu.memory_space<vmem>>
    %dma_start3A_643 = tpu.memref_squeeze %dma_start3A_642 : memref<1x1x2048xf32, #tpu.memory_space<vmem>> -> memref<2048xf32, #tpu.memory_space<vmem>>
    %dma_start3A_644 = tpu.memref_slice %arg2[%add3A_451] : memref<22020096xf32, #tpu.memory_space<hbm>> -> memref<2048xf32, #tpu.memory_space<hbm>>
    %dma_start3A_645 = arith.constant 0 : i32
    %dma_start3A_646 = tpu.memref_slice %arg5[%dma_start3A_639, %dma_start3A_640, %dma_start3A_645] : memref<2x21x2048xf32, #tpu.memory_space<vmem>> -> memref<1x1x2048xf32, #tpu.memory_space<vmem>>
    %dma_start3A_647 = tpu.memref_squeeze %dma_start3A_646 : memref<1x1x2048xf32, #tpu.memory_space<vmem>> -> memref<2048xf32, #tpu.memory_space<vmem>>
    %dma_start3A_648 = tpu.memref_slice %arg2[%add3A_451] : memref<22020096xf32, #tpu.memory_space<hbm>> -> memref<2048xf32, #tpu.memory_space<hbm>>
    tpu.enqueue_dma source(%dma_start3A_648 : memref<2048xf32, #tpu.memory_space<hbm>>) target(%dma_start3A_647 : memref<2048xf32, #tpu.memory_space<vmem>>) target_semaphore(%arg9 : memref<!tpu.dma_semaphore, #tpu.memory_space<semaphore_mem>>)
    %dma_start3A_649 = arith.constant 1 : i32
    %dma_start3A_650 = arith.constant 18 : i32
    %dma_start3A_651 = arith.constant 0 : i32
    %dma_start3A_652 = tpu.memref_slice %arg5[%dma_start3A_649, %dma_start3A_650, %dma_start3A_651] : memref<2x21x2048xf32, #tpu.memory_space<vmem>> -> memref<1x1x2048xf32, #tpu.memory_space<vmem>>
    %dma_start3A_653 = tpu.memref_squeeze %dma_start3A_652 : memref<1x1x2048xf32, #tpu.memory_space<vmem>> -> memref<2048xf32, #tpu.memory_space<vmem>>
    %dma_start3A_654 = tpu.memref_slice %arg2[%add3A_456] : memref<22020096xf32, #tpu.memory_space<hbm>> -> memref<2048xf32, #tpu.memory_space<hbm>>
    %dma_start3A_655 = arith.constant 0 : i32
    %dma_start3A_656 = tpu.memref_slice %arg5[%dma_start3A_649, %dma_start3A_650, %dma_start3A_655] : memref<2x21x2048xf32, #tpu.memory_space<vmem>> -> memref<1x1x2048xf32, #tpu.memory_space<vmem>>
    %dma_start3A_657 = tpu.memref_squeeze %dma_start3A_656 : memref<1x1x2048xf32, #tpu.memory_space<vmem>> -> memref<2048xf32, #tpu.memory_space<vmem>>
    %dma_start3A_658 = tpu.memref_slice %arg2[%add3A_456] : memref<22020096xf32, #tpu.memory_space<hbm>> -> memref<2048xf32, #tpu.memory_space<hbm>>
    tpu.enqueue_dma source(%dma_start3A_658 : memref<2048xf32, #tpu.memory_space<hbm>>) target(%dma_start3A_657 : memref<2048xf32, #tpu.memory_space<vmem>>) target_semaphore(%arg9 : memref<!tpu.dma_semaphore, #tpu.memory_space<semaphore_mem>>)
    %dma_start3A_659 = arith.constant 1 : i32
    %dma_start3A_660 = arith.constant 19 : i32
    %dma_start3A_661 = arith.constant 0 : i32
    %dma_start3A_662 = tpu.memref_slice %arg5[%dma_start3A_659, %dma_start3A_660, %dma_start3A_661] : memref<2x21x2048xf32, #tpu.memory_space<vmem>> -> memref<1x1x2048xf32, #tpu.memory_space<vmem>>
    %dma_start3A_663 = tpu.memref_squeeze %dma_start3A_662 : memref<1x1x2048xf32, #tpu.memory_space<vmem>> -> memref<2048xf32, #tpu.memory_space<vmem>>
    %dma_start3A_664 = tpu.memref_slice %arg2[%add3A_461] : memref<22020096xf32, #tpu.memory_space<hbm>> -> memref<2048xf32, #tpu.memory_space<hbm>>
    %dma_start3A_665 = arith.constant 0 : i32
    %dma_start3A_666 = tpu.memref_slice %arg5[%dma_start3A_659, %dma_start3A_660, %dma_start3A_665] : memref<2x21x2048xf32, #tpu.memory_space<vmem>> -> memref<1x1x2048xf32, #tpu.memory_space<vmem>>
    %dma_start3A_667 = tpu.memref_squeeze %dma_start3A_666 : memref<1x1x2048xf32, #tpu.memory_space<vmem>> -> memref<2048xf32, #tpu.memory_space<vmem>>
    %dma_start3A_668 = tpu.memref_slice %arg2[%add3A_461] : memref<22020096xf32, #tpu.memory_space<hbm>> -> memref<2048xf32, #tpu.memory_space<hbm>>
    tpu.enqueue_dma source(%dma_start3A_668 : memref<2048xf32, #tpu.memory_space<hbm>>) target(%dma_start3A_667 : memref<2048xf32, #tpu.memory_space<vmem>>) target_semaphore(%arg9 : memref<!tpu.dma_semaphore, #tpu.memory_space<semaphore_mem>>)
    %dma_start3A_669 = arith.constant 1 : i32
    %dma_start3A_670 = arith.constant 20 : i32
    %dma_start3A_671 = arith.constant 0 : i32
    %dma_start3A_672 = tpu.memref_slice %arg5[%dma_start3A_669, %dma_start3A_670, %dma_start3A_671] : memref<2x21x2048xf32, #tpu.memory_space<vmem>> -> memref<1x1x2048xf32, #tpu.memory_space<vmem>>
    %dma_start3A_673 = tpu.memref_squeeze %dma_start3A_672 : memref<1x1x2048xf32, #tpu.memory_space<vmem>> -> memref<2048xf32, #tpu.memory_space<vmem>>
    %dma_start3A_674 = tpu.memref_slice %arg2[%add3A_466] : memref<22020096xf32, #tpu.memory_space<hbm>> -> memref<2048xf32, #tpu.memory_space<hbm>>
    %dma_start3A_675 = arith.constant 0 : i32
    %dma_start3A_676 = tpu.memref_slice %arg5[%dma_start3A_669, %dma_start3A_670, %dma_start3A_675] : memref<2x21x2048xf32, #tpu.memory_space<vmem>> -> memref<1x1x2048xf32, #tpu.memory_space<vmem>>
    %dma_start3A_677 = tpu.memref_squeeze %dma_start3A_676 : memref<1x1x2048xf32, #tpu.memory_space<vmem>> -> memref<2048xf32, #tpu.memory_space<vmem>>
    %dma_start3A_678 = tpu.memref_slice %arg2[%add3A_466] : memref<22020096xf32, #tpu.memory_space<hbm>> -> memref<2048xf32, #tpu.memory_space<hbm>>
    tpu.enqueue_dma source(%dma_start3A_678 : memref<2048xf32, #tpu.memory_space<hbm>>) target(%dma_start3A_677 : memref<2048xf32, #tpu.memory_space<vmem>>) target_semaphore(%arg9 : memref<!tpu.dma_semaphore, #tpu.memory_space<semaphore_mem>>)
    %dma_start3A_679 = arith.constant 1 : i32
    %dma_start3A_680 = arith.constant 0 : i32
    %dma_start3A_681 = tpu.memref_slice %arg6[%dma_start3A_679, %dma_start3A_680] : memref<2x2048xi32, #tpu.memory_space<vmem>> -> memref<1x2048xi32, #tpu.memory_space<vmem>>
    %dma_start3A_682 = tpu.memref_squeeze %dma_start3A_681 : memref<1x2048xi32, #tpu.memory_space<vmem>> -> memref<2048xi32, #tpu.memory_space<vmem>>
    %dma_start3A_683 = tpu.memref_slice %arg3[%add3A_468] : memref<1048576xi32, #tpu.memory_space<hbm>> -> memref<2048xi32, #tpu.memory_space<hbm>>
    %dma_start3A_684 = arith.constant 0 : i32
    %dma_start3A_685 = tpu.memref_slice %arg6[%dma_start3A_679, %dma_start3A_684] : memref<2x2048xi32, #tpu.memory_space<vmem>> -> memref<1x2048xi32, #tpu.memory_space<vmem>>
    %dma_start3A_686 = tpu.memref_squeeze %dma_start3A_685 : memref<1x2048xi32, #tpu.memory_space<vmem>> -> memref<2048xi32, #tpu.memory_space<vmem>>
    %dma_start3A_687 = tpu.memref_slice %arg3[%add3A_468] : memref<1048576xi32, #tpu.memory_space<hbm>> -> memref<2048xi32, #tpu.memory_space<hbm>>
    tpu.enqueue_dma source(%dma_start3A_687 : memref<2048xi32, #tpu.memory_space<hbm>>) target(%dma_start3A_686 : memref<2048xi32, #tpu.memory_space<vmem>>) target_semaphore(%arg9 : memref<!tpu.dma_semaphore, #tpu.memory_space<semaphore_mem>>)
    %scan3A_688 = arith.constant 0 : i32
    %scan3A_689 = arith.constant 0 : i32
    %scan3A_690 = arith.constant 8 : i32
    %scan3A_691 = arith.addi %scan3A_689, %scan3A_690 : i32
    %scan3A_692 = arith.constant 1 : i32
    %scan3A_693 = scf.for %scan3A_695 = %scan3A_689 to %scan3A_691 step %scan3A_692 iter_args(%scan3A_696 = %scan3A_688) -> (i32)  : i32 {
      %mul3A_697 = arith.constant 2 : i32
      %mul3A_698 = arith.muli %scan3A_695, %mul3A_697 : i32
      %add3A_699 = arith.constant 0 : i32
      %add3A_700 = arith.addi %mul3A_698, %add3A_699 : i32
      %mul3A_701 = arith.constant 2048 : i32
      %mul3A_702 = arith.muli %add3A_700, %mul3A_701 : i32
      %add3A_703 = arith.addi %sub3A_21, %mul3A_702 : i32
      %add3A_704 = arith.constant 0 : i32
      %add3A_705 = arith.addi %mul3A_23, %add3A_704 : i32
      %mul3A_706 = arith.constant 262144 : i32
      %mul3A_707 = arith.muli %add3A_705, %mul3A_706 : i32
      %add3A_708 = arith.addi %mul3A_707, %add3A_703 : i32
      %add3A_709 = arith.constant 1 : i32
      %add3A_710 = arith.addi %mul3A_23, %add3A_709 : i32
      %mul3A_711 = arith.constant 262144 : i32
      %mul3A_712 = arith.muli %add3A_710, %mul3A_711 : i32
      %add3A_713 = arith.addi %mul3A_712, %add3A_703 : i32
      %add3A_714 = arith.constant 2 : i32
      %add3A_715 = arith.addi %mul3A_23, %add3A_714 : i32
      %mul3A_716 = arith.constant 262144 : i32
      %mul3A_717 = arith.muli %add3A_715, %mul3A_716 : i32
      %add3A_718 = arith.addi %mul3A_717, %add3A_703 : i32
      %add3A_719 = arith.constant 3 : i32
      %add3A_720 = arith.addi %mul3A_23, %add3A_719 : i32
      %mul3A_721 = arith.constant 262144 : i32
      %mul3A_722 = arith.muli %add3A_720, %mul3A_721 : i32
      %add3A_723 = arith.addi %mul3A_722, %add3A_703 : i32
      %add3A_724 = arith.constant 4 : i32
      %add3A_725 = arith.addi %mul3A_23, %add3A_724 : i32
      %mul3A_726 = arith.constant 262144 : i32
      %mul3A_727 = arith.muli %add3A_725, %mul3A_726 : i32
      %add3A_728 = arith.addi %mul3A_727, %add3A_703 : i32
      %add3A_729 = arith.constant 5 : i32
      %add3A_730 = arith.addi %mul3A_23, %add3A_729 : i32
      %mul3A_731 = arith.constant 262144 : i32
      %mul3A_732 = arith.muli %add3A_730, %mul3A_731 : i32
      %add3A_733 = arith.addi %mul3A_732, %add3A_703 : i32
      %add3A_734 = arith.constant 6 : i32
      %add3A_735 = arith.addi %mul3A_23, %add3A_734 : i32
      %mul3A_736 = arith.constant 262144 : i32
      %mul3A_737 = arith.muli %add3A_735, %mul3A_736 : i32
      %add3A_738 = arith.addi %mul3A_737, %add3A_703 : i32
      %add3A_739 = arith.constant 7 : i32
      %add3A_740 = arith.addi %mul3A_23, %add3A_739 : i32
      %mul3A_741 = arith.constant 262144 : i32
      %mul3A_742 = arith.muli %add3A_740, %mul3A_741 : i32
      %add3A_743 = arith.addi %mul3A_742, %add3A_703 : i32
      %add3A_744 = arith.constant 8 : i32
      %add3A_745 = arith.addi %mul3A_23, %add3A_744 : i32
      %mul3A_746 = arith.constant 262144 : i32
      %mul3A_747 = arith.muli %add3A_745, %mul3A_746 : i32
      %add3A_748 = arith.addi %mul3A_747, %add3A_703 : i32
      %add3A_749 = arith.constant 9 : i32
      %add3A_750 = arith.addi %mul3A_23, %add3A_749 : i32
      %mul3A_751 = arith.constant 262144 : i32
      %mul3A_752 = arith.muli %add3A_750, %mul3A_751 : i32
      %add3A_753 = arith.addi %mul3A_752, %add3A_703 : i32
      %add3A_754 = arith.constant 10 : i32
      %add3A_755 = arith.addi %mul3A_23, %add3A_754 : i32
      %mul3A_756 = arith.constant 262144 : i32
      %mul3A_757 = arith.muli %add3A_755, %mul3A_756 : i32
      %add3A_758 = arith.addi %mul3A_757, %add3A_703 : i32
      %add3A_759 = arith.constant 11 : i32
      %add3A_760 = arith.addi %mul3A_23, %add3A_759 : i32
      %mul3A_761 = arith.constant 262144 : i32
      %mul3A_762 = arith.muli %add3A_760, %mul3A_761 : i32
      %add3A_763 = arith.addi %mul3A_762, %add3A_703 : i32
      %add3A_764 = arith.constant 12 : i32
      %add3A_765 = arith.addi %mul3A_23, %add3A_764 : i32
      %mul3A_766 = arith.constant 262144 : i32
      %mul3A_767 = arith.muli %add3A_765, %mul3A_766 : i32
      %add3A_768 = arith.addi %mul3A_767, %add3A_703 : i32
      %add3A_769 = arith.constant 13 : i32
      %add3A_770 = arith.addi %mul3A_23, %add3A_769 : i32
      %mul3A_771 = arith.constant 262144 : i32
      %mul3A_772 = arith.muli %add3A_770, %mul3A_771 : i32
      %add3A_773 = arith.addi %mul3A_772, %add3A_703 : i32
      %add3A_774 = arith.constant 14 : i32
      %add3A_775 = arith.addi %mul3A_23, %add3A_774 : i32
      %mul3A_776 = arith.constant 262144 : i32
      %mul3A_777 = arith.muli %add3A_775, %mul3A_776 : i32
      %add3A_778 = arith.addi %mul3A_777, %add3A_703 : i32
      %add3A_779 = arith.constant 15 : i32
      %add3A_780 = arith.addi %mul3A_23, %add3A_779 : i32
      %mul3A_781 = arith.constant 262144 : i32
      %mul3A_782 = arith.muli %add3A_780, %mul3A_781 : i32
      %add3A_783 = arith.addi %mul3A_782, %add3A_703 : i32
      %add3A_784 = arith.constant 16 : i32
      %add3A_785 = arith.addi %mul3A_23, %add3A_784 : i32
      %mul3A_786 = arith.constant 262144 : i32
      %mul3A_787 = arith.muli %add3A_785, %mul3A_786 : i32
      %add3A_788 = arith.addi %mul3A_787, %add3A_703 : i32
      %add3A_789 = arith.constant 17 : i32
      %add3A_790 = arith.addi %mul3A_23, %add3A_789 : i32
      %mul3A_791 = arith.constant 262144 : i32
      %mul3A_792 = arith.muli %add3A_790, %mul3A_791 : i32
      %add3A_793 = arith.addi %mul3A_792, %add3A_703 : i32
      %add3A_794 = arith.constant 18 : i32
      %add3A_795 = arith.addi %mul3A_23, %add3A_794 : i32
      %mul3A_796 = arith.constant 262144 : i32
      %mul3A_797 = arith.muli %add3A_795, %mul3A_796 : i32
      %add3A_798 = arith.addi %mul3A_797, %add3A_703 : i32
      %add3A_799 = arith.constant 19 : i32
      %add3A_800 = arith.addi %mul3A_23, %add3A_799 : i32
      %mul3A_801 = arith.constant 262144 : i32
      %mul3A_802 = arith.muli %add3A_800, %mul3A_801 : i32
      %add3A_803 = arith.addi %mul3A_802, %add3A_703 : i32
      %add3A_804 = arith.constant 20 : i32
      %add3A_805 = arith.addi %mul3A_23, %add3A_804 : i32
      %mul3A_806 = arith.constant 262144 : i32
      %mul3A_807 = arith.muli %add3A_805, %mul3A_806 : i32
      %add3A_808 = arith.addi %mul3A_807, %add3A_703 : i32
      %mul3A_809 = arith.constant 2048 : i32
      %mul3A_810 = arith.muli %add3A_700, %mul3A_809 : i32
      %add3A_811 = arith.addi %mul3A_2, %mul3A_810 : i32
      %dma_wait3A = arith.constant 0 : i32
      %dma_wait3A_812 = arith.constant 0 : i32
      %dma_wait3A_813 = arith.constant 0 : i32
      %dma_wait3A_814 = tpu.memref_slice %arg5[%dma_wait3A, %dma_wait3A_812, %dma_wait3A_813] : memref<2x21x2048xf32, #tpu.memory_space<vmem>> -> memref<1x1x2048xf32, #tpu.memory_space<vmem>>
      %dma_wait3A_815 = tpu.memref_squeeze %dma_wait3A_814 : memref<1x1x2048xf32, #tpu.memory_space<vmem>> -> memref<2048xf32, #tpu.memory_space<vmem>>
      %dma_wait3A_816 = tpu.memref_slice %arg2[%add3A_708] : memref<22020096xf32, #tpu.memory_space<hbm>> -> memref<2048xf32, #tpu.memory_space<hbm>>
      %dma_wait3A_817 = arith.constant 0 : i32
      %dma_wait3A_818 = tpu.memref_slice %arg5[%dma_wait3A, %dma_wait3A_812, %dma_wait3A_817] : memref<2x21x2048xf32, #tpu.memory_space<vmem>> -> memref<1x1x2048xf32, #tpu.memory_space<vmem>>
      %dma_wait3A_819 = tpu.memref_squeeze %dma_wait3A_818 : memref<1x1x2048xf32, #tpu.memory_space<vmem>> -> memref<2048xf32, #tpu.memory_space<vmem>>
      %dma_wait3A_820 = tpu.memref_slice %arg2[%add3A_708] : memref<22020096xf32, #tpu.memory_space<hbm>> -> memref<2048xf32, #tpu.memory_space<hbm>>
      tpu.wait_dma2 semaphore(%arg8 : memref<!tpu.dma_semaphore, #tpu.memory_space<semaphore_mem>>) src(%dma_wait3A_820 : memref<2048xf32, #tpu.memory_space<hbm>>) dst(%dma_wait3A_819 : memref<2048xf32, #tpu.memory_space<vmem>>)
      %dma_wait3A_821 = arith.constant 0 : i32
      %dma_wait3A_822 = arith.constant 1 : i32
      %dma_wait3A_823 = arith.constant 0 : i32
      %dma_wait3A_824 = tpu.memref_slice %arg5[%dma_wait3A_821, %dma_wait3A_822, %dma_wait3A_823] : memref<2x21x2048xf32, #tpu.memory_space<vmem>> -> memref<1x1x2048xf32, #tpu.memory_space<vmem>>
      %dma_wait3A_825 = tpu.memref_squeeze %dma_wait3A_824 : memref<1x1x2048xf32, #tpu.memory_space<vmem>> -> memref<2048xf32, #tpu.memory_space<vmem>>
      %dma_wait3A_826 = tpu.memref_slice %arg2[%add3A_713] : memref<22020096xf32, #tpu.memory_space<hbm>> -> memref<2048xf32, #tpu.memory_space<hbm>>
      %dma_wait3A_827 = arith.constant 0 : i32
      %dma_wait3A_828 = tpu.memref_slice %arg5[%dma_wait3A_821, %dma_wait3A_822, %dma_wait3A_827] : memref<2x21x2048xf32, #tpu.memory_space<vmem>> -> memref<1x1x2048xf32, #tpu.memory_space<vmem>>
      %dma_wait3A_829 = tpu.memref_squeeze %dma_wait3A_828 : memref<1x1x2048xf32, #tpu.memory_space<vmem>> -> memref<2048xf32, #tpu.memory_space<vmem>>
      %dma_wait3A_830 = tpu.memref_slice %arg2[%add3A_713] : memref<22020096xf32, #tpu.memory_space<hbm>> -> memref<2048xf32, #tpu.memory_space<hbm>>
      tpu.wait_dma2 semaphore(%arg8 : memref<!tpu.dma_semaphore, #tpu.memory_space<semaphore_mem>>) src(%dma_wait3A_830 : memref<2048xf32, #tpu.memory_space<hbm>>) dst(%dma_wait3A_829 : memref<2048xf32, #tpu.memory_space<vmem>>)
      %dma_wait3A_831 = arith.constant 0 : i32
      %dma_wait3A_832 = arith.constant 2 : i32
      %dma_wait3A_833 = arith.constant 0 : i32
      %dma_wait3A_834 = tpu.memref_slice %arg5[%dma_wait3A_831, %dma_wait3A_832, %dma_wait3A_833] : memref<2x21x2048xf32, #tpu.memory_space<vmem>> -> memref<1x1x2048xf32, #tpu.memory_space<vmem>>
      %dma_wait3A_835 = tpu.memref_squeeze %dma_wait3A_834 : memref<1x1x2048xf32, #tpu.memory_space<vmem>> -> memref<2048xf32, #tpu.memory_space<vmem>>
      %dma_wait3A_836 = tpu.memref_slice %arg2[%add3A_718] : memref<22020096xf32, #tpu.memory_space<hbm>> -> memref<2048xf32, #tpu.memory_space<hbm>>
      %dma_wait3A_837 = arith.constant 0 : i32
      %dma_wait3A_838 = tpu.memref_slice %arg5[%dma_wait3A_831, %dma_wait3A_832, %dma_wait3A_837] : memref<2x21x2048xf32, #tpu.memory_space<vmem>> -> memref<1x1x2048xf32, #tpu.memory_space<vmem>>
      %dma_wait3A_839 = tpu.memref_squeeze %dma_wait3A_838 : memref<1x1x2048xf32, #tpu.memory_space<vmem>> -> memref<2048xf32, #tpu.memory_space<vmem>>
      %dma_wait3A_840 = tpu.memref_slice %arg2[%add3A_718] : memref<22020096xf32, #tpu.memory_space<hbm>> -> memref<2048xf32, #tpu.memory_space<hbm>>
      tpu.wait_dma2 semaphore(%arg8 : memref<!tpu.dma_semaphore, #tpu.memory_space<semaphore_mem>>) src(%dma_wait3A_840 : memref<2048xf32, #tpu.memory_space<hbm>>) dst(%dma_wait3A_839 : memref<2048xf32, #tpu.memory_space<vmem>>)
      %dma_wait3A_841 = arith.constant 0 : i32
      %dma_wait3A_842 = arith.constant 3 : i32
      %dma_wait3A_843 = arith.constant 0 : i32
      %dma_wait3A_844 = tpu.memref_slice %arg5[%dma_wait3A_841, %dma_wait3A_842, %dma_wait3A_843] : memref<2x21x2048xf32, #tpu.memory_space<vmem>> -> memref<1x1x2048xf32, #tpu.memory_space<vmem>>
      %dma_wait3A_845 = tpu.memref_squeeze %dma_wait3A_844 : memref<1x1x2048xf32, #tpu.memory_space<vmem>> -> memref<2048xf32, #tpu.memory_space<vmem>>
      %dma_wait3A_846 = tpu.memref_slice %arg2[%add3A_723] : memref<22020096xf32, #tpu.memory_space<hbm>> -> memref<2048xf32, #tpu.memory_space<hbm>>
      %dma_wait3A_847 = arith.constant 0 : i32
      %dma_wait3A_848 = tpu.memref_slice %arg5[%dma_wait3A_841, %dma_wait3A_842, %dma_wait3A_847] : memref<2x21x2048xf32, #tpu.memory_space<vmem>> -> memref<1x1x2048xf32, #tpu.memory_space<vmem>>
      %dma_wait3A_849 = tpu.memref_squeeze %dma_wait3A_848 : memref<1x1x2048xf32, #tpu.memory_space<vmem>> -> memref<2048xf32, #tpu.memory_space<vmem>>
      %dma_wait3A_850 = tpu.memref_slice %arg2[%add3A_723] : memref<22020096xf32, #tpu.memory_space<hbm>> -> memref<2048xf32, #tpu.memory_space<hbm>>
      tpu.wait_dma2 semaphore(%arg8 : memref<!tpu.dma_semaphore, #tpu.memory_space<semaphore_mem>>) src(%dma_wait3A_850 : memref<2048xf32, #tpu.memory_space<hbm>>) dst(%dma_wait3A_849 : memref<2048xf32, #tpu.memory_space<vmem>>)
      %dma_wait3A_851 = arith.constant 0 : i32
      %dma_wait3A_852 = arith.constant 4 : i32
      %dma_wait3A_853 = arith.constant 0 : i32
      %dma_wait3A_854 = tpu.memref_slice %arg5[%dma_wait3A_851, %dma_wait3A_852, %dma_wait3A_853] : memref<2x21x2048xf32, #tpu.memory_space<vmem>> -> memref<1x1x2048xf32, #tpu.memory_space<vmem>>
      %dma_wait3A_855 = tpu.memref_squeeze %dma_wait3A_854 : memref<1x1x2048xf32, #tpu.memory_space<vmem>> -> memref<2048xf32, #tpu.memory_space<vmem>>
      %dma_wait3A_856 = tpu.memref_slice %arg2[%add3A_728] : memref<22020096xf32, #tpu.memory_space<hbm>> -> memref<2048xf32, #tpu.memory_space<hbm>>
      %dma_wait3A_857 = arith.constant 0 : i32
      %dma_wait3A_858 = tpu.memref_slice %arg5[%dma_wait3A_851, %dma_wait3A_852, %dma_wait3A_857] : memref<2x21x2048xf32, #tpu.memory_space<vmem>> -> memref<1x1x2048xf32, #tpu.memory_space<vmem>>
      %dma_wait3A_859 = tpu.memref_squeeze %dma_wait3A_858 : memref<1x1x2048xf32, #tpu.memory_space<vmem>> -> memref<2048xf32, #tpu.memory_space<vmem>>
      %dma_wait3A_860 = tpu.memref_slice %arg2[%add3A_728] : memref<22020096xf32, #tpu.memory_space<hbm>> -> memref<2048xf32, #tpu.memory_space<hbm>>
      tpu.wait_dma2 semaphore(%arg8 : memref<!tpu.dma_semaphore, #tpu.memory_space<semaphore_mem>>) src(%dma_wait3A_860 : memref<2048xf32, #tpu.memory_space<hbm>>) dst(%dma_wait3A_859 : memref<2048xf32, #tpu.memory_space<vmem>>)
      %dma_wait3A_861 = arith.constant 0 : i32
      %dma_wait3A_862 = arith.constant 5 : i32
      %dma_wait3A_863 = arith.constant 0 : i32
      %dma_wait3A_864 = tpu.memref_slice %arg5[%dma_wait3A_861, %dma_wait3A_862, %dma_wait3A_863] : memref<2x21x2048xf32, #tpu.memory_space<vmem>> -> memref<1x1x2048xf32, #tpu.memory_space<vmem>>
      %dma_wait3A_865 = tpu.memref_squeeze %dma_wait3A_864 : memref<1x1x2048xf32, #tpu.memory_space<vmem>> -> memref<2048xf32, #tpu.memory_space<vmem>>
      %dma_wait3A_866 = tpu.memref_slice %arg2[%add3A_733] : memref<22020096xf32, #tpu.memory_space<hbm>> -> memref<2048xf32, #tpu.memory_space<hbm>>
      %dma_wait3A_867 = arith.constant 0 : i32
      %dma_wait3A_868 = tpu.memref_slice %arg5[%dma_wait3A_861, %dma_wait3A_862, %dma_wait3A_867] : memref<2x21x2048xf32, #tpu.memory_space<vmem>> -> memref<1x1x2048xf32, #tpu.memory_space<vmem>>
      %dma_wait3A_869 = tpu.memref_squeeze %dma_wait3A_868 : memref<1x1x2048xf32, #tpu.memory_space<vmem>> -> memref<2048xf32, #tpu.memory_space<vmem>>
      %dma_wait3A_870 = tpu.memref_slice %arg2[%add3A_733] : memref<22020096xf32, #tpu.memory_space<hbm>> -> memref<2048xf32, #tpu.memory_space<hbm>>
      tpu.wait_dma2 semaphore(%arg8 : memref<!tpu.dma_semaphore, #tpu.memory_space<semaphore_mem>>) src(%dma_wait3A_870 : memref<2048xf32, #tpu.memory_space<hbm>>) dst(%dma_wait3A_869 : memref<2048xf32, #tpu.memory_space<vmem>>)
      %dma_wait3A_871 = arith.constant 0 : i32
      %dma_wait3A_872 = arith.constant 6 : i32
      %dma_wait3A_873 = arith.constant 0 : i32
      %dma_wait3A_874 = tpu.memref_slice %arg5[%dma_wait3A_871, %dma_wait3A_872, %dma_wait3A_873] : memref<2x21x2048xf32, #tpu.memory_space<vmem>> -> memref<1x1x2048xf32, #tpu.memory_space<vmem>>
      %dma_wait3A_875 = tpu.memref_squeeze %dma_wait3A_874 : memref<1x1x2048xf32, #tpu.memory_space<vmem>> -> memref<2048xf32, #tpu.memory_space<vmem>>
      %dma_wait3A_876 = tpu.memref_slice %arg2[%add3A_738] : memref<22020096xf32, #tpu.memory_space<hbm>> -> memref<2048xf32, #tpu.memory_space<hbm>>
      %dma_wait3A_877 = arith.constant 0 : i32
      %dma_wait3A_878 = tpu.memref_slice %arg5[%dma_wait3A_871, %dma_wait3A_872, %dma_wait3A_877] : memref<2x21x2048xf32, #tpu.memory_space<vmem>> -> memref<1x1x2048xf32, #tpu.memory_space<vmem>>
      %dma_wait3A_879 = tpu.memref_squeeze %dma_wait3A_878 : memref<1x1x2048xf32, #tpu.memory_space<vmem>> -> memref<2048xf32, #tpu.memory_space<vmem>>
      %dma_wait3A_880 = tpu.memref_slice %arg2[%add3A_738] : memref<22020096xf32, #tpu.memory_space<hbm>> -> memref<2048xf32, #tpu.memory_space<hbm>>
      tpu.wait_dma2 semaphore(%arg8 : memref<!tpu.dma_semaphore, #tpu.memory_space<semaphore_mem>>) src(%dma_wait3A_880 : memref<2048xf32, #tpu.memory_space<hbm>>) dst(%dma_wait3A_879 : memref<2048xf32, #tpu.memory_space<vmem>>)
      %dma_wait3A_881 = arith.constant 0 : i32
      %dma_wait3A_882 = arith.constant 7 : i32
      %dma_wait3A_883 = arith.constant 0 : i32
      %dma_wait3A_884 = tpu.memref_slice %arg5[%dma_wait3A_881, %dma_wait3A_882, %dma_wait3A_883] : memref<2x21x2048xf32, #tpu.memory_space<vmem>> -> memref<1x1x2048xf32, #tpu.memory_space<vmem>>
      %dma_wait3A_885 = tpu.memref_squeeze %dma_wait3A_884 : memref<1x1x2048xf32, #tpu.memory_space<vmem>> -> memref<2048xf32, #tpu.memory_space<vmem>>
      %dma_wait3A_886 = tpu.memref_slice %arg2[%add3A_743] : memref<22020096xf32, #tpu.memory_space<hbm>> -> memref<2048xf32, #tpu.memory_space<hbm>>
      %dma_wait3A_887 = arith.constant 0 : i32
      %dma_wait3A_888 = tpu.memref_slice %arg5[%dma_wait3A_881, %dma_wait3A_882, %dma_wait3A_887] : memref<2x21x2048xf32, #tpu.memory_space<vmem>> -> memref<1x1x2048xf32, #tpu.memory_space<vmem>>
      %dma_wait3A_889 = tpu.memref_squeeze %dma_wait3A_888 : memref<1x1x2048xf32, #tpu.memory_space<vmem>> -> memref<2048xf32, #tpu.memory_space<vmem>>
      %dma_wait3A_890 = tpu.memref_slice %arg2[%add3A_743] : memref<22020096xf32, #tpu.memory_space<hbm>> -> memref<2048xf32, #tpu.memory_space<hbm>>
      tpu.wait_dma2 semaphore(%arg8 : memref<!tpu.dma_semaphore, #tpu.memory_space<semaphore_mem>>) src(%dma_wait3A_890 : memref<2048xf32, #tpu.memory_space<hbm>>) dst(%dma_wait3A_889 : memref<2048xf32, #tpu.memory_space<vmem>>)
      %dma_wait3A_891 = arith.constant 0 : i32
      %dma_wait3A_892 = arith.constant 8 : i32
      %dma_wait3A_893 = arith.constant 0 : i32
      %dma_wait3A_894 = tpu.memref_slice %arg5[%dma_wait3A_891, %dma_wait3A_892, %dma_wait3A_893] : memref<2x21x2048xf32, #tpu.memory_space<vmem>> -> memref<1x1x2048xf32, #tpu.memory_space<vmem>>
      %dma_wait3A_895 = tpu.memref_squeeze %dma_wait3A_894 : memref<1x1x2048xf32, #tpu.memory_space<vmem>> -> memref<2048xf32, #tpu.memory_space<vmem>>
      %dma_wait3A_896 = tpu.memref_slice %arg2[%add3A_748] : memref<22020096xf32, #tpu.memory_space<hbm>> -> memref<2048xf32, #tpu.memory_space<hbm>>
      %dma_wait3A_897 = arith.constant 0 : i32
      %dma_wait3A_898 = tpu.memref_slice %arg5[%dma_wait3A_891, %dma_wait3A_892, %dma_wait3A_897] : memref<2x21x2048xf32, #tpu.memory_space<vmem>> -> memref<1x1x2048xf32, #tpu.memory_space<vmem>>
      %dma_wait3A_899 = tpu.memref_squeeze %dma_wait3A_898 : memref<1x1x2048xf32, #tpu.memory_space<vmem>> -> memref<2048xf32, #tpu.memory_space<vmem>>
      %dma_wait3A_900 = tpu.memref_slice %arg2[%add3A_748] : memref<22020096xf32, #tpu.memory_space<hbm>> -> memref<2048xf32, #tpu.memory_space<hbm>>
      tpu.wait_dma2 semaphore(%arg8 : memref<!tpu.dma_semaphore, #tpu.memory_space<semaphore_mem>>) src(%dma_wait3A_900 : memref<2048xf32, #tpu.memory_space<hbm>>) dst(%dma_wait3A_899 : memref<2048xf32, #tpu.memory_space<vmem>>)
      %dma_wait3A_901 = arith.constant 0 : i32
      %dma_wait3A_902 = arith.constant 9 : i32
      %dma_wait3A_903 = arith.constant 0 : i32
      %dma_wait3A_904 = tpu.memref_slice %arg5[%dma_wait3A_901, %dma_wait3A_902, %dma_wait3A_903] : memref<2x21x2048xf32, #tpu.memory_space<vmem>> -> memref<1x1x2048xf32, #tpu.memory_space<vmem>>
      %dma_wait3A_905 = tpu.memref_squeeze %dma_wait3A_904 : memref<1x1x2048xf32, #tpu.memory_space<vmem>> -> memref<2048xf32, #tpu.memory_space<vmem>>
      %dma_wait3A_906 = tpu.memref_slice %arg2[%add3A_753] : memref<22020096xf32, #tpu.memory_space<hbm>> -> memref<2048xf32, #tpu.memory_space<hbm>>
      %dma_wait3A_907 = arith.constant 0 : i32
      %dma_wait3A_908 = tpu.memref_slice %arg5[%dma_wait3A_901, %dma_wait3A_902, %dma_wait3A_907] : memref<2x21x2048xf32, #tpu.memory_space<vmem>> -> memref<1x1x2048xf32, #tpu.memory_space<vmem>>
      %dma_wait3A_909 = tpu.memref_squeeze %dma_wait3A_908 : memref<1x1x2048xf32, #tpu.memory_space<vmem>> -> memref<2048xf32, #tpu.memory_space<vmem>>
      %dma_wait3A_910 = tpu.memref_slice %arg2[%add3A_753] : memref<22020096xf32, #tpu.memory_space<hbm>> -> memref<2048xf32, #tpu.memory_space<hbm>>
      tpu.wait_dma2 semaphore(%arg8 : memref<!tpu.dma_semaphore, #tpu.memory_space<semaphore_mem>>) src(%dma_wait3A_910 : memref<2048xf32, #tpu.memory_space<hbm>>) dst(%dma_wait3A_909 : memref<2048xf32, #tpu.memory_space<vmem>>)
      %dma_wait3A_911 = arith.constant 0 : i32
      %dma_wait3A_912 = arith.constant 10 : i32
      %dma_wait3A_913 = arith.constant 0 : i32
      %dma_wait3A_914 = tpu.memref_slice %arg5[%dma_wait3A_911, %dma_wait3A_912, %dma_wait3A_913] : memref<2x21x2048xf32, #tpu.memory_space<vmem>> -> memref<1x1x2048xf32, #tpu.memory_space<vmem>>
      %dma_wait3A_915 = tpu.memref_squeeze %dma_wait3A_914 : memref<1x1x2048xf32, #tpu.memory_space<vmem>> -> memref<2048xf32, #tpu.memory_space<vmem>>
      %dma_wait3A_916 = tpu.memref_slice %arg2[%add3A_758] : memref<22020096xf32, #tpu.memory_space<hbm>> -> memref<2048xf32, #tpu.memory_space<hbm>>
      %dma_wait3A_917 = arith.constant 0 : i32
      %dma_wait3A_918 = tpu.memref_slice %arg5[%dma_wait3A_911, %dma_wait3A_912, %dma_wait3A_917] : memref<2x21x2048xf32, #tpu.memory_space<vmem>> -> memref<1x1x2048xf32, #tpu.memory_space<vmem>>
      %dma_wait3A_919 = tpu.memref_squeeze %dma_wait3A_918 : memref<1x1x2048xf32, #tpu.memory_space<vmem>> -> memref<2048xf32, #tpu.memory_space<vmem>>
      %dma_wait3A_920 = tpu.memref_slice %arg2[%add3A_758] : memref<22020096xf32, #tpu.memory_space<hbm>> -> memref<2048xf32, #tpu.memory_space<hbm>>
      tpu.wait_dma2 semaphore(%arg8 : memref<!tpu.dma_semaphore, #tpu.memory_space<semaphore_mem>>) src(%dma_wait3A_920 : memref<2048xf32, #tpu.memory_space<hbm>>) dst(%dma_wait3A_919 : memref<2048xf32, #tpu.memory_space<vmem>>)
      %dma_wait3A_921 = arith.constant 0 : i32
      %dma_wait3A_922 = arith.constant 11 : i32
      %dma_wait3A_923 = arith.constant 0 : i32
      %dma_wait3A_924 = tpu.memref_slice %arg5[%dma_wait3A_921, %dma_wait3A_922, %dma_wait3A_923] : memref<2x21x2048xf32, #tpu.memory_space<vmem>> -> memref<1x1x2048xf32, #tpu.memory_space<vmem>>
      %dma_wait3A_925 = tpu.memref_squeeze %dma_wait3A_924 : memref<1x1x2048xf32, #tpu.memory_space<vmem>> -> memref<2048xf32, #tpu.memory_space<vmem>>
      %dma_wait3A_926 = tpu.memref_slice %arg2[%add3A_763] : memref<22020096xf32, #tpu.memory_space<hbm>> -> memref<2048xf32, #tpu.memory_space<hbm>>
      %dma_wait3A_927 = arith.constant 0 : i32
      %dma_wait3A_928 = tpu.memref_slice %arg5[%dma_wait3A_921, %dma_wait3A_922, %dma_wait3A_927] : memref<2x21x2048xf32, #tpu.memory_space<vmem>> -> memref<1x1x2048xf32, #tpu.memory_space<vmem>>
      %dma_wait3A_929 = tpu.memref_squeeze %dma_wait3A_928 : memref<1x1x2048xf32, #tpu.memory_space<vmem>> -> memref<2048xf32, #tpu.memory_space<vmem>>
      %dma_wait3A_930 = tpu.memref_slice %arg2[%add3A_763] : memref<22020096xf32, #tpu.memory_space<hbm>> -> memref<2048xf32, #tpu.memory_space<hbm>>
      tpu.wait_dma2 semaphore(%arg8 : memref<!tpu.dma_semaphore, #tpu.memory_space<semaphore_mem>>) src(%dma_wait3A_930 : memref<2048xf32, #tpu.memory_space<hbm>>) dst(%dma_wait3A_929 : memref<2048xf32, #tpu.memory_space<vmem>>)
      %dma_wait3A_931 = arith.constant 0 : i32
      %dma_wait3A_932 = arith.constant 12 : i32
      %dma_wait3A_933 = arith.constant 0 : i32
      %dma_wait3A_934 = tpu.memref_slice %arg5[%dma_wait3A_931, %dma_wait3A_932, %dma_wait3A_933] : memref<2x21x2048xf32, #tpu.memory_space<vmem>> -> memref<1x1x2048xf32, #tpu.memory_space<vmem>>
      %dma_wait3A_935 = tpu.memref_squeeze %dma_wait3A_934 : memref<1x1x2048xf32, #tpu.memory_space<vmem>> -> memref<2048xf32, #tpu.memory_space<vmem>>
      %dma_wait3A_936 = tpu.memref_slice %arg2[%add3A_768] : memref<22020096xf32, #tpu.memory_space<hbm>> -> memref<2048xf32, #tpu.memory_space<hbm>>
      %dma_wait3A_937 = arith.constant 0 : i32
      %dma_wait3A_938 = tpu.memref_slice %arg5[%dma_wait3A_931, %dma_wait3A_932, %dma_wait3A_937] : memref<2x21x2048xf32, #tpu.memory_space<vmem>> -> memref<1x1x2048xf32, #tpu.memory_space<vmem>>
      %dma_wait3A_939 = tpu.memref_squeeze %dma_wait3A_938 : memref<1x1x2048xf32, #tpu.memory_space<vmem>> -> memref<2048xf32, #tpu.memory_space<vmem>>
      %dma_wait3A_940 = tpu.memref_slice %arg2[%add3A_768] : memref<22020096xf32, #tpu.memory_space<hbm>> -> memref<2048xf32, #tpu.memory_space<hbm>>
      tpu.wait_dma2 semaphore(%arg8 : memref<!tpu.dma_semaphore, #tpu.memory_space<semaphore_mem>>) src(%dma_wait3A_940 : memref<2048xf32, #tpu.memory_space<hbm>>) dst(%dma_wait3A_939 : memref<2048xf32, #tpu.memory_space<vmem>>)
      %dma_wait3A_941 = arith.constant 0 : i32
      %dma_wait3A_942 = arith.constant 13 : i32
      %dma_wait3A_943 = arith.constant 0 : i32
      %dma_wait3A_944 = tpu.memref_slice %arg5[%dma_wait3A_941, %dma_wait3A_942, %dma_wait3A_943] : memref<2x21x2048xf32, #tpu.memory_space<vmem>> -> memref<1x1x2048xf32, #tpu.memory_space<vmem>>
      %dma_wait3A_945 = tpu.memref_squeeze %dma_wait3A_944 : memref<1x1x2048xf32, #tpu.memory_space<vmem>> -> memref<2048xf32, #tpu.memory_space<vmem>>
      %dma_wait3A_946 = tpu.memref_slice %arg2[%add3A_773] : memref<22020096xf32, #tpu.memory_space<hbm>> -> memref<2048xf32, #tpu.memory_space<hbm>>
      %dma_wait3A_947 = arith.constant 0 : i32
      %dma_wait3A_948 = tpu.memref_slice %arg5[%dma_wait3A_941, %dma_wait3A_942, %dma_wait3A_947] : memref<2x21x2048xf32, #tpu.memory_space<vmem>> -> memref<1x1x2048xf32, #tpu.memory_space<vmem>>
      %dma_wait3A_949 = tpu.memref_squeeze %dma_wait3A_948 : memref<1x1x2048xf32, #tpu.memory_space<vmem>> -> memref<2048xf32, #tpu.memory_space<vmem>>
      %dma_wait3A_950 = tpu.memref_slice %arg2[%add3A_773] : memref<22020096xf32, #tpu.memory_space<hbm>> -> memref<2048xf32, #tpu.memory_space<hbm>>
      tpu.wait_dma2 semaphore(%arg8 : memref<!tpu.dma_semaphore, #tpu.memory_space<semaphore_mem>>) src(%dma_wait3A_950 : memref<2048xf32, #tpu.memory_space<hbm>>) dst(%dma_wait3A_949 : memref<2048xf32, #tpu.memory_space<vmem>>)
      %dma_wait3A_951 = arith.constant 0 : i32
      %dma_wait3A_952 = arith.constant 14 : i32
      %dma_wait3A_953 = arith.constant 0 : i32
      %dma_wait3A_954 = tpu.memref_slice %arg5[%dma_wait3A_951, %dma_wait3A_952, %dma_wait3A_953] : memref<2x21x2048xf32, #tpu.memory_space<vmem>> -> memref<1x1x2048xf32, #tpu.memory_space<vmem>>
      %dma_wait3A_955 = tpu.memref_squeeze %dma_wait3A_954 : memref<1x1x2048xf32, #tpu.memory_space<vmem>> -> memref<2048xf32, #tpu.memory_space<vmem>>
      %dma_wait3A_956 = tpu.memref_slice %arg2[%add3A_778] : memref<22020096xf32, #tpu.memory_space<hbm>> -> memref<2048xf32, #tpu.memory_space<hbm>>
      %dma_wait3A_957 = arith.constant 0 : i32
      %dma_wait3A_958 = tpu.memref_slice %arg5[%dma_wait3A_951, %dma_wait3A_952, %dma_wait3A_957] : memref<2x21x2048xf32, #tpu.memory_space<vmem>> -> memref<1x1x2048xf32, #tpu.memory_space<vmem>>
      %dma_wait3A_959 = tpu.memref_squeeze %dma_wait3A_958 : memref<1x1x2048xf32, #tpu.memory_space<vmem>> -> memref<2048xf32, #tpu.memory_space<vmem>>
      %dma_wait3A_960 = tpu.memref_slice %arg2[%add3A_778] : memref<22020096xf32, #tpu.memory_space<hbm>> -> memref<2048xf32, #tpu.memory_space<hbm>>
      tpu.wait_dma2 semaphore(%arg8 : memref<!tpu.dma_semaphore, #tpu.memory_space<semaphore_mem>>) src(%dma_wait3A_960 : memref<2048xf32, #tpu.memory_space<hbm>>) dst(%dma_wait3A_959 : memref<2048xf32, #tpu.memory_space<vmem>>)
      %dma_wait3A_961 = arith.constant 0 : i32
      %dma_wait3A_962 = arith.constant 15 : i32
      %dma_wait3A_963 = arith.constant 0 : i32
      %dma_wait3A_964 = tpu.memref_slice %arg5[%dma_wait3A_961, %dma_wait3A_962, %dma_wait3A_963] : memref<2x21x2048xf32, #tpu.memory_space<vmem>> -> memref<1x1x2048xf32, #tpu.memory_space<vmem>>
      %dma_wait3A_965 = tpu.memref_squeeze %dma_wait3A_964 : memref<1x1x2048xf32, #tpu.memory_space<vmem>> -> memref<2048xf32, #tpu.memory_space<vmem>>
      %dma_wait3A_966 = tpu.memref_slice %arg2[%add3A_783] : memref<22020096xf32, #tpu.memory_space<hbm>> -> memref<2048xf32, #tpu.memory_space<hbm>>
      %dma_wait3A_967 = arith.constant 0 : i32
      %dma_wait3A_968 = tpu.memref_slice %arg5[%dma_wait3A_961, %dma_wait3A_962, %dma_wait3A_967] : memref<2x21x2048xf32, #tpu.memory_space<vmem>> -> memref<1x1x2048xf32, #tpu.memory_space<vmem>>
      %dma_wait3A_969 = tpu.memref_squeeze %dma_wait3A_968 : memref<1x1x2048xf32, #tpu.memory_space<vmem>> -> memref<2048xf32, #tpu.memory_space<vmem>>
      %dma_wait3A_970 = tpu.memref_slice %arg2[%add3A_783] : memref<22020096xf32, #tpu.memory_space<hbm>> -> memref<2048xf32, #tpu.memory_space<hbm>>
      tpu.wait_dma2 semaphore(%arg8 : memref<!tpu.dma_semaphore, #tpu.memory_space<semaphore_mem>>) src(%dma_wait3A_970 : memref<2048xf32, #tpu.memory_space<hbm>>) dst(%dma_wait3A_969 : memref<2048xf32, #tpu.memory_space<vmem>>)
      %dma_wait3A_971 = arith.constant 0 : i32
      %dma_wait3A_972 = arith.constant 16 : i32
      %dma_wait3A_973 = arith.constant 0 : i32
      %dma_wait3A_974 = tpu.memref_slice %arg5[%dma_wait3A_971, %dma_wait3A_972, %dma_wait3A_973] : memref<2x21x2048xf32, #tpu.memory_space<vmem>> -> memref<1x1x2048xf32, #tpu.memory_space<vmem>>
      %dma_wait3A_975 = tpu.memref_squeeze %dma_wait3A_974 : memref<1x1x2048xf32, #tpu.memory_space<vmem>> -> memref<2048xf32, #tpu.memory_space<vmem>>
      %dma_wait3A_976 = tpu.memref_slice %arg2[%add3A_788] : memref<22020096xf32, #tpu.memory_space<hbm>> -> memref<2048xf32, #tpu.memory_space<hbm>>
      %dma_wait3A_977 = arith.constant 0 : i32
      %dma_wait3A_978 = tpu.memref_slice %arg5[%dma_wait3A_971, %dma_wait3A_972, %dma_wait3A_977] : memref<2x21x2048xf32, #tpu.memory_space<vmem>> -> memref<1x1x2048xf32, #tpu.memory_space<vmem>>
      %dma_wait3A_979 = tpu.memref_squeeze %dma_wait3A_978 : memref<1x1x2048xf32, #tpu.memory_space<vmem>> -> memref<2048xf32, #tpu.memory_space<vmem>>
      %dma_wait3A_980 = tpu.memref_slice %arg2[%add3A_788] : memref<22020096xf32, #tpu.memory_space<hbm>> -> memref<2048xf32, #tpu.memory_space<hbm>>
      tpu.wait_dma2 semaphore(%arg8 : memref<!tpu.dma_semaphore, #tpu.memory_space<semaphore_mem>>) src(%dma_wait3A_980 : memref<2048xf32, #tpu.memory_space<hbm>>) dst(%dma_wait3A_979 : memref<2048xf32, #tpu.memory_space<vmem>>)
      %dma_wait3A_981 = arith.constant 0 : i32
      %dma_wait3A_982 = arith.constant 17 : i32
      %dma_wait3A_983 = arith.constant 0 : i32
      %dma_wait3A_984 = tpu.memref_slice %arg5[%dma_wait3A_981, %dma_wait3A_982, %dma_wait3A_983] : memref<2x21x2048xf32, #tpu.memory_space<vmem>> -> memref<1x1x2048xf32, #tpu.memory_space<vmem>>
      %dma_wait3A_985 = tpu.memref_squeeze %dma_wait3A_984 : memref<1x1x2048xf32, #tpu.memory_space<vmem>> -> memref<2048xf32, #tpu.memory_space<vmem>>
      %dma_wait3A_986 = tpu.memref_slice %arg2[%add3A_793] : memref<22020096xf32, #tpu.memory_space<hbm>> -> memref<2048xf32, #tpu.memory_space<hbm>>
      %dma_wait3A_987 = arith.constant 0 : i32
      %dma_wait3A_988 = tpu.memref_slice %arg5[%dma_wait3A_981, %dma_wait3A_982, %dma_wait3A_987] : memref<2x21x2048xf32, #tpu.memory_space<vmem>> -> memref<1x1x2048xf32, #tpu.memory_space<vmem>>
      %dma_wait3A_989 = tpu.memref_squeeze %dma_wait3A_988 : memref<1x1x2048xf32, #tpu.memory_space<vmem>> -> memref<2048xf32, #tpu.memory_space<vmem>>
      %dma_wait3A_990 = tpu.memref_slice %arg2[%add3A_793] : memref<22020096xf32, #tpu.memory_space<hbm>> -> memref<2048xf32, #tpu.memory_space<hbm>>
      tpu.wait_dma2 semaphore(%arg8 : memref<!tpu.dma_semaphore, #tpu.memory_space<semaphore_mem>>) src(%dma_wait3A_990 : memref<2048xf32, #tpu.memory_space<hbm>>) dst(%dma_wait3A_989 : memref<2048xf32, #tpu.memory_space<vmem>>)
      %dma_wait3A_991 = arith.constant 0 : i32
      %dma_wait3A_992 = arith.constant 18 : i32
      %dma_wait3A_993 = arith.constant 0 : i32
      %dma_wait3A_994 = tpu.memref_slice %arg5[%dma_wait3A_991, %dma_wait3A_992, %dma_wait3A_993] : memref<2x21x2048xf32, #tpu.memory_space<vmem>> -> memref<1x1x2048xf32, #tpu.memory_space<vmem>>
      %dma_wait3A_995 = tpu.memref_squeeze %dma_wait3A_994 : memref<1x1x2048xf32, #tpu.memory_space<vmem>> -> memref<2048xf32, #tpu.memory_space<vmem>>
      %dma_wait3A_996 = tpu.memref_slice %arg2[%add3A_798] : memref<22020096xf32, #tpu.memory_space<hbm>> -> memref<2048xf32, #tpu.memory_space<hbm>>
      %dma_wait3A_997 = arith.constant 0 : i32
      %dma_wait3A_998 = tpu.memref_slice %arg5[%dma_wait3A_991, %dma_wait3A_992, %dma_wait3A_997] : memref<2x21x2048xf32, #tpu.memory_space<vmem>> -> memref<1x1x2048xf32, #tpu.memory_space<vmem>>
      %dma_wait3A_999 = tpu.memref_squeeze %dma_wait3A_998 : memref<1x1x2048xf32, #tpu.memory_space<vmem>> -> memref<2048xf32, #tpu.memory_space<vmem>>
      %dma_wait3A_1000 = tpu.memref_slice %arg2[%add3A_798] : memref<22020096xf32, #tpu.memory_space<hbm>> -> memref<2048xf32, #tpu.memory_space<hbm>>
      tpu.wait_dma2 semaphore(%arg8 : memref<!tpu.dma_semaphore, #tpu.memory_space<semaphore_mem>>) src(%dma_wait3A_1000 : memref<2048xf32, #tpu.memory_space<hbm>>) dst(%dma_wait3A_999 : memref<2048xf32, #tpu.memory_space<vmem>>)
      %dma_wait3A_1001 = arith.constant 0 : i32
      %dma_wait3A_1002 = arith.constant 19 : i32
      %dma_wait3A_1003 = arith.constant 0 : i32
      %dma_wait3A_1004 = tpu.memref_slice %arg5[%dma_wait3A_1001, %dma_wait3A_1002, %dma_wait3A_1003] : memref<2x21x2048xf32, #tpu.memory_space<vmem>> -> memref<1x1x2048xf32, #tpu.memory_space<vmem>>
      %dma_wait3A_1005 = tpu.memref_squeeze %dma_wait3A_1004 : memref<1x1x2048xf32, #tpu.memory_space<vmem>> -> memref<2048xf32, #tpu.memory_space<vmem>>
      %dma_wait3A_1006 = tpu.memref_slice %arg2[%add3A_803] : memref<22020096xf32, #tpu.memory_space<hbm>> -> memref<2048xf32, #tpu.memory_space<hbm>>
      %dma_wait3A_1007 = arith.constant 0 : i32
      %dma_wait3A_1008 = tpu.memref_slice %arg5[%dma_wait3A_1001, %dma_wait3A_1002, %dma_wait3A_1007] : memref<2x21x2048xf32, #tpu.memory_space<vmem>> -> memref<1x1x2048xf32, #tpu.memory_space<vmem>>
      %dma_wait3A_1009 = tpu.memref_squeeze %dma_wait3A_1008 : memref<1x1x2048xf32, #tpu.memory_space<vmem>> -> memref<2048xf32, #tpu.memory_space<vmem>>
      %dma_wait3A_1010 = tpu.memref_slice %arg2[%add3A_803] : memref<22020096xf32, #tpu.memory_space<hbm>> -> memref<2048xf32, #tpu.memory_space<hbm>>
      tpu.wait_dma2 semaphore(%arg8 : memref<!tpu.dma_semaphore, #tpu.memory_space<semaphore_mem>>) src(%dma_wait3A_1010 : memref<2048xf32, #tpu.memory_space<hbm>>) dst(%dma_wait3A_1009 : memref<2048xf32, #tpu.memory_space<vmem>>)
      %dma_wait3A_1011 = arith.constant 0 : i32
      %dma_wait3A_1012 = arith.constant 20 : i32
      %dma_wait3A_1013 = arith.constant 0 : i32
      %dma_wait3A_1014 = tpu.memref_slice %arg5[%dma_wait3A_1011, %dma_wait3A_1012, %dma_wait3A_1013] : memref<2x21x2048xf32, #tpu.memory_space<vmem>> -> memref<1x1x2048xf32, #tpu.memory_space<vmem>>
      %dma_wait3A_1015 = tpu.memref_squeeze %dma_wait3A_1014 : memref<1x1x2048xf32, #tpu.memory_space<vmem>> -> memref<2048xf32, #tpu.memory_space<vmem>>
      %dma_wait3A_1016 = tpu.memref_slice %arg2[%add3A_808] : memref<22020096xf32, #tpu.memory_space<hbm>> -> memref<2048xf32, #tpu.memory_space<hbm>>
      %dma_wait3A_1017 = arith.constant 0 : i32
      %dma_wait3A_1018 = tpu.memref_slice %arg5[%dma_wait3A_1011, %dma_wait3A_1012, %dma_wait3A_1017] : memref<2x21x2048xf32, #tpu.memory_space<vmem>> -> memref<1x1x2048xf32, #tpu.memory_space<vmem>>
      %dma_wait3A_1019 = tpu.memref_squeeze %dma_wait3A_1018 : memref<1x1x2048xf32, #tpu.memory_space<vmem>> -> memref<2048xf32, #tpu.memory_space<vmem>>
      %dma_wait3A_1020 = tpu.memref_slice %arg2[%add3A_808] : memref<22020096xf32, #tpu.memory_space<hbm>> -> memref<2048xf32, #tpu.memory_space<hbm>>
      tpu.wait_dma2 semaphore(%arg8 : memref<!tpu.dma_semaphore, #tpu.memory_space<semaphore_mem>>) src(%dma_wait3A_1020 : memref<2048xf32, #tpu.memory_space<hbm>>) dst(%dma_wait3A_1019 : memref<2048xf32, #tpu.memory_space<vmem>>)
      %dma_wait3A_1021 = arith.constant 0 : i32
      %dma_wait3A_1022 = arith.constant 0 : i32
      %dma_wait3A_1023 = tpu.memref_slice %arg6[%dma_wait3A_1021, %dma_wait3A_1022] : memref<2x2048xi32, #tpu.memory_space<vmem>> -> memref<1x2048xi32, #tpu.memory_space<vmem>>
      %dma_wait3A_1024 = tpu.memref_squeeze %dma_wait3A_1023 : memref<1x2048xi32, #tpu.memory_space<vmem>> -> memref<2048xi32, #tpu.memory_space<vmem>>
      %dma_wait3A_1025 = tpu.memref_slice %arg3[%add3A_811] : memref<1048576xi32, #tpu.memory_space<hbm>> -> memref<2048xi32, #tpu.memory_space<hbm>>
      %dma_wait3A_1026 = arith.constant 0 : i32
      %dma_wait3A_1027 = tpu.memref_slice %arg6[%dma_wait3A_1021, %dma_wait3A_1026] : memref<2x2048xi32, #tpu.memory_space<vmem>> -> memref<1x2048xi32, #tpu.memory_space<vmem>>
      %dma_wait3A_1028 = tpu.memref_squeeze %dma_wait3A_1027 : memref<1x2048xi32, #tpu.memory_space<vmem>> -> memref<2048xi32, #tpu.memory_space<vmem>>
      %dma_wait3A_1029 = tpu.memref_slice %arg3[%add3A_811] : memref<1048576xi32, #tpu.memory_space<hbm>> -> memref<2048xi32, #tpu.memory_space<hbm>>
      tpu.wait_dma2 semaphore(%arg8 : memref<!tpu.dma_semaphore, #tpu.memory_space<semaphore_mem>>) src(%dma_wait3A_1029 : memref<2048xi32, #tpu.memory_space<hbm>>) dst(%dma_wait3A_1028 : memref<2048xi32, #tpu.memory_space<vmem>>)
      %parallel_loop3A = arith.constant 0 : i32
      %parallel_loop3A_1030 = arith.constant 128 : i32
      %parallel_loop3A_1031 = arith.constant 1 : i32
      scf.for %parallel_loop3A_1381 = %parallel_loop3A to %parallel_loop3A_1030 step %parallel_loop3A_1031  : i32 {
        %parallel_loop3A_1382 = arith.constant 16 : i32
        %parallel_loop3A_1383 = arith.muli %parallel_loop3A_1381, %parallel_loop3A_1382 : i32
        %parallel_loop3A_1384 = arith.constant 0 : i32
        %parallel_loop3A_1385 = arith.index_cast %parallel_loop3A_1384 : i32 to index
        %parallel_loop3A_1386 = arith.index_cast %parallel_loop3A_1383 : i32 to index
        %parallel_loop3A_1387 = tpu.vector_load %arg6[%parallel_loop3A_1385, %parallel_loop3A_1386] {strides = array<i32>} : memref<2x2048xi32, #tpu.memory_space<vmem>>, vector<16xi32>,
        %parallel_loop3A_1388 = arith.constant 0 : i32
        %parallel_loop3A_1389 = arith.constant 0 : i32
        %parallel_loop3A_1390 = arith.index_cast %parallel_loop3A_1388 : i32 to index
        %parallel_loop3A_1391 = arith.index_cast %parallel_loop3A_1389 : i32 to index
        %parallel_loop3A_1392 = arith.index_cast %parallel_loop3A_1383 : i32 to index
        %parallel_loop3A_1393 = tpu.vector_load %arg5[%parallel_loop3A_1390, %parallel_loop3A_1391, %parallel_loop3A_1392] {strides = array<i32>} : memref<2x21x2048xf32, #tpu.memory_space<vmem>>, vector<16xf32>,
        %parallel_loop3A_1394 = arith.constant 1.000000e+00 : f32
        %parallel_loop3A_1395 = vector.broadcast %parallel_loop3A_1394 : f32 to vector<16xf32>
        %parallel_loop3A_1396 = arith.addf %parallel_loop3A_1393, %parallel_loop3A_1395 : vector<16xf32>
        %parallel_loop3A_1397 = vector.bitcast %parallel_loop3A_1396 : vector<16xf32> to vector<16xi32>
        %parallel_loop3A_1398 = arith.constant 14 : i32
        %parallel_loop3A_1399 = vector.broadcast %parallel_loop3A_1398 : i32 to vector<16xi32>
        %parallel_loop3A_1400 = arith.shrsi %parallel_loop3A_1397, %parallel_loop3A_1399 : vector<16xi32>
        %parallel_loop3A_1401 = arith.constant -65024 : i32
        %parallel_loop3A_1402 = vector.broadcast %parallel_loop3A_1401 : i32 to vector<16xi32>
        %parallel_loop3A_1403 = arith.addi %parallel_loop3A_1400, %parallel_loop3A_1402 : vector<16xi32>
        tpu.vector_store_idx %arg7[%parallel_loop3A_1403], %broadcast_in_dim3A_30 {add = true} : memref<21504xi32, #tpu.memory_space<vmem>>[vector<16xi32>], vector<16xi32>,
        %parallel_loop3A_1404 = arith.constant 0 : i32
        %parallel_loop3A_1405 = arith.constant 1 : i32
        %parallel_loop3A_1406 = arith.index_cast %parallel_loop3A_1404 : i32 to index
        %parallel_loop3A_1407 = arith.index_cast %parallel_loop3A_1405 : i32 to index
        %parallel_loop3A_1408 = arith.index_cast %parallel_loop3A_1383 : i32 to index
        %parallel_loop3A_1409 = tpu.vector_load %arg5[%parallel_loop3A_1406, %parallel_loop3A_1407, %parallel_loop3A_1408] {strides = array<i32>} : memref<2x21x2048xf32, #tpu.memory_space<vmem>>, vector<16xf32>,
        %parallel_loop3A_1410 = arith.constant 1.000000e+00 : f32
        %parallel_loop3A_1411 = vector.broadcast %parallel_loop3A_1410 : f32 to vector<16xf32>
        %parallel_loop3A_1412 = arith.addf %parallel_loop3A_1409, %parallel_loop3A_1411 : vector<16xf32>
        %parallel_loop3A_1413 = vector.bitcast %parallel_loop3A_1412 : vector<16xf32> to vector<16xi32>
        %parallel_loop3A_1414 = arith.constant 14 : i32
        %parallel_loop3A_1415 = vector.broadcast %parallel_loop3A_1414 : i32 to vector<16xi32>
        %parallel_loop3A_1416 = arith.shrsi %parallel_loop3A_1413, %parallel_loop3A_1415 : vector<16xi32>
        %parallel_loop3A_1417 = arith.constant -64512 : i32
        %parallel_loop3A_1418 = vector.broadcast %parallel_loop3A_1417 : i32 to vector<16xi32>
        %parallel_loop3A_1419 = arith.addi %parallel_loop3A_1416, %parallel_loop3A_1418 : vector<16xi32>
        tpu.vector_store_idx %arg7[%parallel_loop3A_1419], %broadcast_in_dim3A_30 {add = true} : memref<21504xi32, #tpu.memory_space<vmem>>[vector<16xi32>], vector<16xi32>,
        %parallel_loop3A_1420 = arith.constant 0 : i32
        %parallel_loop3A_1421 = arith.constant 2 : i32
        %parallel_loop3A_1422 = arith.index_cast %parallel_loop3A_1420 : i32 to index
        %parallel_loop3A_1423 = arith.index_cast %parallel_loop3A_1421 : i32 to index
        %parallel_loop3A_1424 = arith.index_cast %parallel_loop3A_1383 : i32 to index
        %parallel_loop3A_1425 = tpu.vector_load %arg5[%parallel_loop3A_1422, %parallel_loop3A_1423, %parallel_loop3A_1424] {strides = array<i32>} : memref<2x21x2048xf32, #tpu.memory_space<vmem>>, vector<16xf32>,
        %parallel_loop3A_1426 = arith.constant 1.000000e+00 : f32
        %parallel_loop3A_1427 = vector.broadcast %parallel_loop3A_1426 : f32 to vector<16xf32>
        %parallel_loop3A_1428 = arith.addf %parallel_loop3A_1425, %parallel_loop3A_1427 : vector<16xf32>
        %parallel_loop3A_1429 = vector.bitcast %parallel_loop3A_1428 : vector<16xf32> to vector<16xi32>
        %parallel_loop3A_1430 = arith.constant 14 : i32
        %parallel_loop3A_1431 = vector.broadcast %parallel_loop3A_1430 : i32 to vector<16xi32>
        %parallel_loop3A_1432 = arith.shrsi %parallel_loop3A_1429, %parallel_loop3A_1431 : vector<16xi32>
        %parallel_loop3A_1433 = arith.constant -64000 : i32
        %parallel_loop3A_1434 = vector.broadcast %parallel_loop3A_1433 : i32 to vector<16xi32>
        %parallel_loop3A_1435 = arith.addi %parallel_loop3A_1432, %parallel_loop3A_1434 : vector<16xi32>
        tpu.vector_store_idx %arg7[%parallel_loop3A_1435], %broadcast_in_dim3A_30 {add = true} : memref<21504xi32, #tpu.memory_space<vmem>>[vector<16xi32>], vector<16xi32>,
        %parallel_loop3A_1436 = arith.constant 0 : i32
        %parallel_loop3A_1437 = arith.constant 3 : i32
        %parallel_loop3A_1438 = arith.index_cast %parallel_loop3A_1436 : i32 to index
        %parallel_loop3A_1439 = arith.index_cast %parallel_loop3A_1437 : i32 to index
        %parallel_loop3A_1440 = arith.index_cast %parallel_loop3A_1383 : i32 to index
        %parallel_loop3A_1441 = tpu.vector_load %arg5[%parallel_loop3A_1438, %parallel_loop3A_1439, %parallel_loop3A_1440] {strides = array<i32>} : memref<2x21x2048xf32, #tpu.memory_space<vmem>>, vector<16xf32>,
        %parallel_loop3A_1442 = arith.constant 1.000000e+00 : f32
        %parallel_loop3A_1443 = vector.broadcast %parallel_loop3A_1442 : f32 to vector<16xf32>
        %parallel_loop3A_1444 = arith.addf %parallel_loop3A_1441, %parallel_loop3A_1443 : vector<16xf32>
        %parallel_loop3A_1445 = vector.bitcast %parallel_loop3A_1444 : vector<16xf32> to vector<16xi32>
        %parallel_loop3A_1446 = arith.constant 14 : i32
        %parallel_loop3A_1447 = vector.broadcast %parallel_loop3A_1446 : i32 to vector<16xi32>
        %parallel_loop3A_1448 = arith.shrsi %parallel_loop3A_1445, %parallel_loop3A_1447 : vector<16xi32>
        %parallel_loop3A_1449 = arith.constant -63488 : i32
        %parallel_loop3A_1450 = vector.broadcast %parallel_loop3A_1449 : i32 to vector<16xi32>
        %parallel_loop3A_1451 = arith.addi %parallel_loop3A_1448, %parallel_loop3A_1450 : vector<16xi32>
        tpu.vector_store_idx %arg7[%parallel_loop3A_1451], %broadcast_in_dim3A_30 {add = true} : memref<21504xi32, #tpu.memory_space<vmem>>[vector<16xi32>], vector<16xi32>,
        %parallel_loop3A_1452 = arith.constant 0 : i32
        %parallel_loop3A_1453 = arith.constant 4 : i32
        %parallel_loop3A_1454 = arith.index_cast %parallel_loop3A_1452 : i32 to index
        %parallel_loop3A_1455 = arith.index_cast %parallel_loop3A_1453 : i32 to index
        %parallel_loop3A_1456 = arith.index_cast %parallel_loop3A_1383 : i32 to index
        %parallel_loop3A_1457 = tpu.vector_load %arg5[%parallel_loop3A_1454, %parallel_loop3A_1455, %parallel_loop3A_1456] {strides = array<i32>} : memref<2x21x2048xf32, #tpu.memory_space<vmem>>, vector<16xf32>,
        %parallel_loop3A_1458 = arith.constant 1.000000e+00 : f32
        %parallel_loop3A_1459 = vector.broadcast %parallel_loop3A_1458 : f32 to vector<16xf32>
        %parallel_loop3A_1460 = arith.addf %parallel_loop3A_1457, %parallel_loop3A_1459 : vector<16xf32>
        %parallel_loop3A_1461 = vector.bitcast %parallel_loop3A_1460 : vector<16xf32> to vector<16xi32>
        %parallel_loop3A_1462 = arith.constant 14 : i32
        %parallel_loop3A_1463 = vector.broadcast %parallel_loop3A_1462 : i32 to vector<16xi32>
        %parallel_loop3A_1464 = arith.shrsi %parallel_loop3A_1461, %parallel_loop3A_1463 : vector<16xi32>
        %parallel_loop3A_1465 = arith.constant -62976 : i32
        %parallel_loop3A_1466 = vector.broadcast %parallel_loop3A_1465 : i32 to vector<16xi32>
        %parallel_loop3A_1467 = arith.addi %parallel_loop3A_1464, %parallel_loop3A_1466 : vector<16xi32>
        tpu.vector_store_idx %arg7[%parallel_loop3A_1467], %broadcast_in_dim3A_30 {add = true} : memref<21504xi32, #tpu.memory_space<vmem>>[vector<16xi32>], vector<16xi32>,
        %parallel_loop3A_1468 = arith.constant 0 : i32
        %parallel_loop3A_1469 = arith.constant 5 : i32
        %parallel_loop3A_1470 = arith.index_cast %parallel_loop3A_1468 : i32 to index
        %parallel_loop3A_1471 = arith.index_cast %parallel_loop3A_1469 : i32 to index
        %parallel_loop3A_1472 = arith.index_cast %parallel_loop3A_1383 : i32 to index
        %parallel_loop3A_1473 = tpu.vector_load %arg5[%parallel_loop3A_1470, %parallel_loop3A_1471, %parallel_loop3A_1472] {strides = array<i32>} : memref<2x21x2048xf32, #tpu.memory_space<vmem>>, vector<16xf32>,
        %parallel_loop3A_1474 = arith.constant 1.000000e+00 : f32
        %parallel_loop3A_1475 = vector.broadcast %parallel_loop3A_1474 : f32 to vector<16xf32>
        %parallel_loop3A_1476 = arith.addf %parallel_loop3A_1473, %parallel_loop3A_1475 : vector<16xf32>
        %parallel_loop3A_1477 = vector.bitcast %parallel_loop3A_1476 : vector<16xf32> to vector<16xi32>
        %parallel_loop3A_1478 = arith.constant 14 : i32
        %parallel_loop3A_1479 = vector.broadcast %parallel_loop3A_1478 : i32 to vector<16xi32>
        %parallel_loop3A_1480 = arith.shrsi %parallel_loop3A_1477, %parallel_loop3A_1479 : vector<16xi32>
        %parallel_loop3A_1481 = arith.constant -62464 : i32
        %parallel_loop3A_1482 = vector.broadcast %parallel_loop3A_1481 : i32 to vector<16xi32>
        %parallel_loop3A_1483 = arith.addi %parallel_loop3A_1480, %parallel_loop3A_1482 : vector<16xi32>
        tpu.vector_store_idx %arg7[%parallel_loop3A_1483], %broadcast_in_dim3A_30 {add = true} : memref<21504xi32, #tpu.memory_space<vmem>>[vector<16xi32>], vector<16xi32>,
        %parallel_loop3A_1484 = arith.constant 0 : i32
        %parallel_loop3A_1485 = arith.constant 6 : i32
        %parallel_loop3A_1486 = arith.index_cast %parallel_loop3A_1484 : i32 to index
        %parallel_loop3A_1487 = arith.index_cast %parallel_loop3A_1485 : i32 to index
        %parallel_loop3A_1488 = arith.index_cast %parallel_loop3A_1383 : i32 to index
        %parallel_loop3A_1489 = tpu.vector_load %arg5[%parallel_loop3A_1486, %parallel_loop3A_1487, %parallel_loop3A_1488] {strides = array<i32>} : memref<2x21x2048xf32, #tpu.memory_space<vmem>>, vector<16xf32>,
        %parallel_loop3A_1490 = arith.constant 1.000000e+00 : f32
        %parallel_loop3A_1491 = vector.broadcast %parallel_loop3A_1490 : f32 to vector<16xf32>
        %parallel_loop3A_1492 = arith.addf %parallel_loop3A_1489, %parallel_loop3A_1491 : vector<16xf32>
        %parallel_loop3A_1493 = vector.bitcast %parallel_loop3A_1492 : vector<16xf32> to vector<16xi32>
        %parallel_loop3A_1494 = arith.constant 14 : i32
        %parallel_loop3A_1495 = vector.broadcast %parallel_loop3A_1494 : i32 to vector<16xi32>
        %parallel_loop3A_1496 = arith.shrsi %parallel_loop3A_1493, %parallel_loop3A_1495 : vector<16xi32>
        %parallel_loop3A_1497 = arith.constant -61952 : i32
        %parallel_loop3A_1498 = vector.broadcast %parallel_loop3A_1497 : i32 to vector<16xi32>
        %parallel_loop3A_1499 = arith.addi %parallel_loop3A_1496, %parallel_loop3A_1498 : vector<16xi32>
        tpu.vector_store_idx %arg7[%parallel_loop3A_1499], %broadcast_in_dim3A_30 {add = true} : memref<21504xi32, #tpu.memory_space<vmem>>[vector<16xi32>], vector<16xi32>,
        %parallel_loop3A_1500 = arith.constant 0 : i32
        %parallel_loop3A_1501 = arith.constant 7 : i32
        %parallel_loop3A_1502 = arith.index_cast %parallel_loop3A_1500 : i32 to index
        %parallel_loop3A_1503 = arith.index_cast %parallel_loop3A_1501 : i32 to index
        %parallel_loop3A_1504 = arith.index_cast %parallel_loop3A_1383 : i32 to index
        %parallel_loop3A_1505 = tpu.vector_load %arg5[%parallel_loop3A_1502, %parallel_loop3A_1503, %parallel_loop3A_1504] {strides = array<i32>} : memref<2x21x2048xf32, #tpu.memory_space<vmem>>, vector<16xf32>,
        %parallel_loop3A_1506 = arith.constant 1.000000e+00 : f32
        %parallel_loop3A_1507 = vector.broadcast %parallel_loop3A_1506 : f32 to vector<16xf32>
        %parallel_loop3A_1508 = arith.addf %parallel_loop3A_1505, %parallel_loop3A_1507 : vector<16xf32>
        %parallel_loop3A_1509 = vector.bitcast %parallel_loop3A_1508 : vector<16xf32> to vector<16xi32>
        %parallel_loop3A_1510 = arith.constant 14 : i32
        %parallel_loop3A_1511 = vector.broadcast %parallel_loop3A_1510 : i32 to vector<16xi32>
        %parallel_loop3A_1512 = arith.shrsi %parallel_loop3A_1509, %parallel_loop3A_1511 : vector<16xi32>
        %parallel_loop3A_1513 = arith.constant -61440 : i32
        %parallel_loop3A_1514 = vector.broadcast %parallel_loop3A_1513 : i32 to vector<16xi32>
        %parallel_loop3A_1515 = arith.addi %parallel_loop3A_1512, %parallel_loop3A_1514 : vector<16xi32>
        tpu.vector_store_idx %arg7[%parallel_loop3A_1515], %broadcast_in_dim3A_30 {add = true} : memref<21504xi32, #tpu.memory_space<vmem>>[vector<16xi32>], vector<16xi32>,
        %parallel_loop3A_1516 = arith.constant 0 : i32
        %parallel_loop3A_1517 = arith.constant 8 : i32
        %parallel_loop3A_1518 = arith.index_cast %parallel_loop3A_1516 : i32 to index
        %parallel_loop3A_1519 = arith.index_cast %parallel_loop3A_1517 : i32 to index
        %parallel_loop3A_1520 = arith.index_cast %parallel_loop3A_1383 : i32 to index
        %parallel_loop3A_1521 = tpu.vector_load %arg5[%parallel_loop3A_1518, %parallel_loop3A_1519, %parallel_loop3A_1520] {strides = array<i32>} : memref<2x21x2048xf32, #tpu.memory_space<vmem>>, vector<16xf32>,
        %parallel_loop3A_1522 = arith.constant 1.000000e+00 : f32
        %parallel_loop3A_1523 = vector.broadcast %parallel_loop3A_1522 : f32 to vector<16xf32>
        %parallel_loop3A_1524 = arith.addf %parallel_loop3A_1521, %parallel_loop3A_1523 : vector<16xf32>
        %parallel_loop3A_1525 = vector.bitcast %parallel_loop3A_1524 : vector<16xf32> to vector<16xi32>
        %parallel_loop3A_1526 = arith.constant 14 : i32
        %parallel_loop3A_1527 = vector.broadcast %parallel_loop3A_1526 : i32 to vector<16xi32>
        %parallel_loop3A_1528 = arith.shrsi %parallel_loop3A_1525, %parallel_loop3A_1527 : vector<16xi32>
        %parallel_loop3A_1529 = arith.constant -60928 : i32
        %parallel_loop3A_1530 = vector.broadcast %parallel_loop3A_1529 : i32 to vector<16xi32>
        %parallel_loop3A_1531 = arith.addi %parallel_loop3A_1528, %parallel_loop3A_1530 : vector<16xi32>
        tpu.vector_store_idx %arg7[%parallel_loop3A_1531], %broadcast_in_dim3A_30 {add = true} : memref<21504xi32, #tpu.memory_space<vmem>>[vector<16xi32>], vector<16xi32>,
        %parallel_loop3A_1532 = arith.constant 0 : i32
        %parallel_loop3A_1533 = arith.constant 9 : i32
        %parallel_loop3A_1534 = arith.index_cast %parallel_loop3A_1532 : i32 to index
        %parallel_loop3A_1535 = arith.index_cast %parallel_loop3A_1533 : i32 to index
        %parallel_loop3A_1536 = arith.index_cast %parallel_loop3A_1383 : i32 to index
        %parallel_loop3A_1537 = tpu.vector_load %arg5[%parallel_loop3A_1534, %parallel_loop3A_1535, %parallel_loop3A_1536] {strides = array<i32>} : memref<2x21x2048xf32, #tpu.memory_space<vmem>>, vector<16xf32>,
        %parallel_loop3A_1538 = arith.constant 1.000000e+00 : f32
        %parallel_loop3A_1539 = vector.broadcast %parallel_loop3A_1538 : f32 to vector<16xf32>
        %parallel_loop3A_1540 = arith.addf %parallel_loop3A_1537, %parallel_loop3A_1539 : vector<16xf32>
        %parallel_loop3A_1541 = vector.bitcast %parallel_loop3A_1540 : vector<16xf32> to vector<16xi32>
        %parallel_loop3A_1542 = arith.constant 14 : i32
        %parallel_loop3A_1543 = vector.broadcast %parallel_loop3A_1542 : i32 to vector<16xi32>
        %parallel_loop3A_1544 = arith.shrsi %parallel_loop3A_1541, %parallel_loop3A_1543 : vector<16xi32>
        %parallel_loop3A_1545 = arith.constant -60416 : i32
        %parallel_loop3A_1546 = vector.broadcast %parallel_loop3A_1545 : i32 to vector<16xi32>
        %parallel_loop3A_1547 = arith.addi %parallel_loop3A_1544, %parallel_loop3A_1546 : vector<16xi32>
        tpu.vector_store_idx %arg7[%parallel_loop3A_1547], %broadcast_in_dim3A_30 {add = true} : memref<21504xi32, #tpu.memory_space<vmem>>[vector<16xi32>], vector<16xi32>,
        %parallel_loop3A_1548 = arith.constant 0 : i32
        %parallel_loop3A_1549 = arith.constant 10 : i32
        %parallel_loop3A_1550 = arith.index_cast %parallel_loop3A_1548 : i32 to index
        %parallel_loop3A_1551 = arith.index_cast %parallel_loop3A_1549 : i32 to index
        %parallel_loop3A_1552 = arith.index_cast %parallel_loop3A_1383 : i32 to index
        %parallel_loop3A_1553 = tpu.vector_load %arg5[%parallel_loop3A_1550, %parallel_loop3A_1551, %parallel_loop3A_1552] {strides = array<i32>} : memref<2x21x2048xf32, #tpu.memory_space<vmem>>, vector<16xf32>,
        %parallel_loop3A_1554 = arith.constant 1.000000e+00 : f32
        %parallel_loop3A_1555 = vector.broadcast %parallel_loop3A_1554 : f32 to vector<16xf32>
        %parallel_loop3A_1556 = arith.addf %parallel_loop3A_1553, %parallel_loop3A_1555 : vector<16xf32>
        %parallel_loop3A_1557 = vector.bitcast %parallel_loop3A_1556 : vector<16xf32> to vector<16xi32>
        %parallel_loop3A_1558 = arith.constant 14 : i32
        %parallel_loop3A_1559 = vector.broadcast %parallel_loop3A_1558 : i32 to vector<16xi32>
        %parallel_loop3A_1560 = arith.shrsi %parallel_loop3A_1557, %parallel_loop3A_1559 : vector<16xi32>
        %parallel_loop3A_1561 = arith.constant -59904 : i32
        %parallel_loop3A_1562 = vector.broadcast %parallel_loop3A_1561 : i32 to vector<16xi32>
        %parallel_loop3A_1563 = arith.addi %parallel_loop3A_1560, %parallel_loop3A_1562 : vector<16xi32>
        tpu.vector_store_idx %arg7[%parallel_loop3A_1563], %broadcast_in_dim3A_30 {add = true} : memref<21504xi32, #tpu.memory_space<vmem>>[vector<16xi32>], vector<16xi32>,
        %parallel_loop3A_1564 = arith.constant 0 : i32
        %parallel_loop3A_1565 = arith.constant 11 : i32
        %parallel_loop3A_1566 = arith.index_cast %parallel_loop3A_1564 : i32 to index
        %parallel_loop3A_1567 = arith.index_cast %parallel_loop3A_1565 : i32 to index
        %parallel_loop3A_1568 = arith.index_cast %parallel_loop3A_1383 : i32 to index
        %parallel_loop3A_1569 = tpu.vector_load %arg5[%parallel_loop3A_1566, %parallel_loop3A_1567, %parallel_loop3A_1568] {strides = array<i32>} : memref<2x21x2048xf32, #tpu.memory_space<vmem>>, vector<16xf32>,
        %parallel_loop3A_1570 = arith.constant 1.000000e+00 : f32
        %parallel_loop3A_1571 = vector.broadcast %parallel_loop3A_1570 : f32 to vector<16xf32>
        %parallel_loop3A_1572 = arith.addf %parallel_loop3A_1569, %parallel_loop3A_1571 : vector<16xf32>
        %parallel_loop3A_1573 = vector.bitcast %parallel_loop3A_1572 : vector<16xf32> to vector<16xi32>
        %parallel_loop3A_1574 = arith.constant 14 : i32
        %parallel_loop3A_1575 = vector.broadcast %parallel_loop3A_1574 : i32 to vector<16xi32>
        %parallel_loop3A_1576 = arith.shrsi %parallel_loop3A_1573, %parallel_loop3A_1575 : vector<16xi32>
        %parallel_loop3A_1577 = arith.constant -59392 : i32
        %parallel_loop3A_1578 = vector.broadcast %parallel_loop3A_1577 : i32 to vector<16xi32>
        %parallel_loop3A_1579 = arith.addi %parallel_loop3A_1576, %parallel_loop3A_1578 : vector<16xi32>
        tpu.vector_store_idx %arg7[%parallel_loop3A_1579], %broadcast_in_dim3A_30 {add = true} : memref<21504xi32, #tpu.memory_space<vmem>>[vector<16xi32>], vector<16xi32>,
        %parallel_loop3A_1580 = arith.constant 0 : i32
        %parallel_loop3A_1581 = arith.constant 12 : i32
        %parallel_loop3A_1582 = arith.index_cast %parallel_loop3A_1580 : i32 to index
        %parallel_loop3A_1583 = arith.index_cast %parallel_loop3A_1581 : i32 to index
        %parallel_loop3A_1584 = arith.index_cast %parallel_loop3A_1383 : i32 to index
        %parallel_loop3A_1585 = tpu.vector_load %arg5[%parallel_loop3A_1582, %parallel_loop3A_1583, %parallel_loop3A_1584] {strides = array<i32>} : memref<2x21x2048xf32, #tpu.memory_space<vmem>>, vector<16xf32>,
        %parallel_loop3A_1586 = arith.constant 1.000000e+00 : f32
        %parallel_loop3A_1587 = vector.broadcast %parallel_loop3A_1586 : f32 to vector<16xf32>
        %parallel_loop3A_1588 = arith.addf %parallel_loop3A_1585, %parallel_loop3A_1587 : vector<16xf32>
        %parallel_loop3A_1589 = vector.bitcast %parallel_loop3A_1588 : vector<16xf32> to vector<16xi32>
        %parallel_loop3A_1590 = arith.constant 14 : i32
        %parallel_loop3A_1591 = vector.broadcast %parallel_loop3A_1590 : i32 to vector<16xi32>
        %parallel_loop3A_1592 = arith.shrsi %parallel_loop3A_1589, %parallel_loop3A_1591 : vector<16xi32>
        %parallel_loop3A_1593 = arith.constant -58880 : i32
        %parallel_loop3A_1594 = vector.broadcast %parallel_loop3A_1593 : i32 to vector<16xi32>
        %parallel_loop3A_1595 = arith.addi %parallel_loop3A_1592, %parallel_loop3A_1594 : vector<16xi32>
        tpu.vector_store_idx %arg7[%parallel_loop3A_1595], %broadcast_in_dim3A_30 {add = true} : memref<21504xi32, #tpu.memory_space<vmem>>[vector<16xi32>], vector<16xi32>,
        %parallel_loop3A_1596 = arith.constant 0 : i32
        %parallel_loop3A_1597 = arith.constant 13 : i32
        %parallel_loop3A_1598 = arith.index_cast %parallel_loop3A_1596 : i32 to index
        %parallel_loop3A_1599 = arith.index_cast %parallel_loop3A_1597 : i32 to index
        %parallel_loop3A_1600 = arith.index_cast %parallel_loop3A_1383 : i32 to index
        %parallel_loop3A_1601 = tpu.vector_load %arg5[%parallel_loop3A_1598, %parallel_loop3A_1599, %parallel_loop3A_1600] {strides = array<i32>} : memref<2x21x2048xf32, #tpu.memory_space<vmem>>, vector<16xf32>,
        %parallel_loop3A_1602 = arith.constant 1.000000e+00 : f32
        %parallel_loop3A_1603 = vector.broadcast %parallel_loop3A_1602 : f32 to vector<16xf32>
        %parallel_loop3A_1604 = arith.addf %parallel_loop3A_1601, %parallel_loop3A_1603 : vector<16xf32>
        %parallel_loop3A_1605 = vector.bitcast %parallel_loop3A_1604 : vector<16xf32> to vector<16xi32>
        %parallel_loop3A_1606 = arith.constant 14 : i32
        %parallel_loop3A_1607 = vector.broadcast %parallel_loop3A_1606 : i32 to vector<16xi32>
        %parallel_loop3A_1608 = arith.shrsi %parallel_loop3A_1605, %parallel_loop3A_1607 : vector<16xi32>
        %parallel_loop3A_1609 = arith.constant -58368 : i32
        %parallel_loop3A_1610 = vector.broadcast %parallel_loop3A_1609 : i32 to vector<16xi32>
        %parallel_loop3A_1611 = arith.addi %parallel_loop3A_1608, %parallel_loop3A_1610 : vector<16xi32>
        tpu.vector_store_idx %arg7[%parallel_loop3A_1611], %broadcast_in_dim3A_30 {add = true} : memref<21504xi32, #tpu.memory_space<vmem>>[vector<16xi32>], vector<16xi32>,
        %parallel_loop3A_1612 = arith.constant 0 : i32
        %parallel_loop3A_1613 = arith.constant 14 : i32
        %parallel_loop3A_1614 = arith.index_cast %parallel_loop3A_1612 : i32 to index
        %parallel_loop3A_1615 = arith.index_cast %parallel_loop3A_1613 : i32 to index
        %parallel_loop3A_1616 = arith.index_cast %parallel_loop3A_1383 : i32 to index
        %parallel_loop3A_1617 = tpu.vector_load %arg5[%parallel_loop3A_1614, %parallel_loop3A_1615, %parallel_loop3A_1616] {strides = array<i32>} : memref<2x21x2048xf32, #tpu.memory_space<vmem>>, vector<16xf32>,
        %parallel_loop3A_1618 = arith.constant 1.000000e+00 : f32
        %parallel_loop3A_1619 = vector.broadcast %parallel_loop3A_1618 : f32 to vector<16xf32>
        %parallel_loop3A_1620 = arith.addf %parallel_loop3A_1617, %parallel_loop3A_1619 : vector<16xf32>
        %parallel_loop3A_1621 = vector.bitcast %parallel_loop3A_1620 : vector<16xf32> to vector<16xi32>
        %parallel_loop3A_1622 = arith.constant 14 : i32
        %parallel_loop3A_1623 = vector.broadcast %parallel_loop3A_1622 : i32 to vector<16xi32>
        %parallel_loop3A_1624 = arith.shrsi %parallel_loop3A_1621, %parallel_loop3A_1623 : vector<16xi32>
        %parallel_loop3A_1625 = arith.constant -57856 : i32
        %parallel_loop3A_1626 = vector.broadcast %parallel_loop3A_1625 : i32 to vector<16xi32>
        %parallel_loop3A_1627 = arith.addi %parallel_loop3A_1624, %parallel_loop3A_1626 : vector<16xi32>
        tpu.vector_store_idx %arg7[%parallel_loop3A_1627], %broadcast_in_dim3A_30 {add = true} : memref<21504xi32, #tpu.memory_space<vmem>>[vector<16xi32>], vector<16xi32>,
        %parallel_loop3A_1628 = arith.constant 0 : i32
        %parallel_loop3A_1629 = arith.constant 15 : i32
        %parallel_loop3A_1630 = arith.index_cast %parallel_loop3A_1628 : i32 to index
        %parallel_loop3A_1631 = arith.index_cast %parallel_loop3A_1629 : i32 to index
        %parallel_loop3A_1632 = arith.index_cast %parallel_loop3A_1383 : i32 to index
        %parallel_loop3A_1633 = tpu.vector_load %arg5[%parallel_loop3A_1630, %parallel_loop3A_1631, %parallel_loop3A_1632] {strides = array<i32>} : memref<2x21x2048xf32, #tpu.memory_space<vmem>>, vector<16xf32>,
        %parallel_loop3A_1634 = arith.constant 1.000000e+00 : f32
        %parallel_loop3A_1635 = vector.broadcast %parallel_loop3A_1634 : f32 to vector<16xf32>
        %parallel_loop3A_1636 = arith.addf %parallel_loop3A_1633, %parallel_loop3A_1635 : vector<16xf32>
        %parallel_loop3A_1637 = vector.bitcast %parallel_loop3A_1636 : vector<16xf32> to vector<16xi32>
        %parallel_loop3A_1638 = arith.constant 14 : i32
        %parallel_loop3A_1639 = vector.broadcast %parallel_loop3A_1638 : i32 to vector<16xi32>
        %parallel_loop3A_1640 = arith.shrsi %parallel_loop3A_1637, %parallel_loop3A_1639 : vector<16xi32>
        %parallel_loop3A_1641 = arith.constant -57344 : i32
        %parallel_loop3A_1642 = vector.broadcast %parallel_loop3A_1641 : i32 to vector<16xi32>
        %parallel_loop3A_1643 = arith.addi %parallel_loop3A_1640, %parallel_loop3A_1642 : vector<16xi32>
        tpu.vector_store_idx %arg7[%parallel_loop3A_1643], %broadcast_in_dim3A_30 {add = true} : memref<21504xi32, #tpu.memory_space<vmem>>[vector<16xi32>], vector<16xi32>,
        %parallel_loop3A_1644 = arith.constant 0 : i32
        %parallel_loop3A_1645 = arith.constant 16 : i32
        %parallel_loop3A_1646 = arith.index_cast %parallel_loop3A_1644 : i32 to index
        %parallel_loop3A_1647 = arith.index_cast %parallel_loop3A_1645 : i32 to index
        %parallel_loop3A_1648 = arith.index_cast %parallel_loop3A_1383 : i32 to index
        %parallel_loop3A_1649 = tpu.vector_load %arg5[%parallel_loop3A_1646, %parallel_loop3A_1647, %parallel_loop3A_1648] {strides = array<i32>} : memref<2x21x2048xf32, #tpu.memory_space<vmem>>, vector<16xf32>,
        %parallel_loop3A_1650 = arith.constant 1.000000e+00 : f32
        %parallel_loop3A_1651 = vector.broadcast %parallel_loop3A_1650 : f32 to vector<16xf32>
        %parallel_loop3A_1652 = arith.addf %parallel_loop3A_1649, %parallel_loop3A_1651 : vector<16xf32>
        %parallel_loop3A_1653 = vector.bitcast %parallel_loop3A_1652 : vector<16xf32> to vector<16xi32>
        %parallel_loop3A_1654 = arith.constant 14 : i32
        %parallel_loop3A_1655 = vector.broadcast %parallel_loop3A_1654 : i32 to vector<16xi32>
        %parallel_loop3A_1656 = arith.shrsi %parallel_loop3A_1653, %parallel_loop3A_1655 : vector<16xi32>
        %parallel_loop3A_1657 = arith.constant -56832 : i32
        %parallel_loop3A_1658 = vector.broadcast %parallel_loop3A_1657 : i32 to vector<16xi32>
        %parallel_loop3A_1659 = arith.addi %parallel_loop3A_1656, %parallel_loop3A_1658 : vector<16xi32>
        tpu.vector_store_idx %arg7[%parallel_loop3A_1659], %broadcast_in_dim3A_30 {add = true} : memref<21504xi32, #tpu.memory_space<vmem>>[vector<16xi32>], vector<16xi32>,
        %parallel_loop3A_1660 = arith.constant 0 : i32
        %parallel_loop3A_1661 = arith.constant 17 : i32
        %parallel_loop3A_1662 = arith.index_cast %parallel_loop3A_1660 : i32 to index
        %parallel_loop3A_1663 = arith.index_cast %parallel_loop3A_1661 : i32 to index
        %parallel_loop3A_1664 = arith.index_cast %parallel_loop3A_1383 : i32 to index
        %parallel_loop3A_1665 = tpu.vector_load %arg5[%parallel_loop3A_1662, %parallel_loop3A_1663, %parallel_loop3A_1664] {strides = array<i32>} : memref<2x21x2048xf32, #tpu.memory_space<vmem>>, vector<16xf32>,
        %parallel_loop3A_1666 = arith.constant 1.000000e+00 : f32
        %parallel_loop3A_1667 = vector.broadcast %parallel_loop3A_1666 : f32 to vector<16xf32>
        %parallel_loop3A_1668 = arith.addf %parallel_loop3A_1665, %parallel_loop3A_1667 : vector<16xf32>
        %parallel_loop3A_1669 = vector.bitcast %parallel_loop3A_1668 : vector<16xf32> to vector<16xi32>
        %parallel_loop3A_1670 = arith.constant 14 : i32
        %parallel_loop3A_1671 = vector.broadcast %parallel_loop3A_1670 : i32 to vector<16xi32>
        %parallel_loop3A_1672 = arith.shrsi %parallel_loop3A_1669, %parallel_loop3A_1671 : vector<16xi32>
        %parallel_loop3A_1673 = arith.constant -56320 : i32
        %parallel_loop3A_1674 = vector.broadcast %parallel_loop3A_1673 : i32 to vector<16xi32>
        %parallel_loop3A_1675 = arith.addi %parallel_loop3A_1672, %parallel_loop3A_1674 : vector<16xi32>
        tpu.vector_store_idx %arg7[%parallel_loop3A_1675], %broadcast_in_dim3A_30 {add = true} : memref<21504xi32, #tpu.memory_space<vmem>>[vector<16xi32>], vector<16xi32>,
        %parallel_loop3A_1676 = arith.constant 0 : i32
        %parallel_loop3A_1677 = arith.constant 18 : i32
        %parallel_loop3A_1678 = arith.index_cast %parallel_loop3A_1676 : i32 to index
        %parallel_loop3A_1679 = arith.index_cast %parallel_loop3A_1677 : i32 to index
        %parallel_loop3A_1680 = arith.index_cast %parallel_loop3A_1383 : i32 to index
        %parallel_loop3A_1681 = tpu.vector_load %arg5[%parallel_loop3A_1678, %parallel_loop3A_1679, %parallel_loop3A_1680] {strides = array<i32>} : memref<2x21x2048xf32, #tpu.memory_space<vmem>>, vector<16xf32>,
        %parallel_loop3A_1682 = arith.constant 1.000000e+00 : f32
        %parallel_loop3A_1683 = vector.broadcast %parallel_loop3A_1682 : f32 to vector<16xf32>
        %parallel_loop3A_1684 = arith.addf %parallel_loop3A_1681, %parallel_loop3A_1683 : vector<16xf32>
        %parallel_loop3A_1685 = vector.bitcast %parallel_loop3A_1684 : vector<16xf32> to vector<16xi32>
        %parallel_loop3A_1686 = arith.constant 14 : i32
        %parallel_loop3A_1687 = vector.broadcast %parallel_loop3A_1686 : i32 to vector<16xi32>
        %parallel_loop3A_1688 = arith.shrsi %parallel_loop3A_1685, %parallel_loop3A_1687 : vector<16xi32>
        %parallel_loop3A_1689 = arith.constant -55808 : i32
        %parallel_loop3A_1690 = vector.broadcast %parallel_loop3A_1689 : i32 to vector<16xi32>
        %parallel_loop3A_1691 = arith.addi %parallel_loop3A_1688, %parallel_loop3A_1690 : vector<16xi32>
        tpu.vector_store_idx %arg7[%parallel_loop3A_1691], %broadcast_in_dim3A_30 {add = true} : memref<21504xi32, #tpu.memory_space<vmem>>[vector<16xi32>], vector<16xi32>,
        %parallel_loop3A_1692 = arith.constant 0 : i32
        %parallel_loop3A_1693 = arith.constant 19 : i32
        %parallel_loop3A_1694 = arith.index_cast %parallel_loop3A_1692 : i32 to index
        %parallel_loop3A_1695 = arith.index_cast %parallel_loop3A_1693 : i32 to index
        %parallel_loop3A_1696 = arith.index_cast %parallel_loop3A_1383 : i32 to index
        %parallel_loop3A_1697 = tpu.vector_load %arg5[%parallel_loop3A_1694, %parallel_loop3A_1695, %parallel_loop3A_1696] {strides = array<i32>} : memref<2x21x2048xf32, #tpu.memory_space<vmem>>, vector<16xf32>,
        %parallel_loop3A_1698 = arith.constant 1.000000e+00 : f32
        %parallel_loop3A_1699 = vector.broadcast %parallel_loop3A_1698 : f32 to vector<16xf32>
        %parallel_loop3A_1700 = arith.addf %parallel_loop3A_1697, %parallel_loop3A_1699 : vector<16xf32>
        %parallel_loop3A_1701 = vector.bitcast %parallel_loop3A_1700 : vector<16xf32> to vector<16xi32>
        %parallel_loop3A_1702 = arith.constant 14 : i32
        %parallel_loop3A_1703 = vector.broadcast %parallel_loop3A_1702 : i32 to vector<16xi32>
        %parallel_loop3A_1704 = arith.shrsi %parallel_loop3A_1701, %parallel_loop3A_1703 : vector<16xi32>
        %parallel_loop3A_1705 = arith.constant -55296 : i32
        %parallel_loop3A_1706 = vector.broadcast %parallel_loop3A_1705 : i32 to vector<16xi32>
        %parallel_loop3A_1707 = arith.addi %parallel_loop3A_1704, %parallel_loop3A_1706 : vector<16xi32>
        tpu.vector_store_idx %arg7[%parallel_loop3A_1707], %broadcast_in_dim3A_30 {add = true} : memref<21504xi32, #tpu.memory_space<vmem>>[vector<16xi32>], vector<16xi32>,
        %parallel_loop3A_1708 = arith.constant 0 : i32
        %parallel_loop3A_1709 = arith.constant 20 : i32
        %parallel_loop3A_1710 = arith.index_cast %parallel_loop3A_1708 : i32 to index
        %parallel_loop3A_1711 = arith.index_cast %parallel_loop3A_1709 : i32 to index
        %parallel_loop3A_1712 = arith.index_cast %parallel_loop3A_1383 : i32 to index
        %parallel_loop3A_1713 = tpu.vector_load %arg5[%parallel_loop3A_1710, %parallel_loop3A_1711, %parallel_loop3A_1712] {strides = array<i32>} : memref<2x21x2048xf32, #tpu.memory_space<vmem>>, vector<16xf32>,
        %parallel_loop3A_1714 = arith.constant 1.000000e+00 : f32
        %parallel_loop3A_1715 = vector.broadcast %parallel_loop3A_1714 : f32 to vector<16xf32>
        %parallel_loop3A_1716 = arith.addf %parallel_loop3A_1713, %parallel_loop3A_1715 : vector<16xf32>
        %parallel_loop3A_1717 = vector.bitcast %parallel_loop3A_1716 : vector<16xf32> to vector<16xi32>
        %parallel_loop3A_1718 = arith.constant 14 : i32
        %parallel_loop3A_1719 = vector.broadcast %parallel_loop3A_1718 : i32 to vector<16xi32>
        %parallel_loop3A_1720 = arith.shrsi %parallel_loop3A_1717, %parallel_loop3A_1719 : vector<16xi32>
        %parallel_loop3A_1721 = arith.constant -54784 : i32
        %parallel_loop3A_1722 = vector.broadcast %parallel_loop3A_1721 : i32 to vector<16xi32>
        %parallel_loop3A_1723 = arith.addi %parallel_loop3A_1720, %parallel_loop3A_1722 : vector<16xi32>
        tpu.vector_store_idx %arg7[%parallel_loop3A_1723], %broadcast_in_dim3A_30 {add = true} : memref<21504xi32, #tpu.memory_space<vmem>>[vector<16xi32>], vector<16xi32>,
        %parallel_loop3A_1724 = vector.broadcast %parallel_loop3A_1383 : i32 to vector<16xi32>
        %parallel_loop3A_1725 = arith.addi %iota3A, %parallel_loop3A_1724 : vector<16xi32>
        %parallel_loop3A_1726 = arith.constant 0 : i32
        %parallel_loop3A_1727 = arith.constant 0 : i32
        %parallel_loop3A_1728 = arith.constant 0 : i32
        %parallel_loop3A_1729 = tpu.memref_slice %arg5[%parallel_loop3A_1726, %parallel_loop3A_1727, %parallel_loop3A_1728] : memref<2x21x2048xf32, #tpu.memory_space<vmem>> -> memref<1x21x2048xf32, #tpu.memory_space<vmem>>
        %parallel_loop3A_1730 = tpu.memref_squeeze %parallel_loop3A_1729 : memref<1x21x2048xf32, #tpu.memory_space<vmem>> -> memref<21x2048xf32, #tpu.memory_space<vmem>>
        %parallel_loop3A_1731 = tpu.vector_load_idx %parallel_loop3A_1730[%parallel_loop3A_1387, %parallel_loop3A_1725] : memref<21x2048xf32, #tpu.memory_space<vmem>>[vector<16xi32>, vector<16xi32>], vector<16xf32>,
        %parallel_loop3A_1732 = arith.constant 9 : i32
        %parallel_loop3A_1733 = vector.broadcast %parallel_loop3A_1732 : i32 to vector<16xi32>
        %parallel_loop3A_1734 = arith.shli %parallel_loop3A_1387, %parallel_loop3A_1733 : vector<16xi32>
        %parallel_loop3A_1735 = arith.constant 1.000000e+00 : f32
        %parallel_loop3A_1736 = vector.broadcast %parallel_loop3A_1735 : f32 to vector<16xf32>
        %parallel_loop3A_1737 = arith.addf %parallel_loop3A_1731, %parallel_loop3A_1736 : vector<16xf32>
        %parallel_loop3A_1738 = vector.bitcast %parallel_loop3A_1737 : vector<16xf32> to vector<16xi32>
        %parallel_loop3A_1739 = arith.constant 14 : i32
        %parallel_loop3A_1740 = vector.broadcast %parallel_loop3A_1739 : i32 to vector<16xi32>
        %parallel_loop3A_1741 = arith.shrsi %parallel_loop3A_1738, %parallel_loop3A_1740 : vector<16xi32>
        %parallel_loop3A_1742 = arith.addi %parallel_loop3A_1741, %parallel_loop3A_1734 : vector<16xi32>
        %parallel_loop3A_1743 = arith.constant 65024 : i32
        %parallel_loop3A_1744 = vector.broadcast %parallel_loop3A_1743 : i32 to vector<16xi32>
        %parallel_loop3A_1745 = arith.subi %parallel_loop3A_1742, %parallel_loop3A_1744 : vector<16xi32>
        tpu.vector_store_idx %arg7[%parallel_loop3A_1745], %broadcast_in_dim3A_32 {add = true} : memref<21504xi32, #tpu.memory_space<vmem>>[vector<16xi32>], vector<16xi32>,
        %parallel_loop3A_1746 = arith.constant 2.000000e+00 : f32
        %parallel_loop3A_1747 = vector.broadcast %parallel_loop3A_1746 : f32 to vector<16xf32>
        %parallel_loop3A_1748 = arith.subf %parallel_loop3A_1747, %parallel_loop3A_1731 : vector<16xf32>
        %parallel_loop3A_1749 = vector.bitcast %parallel_loop3A_1748 : vector<16xf32> to vector<16xi32>
        %parallel_loop3A_1750 = arith.constant 14 : i32
        %parallel_loop3A_1751 = vector.broadcast %parallel_loop3A_1750 : i32 to vector<16xi32>
        %parallel_loop3A_1752 = arith.shrsi %parallel_loop3A_1749, %parallel_loop3A_1751 : vector<16xi32>
        %parallel_loop3A_1753 = arith.constant 65535 : i32
        %parallel_loop3A_1754 = vector.broadcast %parallel_loop3A_1753 : i32 to vector<16xi32>
        %parallel_loop3A_1755 = arith.minsi %parallel_loop3A_1752, %parallel_loop3A_1754 : vector<16xi32>
        %parallel_loop3A_1756 = arith.addi %parallel_loop3A_1755, %parallel_loop3A_1734 : vector<16xi32>
        %parallel_loop3A_1757 = arith.constant -54272 : i32
        %parallel_loop3A_1758 = vector.broadcast %parallel_loop3A_1757 : i32 to vector<16xi32>
        %parallel_loop3A_1759 = arith.addi %parallel_loop3A_1756, %parallel_loop3A_1758 : vector<16xi32>
        tpu.vector_store_idx %arg7[%parallel_loop3A_1759], %broadcast_in_dim3A_30 {add = true} : memref<21504xi32, #tpu.memory_space<vmem>>[vector<16xi32>], vector<16xi32>,
      } {sc.loop_unroll_factor = 1 : i64, sc.parallel_access}
      %add3A_1032 = arith.constant 2 : i32
      %add3A_1033 = arith.addi %add3A_700, %add3A_1032 : i32
      %lt3A = arith.constant 16 : i32
      %lt3A_1034 = arith.cmpi slt, %add3A_1033, %lt3A : i32
      %convert_element_type3A = arith.extui %lt3A_1034 : i1 to i32
      %cond3A = arith.constant 0 : i32
      %cond3A_1035 = arith.cmpi ne, %convert_element_type3A, %cond3A : i32
      scf.if %cond3A_1035 {
        %add3A_1381 = arith.constant 2 : i32
        %add3A_1382 = arith.addi %add3A_700, %add3A_1381 : i32
        %mul3A_1383 = arith.constant 2048 : i32
        %mul3A_1384 = arith.muli %add3A_1382, %mul3A_1383 : i32
        %add3A_1385 = arith.addi %sub3A_21, %mul3A_1384 : i32
        %add3A_1386 = arith.constant 0 : i32
        %add3A_1387 = arith.addi %mul3A_23, %add3A_1386 : i32
        %mul3A_1388 = arith.constant 262144 : i32
        %mul3A_1389 = arith.muli %add3A_1387, %mul3A_1388 : i32
        %add3A_1390 = arith.addi %mul3A_1389, %add3A_1385 : i32
        %add3A_1391 = arith.constant 1 : i32
        %add3A_1392 = arith.addi %mul3A_23, %add3A_1391 : i32
        %mul3A_1393 = arith.constant 262144 : i32
        %mul3A_1394 = arith.muli %add3A_1392, %mul3A_1393 : i32
        %add3A_1395 = arith.addi %mul3A_1394, %add3A_1385 : i32
        %add3A_1396 = arith.constant 2 : i32
        %add3A_1397 = arith.addi %mul3A_23, %add3A_1396 : i32
        %mul3A_1398 = arith.constant 262144 : i32
        %mul3A_1399 = arith.muli %add3A_1397, %mul3A_1398 : i32
        %add3A_1400 = arith.addi %mul3A_1399, %add3A_1385 : i32
        %add3A_1401 = arith.constant 3 : i32
        %add3A_1402 = arith.addi %mul3A_23, %add3A_1401 : i32
        %mul3A_1403 = arith.constant 262144 : i32
        %mul3A_1404 = arith.muli %add3A_1402, %mul3A_1403 : i32
        %add3A_1405 = arith.addi %mul3A_1404, %add3A_1385 : i32
        %add3A_1406 = arith.constant 4 : i32
        %add3A_1407 = arith.addi %mul3A_23, %add3A_1406 : i32
        %mul3A_1408 = arith.constant 262144 : i32
        %mul3A_1409 = arith.muli %add3A_1407, %mul3A_1408 : i32
        %add3A_1410 = arith.addi %mul3A_1409, %add3A_1385 : i32
        %add3A_1411 = arith.constant 5 : i32
        %add3A_1412 = arith.addi %mul3A_23, %add3A_1411 : i32
        %mul3A_1413 = arith.constant 262144 : i32
        %mul3A_1414 = arith.muli %add3A_1412, %mul3A_1413 : i32
        %add3A_1415 = arith.addi %mul3A_1414, %add3A_1385 : i32
        %add3A_1416 = arith.constant 6 : i32
        %add3A_1417 = arith.addi %mul3A_23, %add3A_1416 : i32
        %mul3A_1418 = arith.constant 262144 : i32
        %mul3A_1419 = arith.muli %add3A_1417, %mul3A_1418 : i32
        %add3A_1420 = arith.addi %mul3A_1419, %add3A_1385 : i32
        %add3A_1421 = arith.constant 7 : i32
        %add3A_1422 = arith.addi %mul3A_23, %add3A_1421 : i32
        %mul3A_1423 = arith.constant 262144 : i32
        %mul3A_1424 = arith.muli %add3A_1422, %mul3A_1423 : i32
        %add3A_1425 = arith.addi %mul3A_1424, %add3A_1385 : i32
        %add3A_1426 = arith.constant 8 : i32
        %add3A_1427 = arith.addi %mul3A_23, %add3A_1426 : i32
        %mul3A_1428 = arith.constant 262144 : i32
        %mul3A_1429 = arith.muli %add3A_1427, %mul3A_1428 : i32
        %add3A_1430 = arith.addi %mul3A_1429, %add3A_1385 : i32
        %add3A_1431 = arith.constant 9 : i32
        %add3A_1432 = arith.addi %mul3A_23, %add3A_1431 : i32
        %mul3A_1433 = arith.constant 262144 : i32
        %mul3A_1434 = arith.muli %add3A_1432, %mul3A_1433 : i32
        %add3A_1435 = arith.addi %mul3A_1434, %add3A_1385 : i32
        %add3A_1436 = arith.constant 10 : i32
        %add3A_1437 = arith.addi %mul3A_23, %add3A_1436 : i32
        %mul3A_1438 = arith.constant 262144 : i32
        %mul3A_1439 = arith.muli %add3A_1437, %mul3A_1438 : i32
        %add3A_1440 = arith.addi %mul3A_1439, %add3A_1385 : i32
        %add3A_1441 = arith.constant 11 : i32
        %add3A_1442 = arith.addi %mul3A_23, %add3A_1441 : i32
        %mul3A_1443 = arith.constant 262144 : i32
        %mul3A_1444 = arith.muli %add3A_1442, %mul3A_1443 : i32
        %add3A_1445 = arith.addi %mul3A_1444, %add3A_1385 : i32
        %add3A_1446 = arith.constant 12 : i32
        %add3A_1447 = arith.addi %mul3A_23, %add3A_1446 : i32
        %mul3A_1448 = arith.constant 262144 : i32
        %mul3A_1449 = arith.muli %add3A_1447, %mul3A_1448 : i32
        %add3A_1450 = arith.addi %mul3A_1449, %add3A_1385 : i32
        %add3A_1451 = arith.constant 13 : i32
        %add3A_1452 = arith.addi %mul3A_23, %add3A_1451 : i32
        %mul3A_1453 = arith.constant 262144 : i32
        %mul3A_1454 = arith.muli %add3A_1452, %mul3A_1453 : i32
        %add3A_1455 = arith.addi %mul3A_1454, %add3A_1385 : i32
        %add3A_1456 = arith.constant 14 : i32
        %add3A_1457 = arith.addi %mul3A_23, %add3A_1456 : i32
        %mul3A_1458 = arith.constant 262144 : i32
        %mul3A_1459 = arith.muli %add3A_1457, %mul3A_1458 : i32
        %add3A_1460 = arith.addi %mul3A_1459, %add3A_1385 : i32
        %add3A_1461 = arith.constant 15 : i32
        %add3A_1462 = arith.addi %mul3A_23, %add3A_1461 : i32
        %mul3A_1463 = arith.constant 262144 : i32
        %mul3A_1464 = arith.muli %add3A_1462, %mul3A_1463 : i32
        %add3A_1465 = arith.addi %mul3A_1464, %add3A_1385 : i32
        %add3A_1466 = arith.constant 16 : i32
        %add3A_1467 = arith.addi %mul3A_23, %add3A_1466 : i32
        %mul3A_1468 = arith.constant 262144 : i32
        %mul3A_1469 = arith.muli %add3A_1467, %mul3A_1468 : i32
        %add3A_1470 = arith.addi %mul3A_1469, %add3A_1385 : i32
        %add3A_1471 = arith.constant 17 : i32
        %add3A_1472 = arith.addi %mul3A_23, %add3A_1471 : i32
        %mul3A_1473 = arith.constant 262144 : i32
        %mul3A_1474 = arith.muli %add3A_1472, %mul3A_1473 : i32
        %add3A_1475 = arith.addi %mul3A_1474, %add3A_1385 : i32
        %add3A_1476 = arith.constant 18 : i32
        %add3A_1477 = arith.addi %mul3A_23, %add3A_1476 : i32
        %mul3A_1478 = arith.constant 262144 : i32
        %mul3A_1479 = arith.muli %add3A_1477, %mul3A_1478 : i32
        %add3A_1480 = arith.addi %mul3A_1479, %add3A_1385 : i32
        %add3A_1481 = arith.constant 19 : i32
        %add3A_1482 = arith.addi %mul3A_23, %add3A_1481 : i32
        %mul3A_1483 = arith.constant 262144 : i32
        %mul3A_1484 = arith.muli %add3A_1482, %mul3A_1483 : i32
        %add3A_1485 = arith.addi %mul3A_1484, %add3A_1385 : i32
        %add3A_1486 = arith.constant 20 : i32
        %add3A_1487 = arith.addi %mul3A_23, %add3A_1486 : i32
        %mul3A_1488 = arith.constant 262144 : i32
        %mul3A_1489 = arith.muli %add3A_1487, %mul3A_1488 : i32
        %add3A_1490 = arith.addi %mul3A_1489, %add3A_1385 : i32
        %mul3A_1491 = arith.constant 2048 : i32
        %mul3A_1492 = arith.muli %add3A_1382, %mul3A_1491 : i32
        %add3A_1493 = arith.addi %mul3A_2, %mul3A_1492 : i32
        %dma_start3A_1494 = arith.constant 0 : i32
        %dma_start3A_1495 = arith.constant 0 : i32
        %dma_start3A_1496 = arith.constant 0 : i32
        %dma_start3A_1497 = tpu.memref_slice %arg5[%dma_start3A_1494, %dma_start3A_1495, %dma_start3A_1496] : memref<2x21x2048xf32, #tpu.memory_space<vmem>> -> memref<1x1x2048xf32, #tpu.memory_space<vmem>>
        %dma_start3A_1498 = tpu.memref_squeeze %dma_start3A_1497 : memref<1x1x2048xf32, #tpu.memory_space<vmem>> -> memref<2048xf32, #tpu.memory_space<vmem>>
        %dma_start3A_1499 = tpu.memref_slice %arg2[%add3A_1390] : memref<22020096xf32, #tpu.memory_space<hbm>> -> memref<2048xf32, #tpu.memory_space<hbm>>
        %dma_start3A_1500 = arith.constant 0 : i32
        %dma_start3A_1501 = tpu.memref_slice %arg5[%dma_start3A_1494, %dma_start3A_1495, %dma_start3A_1500] : memref<2x21x2048xf32, #tpu.memory_space<vmem>> -> memref<1x1x2048xf32, #tpu.memory_space<vmem>>
        %dma_start3A_1502 = tpu.memref_squeeze %dma_start3A_1501 : memref<1x1x2048xf32, #tpu.memory_space<vmem>> -> memref<2048xf32, #tpu.memory_space<vmem>>
        %dma_start3A_1503 = tpu.memref_slice %arg2[%add3A_1390] : memref<22020096xf32, #tpu.memory_space<hbm>> -> memref<2048xf32, #tpu.memory_space<hbm>>
        tpu.enqueue_dma source(%dma_start3A_1503 : memref<2048xf32, #tpu.memory_space<hbm>>) target(%dma_start3A_1502 : memref<2048xf32, #tpu.memory_space<vmem>>) target_semaphore(%arg8 : memref<!tpu.dma_semaphore, #tpu.memory_space<semaphore_mem>>)
        %dma_start3A_1504 = arith.constant 0 : i32
        %dma_start3A_1505 = arith.constant 1 : i32
        %dma_start3A_1506 = arith.constant 0 : i32
        %dma_start3A_1507 = tpu.memref_slice %arg5[%dma_start3A_1504, %dma_start3A_1505, %dma_start3A_1506] : memref<2x21x2048xf32, #tpu.memory_space<vmem>> -> memref<1x1x2048xf32, #tpu.memory_space<vmem>>
        %dma_start3A_1508 = tpu.memref_squeeze %dma_start3A_1507 : memref<1x1x2048xf32, #tpu.memory_space<vmem>> -> memref<2048xf32, #tpu.memory_space<vmem>>
        %dma_start3A_1509 = tpu.memref_slice %arg2[%add3A_1395] : memref<22020096xf32, #tpu.memory_space<hbm>> -> memref<2048xf32, #tpu.memory_space<hbm>>
        %dma_start3A_1510 = arith.constant 0 : i32
        %dma_start3A_1511 = tpu.memref_slice %arg5[%dma_start3A_1504, %dma_start3A_1505, %dma_start3A_1510] : memref<2x21x2048xf32, #tpu.memory_space<vmem>> -> memref<1x1x2048xf32, #tpu.memory_space<vmem>>
        %dma_start3A_1512 = tpu.memref_squeeze %dma_start3A_1511 : memref<1x1x2048xf32, #tpu.memory_space<vmem>> -> memref<2048xf32, #tpu.memory_space<vmem>>
        %dma_start3A_1513 = tpu.memref_slice %arg2[%add3A_1395] : memref<22020096xf32, #tpu.memory_space<hbm>> -> memref<2048xf32, #tpu.memory_space<hbm>>
        tpu.enqueue_dma source(%dma_start3A_1513 : memref<2048xf32, #tpu.memory_space<hbm>>) target(%dma_start3A_1512 : memref<2048xf32, #tpu.memory_space<vmem>>) target_semaphore(%arg8 : memref<!tpu.dma_semaphore, #tpu.memory_space<semaphore_mem>>)
        %dma_start3A_1514 = arith.constant 0 : i32
        %dma_start3A_1515 = arith.constant 2 : i32
        %dma_start3A_1516 = arith.constant 0 : i32
        %dma_start3A_1517 = tpu.memref_slice %arg5[%dma_start3A_1514, %dma_start3A_1515, %dma_start3A_1516] : memref<2x21x2048xf32, #tpu.memory_space<vmem>> -> memref<1x1x2048xf32, #tpu.memory_space<vmem>>
        %dma_start3A_1518 = tpu.memref_squeeze %dma_start3A_1517 : memref<1x1x2048xf32, #tpu.memory_space<vmem>> -> memref<2048xf32, #tpu.memory_space<vmem>>
        %dma_start3A_1519 = tpu.memref_slice %arg2[%add3A_1400] : memref<22020096xf32, #tpu.memory_space<hbm>> -> memref<2048xf32, #tpu.memory_space<hbm>>
        %dma_start3A_1520 = arith.constant 0 : i32
        %dma_start3A_1521 = tpu.memref_slice %arg5[%dma_start3A_1514, %dma_start3A_1515, %dma_start3A_1520] : memref<2x21x2048xf32, #tpu.memory_space<vmem>> -> memref<1x1x2048xf32, #tpu.memory_space<vmem>>
        %dma_start3A_1522 = tpu.memref_squeeze %dma_start3A_1521 : memref<1x1x2048xf32, #tpu.memory_space<vmem>> -> memref<2048xf32, #tpu.memory_space<vmem>>
        %dma_start3A_1523 = tpu.memref_slice %arg2[%add3A_1400] : memref<22020096xf32, #tpu.memory_space<hbm>> -> memref<2048xf32, #tpu.memory_space<hbm>>
        tpu.enqueue_dma source(%dma_start3A_1523 : memref<2048xf32, #tpu.memory_space<hbm>>) target(%dma_start3A_1522 : memref<2048xf32, #tpu.memory_space<vmem>>) target_semaphore(%arg8 : memref<!tpu.dma_semaphore, #tpu.memory_space<semaphore_mem>>)
        %dma_start3A_1524 = arith.constant 0 : i32
        %dma_start3A_1525 = arith.constant 3 : i32
        %dma_start3A_1526 = arith.constant 0 : i32
        %dma_start3A_1527 = tpu.memref_slice %arg5[%dma_start3A_1524, %dma_start3A_1525, %dma_start3A_1526] : memref<2x21x2048xf32, #tpu.memory_space<vmem>> -> memref<1x1x2048xf32, #tpu.memory_space<vmem>>
        %dma_start3A_1528 = tpu.memref_squeeze %dma_start3A_1527 : memref<1x1x2048xf32, #tpu.memory_space<vmem>> -> memref<2048xf32, #tpu.memory_space<vmem>>
        %dma_start3A_1529 = tpu.memref_slice %arg2[%add3A_1405] : memref<22020096xf32, #tpu.memory_space<hbm>> -> memref<2048xf32, #tpu.memory_space<hbm>>
        %dma_start3A_1530 = arith.constant 0 : i32
        %dma_start3A_1531 = tpu.memref_slice %arg5[%dma_start3A_1524, %dma_start3A_1525, %dma_start3A_1530] : memref<2x21x2048xf32, #tpu.memory_space<vmem>> -> memref<1x1x2048xf32, #tpu.memory_space<vmem>>
        %dma_start3A_1532 = tpu.memref_squeeze %dma_start3A_1531 : memref<1x1x2048xf32, #tpu.memory_space<vmem>> -> memref<2048xf32, #tpu.memory_space<vmem>>
        %dma_start3A_1533 = tpu.memref_slice %arg2[%add3A_1405] : memref<22020096xf32, #tpu.memory_space<hbm>> -> memref<2048xf32, #tpu.memory_space<hbm>>
        tpu.enqueue_dma source(%dma_start3A_1533 : memref<2048xf32, #tpu.memory_space<hbm>>) target(%dma_start3A_1532 : memref<2048xf32, #tpu.memory_space<vmem>>) target_semaphore(%arg8 : memref<!tpu.dma_semaphore, #tpu.memory_space<semaphore_mem>>)
        %dma_start3A_1534 = arith.constant 0 : i32
        %dma_start3A_1535 = arith.constant 4 : i32
        %dma_start3A_1536 = arith.constant 0 : i32
        %dma_start3A_1537 = tpu.memref_slice %arg5[%dma_start3A_1534, %dma_start3A_1535, %dma_start3A_1536] : memref<2x21x2048xf32, #tpu.memory_space<vmem>> -> memref<1x1x2048xf32, #tpu.memory_space<vmem>>
        %dma_start3A_1538 = tpu.memref_squeeze %dma_start3A_1537 : memref<1x1x2048xf32, #tpu.memory_space<vmem>> -> memref<2048xf32, #tpu.memory_space<vmem>>
        %dma_start3A_1539 = tpu.memref_slice %arg2[%add3A_1410] : memref<22020096xf32, #tpu.memory_space<hbm>> -> memref<2048xf32, #tpu.memory_space<hbm>>
        %dma_start3A_1540 = arith.constant 0 : i32
        %dma_start3A_1541 = tpu.memref_slice %arg5[%dma_start3A_1534, %dma_start3A_1535, %dma_start3A_1540] : memref<2x21x2048xf32, #tpu.memory_space<vmem>> -> memref<1x1x2048xf32, #tpu.memory_space<vmem>>
        %dma_start3A_1542 = tpu.memref_squeeze %dma_start3A_1541 : memref<1x1x2048xf32, #tpu.memory_space<vmem>> -> memref<2048xf32, #tpu.memory_space<vmem>>
        %dma_start3A_1543 = tpu.memref_slice %arg2[%add3A_1410] : memref<22020096xf32, #tpu.memory_space<hbm>> -> memref<2048xf32, #tpu.memory_space<hbm>>
        tpu.enqueue_dma source(%dma_start3A_1543 : memref<2048xf32, #tpu.memory_space<hbm>>) target(%dma_start3A_1542 : memref<2048xf32, #tpu.memory_space<vmem>>) target_semaphore(%arg8 : memref<!tpu.dma_semaphore, #tpu.memory_space<semaphore_mem>>)
        %dma_start3A_1544 = arith.constant 0 : i32
        %dma_start3A_1545 = arith.constant 5 : i32
        %dma_start3A_1546 = arith.constant 0 : i32
        %dma_start3A_1547 = tpu.memref_slice %arg5[%dma_start3A_1544, %dma_start3A_1545, %dma_start3A_1546] : memref<2x21x2048xf32, #tpu.memory_space<vmem>> -> memref<1x1x2048xf32, #tpu.memory_space<vmem>>
        %dma_start3A_1548 = tpu.memref_squeeze %dma_start3A_1547 : memref<1x1x2048xf32, #tpu.memory_space<vmem>> -> memref<2048xf32, #tpu.memory_space<vmem>>
        %dma_start3A_1549 = tpu.memref_slice %arg2[%add3A_1415] : memref<22020096xf32, #tpu.memory_space<hbm>> -> memref<2048xf32, #tpu.memory_space<hbm>>
        %dma_start3A_1550 = arith.constant 0 : i32
        %dma_start3A_1551 = tpu.memref_slice %arg5[%dma_start3A_1544, %dma_start3A_1545, %dma_start3A_1550] : memref<2x21x2048xf32, #tpu.memory_space<vmem>> -> memref<1x1x2048xf32, #tpu.memory_space<vmem>>
        %dma_start3A_1552 = tpu.memref_squeeze %dma_start3A_1551 : memref<1x1x2048xf32, #tpu.memory_space<vmem>> -> memref<2048xf32, #tpu.memory_space<vmem>>
        %dma_start3A_1553 = tpu.memref_slice %arg2[%add3A_1415] : memref<22020096xf32, #tpu.memory_space<hbm>> -> memref<2048xf32, #tpu.memory_space<hbm>>
        tpu.enqueue_dma source(%dma_start3A_1553 : memref<2048xf32, #tpu.memory_space<hbm>>) target(%dma_start3A_1552 : memref<2048xf32, #tpu.memory_space<vmem>>) target_semaphore(%arg8 : memref<!tpu.dma_semaphore, #tpu.memory_space<semaphore_mem>>)
        %dma_start3A_1554 = arith.constant 0 : i32
        %dma_start3A_1555 = arith.constant 6 : i32
        %dma_start3A_1556 = arith.constant 0 : i32
        %dma_start3A_1557 = tpu.memref_slice %arg5[%dma_start3A_1554, %dma_start3A_1555, %dma_start3A_1556] : memref<2x21x2048xf32, #tpu.memory_space<vmem>> -> memref<1x1x2048xf32, #tpu.memory_space<vmem>>
        %dma_start3A_1558 = tpu.memref_squeeze %dma_start3A_1557 : memref<1x1x2048xf32, #tpu.memory_space<vmem>> -> memref<2048xf32, #tpu.memory_space<vmem>>
        %dma_start3A_1559 = tpu.memref_slice %arg2[%add3A_1420] : memref<22020096xf32, #tpu.memory_space<hbm>> -> memref<2048xf32, #tpu.memory_space<hbm>>
        %dma_start3A_1560 = arith.constant 0 : i32
        %dma_start3A_1561 = tpu.memref_slice %arg5[%dma_start3A_1554, %dma_start3A_1555, %dma_start3A_1560] : memref<2x21x2048xf32, #tpu.memory_space<vmem>> -> memref<1x1x2048xf32, #tpu.memory_space<vmem>>
        %dma_start3A_1562 = tpu.memref_squeeze %dma_start3A_1561 : memref<1x1x2048xf32, #tpu.memory_space<vmem>> -> memref<2048xf32, #tpu.memory_space<vmem>>
        %dma_start3A_1563 = tpu.memref_slice %arg2[%add3A_1420] : memref<22020096xf32, #tpu.memory_space<hbm>> -> memref<2048xf32, #tpu.memory_space<hbm>>
        tpu.enqueue_dma source(%dma_start3A_1563 : memref<2048xf32, #tpu.memory_space<hbm>>) target(%dma_start3A_1562 : memref<2048xf32, #tpu.memory_space<vmem>>) target_semaphore(%arg8 : memref<!tpu.dma_semaphore, #tpu.memory_space<semaphore_mem>>)
        %dma_start3A_1564 = arith.constant 0 : i32
        %dma_start3A_1565 = arith.constant 7 : i32
        %dma_start3A_1566 = arith.constant 0 : i32
        %dma_start3A_1567 = tpu.memref_slice %arg5[%dma_start3A_1564, %dma_start3A_1565, %dma_start3A_1566] : memref<2x21x2048xf32, #tpu.memory_space<vmem>> -> memref<1x1x2048xf32, #tpu.memory_space<vmem>>
        %dma_start3A_1568 = tpu.memref_squeeze %dma_start3A_1567 : memref<1x1x2048xf32, #tpu.memory_space<vmem>> -> memref<2048xf32, #tpu.memory_space<vmem>>
        %dma_start3A_1569 = tpu.memref_slice %arg2[%add3A_1425] : memref<22020096xf32, #tpu.memory_space<hbm>> -> memref<2048xf32, #tpu.memory_space<hbm>>
        %dma_start3A_1570 = arith.constant 0 : i32
        %dma_start3A_1571 = tpu.memref_slice %arg5[%dma_start3A_1564, %dma_start3A_1565, %dma_start3A_1570] : memref<2x21x2048xf32, #tpu.memory_space<vmem>> -> memref<1x1x2048xf32, #tpu.memory_space<vmem>>
        %dma_start3A_1572 = tpu.memref_squeeze %dma_start3A_1571 : memref<1x1x2048xf32, #tpu.memory_space<vmem>> -> memref<2048xf32, #tpu.memory_space<vmem>>
        %dma_start3A_1573 = tpu.memref_slice %arg2[%add3A_1425] : memref<22020096xf32, #tpu.memory_space<hbm>> -> memref<2048xf32, #tpu.memory_space<hbm>>
        tpu.enqueue_dma source(%dma_start3A_1573 : memref<2048xf32, #tpu.memory_space<hbm>>) target(%dma_start3A_1572 : memref<2048xf32, #tpu.memory_space<vmem>>) target_semaphore(%arg8 : memref<!tpu.dma_semaphore, #tpu.memory_space<semaphore_mem>>)
        %dma_start3A_1574 = arith.constant 0 : i32
        %dma_start3A_1575 = arith.constant 8 : i32
        %dma_start3A_1576 = arith.constant 0 : i32
        %dma_start3A_1577 = tpu.memref_slice %arg5[%dma_start3A_1574, %dma_start3A_1575, %dma_start3A_1576] : memref<2x21x2048xf32, #tpu.memory_space<vmem>> -> memref<1x1x2048xf32, #tpu.memory_space<vmem>>
        %dma_start3A_1578 = tpu.memref_squeeze %dma_start3A_1577 : memref<1x1x2048xf32, #tpu.memory_space<vmem>> -> memref<2048xf32, #tpu.memory_space<vmem>>
        %dma_start3A_1579 = tpu.memref_slice %arg2[%add3A_1430] : memref<22020096xf32, #tpu.memory_space<hbm>> -> memref<2048xf32, #tpu.memory_space<hbm>>
        %dma_start3A_1580 = arith.constant 0 : i32
        %dma_start3A_1581 = tpu.memref_slice %arg5[%dma_start3A_1574, %dma_start3A_1575, %dma_start3A_1580] : memref<2x21x2048xf32, #tpu.memory_space<vmem>> -> memref<1x1x2048xf32, #tpu.memory_space<vmem>>
        %dma_start3A_1582 = tpu.memref_squeeze %dma_start3A_1581 : memref<1x1x2048xf32, #tpu.memory_space<vmem>> -> memref<2048xf32, #tpu.memory_space<vmem>>
        %dma_start3A_1583 = tpu.memref_slice %arg2[%add3A_1430] : memref<22020096xf32, #tpu.memory_space<hbm>> -> memref<2048xf32, #tpu.memory_space<hbm>>
        tpu.enqueue_dma source(%dma_start3A_1583 : memref<2048xf32, #tpu.memory_space<hbm>>) target(%dma_start3A_1582 : memref<2048xf32, #tpu.memory_space<vmem>>) target_semaphore(%arg8 : memref<!tpu.dma_semaphore, #tpu.memory_space<semaphore_mem>>)
        %dma_start3A_1584 = arith.constant 0 : i32
        %dma_start3A_1585 = arith.constant 9 : i32
        %dma_start3A_1586 = arith.constant 0 : i32
        %dma_start3A_1587 = tpu.memref_slice %arg5[%dma_start3A_1584, %dma_start3A_1585, %dma_start3A_1586] : memref<2x21x2048xf32, #tpu.memory_space<vmem>> -> memref<1x1x2048xf32, #tpu.memory_space<vmem>>
        %dma_start3A_1588 = tpu.memref_squeeze %dma_start3A_1587 : memref<1x1x2048xf32, #tpu.memory_space<vmem>> -> memref<2048xf32, #tpu.memory_space<vmem>>
        %dma_start3A_1589 = tpu.memref_slice %arg2[%add3A_1435] : memref<22020096xf32, #tpu.memory_space<hbm>> -> memref<2048xf32, #tpu.memory_space<hbm>>
        %dma_start3A_1590 = arith.constant 0 : i32
        %dma_start3A_1591 = tpu.memref_slice %arg5[%dma_start3A_1584, %dma_start3A_1585, %dma_start3A_1590] : memref<2x21x2048xf32, #tpu.memory_space<vmem>> -> memref<1x1x2048xf32, #tpu.memory_space<vmem>>
        %dma_start3A_1592 = tpu.memref_squeeze %dma_start3A_1591 : memref<1x1x2048xf32, #tpu.memory_space<vmem>> -> memref<2048xf32, #tpu.memory_space<vmem>>
        %dma_start3A_1593 = tpu.memref_slice %arg2[%add3A_1435] : memref<22020096xf32, #tpu.memory_space<hbm>> -> memref<2048xf32, #tpu.memory_space<hbm>>
        tpu.enqueue_dma source(%dma_start3A_1593 : memref<2048xf32, #tpu.memory_space<hbm>>) target(%dma_start3A_1592 : memref<2048xf32, #tpu.memory_space<vmem>>) target_semaphore(%arg8 : memref<!tpu.dma_semaphore, #tpu.memory_space<semaphore_mem>>)
        %dma_start3A_1594 = arith.constant 0 : i32
        %dma_start3A_1595 = arith.constant 10 : i32
        %dma_start3A_1596 = arith.constant 0 : i32
        %dma_start3A_1597 = tpu.memref_slice %arg5[%dma_start3A_1594, %dma_start3A_1595, %dma_start3A_1596] : memref<2x21x2048xf32, #tpu.memory_space<vmem>> -> memref<1x1x2048xf32, #tpu.memory_space<vmem>>
        %dma_start3A_1598 = tpu.memref_squeeze %dma_start3A_1597 : memref<1x1x2048xf32, #tpu.memory_space<vmem>> -> memref<2048xf32, #tpu.memory_space<vmem>>
        %dma_start3A_1599 = tpu.memref_slice %arg2[%add3A_1440] : memref<22020096xf32, #tpu.memory_space<hbm>> -> memref<2048xf32, #tpu.memory_space<hbm>>
        %dma_start3A_1600 = arith.constant 0 : i32
        %dma_start3A_1601 = tpu.memref_slice %arg5[%dma_start3A_1594, %dma_start3A_1595, %dma_start3A_1600] : memref<2x21x2048xf32, #tpu.memory_space<vmem>> -> memref<1x1x2048xf32, #tpu.memory_space<vmem>>
        %dma_start3A_1602 = tpu.memref_squeeze %dma_start3A_1601 : memref<1x1x2048xf32, #tpu.memory_space<vmem>> -> memref<2048xf32, #tpu.memory_space<vmem>>
        %dma_start3A_1603 = tpu.memref_slice %arg2[%add3A_1440] : memref<22020096xf32, #tpu.memory_space<hbm>> -> memref<2048xf32, #tpu.memory_space<hbm>>
        tpu.enqueue_dma source(%dma_start3A_1603 : memref<2048xf32, #tpu.memory_space<hbm>>) target(%dma_start3A_1602 : memref<2048xf32, #tpu.memory_space<vmem>>) target_semaphore(%arg8 : memref<!tpu.dma_semaphore, #tpu.memory_space<semaphore_mem>>)
        %dma_start3A_1604 = arith.constant 0 : i32
        %dma_start3A_1605 = arith.constant 11 : i32
        %dma_start3A_1606 = arith.constant 0 : i32
        %dma_start3A_1607 = tpu.memref_slice %arg5[%dma_start3A_1604, %dma_start3A_1605, %dma_start3A_1606] : memref<2x21x2048xf32, #tpu.memory_space<vmem>> -> memref<1x1x2048xf32, #tpu.memory_space<vmem>>
        %dma_start3A_1608 = tpu.memref_squeeze %dma_start3A_1607 : memref<1x1x2048xf32, #tpu.memory_space<vmem>> -> memref<2048xf32, #tpu.memory_space<vmem>>
        %dma_start3A_1609 = tpu.memref_slice %arg2[%add3A_1445] : memref<22020096xf32, #tpu.memory_space<hbm>> -> memref<2048xf32, #tpu.memory_space<hbm>>
        %dma_start3A_1610 = arith.constant 0 : i32
        %dma_start3A_1611 = tpu.memref_slice %arg5[%dma_start3A_1604, %dma_start3A_1605, %dma_start3A_1610] : memref<2x21x2048xf32, #tpu.memory_space<vmem>> -> memref<1x1x2048xf32, #tpu.memory_space<vmem>>
        %dma_start3A_1612 = tpu.memref_squeeze %dma_start3A_1611 : memref<1x1x2048xf32, #tpu.memory_space<vmem>> -> memref<2048xf32, #tpu.memory_space<vmem>>
        %dma_start3A_1613 = tpu.memref_slice %arg2[%add3A_1445] : memref<22020096xf32, #tpu.memory_space<hbm>> -> memref<2048xf32, #tpu.memory_space<hbm>>
        tpu.enqueue_dma source(%dma_start3A_1613 : memref<2048xf32, #tpu.memory_space<hbm>>) target(%dma_start3A_1612 : memref<2048xf32, #tpu.memory_space<vmem>>) target_semaphore(%arg8 : memref<!tpu.dma_semaphore, #tpu.memory_space<semaphore_mem>>)
        %dma_start3A_1614 = arith.constant 0 : i32
        %dma_start3A_1615 = arith.constant 12 : i32
        %dma_start3A_1616 = arith.constant 0 : i32
        %dma_start3A_1617 = tpu.memref_slice %arg5[%dma_start3A_1614, %dma_start3A_1615, %dma_start3A_1616] : memref<2x21x2048xf32, #tpu.memory_space<vmem>> -> memref<1x1x2048xf32, #tpu.memory_space<vmem>>
        %dma_start3A_1618 = tpu.memref_squeeze %dma_start3A_1617 : memref<1x1x2048xf32, #tpu.memory_space<vmem>> -> memref<2048xf32, #tpu.memory_space<vmem>>
        %dma_start3A_1619 = tpu.memref_slice %arg2[%add3A_1450] : memref<22020096xf32, #tpu.memory_space<hbm>> -> memref<2048xf32, #tpu.memory_space<hbm>>
        %dma_start3A_1620 = arith.constant 0 : i32
        %dma_start3A_1621 = tpu.memref_slice %arg5[%dma_start3A_1614, %dma_start3A_1615, %dma_start3A_1620] : memref<2x21x2048xf32, #tpu.memory_space<vmem>> -> memref<1x1x2048xf32, #tpu.memory_space<vmem>>
        %dma_start3A_1622 = tpu.memref_squeeze %dma_start3A_1621 : memref<1x1x2048xf32, #tpu.memory_space<vmem>> -> memref<2048xf32, #tpu.memory_space<vmem>>
        %dma_start3A_1623 = tpu.memref_slice %arg2[%add3A_1450] : memref<22020096xf32, #tpu.memory_space<hbm>> -> memref<2048xf32, #tpu.memory_space<hbm>>
        tpu.enqueue_dma source(%dma_start3A_1623 : memref<2048xf32, #tpu.memory_space<hbm>>) target(%dma_start3A_1622 : memref<2048xf32, #tpu.memory_space<vmem>>) target_semaphore(%arg8 : memref<!tpu.dma_semaphore, #tpu.memory_space<semaphore_mem>>)
        %dma_start3A_1624 = arith.constant 0 : i32
        %dma_start3A_1625 = arith.constant 13 : i32
        %dma_start3A_1626 = arith.constant 0 : i32
        %dma_start3A_1627 = tpu.memref_slice %arg5[%dma_start3A_1624, %dma_start3A_1625, %dma_start3A_1626] : memref<2x21x2048xf32, #tpu.memory_space<vmem>> -> memref<1x1x2048xf32, #tpu.memory_space<vmem>>
        %dma_start3A_1628 = tpu.memref_squeeze %dma_start3A_1627 : memref<1x1x2048xf32, #tpu.memory_space<vmem>> -> memref<2048xf32, #tpu.memory_space<vmem>>
        %dma_start3A_1629 = tpu.memref_slice %arg2[%add3A_1455] : memref<22020096xf32, #tpu.memory_space<hbm>> -> memref<2048xf32, #tpu.memory_space<hbm>>
        %dma_start3A_1630 = arith.constant 0 : i32
        %dma_start3A_1631 = tpu.memref_slice %arg5[%dma_start3A_1624, %dma_start3A_1625, %dma_start3A_1630] : memref<2x21x2048xf32, #tpu.memory_space<vmem>> -> memref<1x1x2048xf32, #tpu.memory_space<vmem>>
        %dma_start3A_1632 = tpu.memref_squeeze %dma_start3A_1631 : memref<1x1x2048xf32, #tpu.memory_space<vmem>> -> memref<2048xf32, #tpu.memory_space<vmem>>
        %dma_start3A_1633 = tpu.memref_slice %arg2[%add3A_1455] : memref<22020096xf32, #tpu.memory_space<hbm>> -> memref<2048xf32, #tpu.memory_space<hbm>>
        tpu.enqueue_dma source(%dma_start3A_1633 : memref<2048xf32, #tpu.memory_space<hbm>>) target(%dma_start3A_1632 : memref<2048xf32, #tpu.memory_space<vmem>>) target_semaphore(%arg8 : memref<!tpu.dma_semaphore, #tpu.memory_space<semaphore_mem>>)
        %dma_start3A_1634 = arith.constant 0 : i32
        %dma_start3A_1635 = arith.constant 14 : i32
        %dma_start3A_1636 = arith.constant 0 : i32
        %dma_start3A_1637 = tpu.memref_slice %arg5[%dma_start3A_1634, %dma_start3A_1635, %dma_start3A_1636] : memref<2x21x2048xf32, #tpu.memory_space<vmem>> -> memref<1x1x2048xf32, #tpu.memory_space<vmem>>
        %dma_start3A_1638 = tpu.memref_squeeze %dma_start3A_1637 : memref<1x1x2048xf32, #tpu.memory_space<vmem>> -> memref<2048xf32, #tpu.memory_space<vmem>>
        %dma_start3A_1639 = tpu.memref_slice %arg2[%add3A_1460] : memref<22020096xf32, #tpu.memory_space<hbm>> -> memref<2048xf32, #tpu.memory_space<hbm>>
        %dma_start3A_1640 = arith.constant 0 : i32
        %dma_start3A_1641 = tpu.memref_slice %arg5[%dma_start3A_1634, %dma_start3A_1635, %dma_start3A_1640] : memref<2x21x2048xf32, #tpu.memory_space<vmem>> -> memref<1x1x2048xf32, #tpu.memory_space<vmem>>
        %dma_start3A_1642 = tpu.memref_squeeze %dma_start3A_1641 : memref<1x1x2048xf32, #tpu.memory_space<vmem>> -> memref<2048xf32, #tpu.memory_space<vmem>>
        %dma_start3A_1643 = tpu.memref_slice %arg2[%add3A_1460] : memref<22020096xf32, #tpu.memory_space<hbm>> -> memref<2048xf32, #tpu.memory_space<hbm>>
        tpu.enqueue_dma source(%dma_start3A_1643 : memref<2048xf32, #tpu.memory_space<hbm>>) target(%dma_start3A_1642 : memref<2048xf32, #tpu.memory_space<vmem>>) target_semaphore(%arg8 : memref<!tpu.dma_semaphore, #tpu.memory_space<semaphore_mem>>)
        %dma_start3A_1644 = arith.constant 0 : i32
        %dma_start3A_1645 = arith.constant 15 : i32
        %dma_start3A_1646 = arith.constant 0 : i32
        %dma_start3A_1647 = tpu.memref_slice %arg5[%dma_start3A_1644, %dma_start3A_1645, %dma_start3A_1646] : memref<2x21x2048xf32, #tpu.memory_space<vmem>> -> memref<1x1x2048xf32, #tpu.memory_space<vmem>>
        %dma_start3A_1648 = tpu.memref_squeeze %dma_start3A_1647 : memref<1x1x2048xf32, #tpu.memory_space<vmem>> -> memref<2048xf32, #tpu.memory_space<vmem>>
        %dma_start3A_1649 = tpu.memref_slice %arg2[%add3A_1465] : memref<22020096xf32, #tpu.memory_space<hbm>> -> memref<2048xf32, #tpu.memory_space<hbm>>
        %dma_start3A_1650 = arith.constant 0 : i32
        %dma_start3A_1651 = tpu.memref_slice %arg5[%dma_start3A_1644, %dma_start3A_1645, %dma_start3A_1650] : memref<2x21x2048xf32, #tpu.memory_space<vmem>> -> memref<1x1x2048xf32, #tpu.memory_space<vmem>>
        %dma_start3A_1652 = tpu.memref_squeeze %dma_start3A_1651 : memref<1x1x2048xf32, #tpu.memory_space<vmem>> -> memref<2048xf32, #tpu.memory_space<vmem>>
        %dma_start3A_1653 = tpu.memref_slice %arg2[%add3A_1465] : memref<22020096xf32, #tpu.memory_space<hbm>> -> memref<2048xf32, #tpu.memory_space<hbm>>
        tpu.enqueue_dma source(%dma_start3A_1653 : memref<2048xf32, #tpu.memory_space<hbm>>) target(%dma_start3A_1652 : memref<2048xf32, #tpu.memory_space<vmem>>) target_semaphore(%arg8 : memref<!tpu.dma_semaphore, #tpu.memory_space<semaphore_mem>>)
        %dma_start3A_1654 = arith.constant 0 : i32
        %dma_start3A_1655 = arith.constant 16 : i32
        %dma_start3A_1656 = arith.constant 0 : i32
        %dma_start3A_1657 = tpu.memref_slice %arg5[%dma_start3A_1654, %dma_start3A_1655, %dma_start3A_1656] : memref<2x21x2048xf32, #tpu.memory_space<vmem>> -> memref<1x1x2048xf32, #tpu.memory_space<vmem>>
        %dma_start3A_1658 = tpu.memref_squeeze %dma_start3A_1657 : memref<1x1x2048xf32, #tpu.memory_space<vmem>> -> memref<2048xf32, #tpu.memory_space<vmem>>
        %dma_start3A_1659 = tpu.memref_slice %arg2[%add3A_1470] : memref<22020096xf32, #tpu.memory_space<hbm>> -> memref<2048xf32, #tpu.memory_space<hbm>>
        %dma_start3A_1660 = arith.constant 0 : i32
        %dma_start3A_1661 = tpu.memref_slice %arg5[%dma_start3A_1654, %dma_start3A_1655, %dma_start3A_1660] : memref<2x21x2048xf32, #tpu.memory_space<vmem>> -> memref<1x1x2048xf32, #tpu.memory_space<vmem>>
        %dma_start3A_1662 = tpu.memref_squeeze %dma_start3A_1661 : memref<1x1x2048xf32, #tpu.memory_space<vmem>> -> memref<2048xf32, #tpu.memory_space<vmem>>
        %dma_start3A_1663 = tpu.memref_slice %arg2[%add3A_1470] : memref<22020096xf32, #tpu.memory_space<hbm>> -> memref<2048xf32, #tpu.memory_space<hbm>>
        tpu.enqueue_dma source(%dma_start3A_1663 : memref<2048xf32, #tpu.memory_space<hbm>>) target(%dma_start3A_1662 : memref<2048xf32, #tpu.memory_space<vmem>>) target_semaphore(%arg8 : memref<!tpu.dma_semaphore, #tpu.memory_space<semaphore_mem>>)
        %dma_start3A_1664 = arith.constant 0 : i32
        %dma_start3A_1665 = arith.constant 17 : i32
        %dma_start3A_1666 = arith.constant 0 : i32
        %dma_start3A_1667 = tpu.memref_slice %arg5[%dma_start3A_1664, %dma_start3A_1665, %dma_start3A_1666] : memref<2x21x2048xf32, #tpu.memory_space<vmem>> -> memref<1x1x2048xf32, #tpu.memory_space<vmem>>
        %dma_start3A_1668 = tpu.memref_squeeze %dma_start3A_1667 : memref<1x1x2048xf32, #tpu.memory_space<vmem>> -> memref<2048xf32, #tpu.memory_space<vmem>>
        %dma_start3A_1669 = tpu.memref_slice %arg2[%add3A_1475] : memref<22020096xf32, #tpu.memory_space<hbm>> -> memref<2048xf32, #tpu.memory_space<hbm>>
        %dma_start3A_1670 = arith.constant 0 : i32
        %dma_start3A_1671 = tpu.memref_slice %arg5[%dma_start3A_1664, %dma_start3A_1665, %dma_start3A_1670] : memref<2x21x2048xf32, #tpu.memory_space<vmem>> -> memref<1x1x2048xf32, #tpu.memory_space<vmem>>
        %dma_start3A_1672 = tpu.memref_squeeze %dma_start3A_1671 : memref<1x1x2048xf32, #tpu.memory_space<vmem>> -> memref<2048xf32, #tpu.memory_space<vmem>>
        %dma_start3A_1673 = tpu.memref_slice %arg2[%add3A_1475] : memref<22020096xf32, #tpu.memory_space<hbm>> -> memref<2048xf32, #tpu.memory_space<hbm>>
        tpu.enqueue_dma source(%dma_start3A_1673 : memref<2048xf32, #tpu.memory_space<hbm>>) target(%dma_start3A_1672 : memref<2048xf32, #tpu.memory_space<vmem>>) target_semaphore(%arg8 : memref<!tpu.dma_semaphore, #tpu.memory_space<semaphore_mem>>)
        %dma_start3A_1674 = arith.constant 0 : i32
        %dma_start3A_1675 = arith.constant 18 : i32
        %dma_start3A_1676 = arith.constant 0 : i32
        %dma_start3A_1677 = tpu.memref_slice %arg5[%dma_start3A_1674, %dma_start3A_1675, %dma_start3A_1676] : memref<2x21x2048xf32, #tpu.memory_space<vmem>> -> memref<1x1x2048xf32, #tpu.memory_space<vmem>>
        %dma_start3A_1678 = tpu.memref_squeeze %dma_start3A_1677 : memref<1x1x2048xf32, #tpu.memory_space<vmem>> -> memref<2048xf32, #tpu.memory_space<vmem>>
        %dma_start3A_1679 = tpu.memref_slice %arg2[%add3A_1480] : memref<22020096xf32, #tpu.memory_space<hbm>> -> memref<2048xf32, #tpu.memory_space<hbm>>
        %dma_start3A_1680 = arith.constant 0 : i32
        %dma_start3A_1681 = tpu.memref_slice %arg5[%dma_start3A_1674, %dma_start3A_1675, %dma_start3A_1680] : memref<2x21x2048xf32, #tpu.memory_space<vmem>> -> memref<1x1x2048xf32, #tpu.memory_space<vmem>>
        %dma_start3A_1682 = tpu.memref_squeeze %dma_start3A_1681 : memref<1x1x2048xf32, #tpu.memory_space<vmem>> -> memref<2048xf32, #tpu.memory_space<vmem>>
        %dma_start3A_1683 = tpu.memref_slice %arg2[%add3A_1480] : memref<22020096xf32, #tpu.memory_space<hbm>> -> memref<2048xf32, #tpu.memory_space<hbm>>
        tpu.enqueue_dma source(%dma_start3A_1683 : memref<2048xf32, #tpu.memory_space<hbm>>) target(%dma_start3A_1682 : memref<2048xf32, #tpu.memory_space<vmem>>) target_semaphore(%arg8 : memref<!tpu.dma_semaphore, #tpu.memory_space<semaphore_mem>>)
        %dma_start3A_1684 = arith.constant 0 : i32
        %dma_start3A_1685 = arith.constant 19 : i32
        %dma_start3A_1686 = arith.constant 0 : i32
        %dma_start3A_1687 = tpu.memref_slice %arg5[%dma_start3A_1684, %dma_start3A_1685, %dma_start3A_1686] : memref<2x21x2048xf32, #tpu.memory_space<vmem>> -> memref<1x1x2048xf32, #tpu.memory_space<vmem>>
        %dma_start3A_1688 = tpu.memref_squeeze %dma_start3A_1687 : memref<1x1x2048xf32, #tpu.memory_space<vmem>> -> memref<2048xf32, #tpu.memory_space<vmem>>
        %dma_start3A_1689 = tpu.memref_slice %arg2[%add3A_1485] : memref<22020096xf32, #tpu.memory_space<hbm>> -> memref<2048xf32, #tpu.memory_space<hbm>>
        %dma_start3A_1690 = arith.constant 0 : i32
        %dma_start3A_1691 = tpu.memref_slice %arg5[%dma_start3A_1684, %dma_start3A_1685, %dma_start3A_1690] : memref<2x21x2048xf32, #tpu.memory_space<vmem>> -> memref<1x1x2048xf32, #tpu.memory_space<vmem>>
        %dma_start3A_1692 = tpu.memref_squeeze %dma_start3A_1691 : memref<1x1x2048xf32, #tpu.memory_space<vmem>> -> memref<2048xf32, #tpu.memory_space<vmem>>
        %dma_start3A_1693 = tpu.memref_slice %arg2[%add3A_1485] : memref<22020096xf32, #tpu.memory_space<hbm>> -> memref<2048xf32, #tpu.memory_space<hbm>>
        tpu.enqueue_dma source(%dma_start3A_1693 : memref<2048xf32, #tpu.memory_space<hbm>>) target(%dma_start3A_1692 : memref<2048xf32, #tpu.memory_space<vmem>>) target_semaphore(%arg8 : memref<!tpu.dma_semaphore, #tpu.memory_space<semaphore_mem>>)
        %dma_start3A_1694 = arith.constant 0 : i32
        %dma_start3A_1695 = arith.constant 20 : i32
        %dma_start3A_1696 = arith.constant 0 : i32
        %dma_start3A_1697 = tpu.memref_slice %arg5[%dma_start3A_1694, %dma_start3A_1695, %dma_start3A_1696] : memref<2x21x2048xf32, #tpu.memory_space<vmem>> -> memref<1x1x2048xf32, #tpu.memory_space<vmem>>
        %dma_start3A_1698 = tpu.memref_squeeze %dma_start3A_1697 : memref<1x1x2048xf32, #tpu.memory_space<vmem>> -> memref<2048xf32, #tpu.memory_space<vmem>>
        %dma_start3A_1699 = tpu.memref_slice %arg2[%add3A_1490] : memref<22020096xf32, #tpu.memory_space<hbm>> -> memref<2048xf32, #tpu.memory_space<hbm>>
        %dma_start3A_1700 = arith.constant 0 : i32
        %dma_start3A_1701 = tpu.memref_slice %arg5[%dma_start3A_1694, %dma_start3A_1695, %dma_start3A_1700] : memref<2x21x2048xf32, #tpu.memory_space<vmem>> -> memref<1x1x2048xf32, #tpu.memory_space<vmem>>
        %dma_start3A_1702 = tpu.memref_squeeze %dma_start3A_1701 : memref<1x1x2048xf32, #tpu.memory_space<vmem>> -> memref<2048xf32, #tpu.memory_space<vmem>>
        %dma_start3A_1703 = tpu.memref_slice %arg2[%add3A_1490] : memref<22020096xf32, #tpu.memory_space<hbm>> -> memref<2048xf32, #tpu.memory_space<hbm>>
        tpu.enqueue_dma source(%dma_start3A_1703 : memref<2048xf32, #tpu.memory_space<hbm>>) target(%dma_start3A_1702 : memref<2048xf32, #tpu.memory_space<vmem>>) target_semaphore(%arg8 : memref<!tpu.dma_semaphore, #tpu.memory_space<semaphore_mem>>)
        %dma_start3A_1704 = arith.constant 0 : i32
        %dma_start3A_1705 = arith.constant 0 : i32
        %dma_start3A_1706 = tpu.memref_slice %arg6[%dma_start3A_1704, %dma_start3A_1705] : memref<2x2048xi32, #tpu.memory_space<vmem>> -> memref<1x2048xi32, #tpu.memory_space<vmem>>
        %dma_start3A_1707 = tpu.memref_squeeze %dma_start3A_1706 : memref<1x2048xi32, #tpu.memory_space<vmem>> -> memref<2048xi32, #tpu.memory_space<vmem>>
        %dma_start3A_1708 = tpu.memref_slice %arg3[%add3A_1493] : memref<1048576xi32, #tpu.memory_space<hbm>> -> memref<2048xi32, #tpu.memory_space<hbm>>
        %dma_start3A_1709 = arith.constant 0 : i32
        %dma_start3A_1710 = tpu.memref_slice %arg6[%dma_start3A_1704, %dma_start3A_1709] : memref<2x2048xi32, #tpu.memory_space<vmem>> -> memref<1x2048xi32, #tpu.memory_space<vmem>>
        %dma_start3A_1711 = tpu.memref_squeeze %dma_start3A_1710 : memref<1x2048xi32, #tpu.memory_space<vmem>> -> memref<2048xi32, #tpu.memory_space<vmem>>
        %dma_start3A_1712 = tpu.memref_slice %arg3[%add3A_1493] : memref<1048576xi32, #tpu.memory_space<hbm>> -> memref<2048xi32, #tpu.memory_space<hbm>>
        tpu.enqueue_dma source(%dma_start3A_1712 : memref<2048xi32, #tpu.memory_space<hbm>>) target(%dma_start3A_1711 : memref<2048xi32, #tpu.memory_space<vmem>>) target_semaphore(%arg8 : memref<!tpu.dma_semaphore, #tpu.memory_space<semaphore_mem>>)
      } else {
      }
      %mul3A_1036 = arith.constant 2 : i32
      %mul3A_1037 = arith.muli %scan3A_695, %mul3A_1036 : i32
      %add3A_1038 = arith.constant 1 : i32
      %add3A_1039 = arith.addi %mul3A_1037, %add3A_1038 : i32
      %mul3A_1040 = arith.constant 2048 : i32
      %mul3A_1041 = arith.muli %add3A_1039, %mul3A_1040 : i32
      %add3A_1042 = arith.addi %sub3A_21, %mul3A_1041 : i32
      %add3A_1043 = arith.constant 0 : i32
      %add3A_1044 = arith.addi %mul3A_23, %add3A_1043 : i32
      %mul3A_1045 = arith.constant 262144 : i32
      %mul3A_1046 = arith.muli %add3A_1044, %mul3A_1045 : i32
      %add3A_1047 = arith.addi %mul3A_1046, %add3A_1042 : i32
      %add3A_1048 = arith.constant 1 : i32
      %add3A_1049 = arith.addi %mul3A_23, %add3A_1048 : i32
      %mul3A_1050 = arith.constant 262144 : i32
      %mul3A_1051 = arith.muli %add3A_1049, %mul3A_1050 : i32
      %add3A_1052 = arith.addi %mul3A_1051, %add3A_1042 : i32
      %add3A_1053 = arith.constant 2 : i32
      %add3A_1054 = arith.addi %mul3A_23, %add3A_1053 : i32
      %mul3A_1055 = arith.constant 262144 : i32
      %mul3A_1056 = arith.muli %add3A_1054, %mul3A_1055 : i32
      %add3A_1057 = arith.addi %mul3A_1056, %add3A_1042 : i32
      %add3A_1058 = arith.constant 3 : i32
      %add3A_1059 = arith.addi %mul3A_23, %add3A_1058 : i32
      %mul3A_1060 = arith.constant 262144 : i32
      %mul3A_1061 = arith.muli %add3A_1059, %mul3A_1060 : i32
      %add3A_1062 = arith.addi %mul3A_1061, %add3A_1042 : i32
      %add3A_1063 = arith.constant 4 : i32
      %add3A_1064 = arith.addi %mul3A_23, %add3A_1063 : i32
      %mul3A_1065 = arith.constant 262144 : i32
      %mul3A_1066 = arith.muli %add3A_1064, %mul3A_1065 : i32
      %add3A_1067 = arith.addi %mul3A_1066, %add3A_1042 : i32
      %add3A_1068 = arith.constant 5 : i32
      %add3A_1069 = arith.addi %mul3A_23, %add3A_1068 : i32
      %mul3A_1070 = arith.constant 262144 : i32
      %mul3A_1071 = arith.muli %add3A_1069, %mul3A_1070 : i32
      %add3A_1072 = arith.addi %mul3A_1071, %add3A_1042 : i32
      %add3A_1073 = arith.constant 6 : i32
      %add3A_1074 = arith.addi %mul3A_23, %add3A_1073 : i32
      %mul3A_1075 = arith.constant 262144 : i32
      %mul3A_1076 = arith.muli %add3A_1074, %mul3A_1075 : i32
      %add3A_1077 = arith.addi %mul3A_1076, %add3A_1042 : i32
      %add3A_1078 = arith.constant 7 : i32
      %add3A_1079 = arith.addi %mul3A_23, %add3A_1078 : i32
      %mul3A_1080 = arith.constant 262144 : i32
      %mul3A_1081 = arith.muli %add3A_1079, %mul3A_1080 : i32
      %add3A_1082 = arith.addi %mul3A_1081, %add3A_1042 : i32
      %add3A_1083 = arith.constant 8 : i32
      %add3A_1084 = arith.addi %mul3A_23, %add3A_1083 : i32
      %mul3A_1085 = arith.constant 262144 : i32
      %mul3A_1086 = arith.muli %add3A_1084, %mul3A_1085 : i32
      %add3A_1087 = arith.addi %mul3A_1086, %add3A_1042 : i32
      %add3A_1088 = arith.constant 9 : i32
      %add3A_1089 = arith.addi %mul3A_23, %add3A_1088 : i32
      %mul3A_1090 = arith.constant 262144 : i32
      %mul3A_1091 = arith.muli %add3A_1089, %mul3A_1090 : i32
      %add3A_1092 = arith.addi %mul3A_1091, %add3A_1042 : i32
      %add3A_1093 = arith.constant 10 : i32
      %add3A_1094 = arith.addi %mul3A_23, %add3A_1093 : i32
      %mul3A_1095 = arith.constant 262144 : i32
      %mul3A_1096 = arith.muli %add3A_1094, %mul3A_1095 : i32
      %add3A_1097 = arith.addi %mul3A_1096, %add3A_1042 : i32
      %add3A_1098 = arith.constant 11 : i32
      %add3A_1099 = arith.addi %mul3A_23, %add3A_1098 : i32
      %mul3A_1100 = arith.constant 262144 : i32
      %mul3A_1101 = arith.muli %add3A_1099, %mul3A_1100 : i32
      %add3A_1102 = arith.addi %mul3A_1101, %add3A_1042 : i32
      %add3A_1103 = arith.constant 12 : i32
      %add3A_1104 = arith.addi %mul3A_23, %add3A_1103 : i32
      %mul3A_1105 = arith.constant 262144 : i32
      %mul3A_1106 = arith.muli %add3A_1104, %mul3A_1105 : i32
      %add3A_1107 = arith.addi %mul3A_1106, %add3A_1042 : i32
      %add3A_1108 = arith.constant 13 : i32
      %add3A_1109 = arith.addi %mul3A_23, %add3A_1108 : i32
      %mul3A_1110 = arith.constant 262144 : i32
      %mul3A_1111 = arith.muli %add3A_1109, %mul3A_1110 : i32
      %add3A_1112 = arith.addi %mul3A_1111, %add3A_1042 : i32
      %add3A_1113 = arith.constant 14 : i32
      %add3A_1114 = arith.addi %mul3A_23, %add3A_1113 : i32
      %mul3A_1115 = arith.constant 262144 : i32
      %mul3A_1116 = arith.muli %add3A_1114, %mul3A_1115 : i32
      %add3A_1117 = arith.addi %mul3A_1116, %add3A_1042 : i32
      %add3A_1118 = arith.constant 15 : i32
      %add3A_1119 = arith.addi %mul3A_23, %add3A_1118 : i32
      %mul3A_1120 = arith.constant 262144 : i32
      %mul3A_1121 = arith.muli %add3A_1119, %mul3A_1120 : i32
      %add3A_1122 = arith.addi %mul3A_1121, %add3A_1042 : i32
      %add3A_1123 = arith.constant 16 : i32
      %add3A_1124 = arith.addi %mul3A_23, %add3A_1123 : i32
      %mul3A_1125 = arith.constant 262144 : i32
      %mul3A_1126 = arith.muli %add3A_1124, %mul3A_1125 : i32
      %add3A_1127 = arith.addi %mul3A_1126, %add3A_1042 : i32
      %add3A_1128 = arith.constant 17 : i32
      %add3A_1129 = arith.addi %mul3A_23, %add3A_1128 : i32
      %mul3A_1130 = arith.constant 262144 : i32
      %mul3A_1131 = arith.muli %add3A_1129, %mul3A_1130 : i32
      %add3A_1132 = arith.addi %mul3A_1131, %add3A_1042 : i32
      %add3A_1133 = arith.constant 18 : i32
      %add3A_1134 = arith.addi %mul3A_23, %add3A_1133 : i32
      %mul3A_1135 = arith.constant 262144 : i32
      %mul3A_1136 = arith.muli %add3A_1134, %mul3A_1135 : i32
      %add3A_1137 = arith.addi %mul3A_1136, %add3A_1042 : i32
      %add3A_1138 = arith.constant 19 : i32
      %add3A_1139 = arith.addi %mul3A_23, %add3A_1138 : i32
      %mul3A_1140 = arith.constant 262144 : i32
      %mul3A_1141 = arith.muli %add3A_1139, %mul3A_1140 : i32
      %add3A_1142 = arith.addi %mul3A_1141, %add3A_1042 : i32
      %add3A_1143 = arith.constant 20 : i32
      %add3A_1144 = arith.addi %mul3A_23, %add3A_1143 : i32
      %mul3A_1145 = arith.constant 262144 : i32
      %mul3A_1146 = arith.muli %add3A_1144, %mul3A_1145 : i32
      %add3A_1147 = arith.addi %mul3A_1146, %add3A_1042 : i32
      %mul3A_1148 = arith.constant 2048 : i32
      %mul3A_1149 = arith.muli %add3A_1039, %mul3A_1148 : i32
      %add3A_1150 = arith.addi %mul3A_2, %mul3A_1149 : i32
      %dma_wait3A_1151 = arith.constant 1 : i32
      %dma_wait3A_1152 = arith.constant 0 : i32
      %dma_wait3A_1153 = arith.constant 0 : i32
      %dma_wait3A_1154 = tpu.memref_slice %arg5[%dma_wait3A_1151, %dma_wait3A_1152, %dma_wait3A_1153] : memref<2x21x2048xf32, #tpu.memory_space<vmem>> -> memref<1x1x2048xf32, #tpu.memory_space<vmem>>
      %dma_wait3A_1155 = tpu.memref_squeeze %dma_wait3A_1154 : memref<1x1x2048xf32, #tpu.memory_space<vmem>> -> memref<2048xf32, #tpu.memory_space<vmem>>
      %dma_wait3A_1156 = tpu.memref_slice %arg2[%add3A_1047] : memref<22020096xf32, #tpu.memory_space<hbm>> -> memref<2048xf32, #tpu.memory_space<hbm>>
      %dma_wait3A_1157 = arith.constant 0 : i32
      %dma_wait3A_1158 = tpu.memref_slice %arg5[%dma_wait3A_1151, %dma_wait3A_1152, %dma_wait3A_1157] : memref<2x21x2048xf32, #tpu.memory_space<vmem>> -> memref<1x1x2048xf32, #tpu.memory_space<vmem>>
      %dma_wait3A_1159 = tpu.memref_squeeze %dma_wait3A_1158 : memref<1x1x2048xf32, #tpu.memory_space<vmem>> -> memref<2048xf32, #tpu.memory_space<vmem>>
      %dma_wait3A_1160 = tpu.memref_slice %arg2[%add3A_1047] : memref<22020096xf32, #tpu.memory_space<hbm>> -> memref<2048xf32, #tpu.memory_space<hbm>>
      tpu.wait_dma2 semaphore(%arg9 : memref<!tpu.dma_semaphore, #tpu.memory_space<semaphore_mem>>) src(%dma_wait3A_1160 : memref<2048xf32, #tpu.memory_space<hbm>>) dst(%dma_wait3A_1159 : memref<2048xf32, #tpu.memory_space<vmem>>)
      %dma_wait3A_1161 = arith.constant 1 : i32
      %dma_wait3A_1162 = arith.constant 1 : i32
      %dma_wait3A_1163 = arith.constant 0 : i32
      %dma_wait3A_1164 = tpu.memref_slice %arg5[%dma_wait3A_1161, %dma_wait3A_1162, %dma_wait3A_1163] : memref<2x21x2048xf32, #tpu.memory_space<vmem>> -> memref<1x1x2048xf32, #tpu.memory_space<vmem>>
      %dma_wait3A_1165 = tpu.memref_squeeze %dma_wait3A_1164 : memref<1x1x2048xf32, #tpu.memory_space<vmem>> -> memref<2048xf32, #tpu.memory_space<vmem>>
      %dma_wait3A_1166 = tpu.memref_slice %arg2[%add3A_1052] : memref<22020096xf32, #tpu.memory_space<hbm>> -> memref<2048xf32, #tpu.memory_space<hbm>>
      %dma_wait3A_1167 = arith.constant 0 : i32
      %dma_wait3A_1168 = tpu.memref_slice %arg5[%dma_wait3A_1161, %dma_wait3A_1162, %dma_wait3A_1167] : memref<2x21x2048xf32, #tpu.memory_space<vmem>> -> memref<1x1x2048xf32, #tpu.memory_space<vmem>>
      %dma_wait3A_1169 = tpu.memref_squeeze %dma_wait3A_1168 : memref<1x1x2048xf32, #tpu.memory_space<vmem>> -> memref<2048xf32, #tpu.memory_space<vmem>>
      %dma_wait3A_1170 = tpu.memref_slice %arg2[%add3A_1052] : memref<22020096xf32, #tpu.memory_space<hbm>> -> memref<2048xf32, #tpu.memory_space<hbm>>
      tpu.wait_dma2 semaphore(%arg9 : memref<!tpu.dma_semaphore, #tpu.memory_space<semaphore_mem>>) src(%dma_wait3A_1170 : memref<2048xf32, #tpu.memory_space<hbm>>) dst(%dma_wait3A_1169 : memref<2048xf32, #tpu.memory_space<vmem>>)
      %dma_wait3A_1171 = arith.constant 1 : i32
      %dma_wait3A_1172 = arith.constant 2 : i32
      %dma_wait3A_1173 = arith.constant 0 : i32
      %dma_wait3A_1174 = tpu.memref_slice %arg5[%dma_wait3A_1171, %dma_wait3A_1172, %dma_wait3A_1173] : memref<2x21x2048xf32, #tpu.memory_space<vmem>> -> memref<1x1x2048xf32, #tpu.memory_space<vmem>>
      %dma_wait3A_1175 = tpu.memref_squeeze %dma_wait3A_1174 : memref<1x1x2048xf32, #tpu.memory_space<vmem>> -> memref<2048xf32, #tpu.memory_space<vmem>>
      %dma_wait3A_1176 = tpu.memref_slice %arg2[%add3A_1057] : memref<22020096xf32, #tpu.memory_space<hbm>> -> memref<2048xf32, #tpu.memory_space<hbm>>
      %dma_wait3A_1177 = arith.constant 0 : i32
      %dma_wait3A_1178 = tpu.memref_slice %arg5[%dma_wait3A_1171, %dma_wait3A_1172, %dma_wait3A_1177] : memref<2x21x2048xf32, #tpu.memory_space<vmem>> -> memref<1x1x2048xf32, #tpu.memory_space<vmem>>
      %dma_wait3A_1179 = tpu.memref_squeeze %dma_wait3A_1178 : memref<1x1x2048xf32, #tpu.memory_space<vmem>> -> memref<2048xf32, #tpu.memory_space<vmem>>
      %dma_wait3A_1180 = tpu.memref_slice %arg2[%add3A_1057] : memref<22020096xf32, #tpu.memory_space<hbm>> -> memref<2048xf32, #tpu.memory_space<hbm>>
      tpu.wait_dma2 semaphore(%arg9 : memref<!tpu.dma_semaphore, #tpu.memory_space<semaphore_mem>>) src(%dma_wait3A_1180 : memref<2048xf32, #tpu.memory_space<hbm>>) dst(%dma_wait3A_1179 : memref<2048xf32, #tpu.memory_space<vmem>>)
      %dma_wait3A_1181 = arith.constant 1 : i32
      %dma_wait3A_1182 = arith.constant 3 : i32
      %dma_wait3A_1183 = arith.constant 0 : i32
      %dma_wait3A_1184 = tpu.memref_slice %arg5[%dma_wait3A_1181, %dma_wait3A_1182, %dma_wait3A_1183] : memref<2x21x2048xf32, #tpu.memory_space<vmem>> -> memref<1x1x2048xf32, #tpu.memory_space<vmem>>
      %dma_wait3A_1185 = tpu.memref_squeeze %dma_wait3A_1184 : memref<1x1x2048xf32, #tpu.memory_space<vmem>> -> memref<2048xf32, #tpu.memory_space<vmem>>
      %dma_wait3A_1186 = tpu.memref_slice %arg2[%add3A_1062] : memref<22020096xf32, #tpu.memory_space<hbm>> -> memref<2048xf32, #tpu.memory_space<hbm>>
      %dma_wait3A_1187 = arith.constant 0 : i32
      %dma_wait3A_1188 = tpu.memref_slice %arg5[%dma_wait3A_1181, %dma_wait3A_1182, %dma_wait3A_1187] : memref<2x21x2048xf32, #tpu.memory_space<vmem>> -> memref<1x1x2048xf32, #tpu.memory_space<vmem>>
      %dma_wait3A_1189 = tpu.memref_squeeze %dma_wait3A_1188 : memref<1x1x2048xf32, #tpu.memory_space<vmem>> -> memref<2048xf32, #tpu.memory_space<vmem>>
      %dma_wait3A_1190 = tpu.memref_slice %arg2[%add3A_1062] : memref<22020096xf32, #tpu.memory_space<hbm>> -> memref<2048xf32, #tpu.memory_space<hbm>>
      tpu.wait_dma2 semaphore(%arg9 : memref<!tpu.dma_semaphore, #tpu.memory_space<semaphore_mem>>) src(%dma_wait3A_1190 : memref<2048xf32, #tpu.memory_space<hbm>>) dst(%dma_wait3A_1189 : memref<2048xf32, #tpu.memory_space<vmem>>)
      %dma_wait3A_1191 = arith.constant 1 : i32
      %dma_wait3A_1192 = arith.constant 4 : i32
      %dma_wait3A_1193 = arith.constant 0 : i32
      %dma_wait3A_1194 = tpu.memref_slice %arg5[%dma_wait3A_1191, %dma_wait3A_1192, %dma_wait3A_1193] : memref<2x21x2048xf32, #tpu.memory_space<vmem>> -> memref<1x1x2048xf32, #tpu.memory_space<vmem>>
      %dma_wait3A_1195 = tpu.memref_squeeze %dma_wait3A_1194 : memref<1x1x2048xf32, #tpu.memory_space<vmem>> -> memref<2048xf32, #tpu.memory_space<vmem>>
      %dma_wait3A_1196 = tpu.memref_slice %arg2[%add3A_1067] : memref<22020096xf32, #tpu.memory_space<hbm>> -> memref<2048xf32, #tpu.memory_space<hbm>>
      %dma_wait3A_1197 = arith.constant 0 : i32
      %dma_wait3A_1198 = tpu.memref_slice %arg5[%dma_wait3A_1191, %dma_wait3A_1192, %dma_wait3A_1197] : memref<2x21x2048xf32, #tpu.memory_space<vmem>> -> memref<1x1x2048xf32, #tpu.memory_space<vmem>>
      %dma_wait3A_1199 = tpu.memref_squeeze %dma_wait3A_1198 : memref<1x1x2048xf32, #tpu.memory_space<vmem>> -> memref<2048xf32, #tpu.memory_space<vmem>>
      %dma_wait3A_1200 = tpu.memref_slice %arg2[%add3A_1067] : memref<22020096xf32, #tpu.memory_space<hbm>> -> memref<2048xf32, #tpu.memory_space<hbm>>
      tpu.wait_dma2 semaphore(%arg9 : memref<!tpu.dma_semaphore, #tpu.memory_space<semaphore_mem>>) src(%dma_wait3A_1200 : memref<2048xf32, #tpu.memory_space<hbm>>) dst(%dma_wait3A_1199 : memref<2048xf32, #tpu.memory_space<vmem>>)
      %dma_wait3A_1201 = arith.constant 1 : i32
      %dma_wait3A_1202 = arith.constant 5 : i32
      %dma_wait3A_1203 = arith.constant 0 : i32
      %dma_wait3A_1204 = tpu.memref_slice %arg5[%dma_wait3A_1201, %dma_wait3A_1202, %dma_wait3A_1203] : memref<2x21x2048xf32, #tpu.memory_space<vmem>> -> memref<1x1x2048xf32, #tpu.memory_space<vmem>>
      %dma_wait3A_1205 = tpu.memref_squeeze %dma_wait3A_1204 : memref<1x1x2048xf32, #tpu.memory_space<vmem>> -> memref<2048xf32, #tpu.memory_space<vmem>>
      %dma_wait3A_1206 = tpu.memref_slice %arg2[%add3A_1072] : memref<22020096xf32, #tpu.memory_space<hbm>> -> memref<2048xf32, #tpu.memory_space<hbm>>
      %dma_wait3A_1207 = arith.constant 0 : i32
      %dma_wait3A_1208 = tpu.memref_slice %arg5[%dma_wait3A_1201, %dma_wait3A_1202, %dma_wait3A_1207] : memref<2x21x2048xf32, #tpu.memory_space<vmem>> -> memref<1x1x2048xf32, #tpu.memory_space<vmem>>
      %dma_wait3A_1209 = tpu.memref_squeeze %dma_wait3A_1208 : memref<1x1x2048xf32, #tpu.memory_space<vmem>> -> memref<2048xf32, #tpu.memory_space<vmem>>
      %dma_wait3A_1210 = tpu.memref_slice %arg2[%add3A_1072] : memref<22020096xf32, #tpu.memory_space<hbm>> -> memref<2048xf32, #tpu.memory_space<hbm>>
      tpu.wait_dma2 semaphore(%arg9 : memref<!tpu.dma_semaphore, #tpu.memory_space<semaphore_mem>>) src(%dma_wait3A_1210 : memref<2048xf32, #tpu.memory_space<hbm>>) dst(%dma_wait3A_1209 : memref<2048xf32, #tpu.memory_space<vmem>>)
      %dma_wait3A_1211 = arith.constant 1 : i32
      %dma_wait3A_1212 = arith.constant 6 : i32
      %dma_wait3A_1213 = arith.constant 0 : i32
      %dma_wait3A_1214 = tpu.memref_slice %arg5[%dma_wait3A_1211, %dma_wait3A_1212, %dma_wait3A_1213] : memref<2x21x2048xf32, #tpu.memory_space<vmem>> -> memref<1x1x2048xf32, #tpu.memory_space<vmem>>
      %dma_wait3A_1215 = tpu.memref_squeeze %dma_wait3A_1214 : memref<1x1x2048xf32, #tpu.memory_space<vmem>> -> memref<2048xf32, #tpu.memory_space<vmem>>
      %dma_wait3A_1216 = tpu.memref_slice %arg2[%add3A_1077] : memref<22020096xf32, #tpu.memory_space<hbm>> -> memref<2048xf32, #tpu.memory_space<hbm>>
      %dma_wait3A_1217 = arith.constant 0 : i32
      %dma_wait3A_1218 = tpu.memref_slice %arg5[%dma_wait3A_1211, %dma_wait3A_1212, %dma_wait3A_1217] : memref<2x21x2048xf32, #tpu.memory_space<vmem>> -> memref<1x1x2048xf32, #tpu.memory_space<vmem>>
      %dma_wait3A_1219 = tpu.memref_squeeze %dma_wait3A_1218 : memref<1x1x2048xf32, #tpu.memory_space<vmem>> -> memref<2048xf32, #tpu.memory_space<vmem>>
      %dma_wait3A_1220 = tpu.memref_slice %arg2[%add3A_1077] : memref<22020096xf32, #tpu.memory_space<hbm>> -> memref<2048xf32, #tpu.memory_space<hbm>>
      tpu.wait_dma2 semaphore(%arg9 : memref<!tpu.dma_semaphore, #tpu.memory_space<semaphore_mem>>) src(%dma_wait3A_1220 : memref<2048xf32, #tpu.memory_space<hbm>>) dst(%dma_wait3A_1219 : memref<2048xf32, #tpu.memory_space<vmem>>)
      %dma_wait3A_1221 = arith.constant 1 : i32
      %dma_wait3A_1222 = arith.constant 7 : i32
      %dma_wait3A_1223 = arith.constant 0 : i32
      %dma_wait3A_1224 = tpu.memref_slice %arg5[%dma_wait3A_1221, %dma_wait3A_1222, %dma_wait3A_1223] : memref<2x21x2048xf32, #tpu.memory_space<vmem>> -> memref<1x1x2048xf32, #tpu.memory_space<vmem>>
      %dma_wait3A_1225 = tpu.memref_squeeze %dma_wait3A_1224 : memref<1x1x2048xf32, #tpu.memory_space<vmem>> -> memref<2048xf32, #tpu.memory_space<vmem>>
      %dma_wait3A_1226 = tpu.memref_slice %arg2[%add3A_1082] : memref<22020096xf32, #tpu.memory_space<hbm>> -> memref<2048xf32, #tpu.memory_space<hbm>>
      %dma_wait3A_1227 = arith.constant 0 : i32
      %dma_wait3A_1228 = tpu.memref_slice %arg5[%dma_wait3A_1221, %dma_wait3A_1222, %dma_wait3A_1227] : memref<2x21x2048xf32, #tpu.memory_space<vmem>> -> memref<1x1x2048xf32, #tpu.memory_space<vmem>>
      %dma_wait3A_1229 = tpu.memref_squeeze %dma_wait3A_1228 : memref<1x1x2048xf32, #tpu.memory_space<vmem>> -> memref<2048xf32, #tpu.memory_space<vmem>>
      %dma_wait3A_1230 = tpu.memref_slice %arg2[%add3A_1082] : memref<22020096xf32, #tpu.memory_space<hbm>> -> memref<2048xf32, #tpu.memory_space<hbm>>
      tpu.wait_dma2 semaphore(%arg9 : memref<!tpu.dma_semaphore, #tpu.memory_space<semaphore_mem>>) src(%dma_wait3A_1230 : memref<2048xf32, #tpu.memory_space<hbm>>) dst(%dma_wait3A_1229 : memref<2048xf32, #tpu.memory_space<vmem>>)
      %dma_wait3A_1231 = arith.constant 1 : i32
      %dma_wait3A_1232 = arith.constant 8 : i32
      %dma_wait3A_1233 = arith.constant 0 : i32
      %dma_wait3A_1234 = tpu.memref_slice %arg5[%dma_wait3A_1231, %dma_wait3A_1232, %dma_wait3A_1233] : memref<2x21x2048xf32, #tpu.memory_space<vmem>> -> memref<1x1x2048xf32, #tpu.memory_space<vmem>>
      %dma_wait3A_1235 = tpu.memref_squeeze %dma_wait3A_1234 : memref<1x1x2048xf32, #tpu.memory_space<vmem>> -> memref<2048xf32, #tpu.memory_space<vmem>>
      %dma_wait3A_1236 = tpu.memref_slice %arg2[%add3A_1087] : memref<22020096xf32, #tpu.memory_space<hbm>> -> memref<2048xf32, #tpu.memory_space<hbm>>
      %dma_wait3A_1237 = arith.constant 0 : i32
      %dma_wait3A_1238 = tpu.memref_slice %arg5[%dma_wait3A_1231, %dma_wait3A_1232, %dma_wait3A_1237] : memref<2x21x2048xf32, #tpu.memory_space<vmem>> -> memref<1x1x2048xf32, #tpu.memory_space<vmem>>
      %dma_wait3A_1239 = tpu.memref_squeeze %dma_wait3A_1238 : memref<1x1x2048xf32, #tpu.memory_space<vmem>> -> memref<2048xf32, #tpu.memory_space<vmem>>
      %dma_wait3A_1240 = tpu.memref_slice %arg2[%add3A_1087] : memref<22020096xf32, #tpu.memory_space<hbm>> -> memref<2048xf32, #tpu.memory_space<hbm>>
      tpu.wait_dma2 semaphore(%arg9 : memref<!tpu.dma_semaphore, #tpu.memory_space<semaphore_mem>>) src(%dma_wait3A_1240 : memref<2048xf32, #tpu.memory_space<hbm>>) dst(%dma_wait3A_1239 : memref<2048xf32, #tpu.memory_space<vmem>>)
      %dma_wait3A_1241 = arith.constant 1 : i32
      %dma_wait3A_1242 = arith.constant 9 : i32
      %dma_wait3A_1243 = arith.constant 0 : i32
      %dma_wait3A_1244 = tpu.memref_slice %arg5[%dma_wait3A_1241, %dma_wait3A_1242, %dma_wait3A_1243] : memref<2x21x2048xf32, #tpu.memory_space<vmem>> -> memref<1x1x2048xf32, #tpu.memory_space<vmem>>
      %dma_wait3A_1245 = tpu.memref_squeeze %dma_wait3A_1244 : memref<1x1x2048xf32, #tpu.memory_space<vmem>> -> memref<2048xf32, #tpu.memory_space<vmem>>
      %dma_wait3A_1246 = tpu.memref_slice %arg2[%add3A_1092] : memref<22020096xf32, #tpu.memory_space<hbm>> -> memref<2048xf32, #tpu.memory_space<hbm>>
      %dma_wait3A_1247 = arith.constant 0 : i32
      %dma_wait3A_1248 = tpu.memref_slice %arg5[%dma_wait3A_1241, %dma_wait3A_1242, %dma_wait3A_1247] : memref<2x21x2048xf32, #tpu.memory_space<vmem>> -> memref<1x1x2048xf32, #tpu.memory_space<vmem>>
      %dma_wait3A_1249 = tpu.memref_squeeze %dma_wait3A_1248 : memref<1x1x2048xf32, #tpu.memory_space<vmem>> -> memref<2048xf32, #tpu.memory_space<vmem>>
      %dma_wait3A_1250 = tpu.memref_slice %arg2[%add3A_1092] : memref<22020096xf32, #tpu.memory_space<hbm>> -> memref<2048xf32, #tpu.memory_space<hbm>>
      tpu.wait_dma2 semaphore(%arg9 : memref<!tpu.dma_semaphore, #tpu.memory_space<semaphore_mem>>) src(%dma_wait3A_1250 : memref<2048xf32, #tpu.memory_space<hbm>>) dst(%dma_wait3A_1249 : memref<2048xf32, #tpu.memory_space<vmem>>)
      %dma_wait3A_1251 = arith.constant 1 : i32
      %dma_wait3A_1252 = arith.constant 10 : i32
      %dma_wait3A_1253 = arith.constant 0 : i32
      %dma_wait3A_1254 = tpu.memref_slice %arg5[%dma_wait3A_1251, %dma_wait3A_1252, %dma_wait3A_1253] : memref<2x21x2048xf32, #tpu.memory_space<vmem>> -> memref<1x1x2048xf32, #tpu.memory_space<vmem>>
      %dma_wait3A_1255 = tpu.memref_squeeze %dma_wait3A_1254 : memref<1x1x2048xf32, #tpu.memory_space<vmem>> -> memref<2048xf32, #tpu.memory_space<vmem>>
      %dma_wait3A_1256 = tpu.memref_slice %arg2[%add3A_1097] : memref<22020096xf32, #tpu.memory_space<hbm>> -> memref<2048xf32, #tpu.memory_space<hbm>>
      %dma_wait3A_1257 = arith.constant 0 : i32
      %dma_wait3A_1258 = tpu.memref_slice %arg5[%dma_wait3A_1251, %dma_wait3A_1252, %dma_wait3A_1257] : memref<2x21x2048xf32, #tpu.memory_space<vmem>> -> memref<1x1x2048xf32, #tpu.memory_space<vmem>>
      %dma_wait3A_1259 = tpu.memref_squeeze %dma_wait3A_1258 : memref<1x1x2048xf32, #tpu.memory_space<vmem>> -> memref<2048xf32, #tpu.memory_space<vmem>>
      %dma_wait3A_1260 = tpu.memref_slice %arg2[%add3A_1097] : memref<22020096xf32, #tpu.memory_space<hbm>> -> memref<2048xf32, #tpu.memory_space<hbm>>
      tpu.wait_dma2 semaphore(%arg9 : memref<!tpu.dma_semaphore, #tpu.memory_space<semaphore_mem>>) src(%dma_wait3A_1260 : memref<2048xf32, #tpu.memory_space<hbm>>) dst(%dma_wait3A_1259 : memref<2048xf32, #tpu.memory_space<vmem>>)
      %dma_wait3A_1261 = arith.constant 1 : i32
      %dma_wait3A_1262 = arith.constant 11 : i32
      %dma_wait3A_1263 = arith.constant 0 : i32
      %dma_wait3A_1264 = tpu.memref_slice %arg5[%dma_wait3A_1261, %dma_wait3A_1262, %dma_wait3A_1263] : memref<2x21x2048xf32, #tpu.memory_space<vmem>> -> memref<1x1x2048xf32, #tpu.memory_space<vmem>>
      %dma_wait3A_1265 = tpu.memref_squeeze %dma_wait3A_1264 : memref<1x1x2048xf32, #tpu.memory_space<vmem>> -> memref<2048xf32, #tpu.memory_space<vmem>>
      %dma_wait3A_1266 = tpu.memref_slice %arg2[%add3A_1102] : memref<22020096xf32, #tpu.memory_space<hbm>> -> memref<2048xf32, #tpu.memory_space<hbm>>
      %dma_wait3A_1267 = arith.constant 0 : i32
      %dma_wait3A_1268 = tpu.memref_slice %arg5[%dma_wait3A_1261, %dma_wait3A_1262, %dma_wait3A_1267] : memref<2x21x2048xf32, #tpu.memory_space<vmem>> -> memref<1x1x2048xf32, #tpu.memory_space<vmem>>
      %dma_wait3A_1269 = tpu.memref_squeeze %dma_wait3A_1268 : memref<1x1x2048xf32, #tpu.memory_space<vmem>> -> memref<2048xf32, #tpu.memory_space<vmem>>
      %dma_wait3A_1270 = tpu.memref_slice %arg2[%add3A_1102] : memref<22020096xf32, #tpu.memory_space<hbm>> -> memref<2048xf32, #tpu.memory_space<hbm>>
      tpu.wait_dma2 semaphore(%arg9 : memref<!tpu.dma_semaphore, #tpu.memory_space<semaphore_mem>>) src(%dma_wait3A_1270 : memref<2048xf32, #tpu.memory_space<hbm>>) dst(%dma_wait3A_1269 : memref<2048xf32, #tpu.memory_space<vmem>>)
      %dma_wait3A_1271 = arith.constant 1 : i32
      %dma_wait3A_1272 = arith.constant 12 : i32
      %dma_wait3A_1273 = arith.constant 0 : i32
      %dma_wait3A_1274 = tpu.memref_slice %arg5[%dma_wait3A_1271, %dma_wait3A_1272, %dma_wait3A_1273] : memref<2x21x2048xf32, #tpu.memory_space<vmem>> -> memref<1x1x2048xf32, #tpu.memory_space<vmem>>
      %dma_wait3A_1275 = tpu.memref_squeeze %dma_wait3A_1274 : memref<1x1x2048xf32, #tpu.memory_space<vmem>> -> memref<2048xf32, #tpu.memory_space<vmem>>
      %dma_wait3A_1276 = tpu.memref_slice %arg2[%add3A_1107] : memref<22020096xf32, #tpu.memory_space<hbm>> -> memref<2048xf32, #tpu.memory_space<hbm>>
      %dma_wait3A_1277 = arith.constant 0 : i32
      %dma_wait3A_1278 = tpu.memref_slice %arg5[%dma_wait3A_1271, %dma_wait3A_1272, %dma_wait3A_1277] : memref<2x21x2048xf32, #tpu.memory_space<vmem>> -> memref<1x1x2048xf32, #tpu.memory_space<vmem>>
      %dma_wait3A_1279 = tpu.memref_squeeze %dma_wait3A_1278 : memref<1x1x2048xf32, #tpu.memory_space<vmem>> -> memref<2048xf32, #tpu.memory_space<vmem>>
      %dma_wait3A_1280 = tpu.memref_slice %arg2[%add3A_1107] : memref<22020096xf32, #tpu.memory_space<hbm>> -> memref<2048xf32, #tpu.memory_space<hbm>>
      tpu.wait_dma2 semaphore(%arg9 : memref<!tpu.dma_semaphore, #tpu.memory_space<semaphore_mem>>) src(%dma_wait3A_1280 : memref<2048xf32, #tpu.memory_space<hbm>>) dst(%dma_wait3A_1279 : memref<2048xf32, #tpu.memory_space<vmem>>)
      %dma_wait3A_1281 = arith.constant 1 : i32
      %dma_wait3A_1282 = arith.constant 13 : i32
      %dma_wait3A_1283 = arith.constant 0 : i32
      %dma_wait3A_1284 = tpu.memref_slice %arg5[%dma_wait3A_1281, %dma_wait3A_1282, %dma_wait3A_1283] : memref<2x21x2048xf32, #tpu.memory_space<vmem>> -> memref<1x1x2048xf32, #tpu.memory_space<vmem>>
      %dma_wait3A_1285 = tpu.memref_squeeze %dma_wait3A_1284 : memref<1x1x2048xf32, #tpu.memory_space<vmem>> -> memref<2048xf32, #tpu.memory_space<vmem>>
      %dma_wait3A_1286 = tpu.memref_slice %arg2[%add3A_1112] : memref<22020096xf32, #tpu.memory_space<hbm>> -> memref<2048xf32, #tpu.memory_space<hbm>>
      %dma_wait3A_1287 = arith.constant 0 : i32
      %dma_wait3A_1288 = tpu.memref_slice %arg5[%dma_wait3A_1281, %dma_wait3A_1282, %dma_wait3A_1287] : memref<2x21x2048xf32, #tpu.memory_space<vmem>> -> memref<1x1x2048xf32, #tpu.memory_space<vmem>>
      %dma_wait3A_1289 = tpu.memref_squeeze %dma_wait3A_1288 : memref<1x1x2048xf32, #tpu.memory_space<vmem>> -> memref<2048xf32, #tpu.memory_space<vmem>>
      %dma_wait3A_1290 = tpu.memref_slice %arg2[%add3A_1112] : memref<22020096xf32, #tpu.memory_space<hbm>> -> memref<2048xf32, #tpu.memory_space<hbm>>
      tpu.wait_dma2 semaphore(%arg9 : memref<!tpu.dma_semaphore, #tpu.memory_space<semaphore_mem>>) src(%dma_wait3A_1290 : memref<2048xf32, #tpu.memory_space<hbm>>) dst(%dma_wait3A_1289 : memref<2048xf32, #tpu.memory_space<vmem>>)
      %dma_wait3A_1291 = arith.constant 1 : i32
      %dma_wait3A_1292 = arith.constant 14 : i32
      %dma_wait3A_1293 = arith.constant 0 : i32
      %dma_wait3A_1294 = tpu.memref_slice %arg5[%dma_wait3A_1291, %dma_wait3A_1292, %dma_wait3A_1293] : memref<2x21x2048xf32, #tpu.memory_space<vmem>> -> memref<1x1x2048xf32, #tpu.memory_space<vmem>>
      %dma_wait3A_1295 = tpu.memref_squeeze %dma_wait3A_1294 : memref<1x1x2048xf32, #tpu.memory_space<vmem>> -> memref<2048xf32, #tpu.memory_space<vmem>>
      %dma_wait3A_1296 = tpu.memref_slice %arg2[%add3A_1117] : memref<22020096xf32, #tpu.memory_space<hbm>> -> memref<2048xf32, #tpu.memory_space<hbm>>
      %dma_wait3A_1297 = arith.constant 0 : i32
      %dma_wait3A_1298 = tpu.memref_slice %arg5[%dma_wait3A_1291, %dma_wait3A_1292, %dma_wait3A_1297] : memref<2x21x2048xf32, #tpu.memory_space<vmem>> -> memref<1x1x2048xf32, #tpu.memory_space<vmem>>
      %dma_wait3A_1299 = tpu.memref_squeeze %dma_wait3A_1298 : memref<1x1x2048xf32, #tpu.memory_space<vmem>> -> memref<2048xf32, #tpu.memory_space<vmem>>
      %dma_wait3A_1300 = tpu.memref_slice %arg2[%add3A_1117] : memref<22020096xf32, #tpu.memory_space<hbm>> -> memref<2048xf32, #tpu.memory_space<hbm>>
      tpu.wait_dma2 semaphore(%arg9 : memref<!tpu.dma_semaphore, #tpu.memory_space<semaphore_mem>>) src(%dma_wait3A_1300 : memref<2048xf32, #tpu.memory_space<hbm>>) dst(%dma_wait3A_1299 : memref<2048xf32, #tpu.memory_space<vmem>>)
      %dma_wait3A_1301 = arith.constant 1 : i32
      %dma_wait3A_1302 = arith.constant 15 : i32
      %dma_wait3A_1303 = arith.constant 0 : i32
      %dma_wait3A_1304 = tpu.memref_slice %arg5[%dma_wait3A_1301, %dma_wait3A_1302, %dma_wait3A_1303] : memref<2x21x2048xf32, #tpu.memory_space<vmem>> -> memref<1x1x2048xf32, #tpu.memory_space<vmem>>
      %dma_wait3A_1305 = tpu.memref_squeeze %dma_wait3A_1304 : memref<1x1x2048xf32, #tpu.memory_space<vmem>> -> memref<2048xf32, #tpu.memory_space<vmem>>
      %dma_wait3A_1306 = tpu.memref_slice %arg2[%add3A_1122] : memref<22020096xf32, #tpu.memory_space<hbm>> -> memref<2048xf32, #tpu.memory_space<hbm>>
      %dma_wait3A_1307 = arith.constant 0 : i32
      %dma_wait3A_1308 = tpu.memref_slice %arg5[%dma_wait3A_1301, %dma_wait3A_1302, %dma_wait3A_1307] : memref<2x21x2048xf32, #tpu.memory_space<vmem>> -> memref<1x1x2048xf32, #tpu.memory_space<vmem>>
      %dma_wait3A_1309 = tpu.memref_squeeze %dma_wait3A_1308 : memref<1x1x2048xf32, #tpu.memory_space<vmem>> -> memref<2048xf32, #tpu.memory_space<vmem>>
      %dma_wait3A_1310 = tpu.memref_slice %arg2[%add3A_1122] : memref<22020096xf32, #tpu.memory_space<hbm>> -> memref<2048xf32, #tpu.memory_space<hbm>>
      tpu.wait_dma2 semaphore(%arg9 : memref<!tpu.dma_semaphore, #tpu.memory_space<semaphore_mem>>) src(%dma_wait3A_1310 : memref<2048xf32, #tpu.memory_space<hbm>>) dst(%dma_wait3A_1309 : memref<2048xf32, #tpu.memory_space<vmem>>)
      %dma_wait3A_1311 = arith.constant 1 : i32
      %dma_wait3A_1312 = arith.constant 16 : i32
      %dma_wait3A_1313 = arith.constant 0 : i32
      %dma_wait3A_1314 = tpu.memref_slice %arg5[%dma_wait3A_1311, %dma_wait3A_1312, %dma_wait3A_1313] : memref<2x21x2048xf32, #tpu.memory_space<vmem>> -> memref<1x1x2048xf32, #tpu.memory_space<vmem>>
      %dma_wait3A_1315 = tpu.memref_squeeze %dma_wait3A_1314 : memref<1x1x2048xf32, #tpu.memory_space<vmem>> -> memref<2048xf32, #tpu.memory_space<vmem>>
      %dma_wait3A_1316 = tpu.memref_slice %arg2[%add3A_1127] : memref<22020096xf32, #tpu.memory_space<hbm>> -> memref<2048xf32, #tpu.memory_space<hbm>>
      %dma_wait3A_1317 = arith.constant 0 : i32
      %dma_wait3A_1318 = tpu.memref_slice %arg5[%dma_wait3A_1311, %dma_wait3A_1312, %dma_wait3A_1317] : memref<2x21x2048xf32, #tpu.memory_space<vmem>> -> memref<1x1x2048xf32, #tpu.memory_space<vmem>>
      %dma_wait3A_1319 = tpu.memref_squeeze %dma_wait3A_1318 : memref<1x1x2048xf32, #tpu.memory_space<vmem>> -> memref<2048xf32, #tpu.memory_space<vmem>>
      %dma_wait3A_1320 = tpu.memref_slice %arg2[%add3A_1127] : memref<22020096xf32, #tpu.memory_space<hbm>> -> memref<2048xf32, #tpu.memory_space<hbm>>
      tpu.wait_dma2 semaphore(%arg9 : memref<!tpu.dma_semaphore, #tpu.memory_space<semaphore_mem>>) src(%dma_wait3A_1320 : memref<2048xf32, #tpu.memory_space<hbm>>) dst(%dma_wait3A_1319 : memref<2048xf32, #tpu.memory_space<vmem>>)
      %dma_wait3A_1321 = arith.constant 1 : i32
      %dma_wait3A_1322 = arith.constant 17 : i32
      %dma_wait3A_1323 = arith.constant 0 : i32
      %dma_wait3A_1324 = tpu.memref_slice %arg5[%dma_wait3A_1321, %dma_wait3A_1322, %dma_wait3A_1323] : memref<2x21x2048xf32, #tpu.memory_space<vmem>> -> memref<1x1x2048xf32, #tpu.memory_space<vmem>>
      %dma_wait3A_1325 = tpu.memref_squeeze %dma_wait3A_1324 : memref<1x1x2048xf32, #tpu.memory_space<vmem>> -> memref<2048xf32, #tpu.memory_space<vmem>>
      %dma_wait3A_1326 = tpu.memref_slice %arg2[%add3A_1132] : memref<22020096xf32, #tpu.memory_space<hbm>> -> memref<2048xf32, #tpu.memory_space<hbm>>
      %dma_wait3A_1327 = arith.constant 0 : i32
      %dma_wait3A_1328 = tpu.memref_slice %arg5[%dma_wait3A_1321, %dma_wait3A_1322, %dma_wait3A_1327] : memref<2x21x2048xf32, #tpu.memory_space<vmem>> -> memref<1x1x2048xf32, #tpu.memory_space<vmem>>
      %dma_wait3A_1329 = tpu.memref_squeeze %dma_wait3A_1328 : memref<1x1x2048xf32, #tpu.memory_space<vmem>> -> memref<2048xf32, #tpu.memory_space<vmem>>
      %dma_wait3A_1330 = tpu.memref_slice %arg2[%add3A_1132] : memref<22020096xf32, #tpu.memory_space<hbm>> -> memref<2048xf32, #tpu.memory_space<hbm>>
      tpu.wait_dma2 semaphore(%arg9 : memref<!tpu.dma_semaphore, #tpu.memory_space<semaphore_mem>>) src(%dma_wait3A_1330 : memref<2048xf32, #tpu.memory_space<hbm>>) dst(%dma_wait3A_1329 : memref<2048xf32, #tpu.memory_space<vmem>>)
      %dma_wait3A_1331 = arith.constant 1 : i32
      %dma_wait3A_1332 = arith.constant 18 : i32
      %dma_wait3A_1333 = arith.constant 0 : i32
      %dma_wait3A_1334 = tpu.memref_slice %arg5[%dma_wait3A_1331, %dma_wait3A_1332, %dma_wait3A_1333] : memref<2x21x2048xf32, #tpu.memory_space<vmem>> -> memref<1x1x2048xf32, #tpu.memory_space<vmem>>
      %dma_wait3A_1335 = tpu.memref_squeeze %dma_wait3A_1334 : memref<1x1x2048xf32, #tpu.memory_space<vmem>> -> memref<2048xf32, #tpu.memory_space<vmem>>
      %dma_wait3A_1336 = tpu.memref_slice %arg2[%add3A_1137] : memref<22020096xf32, #tpu.memory_space<hbm>> -> memref<2048xf32, #tpu.memory_space<hbm>>
      %dma_wait3A_1337 = arith.constant 0 : i32
      %dma_wait3A_1338 = tpu.memref_slice %arg5[%dma_wait3A_1331, %dma_wait3A_1332, %dma_wait3A_1337] : memref<2x21x2048xf32, #tpu.memory_space<vmem>> -> memref<1x1x2048xf32, #tpu.memory_space<vmem>>
      %dma_wait3A_1339 = tpu.memref_squeeze %dma_wait3A_1338 : memref<1x1x2048xf32, #tpu.memory_space<vmem>> -> memref<2048xf32, #tpu.memory_space<vmem>>
      %dma_wait3A_1340 = tpu.memref_slice %arg2[%add3A_1137] : memref<22020096xf32, #tpu.memory_space<hbm>> -> memref<2048xf32, #tpu.memory_space<hbm>>
      tpu.wait_dma2 semaphore(%arg9 : memref<!tpu.dma_semaphore, #tpu.memory_space<semaphore_mem>>) src(%dma_wait3A_1340 : memref<2048xf32, #tpu.memory_space<hbm>>) dst(%dma_wait3A_1339 : memref<2048xf32, #tpu.memory_space<vmem>>)
      %dma_wait3A_1341 = arith.constant 1 : i32
      %dma_wait3A_1342 = arith.constant 19 : i32
      %dma_wait3A_1343 = arith.constant 0 : i32
      %dma_wait3A_1344 = tpu.memref_slice %arg5[%dma_wait3A_1341, %dma_wait3A_1342, %dma_wait3A_1343] : memref<2x21x2048xf32, #tpu.memory_space<vmem>> -> memref<1x1x2048xf32, #tpu.memory_space<vmem>>
      %dma_wait3A_1345 = tpu.memref_squeeze %dma_wait3A_1344 : memref<1x1x2048xf32, #tpu.memory_space<vmem>> -> memref<2048xf32, #tpu.memory_space<vmem>>
      %dma_wait3A_1346 = tpu.memref_slice %arg2[%add3A_1142] : memref<22020096xf32, #tpu.memory_space<hbm>> -> memref<2048xf32, #tpu.memory_space<hbm>>
      %dma_wait3A_1347 = arith.constant 0 : i32
      %dma_wait3A_1348 = tpu.memref_slice %arg5[%dma_wait3A_1341, %dma_wait3A_1342, %dma_wait3A_1347] : memref<2x21x2048xf32, #tpu.memory_space<vmem>> -> memref<1x1x2048xf32, #tpu.memory_space<vmem>>
      %dma_wait3A_1349 = tpu.memref_squeeze %dma_wait3A_1348 : memref<1x1x2048xf32, #tpu.memory_space<vmem>> -> memref<2048xf32, #tpu.memory_space<vmem>>
      %dma_wait3A_1350 = tpu.memref_slice %arg2[%add3A_1142] : memref<22020096xf32, #tpu.memory_space<hbm>> -> memref<2048xf32, #tpu.memory_space<hbm>>
      tpu.wait_dma2 semaphore(%arg9 : memref<!tpu.dma_semaphore, #tpu.memory_space<semaphore_mem>>) src(%dma_wait3A_1350 : memref<2048xf32, #tpu.memory_space<hbm>>) dst(%dma_wait3A_1349 : memref<2048xf32, #tpu.memory_space<vmem>>)
      %dma_wait3A_1351 = arith.constant 1 : i32
      %dma_wait3A_1352 = arith.constant 20 : i32
      %dma_wait3A_1353 = arith.constant 0 : i32
      %dma_wait3A_1354 = tpu.memref_slice %arg5[%dma_wait3A_1351, %dma_wait3A_1352, %dma_wait3A_1353] : memref<2x21x2048xf32, #tpu.memory_space<vmem>> -> memref<1x1x2048xf32, #tpu.memory_space<vmem>>
      %dma_wait3A_1355 = tpu.memref_squeeze %dma_wait3A_1354 : memref<1x1x2048xf32, #tpu.memory_space<vmem>> -> memref<2048xf32, #tpu.memory_space<vmem>>
      %dma_wait3A_1356 = tpu.memref_slice %arg2[%add3A_1147] : memref<22020096xf32, #tpu.memory_space<hbm>> -> memref<2048xf32, #tpu.memory_space<hbm>>
      %dma_wait3A_1357 = arith.constant 0 : i32
      %dma_wait3A_1358 = tpu.memref_slice %arg5[%dma_wait3A_1351, %dma_wait3A_1352, %dma_wait3A_1357] : memref<2x21x2048xf32, #tpu.memory_space<vmem>> -> memref<1x1x2048xf32, #tpu.memory_space<vmem>>
      %dma_wait3A_1359 = tpu.memref_squeeze %dma_wait3A_1358 : memref<1x1x2048xf32, #tpu.memory_space<vmem>> -> memref<2048xf32, #tpu.memory_space<vmem>>
      %dma_wait3A_1360 = tpu.memref_slice %arg2[%add3A_1147] : memref<22020096xf32, #tpu.memory_space<hbm>> -> memref<2048xf32, #tpu.memory_space<hbm>>
      tpu.wait_dma2 semaphore(%arg9 : memref<!tpu.dma_semaphore, #tpu.memory_space<semaphore_mem>>) src(%dma_wait3A_1360 : memref<2048xf32, #tpu.memory_space<hbm>>) dst(%dma_wait3A_1359 : memref<2048xf32, #tpu.memory_space<vmem>>)
      %dma_wait3A_1361 = arith.constant 1 : i32
      %dma_wait3A_1362 = arith.constant 0 : i32
      %dma_wait3A_1363 = tpu.memref_slice %arg6[%dma_wait3A_1361, %dma_wait3A_1362] : memref<2x2048xi32, #tpu.memory_space<vmem>> -> memref<1x2048xi32, #tpu.memory_space<vmem>>
      %dma_wait3A_1364 = tpu.memref_squeeze %dma_wait3A_1363 : memref<1x2048xi32, #tpu.memory_space<vmem>> -> memref<2048xi32, #tpu.memory_space<vmem>>
      %dma_wait3A_1365 = tpu.memref_slice %arg3[%add3A_1150] : memref<1048576xi32, #tpu.memory_space<hbm>> -> memref<2048xi32, #tpu.memory_space<hbm>>
      %dma_wait3A_1366 = arith.constant 0 : i32
      %dma_wait3A_1367 = tpu.memref_slice %arg6[%dma_wait3A_1361, %dma_wait3A_1366] : memref<2x2048xi32, #tpu.memory_space<vmem>> -> memref<1x2048xi32, #tpu.memory_space<vmem>>
      %dma_wait3A_1368 = tpu.memref_squeeze %dma_wait3A_1367 : memref<1x2048xi32, #tpu.memory_space<vmem>> -> memref<2048xi32, #tpu.memory_space<vmem>>
      %dma_wait3A_1369 = tpu.memref_slice %arg3[%add3A_1150] : memref<1048576xi32, #tpu.memory_space<hbm>> -> memref<2048xi32, #tpu.memory_space<hbm>>
      tpu.wait_dma2 semaphore(%arg9 : memref<!tpu.dma_semaphore, #tpu.memory_space<semaphore_mem>>) src(%dma_wait3A_1369 : memref<2048xi32, #tpu.memory_space<hbm>>) dst(%dma_wait3A_1368 : memref<2048xi32, #tpu.memory_space<vmem>>)
      %parallel_loop3A_1370 = arith.constant 0 : i32
      %parallel_loop3A_1371 = arith.constant 128 : i32
      %parallel_loop3A_1372 = arith.constant 1 : i32
      scf.for %parallel_loop3A_1381 = %parallel_loop3A_1370 to %parallel_loop3A_1371 step %parallel_loop3A_1372  : i32 {
        %parallel_loop3A_1382 = arith.constant 16 : i32
        %parallel_loop3A_1383 = arith.muli %parallel_loop3A_1381, %parallel_loop3A_1382 : i32
        %parallel_loop3A_1384 = arith.constant 1 : i32
        %parallel_loop3A_1385 = arith.index_cast %parallel_loop3A_1384 : i32 to index
        %parallel_loop3A_1386 = arith.index_cast %parallel_loop3A_1383 : i32 to index
        %parallel_loop3A_1387 = tpu.vector_load %arg6[%parallel_loop3A_1385, %parallel_loop3A_1386] {strides = array<i32>} : memref<2x2048xi32, #tpu.memory_space<vmem>>, vector<16xi32>,
        %parallel_loop3A_1388 = arith.constant 1 : i32
        %parallel_loop3A_1389 = arith.constant 0 : i32
        %parallel_loop3A_1390 = arith.index_cast %parallel_loop3A_1388 : i32 to index
        %parallel_loop3A_1391 = arith.index_cast %parallel_loop3A_1389 : i32 to index
        %parallel_loop3A_1392 = arith.index_cast %parallel_loop3A_1383 : i32 to index
        %parallel_loop3A_1393 = tpu.vector_load %arg5[%parallel_loop3A_1390, %parallel_loop3A_1391, %parallel_loop3A_1392] {strides = array<i32>} : memref<2x21x2048xf32, #tpu.memory_space<vmem>>, vector<16xf32>,
        %parallel_loop3A_1394 = arith.constant 1.000000e+00 : f32
        %parallel_loop3A_1395 = vector.broadcast %parallel_loop3A_1394 : f32 to vector<16xf32>
        %parallel_loop3A_1396 = arith.addf %parallel_loop3A_1393, %parallel_loop3A_1395 : vector<16xf32>
        %parallel_loop3A_1397 = vector.bitcast %parallel_loop3A_1396 : vector<16xf32> to vector<16xi32>
        %parallel_loop3A_1398 = arith.constant 14 : i32
        %parallel_loop3A_1399 = vector.broadcast %parallel_loop3A_1398 : i32 to vector<16xi32>
        %parallel_loop3A_1400 = arith.shrsi %parallel_loop3A_1397, %parallel_loop3A_1399 : vector<16xi32>
        %parallel_loop3A_1401 = arith.constant -65024 : i32
        %parallel_loop3A_1402 = vector.broadcast %parallel_loop3A_1401 : i32 to vector<16xi32>
        %parallel_loop3A_1403 = arith.addi %parallel_loop3A_1400, %parallel_loop3A_1402 : vector<16xi32>
        tpu.vector_store_idx %arg7[%parallel_loop3A_1403], %broadcast_in_dim3A_30 {add = true} : memref<21504xi32, #tpu.memory_space<vmem>>[vector<16xi32>], vector<16xi32>,
        %parallel_loop3A_1404 = arith.constant 1 : i32
        %parallel_loop3A_1405 = arith.constant 1 : i32
        %parallel_loop3A_1406 = arith.index_cast %parallel_loop3A_1404 : i32 to index
        %parallel_loop3A_1407 = arith.index_cast %parallel_loop3A_1405 : i32 to index
        %parallel_loop3A_1408 = arith.index_cast %parallel_loop3A_1383 : i32 to index
        %parallel_loop3A_1409 = tpu.vector_load %arg5[%parallel_loop3A_1406, %parallel_loop3A_1407, %parallel_loop3A_1408] {strides = array<i32>} : memref<2x21x2048xf32, #tpu.memory_space<vmem>>, vector<16xf32>,
        %parallel_loop3A_1410 = arith.constant 1.000000e+00 : f32
        %parallel_loop3A_1411 = vector.broadcast %parallel_loop3A_1410 : f32 to vector<16xf32>
        %parallel_loop3A_1412 = arith.addf %parallel_loop3A_1409, %parallel_loop3A_1411 : vector<16xf32>
        %parallel_loop3A_1413 = vector.bitcast %parallel_loop3A_1412 : vector<16xf32> to vector<16xi32>
        %parallel_loop3A_1414 = arith.constant 14 : i32
        %parallel_loop3A_1415 = vector.broadcast %parallel_loop3A_1414 : i32 to vector<16xi32>
        %parallel_loop3A_1416 = arith.shrsi %parallel_loop3A_1413, %parallel_loop3A_1415 : vector<16xi32>
        %parallel_loop3A_1417 = arith.constant -64512 : i32
        %parallel_loop3A_1418 = vector.broadcast %parallel_loop3A_1417 : i32 to vector<16xi32>
        %parallel_loop3A_1419 = arith.addi %parallel_loop3A_1416, %parallel_loop3A_1418 : vector<16xi32>
        tpu.vector_store_idx %arg7[%parallel_loop3A_1419], %broadcast_in_dim3A_30 {add = true} : memref<21504xi32, #tpu.memory_space<vmem>>[vector<16xi32>], vector<16xi32>,
        %parallel_loop3A_1420 = arith.constant 1 : i32
        %parallel_loop3A_1421 = arith.constant 2 : i32
        %parallel_loop3A_1422 = arith.index_cast %parallel_loop3A_1420 : i32 to index
        %parallel_loop3A_1423 = arith.index_cast %parallel_loop3A_1421 : i32 to index
        %parallel_loop3A_1424 = arith.index_cast %parallel_loop3A_1383 : i32 to index
        %parallel_loop3A_1425 = tpu.vector_load %arg5[%parallel_loop3A_1422, %parallel_loop3A_1423, %parallel_loop3A_1424] {strides = array<i32>} : memref<2x21x2048xf32, #tpu.memory_space<vmem>>, vector<16xf32>,
        %parallel_loop3A_1426 = arith.constant 1.000000e+00 : f32
        %parallel_loop3A_1427 = vector.broadcast %parallel_loop3A_1426 : f32 to vector<16xf32>
        %parallel_loop3A_1428 = arith.addf %parallel_loop3A_1425, %parallel_loop3A_1427 : vector<16xf32>
        %parallel_loop3A_1429 = vector.bitcast %parallel_loop3A_1428 : vector<16xf32> to vector<16xi32>
        %parallel_loop3A_1430 = arith.constant 14 : i32
        %parallel_loop3A_1431 = vector.broadcast %parallel_loop3A_1430 : i32 to vector<16xi32>
        %parallel_loop3A_1432 = arith.shrsi %parallel_loop3A_1429, %parallel_loop3A_1431 : vector<16xi32>
        %parallel_loop3A_1433 = arith.constant -64000 : i32
        %parallel_loop3A_1434 = vector.broadcast %parallel_loop3A_1433 : i32 to vector<16xi32>
        %parallel_loop3A_1435 = arith.addi %parallel_loop3A_1432, %parallel_loop3A_1434 : vector<16xi32>
        tpu.vector_store_idx %arg7[%parallel_loop3A_1435], %broadcast_in_dim3A_30 {add = true} : memref<21504xi32, #tpu.memory_space<vmem>>[vector<16xi32>], vector<16xi32>,
        %parallel_loop3A_1436 = arith.constant 1 : i32
        %parallel_loop3A_1437 = arith.constant 3 : i32
        %parallel_loop3A_1438 = arith.index_cast %parallel_loop3A_1436 : i32 to index
        %parallel_loop3A_1439 = arith.index_cast %parallel_loop3A_1437 : i32 to index
        %parallel_loop3A_1440 = arith.index_cast %parallel_loop3A_1383 : i32 to index
        %parallel_loop3A_1441 = tpu.vector_load %arg5[%parallel_loop3A_1438, %parallel_loop3A_1439, %parallel_loop3A_1440] {strides = array<i32>} : memref<2x21x2048xf32, #tpu.memory_space<vmem>>, vector<16xf32>,
        %parallel_loop3A_1442 = arith.constant 1.000000e+00 : f32
        %parallel_loop3A_1443 = vector.broadcast %parallel_loop3A_1442 : f32 to vector<16xf32>
        %parallel_loop3A_1444 = arith.addf %parallel_loop3A_1441, %parallel_loop3A_1443 : vector<16xf32>
        %parallel_loop3A_1445 = vector.bitcast %parallel_loop3A_1444 : vector<16xf32> to vector<16xi32>
        %parallel_loop3A_1446 = arith.constant 14 : i32
        %parallel_loop3A_1447 = vector.broadcast %parallel_loop3A_1446 : i32 to vector<16xi32>
        %parallel_loop3A_1448 = arith.shrsi %parallel_loop3A_1445, %parallel_loop3A_1447 : vector<16xi32>
        %parallel_loop3A_1449 = arith.constant -63488 : i32
        %parallel_loop3A_1450 = vector.broadcast %parallel_loop3A_1449 : i32 to vector<16xi32>
        %parallel_loop3A_1451 = arith.addi %parallel_loop3A_1448, %parallel_loop3A_1450 : vector<16xi32>
        tpu.vector_store_idx %arg7[%parallel_loop3A_1451], %broadcast_in_dim3A_30 {add = true} : memref<21504xi32, #tpu.memory_space<vmem>>[vector<16xi32>], vector<16xi32>,
        %parallel_loop3A_1452 = arith.constant 1 : i32
        %parallel_loop3A_1453 = arith.constant 4 : i32
        %parallel_loop3A_1454 = arith.index_cast %parallel_loop3A_1452 : i32 to index
        %parallel_loop3A_1455 = arith.index_cast %parallel_loop3A_1453 : i32 to index
        %parallel_loop3A_1456 = arith.index_cast %parallel_loop3A_1383 : i32 to index
        %parallel_loop3A_1457 = tpu.vector_load %arg5[%parallel_loop3A_1454, %parallel_loop3A_1455, %parallel_loop3A_1456] {strides = array<i32>} : memref<2x21x2048xf32, #tpu.memory_space<vmem>>, vector<16xf32>,
        %parallel_loop3A_1458 = arith.constant 1.000000e+00 : f32
        %parallel_loop3A_1459 = vector.broadcast %parallel_loop3A_1458 : f32 to vector<16xf32>
        %parallel_loop3A_1460 = arith.addf %parallel_loop3A_1457, %parallel_loop3A_1459 : vector<16xf32>
        %parallel_loop3A_1461 = vector.bitcast %parallel_loop3A_1460 : vector<16xf32> to vector<16xi32>
        %parallel_loop3A_1462 = arith.constant 14 : i32
        %parallel_loop3A_1463 = vector.broadcast %parallel_loop3A_1462 : i32 to vector<16xi32>
        %parallel_loop3A_1464 = arith.shrsi %parallel_loop3A_1461, %parallel_loop3A_1463 : vector<16xi32>
        %parallel_loop3A_1465 = arith.constant -62976 : i32
        %parallel_loop3A_1466 = vector.broadcast %parallel_loop3A_1465 : i32 to vector<16xi32>
        %parallel_loop3A_1467 = arith.addi %parallel_loop3A_1464, %parallel_loop3A_1466 : vector<16xi32>
        tpu.vector_store_idx %arg7[%parallel_loop3A_1467], %broadcast_in_dim3A_30 {add = true} : memref<21504xi32, #tpu.memory_space<vmem>>[vector<16xi32>], vector<16xi32>,
        %parallel_loop3A_1468 = arith.constant 1 : i32
        %parallel_loop3A_1469 = arith.constant 5 : i32
        %parallel_loop3A_1470 = arith.index_cast %parallel_loop3A_1468 : i32 to index
        %parallel_loop3A_1471 = arith.index_cast %parallel_loop3A_1469 : i32 to index
        %parallel_loop3A_1472 = arith.index_cast %parallel_loop3A_1383 : i32 to index
        %parallel_loop3A_1473 = tpu.vector_load %arg5[%parallel_loop3A_1470, %parallel_loop3A_1471, %parallel_loop3A_1472] {strides = array<i32>} : memref<2x21x2048xf32, #tpu.memory_space<vmem>>, vector<16xf32>,
        %parallel_loop3A_1474 = arith.constant 1.000000e+00 : f32
        %parallel_loop3A_1475 = vector.broadcast %parallel_loop3A_1474 : f32 to vector<16xf32>
        %parallel_loop3A_1476 = arith.addf %parallel_loop3A_1473, %parallel_loop3A_1475 : vector<16xf32>
        %parallel_loop3A_1477 = vector.bitcast %parallel_loop3A_1476 : vector<16xf32> to vector<16xi32>
        %parallel_loop3A_1478 = arith.constant 14 : i32
        %parallel_loop3A_1479 = vector.broadcast %parallel_loop3A_1478 : i32 to vector<16xi32>
        %parallel_loop3A_1480 = arith.shrsi %parallel_loop3A_1477, %parallel_loop3A_1479 : vector<16xi32>
        %parallel_loop3A_1481 = arith.constant -62464 : i32
        %parallel_loop3A_1482 = vector.broadcast %parallel_loop3A_1481 : i32 to vector<16xi32>
        %parallel_loop3A_1483 = arith.addi %parallel_loop3A_1480, %parallel_loop3A_1482 : vector<16xi32>
        tpu.vector_store_idx %arg7[%parallel_loop3A_1483], %broadcast_in_dim3A_30 {add = true} : memref<21504xi32, #tpu.memory_space<vmem>>[vector<16xi32>], vector<16xi32>,
        %parallel_loop3A_1484 = arith.constant 1 : i32
        %parallel_loop3A_1485 = arith.constant 6 : i32
        %parallel_loop3A_1486 = arith.index_cast %parallel_loop3A_1484 : i32 to index
        %parallel_loop3A_1487 = arith.index_cast %parallel_loop3A_1485 : i32 to index
        %parallel_loop3A_1488 = arith.index_cast %parallel_loop3A_1383 : i32 to index
        %parallel_loop3A_1489 = tpu.vector_load %arg5[%parallel_loop3A_1486, %parallel_loop3A_1487, %parallel_loop3A_1488] {strides = array<i32>} : memref<2x21x2048xf32, #tpu.memory_space<vmem>>, vector<16xf32>,
        %parallel_loop3A_1490 = arith.constant 1.000000e+00 : f32
        %parallel_loop3A_1491 = vector.broadcast %parallel_loop3A_1490 : f32 to vector<16xf32>
        %parallel_loop3A_1492 = arith.addf %parallel_loop3A_1489, %parallel_loop3A_1491 : vector<16xf32>
        %parallel_loop3A_1493 = vector.bitcast %parallel_loop3A_1492 : vector<16xf32> to vector<16xi32>
        %parallel_loop3A_1494 = arith.constant 14 : i32
        %parallel_loop3A_1495 = vector.broadcast %parallel_loop3A_1494 : i32 to vector<16xi32>
        %parallel_loop3A_1496 = arith.shrsi %parallel_loop3A_1493, %parallel_loop3A_1495 : vector<16xi32>
        %parallel_loop3A_1497 = arith.constant -61952 : i32
        %parallel_loop3A_1498 = vector.broadcast %parallel_loop3A_1497 : i32 to vector<16xi32>
        %parallel_loop3A_1499 = arith.addi %parallel_loop3A_1496, %parallel_loop3A_1498 : vector<16xi32>
        tpu.vector_store_idx %arg7[%parallel_loop3A_1499], %broadcast_in_dim3A_30 {add = true} : memref<21504xi32, #tpu.memory_space<vmem>>[vector<16xi32>], vector<16xi32>,
        %parallel_loop3A_1500 = arith.constant 1 : i32
        %parallel_loop3A_1501 = arith.constant 7 : i32
        %parallel_loop3A_1502 = arith.index_cast %parallel_loop3A_1500 : i32 to index
        %parallel_loop3A_1503 = arith.index_cast %parallel_loop3A_1501 : i32 to index
        %parallel_loop3A_1504 = arith.index_cast %parallel_loop3A_1383 : i32 to index
        %parallel_loop3A_1505 = tpu.vector_load %arg5[%parallel_loop3A_1502, %parallel_loop3A_1503, %parallel_loop3A_1504] {strides = array<i32>} : memref<2x21x2048xf32, #tpu.memory_space<vmem>>, vector<16xf32>,
        %parallel_loop3A_1506 = arith.constant 1.000000e+00 : f32
        %parallel_loop3A_1507 = vector.broadcast %parallel_loop3A_1506 : f32 to vector<16xf32>
        %parallel_loop3A_1508 = arith.addf %parallel_loop3A_1505, %parallel_loop3A_1507 : vector<16xf32>
        %parallel_loop3A_1509 = vector.bitcast %parallel_loop3A_1508 : vector<16xf32> to vector<16xi32>
        %parallel_loop3A_1510 = arith.constant 14 : i32
        %parallel_loop3A_1511 = vector.broadcast %parallel_loop3A_1510 : i32 to vector<16xi32>
        %parallel_loop3A_1512 = arith.shrsi %parallel_loop3A_1509, %parallel_loop3A_1511 : vector<16xi32>
        %parallel_loop3A_1513 = arith.constant -61440 : i32
        %parallel_loop3A_1514 = vector.broadcast %parallel_loop3A_1513 : i32 to vector<16xi32>
        %parallel_loop3A_1515 = arith.addi %parallel_loop3A_1512, %parallel_loop3A_1514 : vector<16xi32>
        tpu.vector_store_idx %arg7[%parallel_loop3A_1515], %broadcast_in_dim3A_30 {add = true} : memref<21504xi32, #tpu.memory_space<vmem>>[vector<16xi32>], vector<16xi32>,
        %parallel_loop3A_1516 = arith.constant 1 : i32
        %parallel_loop3A_1517 = arith.constant 8 : i32
        %parallel_loop3A_1518 = arith.index_cast %parallel_loop3A_1516 : i32 to index
        %parallel_loop3A_1519 = arith.index_cast %parallel_loop3A_1517 : i32 to index
        %parallel_loop3A_1520 = arith.index_cast %parallel_loop3A_1383 : i32 to index
        %parallel_loop3A_1521 = tpu.vector_load %arg5[%parallel_loop3A_1518, %parallel_loop3A_1519, %parallel_loop3A_1520] {strides = array<i32>} : memref<2x21x2048xf32, #tpu.memory_space<vmem>>, vector<16xf32>,
        %parallel_loop3A_1522 = arith.constant 1.000000e+00 : f32
        %parallel_loop3A_1523 = vector.broadcast %parallel_loop3A_1522 : f32 to vector<16xf32>
        %parallel_loop3A_1524 = arith.addf %parallel_loop3A_1521, %parallel_loop3A_1523 : vector<16xf32>
        %parallel_loop3A_1525 = vector.bitcast %parallel_loop3A_1524 : vector<16xf32> to vector<16xi32>
        %parallel_loop3A_1526 = arith.constant 14 : i32
        %parallel_loop3A_1527 = vector.broadcast %parallel_loop3A_1526 : i32 to vector<16xi32>
        %parallel_loop3A_1528 = arith.shrsi %parallel_loop3A_1525, %parallel_loop3A_1527 : vector<16xi32>
        %parallel_loop3A_1529 = arith.constant -60928 : i32
        %parallel_loop3A_1530 = vector.broadcast %parallel_loop3A_1529 : i32 to vector<16xi32>
        %parallel_loop3A_1531 = arith.addi %parallel_loop3A_1528, %parallel_loop3A_1530 : vector<16xi32>
        tpu.vector_store_idx %arg7[%parallel_loop3A_1531], %broadcast_in_dim3A_30 {add = true} : memref<21504xi32, #tpu.memory_space<vmem>>[vector<16xi32>], vector<16xi32>,
        %parallel_loop3A_1532 = arith.constant 1 : i32
        %parallel_loop3A_1533 = arith.constant 9 : i32
        %parallel_loop3A_1534 = arith.index_cast %parallel_loop3A_1532 : i32 to index
        %parallel_loop3A_1535 = arith.index_cast %parallel_loop3A_1533 : i32 to index
        %parallel_loop3A_1536 = arith.index_cast %parallel_loop3A_1383 : i32 to index
        %parallel_loop3A_1537 = tpu.vector_load %arg5[%parallel_loop3A_1534, %parallel_loop3A_1535, %parallel_loop3A_1536] {strides = array<i32>} : memref<2x21x2048xf32, #tpu.memory_space<vmem>>, vector<16xf32>,
        %parallel_loop3A_1538 = arith.constant 1.000000e+00 : f32
        %parallel_loop3A_1539 = vector.broadcast %parallel_loop3A_1538 : f32 to vector<16xf32>
        %parallel_loop3A_1540 = arith.addf %parallel_loop3A_1537, %parallel_loop3A_1539 : vector<16xf32>
        %parallel_loop3A_1541 = vector.bitcast %parallel_loop3A_1540 : vector<16xf32> to vector<16xi32>
        %parallel_loop3A_1542 = arith.constant 14 : i32
        %parallel_loop3A_1543 = vector.broadcast %parallel_loop3A_1542 : i32 to vector<16xi32>
        %parallel_loop3A_1544 = arith.shrsi %parallel_loop3A_1541, %parallel_loop3A_1543 : vector<16xi32>
        %parallel_loop3A_1545 = arith.constant -60416 : i32
        %parallel_loop3A_1546 = vector.broadcast %parallel_loop3A_1545 : i32 to vector<16xi32>
        %parallel_loop3A_1547 = arith.addi %parallel_loop3A_1544, %parallel_loop3A_1546 : vector<16xi32>
        tpu.vector_store_idx %arg7[%parallel_loop3A_1547], %broadcast_in_dim3A_30 {add = true} : memref<21504xi32, #tpu.memory_space<vmem>>[vector<16xi32>], vector<16xi32>,
        %parallel_loop3A_1548 = arith.constant 1 : i32
        %parallel_loop3A_1549 = arith.constant 10 : i32
        %parallel_loop3A_1550 = arith.index_cast %parallel_loop3A_1548 : i32 to index
        %parallel_loop3A_1551 = arith.index_cast %parallel_loop3A_1549 : i32 to index
        %parallel_loop3A_1552 = arith.index_cast %parallel_loop3A_1383 : i32 to index
        %parallel_loop3A_1553 = tpu.vector_load %arg5[%parallel_loop3A_1550, %parallel_loop3A_1551, %parallel_loop3A_1552] {strides = array<i32>} : memref<2x21x2048xf32, #tpu.memory_space<vmem>>, vector<16xf32>,
        %parallel_loop3A_1554 = arith.constant 1.000000e+00 : f32
        %parallel_loop3A_1555 = vector.broadcast %parallel_loop3A_1554 : f32 to vector<16xf32>
        %parallel_loop3A_1556 = arith.addf %parallel_loop3A_1553, %parallel_loop3A_1555 : vector<16xf32>
        %parallel_loop3A_1557 = vector.bitcast %parallel_loop3A_1556 : vector<16xf32> to vector<16xi32>
        %parallel_loop3A_1558 = arith.constant 14 : i32
        %parallel_loop3A_1559 = vector.broadcast %parallel_loop3A_1558 : i32 to vector<16xi32>
        %parallel_loop3A_1560 = arith.shrsi %parallel_loop3A_1557, %parallel_loop3A_1559 : vector<16xi32>
        %parallel_loop3A_1561 = arith.constant -59904 : i32
        %parallel_loop3A_1562 = vector.broadcast %parallel_loop3A_1561 : i32 to vector<16xi32>
        %parallel_loop3A_1563 = arith.addi %parallel_loop3A_1560, %parallel_loop3A_1562 : vector<16xi32>
        tpu.vector_store_idx %arg7[%parallel_loop3A_1563], %broadcast_in_dim3A_30 {add = true} : memref<21504xi32, #tpu.memory_space<vmem>>[vector<16xi32>], vector<16xi32>,
        %parallel_loop3A_1564 = arith.constant 1 : i32
        %parallel_loop3A_1565 = arith.constant 11 : i32
        %parallel_loop3A_1566 = arith.index_cast %parallel_loop3A_1564 : i32 to index
        %parallel_loop3A_1567 = arith.index_cast %parallel_loop3A_1565 : i32 to index
        %parallel_loop3A_1568 = arith.index_cast %parallel_loop3A_1383 : i32 to index
        %parallel_loop3A_1569 = tpu.vector_load %arg5[%parallel_loop3A_1566, %parallel_loop3A_1567, %parallel_loop3A_1568] {strides = array<i32>} : memref<2x21x2048xf32, #tpu.memory_space<vmem>>, vector<16xf32>,
        %parallel_loop3A_1570 = arith.constant 1.000000e+00 : f32
        %parallel_loop3A_1571 = vector.broadcast %parallel_loop3A_1570 : f32 to vector<16xf32>
        %parallel_loop3A_1572 = arith.addf %parallel_loop3A_1569, %parallel_loop3A_1571 : vector<16xf32>
        %parallel_loop3A_1573 = vector.bitcast %parallel_loop3A_1572 : vector<16xf32> to vector<16xi32>
        %parallel_loop3A_1574 = arith.constant 14 : i32
        %parallel_loop3A_1575 = vector.broadcast %parallel_loop3A_1574 : i32 to vector<16xi32>
        %parallel_loop3A_1576 = arith.shrsi %parallel_loop3A_1573, %parallel_loop3A_1575 : vector<16xi32>
        %parallel_loop3A_1577 = arith.constant -59392 : i32
        %parallel_loop3A_1578 = vector.broadcast %parallel_loop3A_1577 : i32 to vector<16xi32>
        %parallel_loop3A_1579 = arith.addi %parallel_loop3A_1576, %parallel_loop3A_1578 : vector<16xi32>
        tpu.vector_store_idx %arg7[%parallel_loop3A_1579], %broadcast_in_dim3A_30 {add = true} : memref<21504xi32, #tpu.memory_space<vmem>>[vector<16xi32>], vector<16xi32>,
        %parallel_loop3A_1580 = arith.constant 1 : i32
        %parallel_loop3A_1581 = arith.constant 12 : i32
        %parallel_loop3A_1582 = arith.index_cast %parallel_loop3A_1580 : i32 to index
        %parallel_loop3A_1583 = arith.index_cast %parallel_loop3A_1581 : i32 to index
        %parallel_loop3A_1584 = arith.index_cast %parallel_loop3A_1383 : i32 to index
        %parallel_loop3A_1585 = tpu.vector_load %arg5[%parallel_loop3A_1582, %parallel_loop3A_1583, %parallel_loop3A_1584] {strides = array<i32>} : memref<2x21x2048xf32, #tpu.memory_space<vmem>>, vector<16xf32>,
        %parallel_loop3A_1586 = arith.constant 1.000000e+00 : f32
        %parallel_loop3A_1587 = vector.broadcast %parallel_loop3A_1586 : f32 to vector<16xf32>
        %parallel_loop3A_1588 = arith.addf %parallel_loop3A_1585, %parallel_loop3A_1587 : vector<16xf32>
        %parallel_loop3A_1589 = vector.bitcast %parallel_loop3A_1588 : vector<16xf32> to vector<16xi32>
        %parallel_loop3A_1590 = arith.constant 14 : i32
        %parallel_loop3A_1591 = vector.broadcast %parallel_loop3A_1590 : i32 to vector<16xi32>
        %parallel_loop3A_1592 = arith.shrsi %parallel_loop3A_1589, %parallel_loop3A_1591 : vector<16xi32>
        %parallel_loop3A_1593 = arith.constant -58880 : i32
        %parallel_loop3A_1594 = vector.broadcast %parallel_loop3A_1593 : i32 to vector<16xi32>
        %parallel_loop3A_1595 = arith.addi %parallel_loop3A_1592, %parallel_loop3A_1594 : vector<16xi32>
        tpu.vector_store_idx %arg7[%parallel_loop3A_1595], %broadcast_in_dim3A_30 {add = true} : memref<21504xi32, #tpu.memory_space<vmem>>[vector<16xi32>], vector<16xi32>,
        %parallel_loop3A_1596 = arith.constant 1 : i32
        %parallel_loop3A_1597 = arith.constant 13 : i32
        %parallel_loop3A_1598 = arith.index_cast %parallel_loop3A_1596 : i32 to index
        %parallel_loop3A_1599 = arith.index_cast %parallel_loop3A_1597 : i32 to index
        %parallel_loop3A_1600 = arith.index_cast %parallel_loop3A_1383 : i32 to index
        %parallel_loop3A_1601 = tpu.vector_load %arg5[%parallel_loop3A_1598, %parallel_loop3A_1599, %parallel_loop3A_1600] {strides = array<i32>} : memref<2x21x2048xf32, #tpu.memory_space<vmem>>, vector<16xf32>,
        %parallel_loop3A_1602 = arith.constant 1.000000e+00 : f32
        %parallel_loop3A_1603 = vector.broadcast %parallel_loop3A_1602 : f32 to vector<16xf32>
        %parallel_loop3A_1604 = arith.addf %parallel_loop3A_1601, %parallel_loop3A_1603 : vector<16xf32>
        %parallel_loop3A_1605 = vector.bitcast %parallel_loop3A_1604 : vector<16xf32> to vector<16xi32>
        %parallel_loop3A_1606 = arith.constant 14 : i32
        %parallel_loop3A_1607 = vector.broadcast %parallel_loop3A_1606 : i32 to vector<16xi32>
        %parallel_loop3A_1608 = arith.shrsi %parallel_loop3A_1605, %parallel_loop3A_1607 : vector<16xi32>
        %parallel_loop3A_1609 = arith.constant -58368 : i32
        %parallel_loop3A_1610 = vector.broadcast %parallel_loop3A_1609 : i32 to vector<16xi32>
        %parallel_loop3A_1611 = arith.addi %parallel_loop3A_1608, %parallel_loop3A_1610 : vector<16xi32>
        tpu.vector_store_idx %arg7[%parallel_loop3A_1611], %broadcast_in_dim3A_30 {add = true} : memref<21504xi32, #tpu.memory_space<vmem>>[vector<16xi32>], vector<16xi32>,
        %parallel_loop3A_1612 = arith.constant 1 : i32
        %parallel_loop3A_1613 = arith.constant 14 : i32
        %parallel_loop3A_1614 = arith.index_cast %parallel_loop3A_1612 : i32 to index
        %parallel_loop3A_1615 = arith.index_cast %parallel_loop3A_1613 : i32 to index
        %parallel_loop3A_1616 = arith.index_cast %parallel_loop3A_1383 : i32 to index
        %parallel_loop3A_1617 = tpu.vector_load %arg5[%parallel_loop3A_1614, %parallel_loop3A_1615, %parallel_loop3A_1616] {strides = array<i32>} : memref<2x21x2048xf32, #tpu.memory_space<vmem>>, vector<16xf32>,
        %parallel_loop3A_1618 = arith.constant 1.000000e+00 : f32
        %parallel_loop3A_1619 = vector.broadcast %parallel_loop3A_1618 : f32 to vector<16xf32>
        %parallel_loop3A_1620 = arith.addf %parallel_loop3A_1617, %parallel_loop3A_1619 : vector<16xf32>
        %parallel_loop3A_1621 = vector.bitcast %parallel_loop3A_1620 : vector<16xf32> to vector<16xi32>
        %parallel_loop3A_1622 = arith.constant 14 : i32
        %parallel_loop3A_1623 = vector.broadcast %parallel_loop3A_1622 : i32 to vector<16xi32>
        %parallel_loop3A_1624 = arith.shrsi %parallel_loop3A_1621, %parallel_loop3A_1623 : vector<16xi32>
        %parallel_loop3A_1625 = arith.constant -57856 : i32
        %parallel_loop3A_1626 = vector.broadcast %parallel_loop3A_1625 : i32 to vector<16xi32>
        %parallel_loop3A_1627 = arith.addi %parallel_loop3A_1624, %parallel_loop3A_1626 : vector<16xi32>
        tpu.vector_store_idx %arg7[%parallel_loop3A_1627], %broadcast_in_dim3A_30 {add = true} : memref<21504xi32, #tpu.memory_space<vmem>>[vector<16xi32>], vector<16xi32>,
        %parallel_loop3A_1628 = arith.constant 1 : i32
        %parallel_loop3A_1629 = arith.constant 15 : i32
        %parallel_loop3A_1630 = arith.index_cast %parallel_loop3A_1628 : i32 to index
        %parallel_loop3A_1631 = arith.index_cast %parallel_loop3A_1629 : i32 to index
        %parallel_loop3A_1632 = arith.index_cast %parallel_loop3A_1383 : i32 to index
        %parallel_loop3A_1633 = tpu.vector_load %arg5[%parallel_loop3A_1630, %parallel_loop3A_1631, %parallel_loop3A_1632] {strides = array<i32>} : memref<2x21x2048xf32, #tpu.memory_space<vmem>>, vector<16xf32>,
        %parallel_loop3A_1634 = arith.constant 1.000000e+00 : f32
        %parallel_loop3A_1635 = vector.broadcast %parallel_loop3A_1634 : f32 to vector<16xf32>
        %parallel_loop3A_1636 = arith.addf %parallel_loop3A_1633, %parallel_loop3A_1635 : vector<16xf32>
        %parallel_loop3A_1637 = vector.bitcast %parallel_loop3A_1636 : vector<16xf32> to vector<16xi32>
        %parallel_loop3A_1638 = arith.constant 14 : i32
        %parallel_loop3A_1639 = vector.broadcast %parallel_loop3A_1638 : i32 to vector<16xi32>
        %parallel_loop3A_1640 = arith.shrsi %parallel_loop3A_1637, %parallel_loop3A_1639 : vector<16xi32>
        %parallel_loop3A_1641 = arith.constant -57344 : i32
        %parallel_loop3A_1642 = vector.broadcast %parallel_loop3A_1641 : i32 to vector<16xi32>
        %parallel_loop3A_1643 = arith.addi %parallel_loop3A_1640, %parallel_loop3A_1642 : vector<16xi32>
        tpu.vector_store_idx %arg7[%parallel_loop3A_1643], %broadcast_in_dim3A_30 {add = true} : memref<21504xi32, #tpu.memory_space<vmem>>[vector<16xi32>], vector<16xi32>,
        %parallel_loop3A_1644 = arith.constant 1 : i32
        %parallel_loop3A_1645 = arith.constant 16 : i32
        %parallel_loop3A_1646 = arith.index_cast %parallel_loop3A_1644 : i32 to index
        %parallel_loop3A_1647 = arith.index_cast %parallel_loop3A_1645 : i32 to index
        %parallel_loop3A_1648 = arith.index_cast %parallel_loop3A_1383 : i32 to index
        %parallel_loop3A_1649 = tpu.vector_load %arg5[%parallel_loop3A_1646, %parallel_loop3A_1647, %parallel_loop3A_1648] {strides = array<i32>} : memref<2x21x2048xf32, #tpu.memory_space<vmem>>, vector<16xf32>,
        %parallel_loop3A_1650 = arith.constant 1.000000e+00 : f32
        %parallel_loop3A_1651 = vector.broadcast %parallel_loop3A_1650 : f32 to vector<16xf32>
        %parallel_loop3A_1652 = arith.addf %parallel_loop3A_1649, %parallel_loop3A_1651 : vector<16xf32>
        %parallel_loop3A_1653 = vector.bitcast %parallel_loop3A_1652 : vector<16xf32> to vector<16xi32>
        %parallel_loop3A_1654 = arith.constant 14 : i32
        %parallel_loop3A_1655 = vector.broadcast %parallel_loop3A_1654 : i32 to vector<16xi32>
        %parallel_loop3A_1656 = arith.shrsi %parallel_loop3A_1653, %parallel_loop3A_1655 : vector<16xi32>
        %parallel_loop3A_1657 = arith.constant -56832 : i32
        %parallel_loop3A_1658 = vector.broadcast %parallel_loop3A_1657 : i32 to vector<16xi32>
        %parallel_loop3A_1659 = arith.addi %parallel_loop3A_1656, %parallel_loop3A_1658 : vector<16xi32>
        tpu.vector_store_idx %arg7[%parallel_loop3A_1659], %broadcast_in_dim3A_30 {add = true} : memref<21504xi32, #tpu.memory_space<vmem>>[vector<16xi32>], vector<16xi32>,
        %parallel_loop3A_1660 = arith.constant 1 : i32
        %parallel_loop3A_1661 = arith.constant 17 : i32
        %parallel_loop3A_1662 = arith.index_cast %parallel_loop3A_1660 : i32 to index
        %parallel_loop3A_1663 = arith.index_cast %parallel_loop3A_1661 : i32 to index
        %parallel_loop3A_1664 = arith.index_cast %parallel_loop3A_1383 : i32 to index
        %parallel_loop3A_1665 = tpu.vector_load %arg5[%parallel_loop3A_1662, %parallel_loop3A_1663, %parallel_loop3A_1664] {strides = array<i32>} : memref<2x21x2048xf32, #tpu.memory_space<vmem>>, vector<16xf32>,
        %parallel_loop3A_1666 = arith.constant 1.000000e+00 : f32
        %parallel_loop3A_1667 = vector.broadcast %parallel_loop3A_1666 : f32 to vector<16xf32>
        %parallel_loop3A_1668 = arith.addf %parallel_loop3A_1665, %parallel_loop3A_1667 : vector<16xf32>
        %parallel_loop3A_1669 = vector.bitcast %parallel_loop3A_1668 : vector<16xf32> to vector<16xi32>
        %parallel_loop3A_1670 = arith.constant 14 : i32
        %parallel_loop3A_1671 = vector.broadcast %parallel_loop3A_1670 : i32 to vector<16xi32>
        %parallel_loop3A_1672 = arith.shrsi %parallel_loop3A_1669, %parallel_loop3A_1671 : vector<16xi32>
        %parallel_loop3A_1673 = arith.constant -56320 : i32
        %parallel_loop3A_1674 = vector.broadcast %parallel_loop3A_1673 : i32 to vector<16xi32>
        %parallel_loop3A_1675 = arith.addi %parallel_loop3A_1672, %parallel_loop3A_1674 : vector<16xi32>
        tpu.vector_store_idx %arg7[%parallel_loop3A_1675], %broadcast_in_dim3A_30 {add = true} : memref<21504xi32, #tpu.memory_space<vmem>>[vector<16xi32>], vector<16xi32>,
        %parallel_loop3A_1676 = arith.constant 1 : i32
        %parallel_loop3A_1677 = arith.constant 18 : i32
        %parallel_loop3A_1678 = arith.index_cast %parallel_loop3A_1676 : i32 to index
        %parallel_loop3A_1679 = arith.index_cast %parallel_loop3A_1677 : i32 to index
        %parallel_loop3A_1680 = arith.index_cast %parallel_loop3A_1383 : i32 to index
        %parallel_loop3A_1681 = tpu.vector_load %arg5[%parallel_loop3A_1678, %parallel_loop3A_1679, %parallel_loop3A_1680] {strides = array<i32>} : memref<2x21x2048xf32, #tpu.memory_space<vmem>>, vector<16xf32>,
        %parallel_loop3A_1682 = arith.constant 1.000000e+00 : f32
        %parallel_loop3A_1683 = vector.broadcast %parallel_loop3A_1682 : f32 to vector<16xf32>
        %parallel_loop3A_1684 = arith.addf %parallel_loop3A_1681, %parallel_loop3A_1683 : vector<16xf32>
        %parallel_loop3A_1685 = vector.bitcast %parallel_loop3A_1684 : vector<16xf32> to vector<16xi32>
        %parallel_loop3A_1686 = arith.constant 14 : i32
        %parallel_loop3A_1687 = vector.broadcast %parallel_loop3A_1686 : i32 to vector<16xi32>
        %parallel_loop3A_1688 = arith.shrsi %parallel_loop3A_1685, %parallel_loop3A_1687 : vector<16xi32>
        %parallel_loop3A_1689 = arith.constant -55808 : i32
        %parallel_loop3A_1690 = vector.broadcast %parallel_loop3A_1689 : i32 to vector<16xi32>
        %parallel_loop3A_1691 = arith.addi %parallel_loop3A_1688, %parallel_loop3A_1690 : vector<16xi32>
        tpu.vector_store_idx %arg7[%parallel_loop3A_1691], %broadcast_in_dim3A_30 {add = true} : memref<21504xi32, #tpu.memory_space<vmem>>[vector<16xi32>], vector<16xi32>,
        %parallel_loop3A_1692 = arith.constant 1 : i32
        %parallel_loop3A_1693 = arith.constant 19 : i32
        %parallel_loop3A_1694 = arith.index_cast %parallel_loop3A_1692 : i32 to index
        %parallel_loop3A_1695 = arith.index_cast %parallel_loop3A_1693 : i32 to index
        %parallel_loop3A_1696 = arith.index_cast %parallel_loop3A_1383 : i32 to index
        %parallel_loop3A_1697 = tpu.vector_load %arg5[%parallel_loop3A_1694, %parallel_loop3A_1695, %parallel_loop3A_1696] {strides = array<i32>} : memref<2x21x2048xf32, #tpu.memory_space<vmem>>, vector<16xf32>,
        %parallel_loop3A_1698 = arith.constant 1.000000e+00 : f32
        %parallel_loop3A_1699 = vector.broadcast %parallel_loop3A_1698 : f32 to vector<16xf32>
        %parallel_loop3A_1700 = arith.addf %parallel_loop3A_1697, %parallel_loop3A_1699 : vector<16xf32>
        %parallel_loop3A_1701 = vector.bitcast %parallel_loop3A_1700 : vector<16xf32> to vector<16xi32>
        %parallel_loop3A_1702 = arith.constant 14 : i32
        %parallel_loop3A_1703 = vector.broadcast %parallel_loop3A_1702 : i32 to vector<16xi32>
        %parallel_loop3A_1704 = arith.shrsi %parallel_loop3A_1701, %parallel_loop3A_1703 : vector<16xi32>
        %parallel_loop3A_1705 = arith.constant -55296 : i32
        %parallel_loop3A_1706 = vector.broadcast %parallel_loop3A_1705 : i32 to vector<16xi32>
        %parallel_loop3A_1707 = arith.addi %parallel_loop3A_1704, %parallel_loop3A_1706 : vector<16xi32>
        tpu.vector_store_idx %arg7[%parallel_loop3A_1707], %broadcast_in_dim3A_30 {add = true} : memref<21504xi32, #tpu.memory_space<vmem>>[vector<16xi32>], vector<16xi32>,
        %parallel_loop3A_1708 = arith.constant 1 : i32
        %parallel_loop3A_1709 = arith.constant 20 : i32
        %parallel_loop3A_1710 = arith.index_cast %parallel_loop3A_1708 : i32 to index
        %parallel_loop3A_1711 = arith.index_cast %parallel_loop3A_1709 : i32 to index
        %parallel_loop3A_1712 = arith.index_cast %parallel_loop3A_1383 : i32 to index
        %parallel_loop3A_1713 = tpu.vector_load %arg5[%parallel_loop3A_1710, %parallel_loop3A_1711, %parallel_loop3A_1712] {strides = array<i32>} : memref<2x21x2048xf32, #tpu.memory_space<vmem>>, vector<16xf32>,
        %parallel_loop3A_1714 = arith.constant 1.000000e+00 : f32
        %parallel_loop3A_1715 = vector.broadcast %parallel_loop3A_1714 : f32 to vector<16xf32>
        %parallel_loop3A_1716 = arith.addf %parallel_loop3A_1713, %parallel_loop3A_1715 : vector<16xf32>
        %parallel_loop3A_1717 = vector.bitcast %parallel_loop3A_1716 : vector<16xf32> to vector<16xi32>
        %parallel_loop3A_1718 = arith.constant 14 : i32
        %parallel_loop3A_1719 = vector.broadcast %parallel_loop3A_1718 : i32 to vector<16xi32>
        %parallel_loop3A_1720 = arith.shrsi %parallel_loop3A_1717, %parallel_loop3A_1719 : vector<16xi32>
        %parallel_loop3A_1721 = arith.constant -54784 : i32
        %parallel_loop3A_1722 = vector.broadcast %parallel_loop3A_1721 : i32 to vector<16xi32>
        %parallel_loop3A_1723 = arith.addi %parallel_loop3A_1720, %parallel_loop3A_1722 : vector<16xi32>
        tpu.vector_store_idx %arg7[%parallel_loop3A_1723], %broadcast_in_dim3A_30 {add = true} : memref<21504xi32, #tpu.memory_space<vmem>>[vector<16xi32>], vector<16xi32>,
        %parallel_loop3A_1724 = vector.broadcast %parallel_loop3A_1383 : i32 to vector<16xi32>
        %parallel_loop3A_1725 = arith.addi %iota3A, %parallel_loop3A_1724 : vector<16xi32>
        %parallel_loop3A_1726 = arith.constant 1 : i32
        %parallel_loop3A_1727 = arith.constant 0 : i32
        %parallel_loop3A_1728 = arith.constant 0 : i32
        %parallel_loop3A_1729 = tpu.memref_slice %arg5[%parallel_loop3A_1726, %parallel_loop3A_1727, %parallel_loop3A_1728] : memref<2x21x2048xf32, #tpu.memory_space<vmem>> -> memref<1x21x2048xf32, #tpu.memory_space<vmem>>
        %parallel_loop3A_1730 = tpu.memref_squeeze %parallel_loop3A_1729 : memref<1x21x2048xf32, #tpu.memory_space<vmem>> -> memref<21x2048xf32, #tpu.memory_space<vmem>>
        %parallel_loop3A_1731 = tpu.vector_load_idx %parallel_loop3A_1730[%parallel_loop3A_1387, %parallel_loop3A_1725] : memref<21x2048xf32, #tpu.memory_space<vmem>>[vector<16xi32>, vector<16xi32>], vector<16xf32>,
        %parallel_loop3A_1732 = arith.constant 9 : i32
        %parallel_loop3A_1733 = vector.broadcast %parallel_loop3A_1732 : i32 to vector<16xi32>
        %parallel_loop3A_1734 = arith.shli %parallel_loop3A_1387, %parallel_loop3A_1733 : vector<16xi32>
        %parallel_loop3A_1735 = arith.constant 1.000000e+00 : f32
        %parallel_loop3A_1736 = vector.broadcast %parallel_loop3A_1735 : f32 to vector<16xf32>
        %parallel_loop3A_1737 = arith.addf %parallel_loop3A_1731, %parallel_loop3A_1736 : vector<16xf32>
        %parallel_loop3A_1738 = vector.bitcast %parallel_loop3A_1737 : vector<16xf32> to vector<16xi32>
        %parallel_loop3A_1739 = arith.constant 14 : i32
        %parallel_loop3A_1740 = vector.broadcast %parallel_loop3A_1739 : i32 to vector<16xi32>
        %parallel_loop3A_1741 = arith.shrsi %parallel_loop3A_1738, %parallel_loop3A_1740 : vector<16xi32>
        %parallel_loop3A_1742 = arith.addi %parallel_loop3A_1741, %parallel_loop3A_1734 : vector<16xi32>
        %parallel_loop3A_1743 = arith.constant 65024 : i32
        %parallel_loop3A_1744 = vector.broadcast %parallel_loop3A_1743 : i32 to vector<16xi32>
        %parallel_loop3A_1745 = arith.subi %parallel_loop3A_1742, %parallel_loop3A_1744 : vector<16xi32>
        tpu.vector_store_idx %arg7[%parallel_loop3A_1745], %broadcast_in_dim3A_32 {add = true} : memref<21504xi32, #tpu.memory_space<vmem>>[vector<16xi32>], vector<16xi32>,
        %parallel_loop3A_1746 = arith.constant 2.000000e+00 : f32
        %parallel_loop3A_1747 = vector.broadcast %parallel_loop3A_1746 : f32 to vector<16xf32>
        %parallel_loop3A_1748 = arith.subf %parallel_loop3A_1747, %parallel_loop3A_1731 : vector<16xf32>
        %parallel_loop3A_1749 = vector.bitcast %parallel_loop3A_1748 : vector<16xf32> to vector<16xi32>
        %parallel_loop3A_1750 = arith.constant 14 : i32
        %parallel_loop3A_1751 = vector.broadcast %parallel_loop3A_1750 : i32 to vector<16xi32>
        %parallel_loop3A_1752 = arith.shrsi %parallel_loop3A_1749, %parallel_loop3A_1751 : vector<16xi32>
        %parallel_loop3A_1753 = arith.constant 65535 : i32
        %parallel_loop3A_1754 = vector.broadcast %parallel_loop3A_1753 : i32 to vector<16xi32>
        %parallel_loop3A_1755 = arith.minsi %parallel_loop3A_1752, %parallel_loop3A_1754 : vector<16xi32>
        %parallel_loop3A_1756 = arith.addi %parallel_loop3A_1755, %parallel_loop3A_1734 : vector<16xi32>
        %parallel_loop3A_1757 = arith.constant -54272 : i32
        %parallel_loop3A_1758 = vector.broadcast %parallel_loop3A_1757 : i32 to vector<16xi32>
        %parallel_loop3A_1759 = arith.addi %parallel_loop3A_1756, %parallel_loop3A_1758 : vector<16xi32>
        tpu.vector_store_idx %arg7[%parallel_loop3A_1759], %broadcast_in_dim3A_30 {add = true} : memref<21504xi32, #tpu.memory_space<vmem>>[vector<16xi32>], vector<16xi32>,
      } {sc.loop_unroll_factor = 1 : i64, sc.parallel_access}
      %add3A_1373 = arith.constant 2 : i32
      %add3A_1374 = arith.addi %add3A_1039, %add3A_1373 : i32
      %lt3A_1375 = arith.constant 16 : i32
      %lt3A_1376 = arith.cmpi slt, %add3A_1374, %lt3A_1375 : i32
      %convert_element_type3A_1377 = arith.extui %lt3A_1376 : i1 to i32
      %cond3A_1378 = arith.constant 0 : i32
      %cond3A_1379 = arith.cmpi ne, %convert_element_type3A_1377, %cond3A_1378 : i32
      scf.if %cond3A_1379 {
        %add3A_1381 = arith.constant 2 : i32
        %add3A_1382 = arith.addi %add3A_1039, %add3A_1381 : i32
        %mul3A_1383 = arith.constant 2048 : i32
        %mul3A_1384 = arith.muli %add3A_1382, %mul3A_1383 : i32
        %add3A_1385 = arith.addi %sub3A_21, %mul3A_1384 : i32
        %add3A_1386 = arith.constant 0 : i32
        %add3A_1387 = arith.addi %mul3A_23, %add3A_1386 : i32
        %mul3A_1388 = arith.constant 262144 : i32
        %mul3A_1389 = arith.muli %add3A_1387, %mul3A_1388 : i32
        %add3A_1390 = arith.addi %mul3A_1389, %add3A_1385 : i32
        %add3A_1391 = arith.constant 1 : i32
        %add3A_1392 = arith.addi %mul3A_23, %add3A_1391 : i32
        %mul3A_1393 = arith.constant 262144 : i32
        %mul3A_1394 = arith.muli %add3A_1392, %mul3A_1393 : i32
        %add3A_1395 = arith.addi %mul3A_1394, %add3A_1385 : i32
        %add3A_1396 = arith.constant 2 : i32
        %add3A_1397 = arith.addi %mul3A_23, %add3A_1396 : i32
        %mul3A_1398 = arith.constant 262144 : i32
        %mul3A_1399 = arith.muli %add3A_1397, %mul3A_1398 : i32
        %add3A_1400 = arith.addi %mul3A_1399, %add3A_1385 : i32
        %add3A_1401 = arith.constant 3 : i32
        %add3A_1402 = arith.addi %mul3A_23, %add3A_1401 : i32
        %mul3A_1403 = arith.constant 262144 : i32
        %mul3A_1404 = arith.muli %add3A_1402, %mul3A_1403 : i32
        %add3A_1405 = arith.addi %mul3A_1404, %add3A_1385 : i32
        %add3A_1406 = arith.constant 4 : i32
        %add3A_1407 = arith.addi %mul3A_23, %add3A_1406 : i32
        %mul3A_1408 = arith.constant 262144 : i32
        %mul3A_1409 = arith.muli %add3A_1407, %mul3A_1408 : i32
        %add3A_1410 = arith.addi %mul3A_1409, %add3A_1385 : i32
        %add3A_1411 = arith.constant 5 : i32
        %add3A_1412 = arith.addi %mul3A_23, %add3A_1411 : i32
        %mul3A_1413 = arith.constant 262144 : i32
        %mul3A_1414 = arith.muli %add3A_1412, %mul3A_1413 : i32
        %add3A_1415 = arith.addi %mul3A_1414, %add3A_1385 : i32
        %add3A_1416 = arith.constant 6 : i32
        %add3A_1417 = arith.addi %mul3A_23, %add3A_1416 : i32
        %mul3A_1418 = arith.constant 262144 : i32
        %mul3A_1419 = arith.muli %add3A_1417, %mul3A_1418 : i32
        %add3A_1420 = arith.addi %mul3A_1419, %add3A_1385 : i32
        %add3A_1421 = arith.constant 7 : i32
        %add3A_1422 = arith.addi %mul3A_23, %add3A_1421 : i32
        %mul3A_1423 = arith.constant 262144 : i32
        %mul3A_1424 = arith.muli %add3A_1422, %mul3A_1423 : i32
        %add3A_1425 = arith.addi %mul3A_1424, %add3A_1385 : i32
        %add3A_1426 = arith.constant 8 : i32
        %add3A_1427 = arith.addi %mul3A_23, %add3A_1426 : i32
        %mul3A_1428 = arith.constant 262144 : i32
        %mul3A_1429 = arith.muli %add3A_1427, %mul3A_1428 : i32
        %add3A_1430 = arith.addi %mul3A_1429, %add3A_1385 : i32
        %add3A_1431 = arith.constant 9 : i32
        %add3A_1432 = arith.addi %mul3A_23, %add3A_1431 : i32
        %mul3A_1433 = arith.constant 262144 : i32
        %mul3A_1434 = arith.muli %add3A_1432, %mul3A_1433 : i32
        %add3A_1435 = arith.addi %mul3A_1434, %add3A_1385 : i32
        %add3A_1436 = arith.constant 10 : i32
        %add3A_1437 = arith.addi %mul3A_23, %add3A_1436 : i32
        %mul3A_1438 = arith.constant 262144 : i32
        %mul3A_1439 = arith.muli %add3A_1437, %mul3A_1438 : i32
        %add3A_1440 = arith.addi %mul3A_1439, %add3A_1385 : i32
        %add3A_1441 = arith.constant 11 : i32
        %add3A_1442 = arith.addi %mul3A_23, %add3A_1441 : i32
        %mul3A_1443 = arith.constant 262144 : i32
        %mul3A_1444 = arith.muli %add3A_1442, %mul3A_1443 : i32
        %add3A_1445 = arith.addi %mul3A_1444, %add3A_1385 : i32
        %add3A_1446 = arith.constant 12 : i32
        %add3A_1447 = arith.addi %mul3A_23, %add3A_1446 : i32
        %mul3A_1448 = arith.constant 262144 : i32
        %mul3A_1449 = arith.muli %add3A_1447, %mul3A_1448 : i32
        %add3A_1450 = arith.addi %mul3A_1449, %add3A_1385 : i32
        %add3A_1451 = arith.constant 13 : i32
        %add3A_1452 = arith.addi %mul3A_23, %add3A_1451 : i32
        %mul3A_1453 = arith.constant 262144 : i32
        %mul3A_1454 = arith.muli %add3A_1452, %mul3A_1453 : i32
        %add3A_1455 = arith.addi %mul3A_1454, %add3A_1385 : i32
        %add3A_1456 = arith.constant 14 : i32
        %add3A_1457 = arith.addi %mul3A_23, %add3A_1456 : i32
        %mul3A_1458 = arith.constant 262144 : i32
        %mul3A_1459 = arith.muli %add3A_1457, %mul3A_1458 : i32
        %add3A_1460 = arith.addi %mul3A_1459, %add3A_1385 : i32
        %add3A_1461 = arith.constant 15 : i32
        %add3A_1462 = arith.addi %mul3A_23, %add3A_1461 : i32
        %mul3A_1463 = arith.constant 262144 : i32
        %mul3A_1464 = arith.muli %add3A_1462, %mul3A_1463 : i32
        %add3A_1465 = arith.addi %mul3A_1464, %add3A_1385 : i32
        %add3A_1466 = arith.constant 16 : i32
        %add3A_1467 = arith.addi %mul3A_23, %add3A_1466 : i32
        %mul3A_1468 = arith.constant 262144 : i32
        %mul3A_1469 = arith.muli %add3A_1467, %mul3A_1468 : i32
        %add3A_1470 = arith.addi %mul3A_1469, %add3A_1385 : i32
        %add3A_1471 = arith.constant 17 : i32
        %add3A_1472 = arith.addi %mul3A_23, %add3A_1471 : i32
        %mul3A_1473 = arith.constant 262144 : i32
        %mul3A_1474 = arith.muli %add3A_1472, %mul3A_1473 : i32
        %add3A_1475 = arith.addi %mul3A_1474, %add3A_1385 : i32
        %add3A_1476 = arith.constant 18 : i32
        %add3A_1477 = arith.addi %mul3A_23, %add3A_1476 : i32
        %mul3A_1478 = arith.constant 262144 : i32
        %mul3A_1479 = arith.muli %add3A_1477, %mul3A_1478 : i32
        %add3A_1480 = arith.addi %mul3A_1479, %add3A_1385 : i32
        %add3A_1481 = arith.constant 19 : i32
        %add3A_1482 = arith.addi %mul3A_23, %add3A_1481 : i32
        %mul3A_1483 = arith.constant 262144 : i32
        %mul3A_1484 = arith.muli %add3A_1482, %mul3A_1483 : i32
        %add3A_1485 = arith.addi %mul3A_1484, %add3A_1385 : i32
        %add3A_1486 = arith.constant 20 : i32
        %add3A_1487 = arith.addi %mul3A_23, %add3A_1486 : i32
        %mul3A_1488 = arith.constant 262144 : i32
        %mul3A_1489 = arith.muli %add3A_1487, %mul3A_1488 : i32
        %add3A_1490 = arith.addi %mul3A_1489, %add3A_1385 : i32
        %mul3A_1491 = arith.constant 2048 : i32
        %mul3A_1492 = arith.muli %add3A_1382, %mul3A_1491 : i32
        %add3A_1493 = arith.addi %mul3A_2, %mul3A_1492 : i32
        %dma_start3A_1494 = arith.constant 1 : i32
        %dma_start3A_1495 = arith.constant 0 : i32
        %dma_start3A_1496 = arith.constant 0 : i32
        %dma_start3A_1497 = tpu.memref_slice %arg5[%dma_start3A_1494, %dma_start3A_1495, %dma_start3A_1496] : memref<2x21x2048xf32, #tpu.memory_space<vmem>> -> memref<1x1x2048xf32, #tpu.memory_space<vmem>>
        %dma_start3A_1498 = tpu.memref_squeeze %dma_start3A_1497 : memref<1x1x2048xf32, #tpu.memory_space<vmem>> -> memref<2048xf32, #tpu.memory_space<vmem>>
        %dma_start3A_1499 = tpu.memref_slice %arg2[%add3A_1390] : memref<22020096xf32, #tpu.memory_space<hbm>> -> memref<2048xf32, #tpu.memory_space<hbm>>
        %dma_start3A_1500 = arith.constant 0 : i32
        %dma_start3A_1501 = tpu.memref_slice %arg5[%dma_start3A_1494, %dma_start3A_1495, %dma_start3A_1500] : memref<2x21x2048xf32, #tpu.memory_space<vmem>> -> memref<1x1x2048xf32, #tpu.memory_space<vmem>>
        %dma_start3A_1502 = tpu.memref_squeeze %dma_start3A_1501 : memref<1x1x2048xf32, #tpu.memory_space<vmem>> -> memref<2048xf32, #tpu.memory_space<vmem>>
        %dma_start3A_1503 = tpu.memref_slice %arg2[%add3A_1390] : memref<22020096xf32, #tpu.memory_space<hbm>> -> memref<2048xf32, #tpu.memory_space<hbm>>
        tpu.enqueue_dma source(%dma_start3A_1503 : memref<2048xf32, #tpu.memory_space<hbm>>) target(%dma_start3A_1502 : memref<2048xf32, #tpu.memory_space<vmem>>) target_semaphore(%arg9 : memref<!tpu.dma_semaphore, #tpu.memory_space<semaphore_mem>>)
        %dma_start3A_1504 = arith.constant 1 : i32
        %dma_start3A_1505 = arith.constant 1 : i32
        %dma_start3A_1506 = arith.constant 0 : i32
        %dma_start3A_1507 = tpu.memref_slice %arg5[%dma_start3A_1504, %dma_start3A_1505, %dma_start3A_1506] : memref<2x21x2048xf32, #tpu.memory_space<vmem>> -> memref<1x1x2048xf32, #tpu.memory_space<vmem>>
        %dma_start3A_1508 = tpu.memref_squeeze %dma_start3A_1507 : memref<1x1x2048xf32, #tpu.memory_space<vmem>> -> memref<2048xf32, #tpu.memory_space<vmem>>
        %dma_start3A_1509 = tpu.memref_slice %arg2[%add3A_1395] : memref<22020096xf32, #tpu.memory_space<hbm>> -> memref<2048xf32, #tpu.memory_space<hbm>>
        %dma_start3A_1510 = arith.constant 0 : i32
        %dma_start3A_1511 = tpu.memref_slice %arg5[%dma_start3A_1504, %dma_start3A_1505, %dma_start3A_1510] : memref<2x21x2048xf32, #tpu.memory_space<vmem>> -> memref<1x1x2048xf32, #tpu.memory_space<vmem>>
        %dma_start3A_1512 = tpu.memref_squeeze %dma_start3A_1511 : memref<1x1x2048xf32, #tpu.memory_space<vmem>> -> memref<2048xf32, #tpu.memory_space<vmem>>
        %dma_start3A_1513 = tpu.memref_slice %arg2[%add3A_1395] : memref<22020096xf32, #tpu.memory_space<hbm>> -> memref<2048xf32, #tpu.memory_space<hbm>>
        tpu.enqueue_dma source(%dma_start3A_1513 : memref<2048xf32, #tpu.memory_space<hbm>>) target(%dma_start3A_1512 : memref<2048xf32, #tpu.memory_space<vmem>>) target_semaphore(%arg9 : memref<!tpu.dma_semaphore, #tpu.memory_space<semaphore_mem>>)
        %dma_start3A_1514 = arith.constant 1 : i32
        %dma_start3A_1515 = arith.constant 2 : i32
        %dma_start3A_1516 = arith.constant 0 : i32
        %dma_start3A_1517 = tpu.memref_slice %arg5[%dma_start3A_1514, %dma_start3A_1515, %dma_start3A_1516] : memref<2x21x2048xf32, #tpu.memory_space<vmem>> -> memref<1x1x2048xf32, #tpu.memory_space<vmem>>
        %dma_start3A_1518 = tpu.memref_squeeze %dma_start3A_1517 : memref<1x1x2048xf32, #tpu.memory_space<vmem>> -> memref<2048xf32, #tpu.memory_space<vmem>>
        %dma_start3A_1519 = tpu.memref_slice %arg2[%add3A_1400] : memref<22020096xf32, #tpu.memory_space<hbm>> -> memref<2048xf32, #tpu.memory_space<hbm>>
        %dma_start3A_1520 = arith.constant 0 : i32
        %dma_start3A_1521 = tpu.memref_slice %arg5[%dma_start3A_1514, %dma_start3A_1515, %dma_start3A_1520] : memref<2x21x2048xf32, #tpu.memory_space<vmem>> -> memref<1x1x2048xf32, #tpu.memory_space<vmem>>
        %dma_start3A_1522 = tpu.memref_squeeze %dma_start3A_1521 : memref<1x1x2048xf32, #tpu.memory_space<vmem>> -> memref<2048xf32, #tpu.memory_space<vmem>>
        %dma_start3A_1523 = tpu.memref_slice %arg2[%add3A_1400] : memref<22020096xf32, #tpu.memory_space<hbm>> -> memref<2048xf32, #tpu.memory_space<hbm>>
        tpu.enqueue_dma source(%dma_start3A_1523 : memref<2048xf32, #tpu.memory_space<hbm>>) target(%dma_start3A_1522 : memref<2048xf32, #tpu.memory_space<vmem>>) target_semaphore(%arg9 : memref<!tpu.dma_semaphore, #tpu.memory_space<semaphore_mem>>)
        %dma_start3A_1524 = arith.constant 1 : i32
        %dma_start3A_1525 = arith.constant 3 : i32
        %dma_start3A_1526 = arith.constant 0 : i32
        %dma_start3A_1527 = tpu.memref_slice %arg5[%dma_start3A_1524, %dma_start3A_1525, %dma_start3A_1526] : memref<2x21x2048xf32, #tpu.memory_space<vmem>> -> memref<1x1x2048xf32, #tpu.memory_space<vmem>>
        %dma_start3A_1528 = tpu.memref_squeeze %dma_start3A_1527 : memref<1x1x2048xf32, #tpu.memory_space<vmem>> -> memref<2048xf32, #tpu.memory_space<vmem>>
        %dma_start3A_1529 = tpu.memref_slice %arg2[%add3A_1405] : memref<22020096xf32, #tpu.memory_space<hbm>> -> memref<2048xf32, #tpu.memory_space<hbm>>
        %dma_start3A_1530 = arith.constant 0 : i32
        %dma_start3A_1531 = tpu.memref_slice %arg5[%dma_start3A_1524, %dma_start3A_1525, %dma_start3A_1530] : memref<2x21x2048xf32, #tpu.memory_space<vmem>> -> memref<1x1x2048xf32, #tpu.memory_space<vmem>>
        %dma_start3A_1532 = tpu.memref_squeeze %dma_start3A_1531 : memref<1x1x2048xf32, #tpu.memory_space<vmem>> -> memref<2048xf32, #tpu.memory_space<vmem>>
        %dma_start3A_1533 = tpu.memref_slice %arg2[%add3A_1405] : memref<22020096xf32, #tpu.memory_space<hbm>> -> memref<2048xf32, #tpu.memory_space<hbm>>
        tpu.enqueue_dma source(%dma_start3A_1533 : memref<2048xf32, #tpu.memory_space<hbm>>) target(%dma_start3A_1532 : memref<2048xf32, #tpu.memory_space<vmem>>) target_semaphore(%arg9 : memref<!tpu.dma_semaphore, #tpu.memory_space<semaphore_mem>>)
        %dma_start3A_1534 = arith.constant 1 : i32
        %dma_start3A_1535 = arith.constant 4 : i32
        %dma_start3A_1536 = arith.constant 0 : i32
        %dma_start3A_1537 = tpu.memref_slice %arg5[%dma_start3A_1534, %dma_start3A_1535, %dma_start3A_1536] : memref<2x21x2048xf32, #tpu.memory_space<vmem>> -> memref<1x1x2048xf32, #tpu.memory_space<vmem>>
        %dma_start3A_1538 = tpu.memref_squeeze %dma_start3A_1537 : memref<1x1x2048xf32, #tpu.memory_space<vmem>> -> memref<2048xf32, #tpu.memory_space<vmem>>
        %dma_start3A_1539 = tpu.memref_slice %arg2[%add3A_1410] : memref<22020096xf32, #tpu.memory_space<hbm>> -> memref<2048xf32, #tpu.memory_space<hbm>>
        %dma_start3A_1540 = arith.constant 0 : i32
        %dma_start3A_1541 = tpu.memref_slice %arg5[%dma_start3A_1534, %dma_start3A_1535, %dma_start3A_1540] : memref<2x21x2048xf32, #tpu.memory_space<vmem>> -> memref<1x1x2048xf32, #tpu.memory_space<vmem>>
        %dma_start3A_1542 = tpu.memref_squeeze %dma_start3A_1541 : memref<1x1x2048xf32, #tpu.memory_space<vmem>> -> memref<2048xf32, #tpu.memory_space<vmem>>
        %dma_start3A_1543 = tpu.memref_slice %arg2[%add3A_1410] : memref<22020096xf32, #tpu.memory_space<hbm>> -> memref<2048xf32, #tpu.memory_space<hbm>>
        tpu.enqueue_dma source(%dma_start3A_1543 : memref<2048xf32, #tpu.memory_space<hbm>>) target(%dma_start3A_1542 : memref<2048xf32, #tpu.memory_space<vmem>>) target_semaphore(%arg9 : memref<!tpu.dma_semaphore, #tpu.memory_space<semaphore_mem>>)
        %dma_start3A_1544 = arith.constant 1 : i32
        %dma_start3A_1545 = arith.constant 5 : i32
        %dma_start3A_1546 = arith.constant 0 : i32
        %dma_start3A_1547 = tpu.memref_slice %arg5[%dma_start3A_1544, %dma_start3A_1545, %dma_start3A_1546] : memref<2x21x2048xf32, #tpu.memory_space<vmem>> -> memref<1x1x2048xf32, #tpu.memory_space<vmem>>
        %dma_start3A_1548 = tpu.memref_squeeze %dma_start3A_1547 : memref<1x1x2048xf32, #tpu.memory_space<vmem>> -> memref<2048xf32, #tpu.memory_space<vmem>>
        %dma_start3A_1549 = tpu.memref_slice %arg2[%add3A_1415] : memref<22020096xf32, #tpu.memory_space<hbm>> -> memref<2048xf32, #tpu.memory_space<hbm>>
        %dma_start3A_1550 = arith.constant 0 : i32
        %dma_start3A_1551 = tpu.memref_slice %arg5[%dma_start3A_1544, %dma_start3A_1545, %dma_start3A_1550] : memref<2x21x2048xf32, #tpu.memory_space<vmem>> -> memref<1x1x2048xf32, #tpu.memory_space<vmem>>
        %dma_start3A_1552 = tpu.memref_squeeze %dma_start3A_1551 : memref<1x1x2048xf32, #tpu.memory_space<vmem>> -> memref<2048xf32, #tpu.memory_space<vmem>>
        %dma_start3A_1553 = tpu.memref_slice %arg2[%add3A_1415] : memref<22020096xf32, #tpu.memory_space<hbm>> -> memref<2048xf32, #tpu.memory_space<hbm>>
        tpu.enqueue_dma source(%dma_start3A_1553 : memref<2048xf32, #tpu.memory_space<hbm>>) target(%dma_start3A_1552 : memref<2048xf32, #tpu.memory_space<vmem>>) target_semaphore(%arg9 : memref<!tpu.dma_semaphore, #tpu.memory_space<semaphore_mem>>)
        %dma_start3A_1554 = arith.constant 1 : i32
        %dma_start3A_1555 = arith.constant 6 : i32
        %dma_start3A_1556 = arith.constant 0 : i32
        %dma_start3A_1557 = tpu.memref_slice %arg5[%dma_start3A_1554, %dma_start3A_1555, %dma_start3A_1556] : memref<2x21x2048xf32, #tpu.memory_space<vmem>> -> memref<1x1x2048xf32, #tpu.memory_space<vmem>>
        %dma_start3A_1558 = tpu.memref_squeeze %dma_start3A_1557 : memref<1x1x2048xf32, #tpu.memory_space<vmem>> -> memref<2048xf32, #tpu.memory_space<vmem>>
        %dma_start3A_1559 = tpu.memref_slice %arg2[%add3A_1420] : memref<22020096xf32, #tpu.memory_space<hbm>> -> memref<2048xf32, #tpu.memory_space<hbm>>
        %dma_start3A_1560 = arith.constant 0 : i32
        %dma_start3A_1561 = tpu.memref_slice %arg5[%dma_start3A_1554, %dma_start3A_1555, %dma_start3A_1560] : memref<2x21x2048xf32, #tpu.memory_space<vmem>> -> memref<1x1x2048xf32, #tpu.memory_space<vmem>>
        %dma_start3A_1562 = tpu.memref_squeeze %dma_start3A_1561 : memref<1x1x2048xf32, #tpu.memory_space<vmem>> -> memref<2048xf32, #tpu.memory_space<vmem>>
        %dma_start3A_1563 = tpu.memref_slice %arg2[%add3A_1420] : memref<22020096xf32, #tpu.memory_space<hbm>> -> memref<2048xf32, #tpu.memory_space<hbm>>
        tpu.enqueue_dma source(%dma_start3A_1563 : memref<2048xf32, #tpu.memory_space<hbm>>) target(%dma_start3A_1562 : memref<2048xf32, #tpu.memory_space<vmem>>) target_semaphore(%arg9 : memref<!tpu.dma_semaphore, #tpu.memory_space<semaphore_mem>>)
        %dma_start3A_1564 = arith.constant 1 : i32
        %dma_start3A_1565 = arith.constant 7 : i32
        %dma_start3A_1566 = arith.constant 0 : i32
        %dma_start3A_1567 = tpu.memref_slice %arg5[%dma_start3A_1564, %dma_start3A_1565, %dma_start3A_1566] : memref<2x21x2048xf32, #tpu.memory_space<vmem>> -> memref<1x1x2048xf32, #tpu.memory_space<vmem>>
        %dma_start3A_1568 = tpu.memref_squeeze %dma_start3A_1567 : memref<1x1x2048xf32, #tpu.memory_space<vmem>> -> memref<2048xf32, #tpu.memory_space<vmem>>
        %dma_start3A_1569 = tpu.memref_slice %arg2[%add3A_1425] : memref<22020096xf32, #tpu.memory_space<hbm>> -> memref<2048xf32, #tpu.memory_space<hbm>>
        %dma_start3A_1570 = arith.constant 0 : i32
        %dma_start3A_1571 = tpu.memref_slice %arg5[%dma_start3A_1564, %dma_start3A_1565, %dma_start3A_1570] : memref<2x21x2048xf32, #tpu.memory_space<vmem>> -> memref<1x1x2048xf32, #tpu.memory_space<vmem>>
        %dma_start3A_1572 = tpu.memref_squeeze %dma_start3A_1571 : memref<1x1x2048xf32, #tpu.memory_space<vmem>> -> memref<2048xf32, #tpu.memory_space<vmem>>
        %dma_start3A_1573 = tpu.memref_slice %arg2[%add3A_1425] : memref<22020096xf32, #tpu.memory_space<hbm>> -> memref<2048xf32, #tpu.memory_space<hbm>>
        tpu.enqueue_dma source(%dma_start3A_1573 : memref<2048xf32, #tpu.memory_space<hbm>>) target(%dma_start3A_1572 : memref<2048xf32, #tpu.memory_space<vmem>>) target_semaphore(%arg9 : memref<!tpu.dma_semaphore, #tpu.memory_space<semaphore_mem>>)
        %dma_start3A_1574 = arith.constant 1 : i32
        %dma_start3A_1575 = arith.constant 8 : i32
        %dma_start3A_1576 = arith.constant 0 : i32
        %dma_start3A_1577 = tpu.memref_slice %arg5[%dma_start3A_1574, %dma_start3A_1575, %dma_start3A_1576] : memref<2x21x2048xf32, #tpu.memory_space<vmem>> -> memref<1x1x2048xf32, #tpu.memory_space<vmem>>
        %dma_start3A_1578 = tpu.memref_squeeze %dma_start3A_1577 : memref<1x1x2048xf32, #tpu.memory_space<vmem>> -> memref<2048xf32, #tpu.memory_space<vmem>>
        %dma_start3A_1579 = tpu.memref_slice %arg2[%add3A_1430] : memref<22020096xf32, #tpu.memory_space<hbm>> -> memref<2048xf32, #tpu.memory_space<hbm>>
        %dma_start3A_1580 = arith.constant 0 : i32
        %dma_start3A_1581 = tpu.memref_slice %arg5[%dma_start3A_1574, %dma_start3A_1575, %dma_start3A_1580] : memref<2x21x2048xf32, #tpu.memory_space<vmem>> -> memref<1x1x2048xf32, #tpu.memory_space<vmem>>
        %dma_start3A_1582 = tpu.memref_squeeze %dma_start3A_1581 : memref<1x1x2048xf32, #tpu.memory_space<vmem>> -> memref<2048xf32, #tpu.memory_space<vmem>>
        %dma_start3A_1583 = tpu.memref_slice %arg2[%add3A_1430] : memref<22020096xf32, #tpu.memory_space<hbm>> -> memref<2048xf32, #tpu.memory_space<hbm>>
        tpu.enqueue_dma source(%dma_start3A_1583 : memref<2048xf32, #tpu.memory_space<hbm>>) target(%dma_start3A_1582 : memref<2048xf32, #tpu.memory_space<vmem>>) target_semaphore(%arg9 : memref<!tpu.dma_semaphore, #tpu.memory_space<semaphore_mem>>)
        %dma_start3A_1584 = arith.constant 1 : i32
        %dma_start3A_1585 = arith.constant 9 : i32
        %dma_start3A_1586 = arith.constant 0 : i32
        %dma_start3A_1587 = tpu.memref_slice %arg5[%dma_start3A_1584, %dma_start3A_1585, %dma_start3A_1586] : memref<2x21x2048xf32, #tpu.memory_space<vmem>> -> memref<1x1x2048xf32, #tpu.memory_space<vmem>>
        %dma_start3A_1588 = tpu.memref_squeeze %dma_start3A_1587 : memref<1x1x2048xf32, #tpu.memory_space<vmem>> -> memref<2048xf32, #tpu.memory_space<vmem>>
        %dma_start3A_1589 = tpu.memref_slice %arg2[%add3A_1435] : memref<22020096xf32, #tpu.memory_space<hbm>> -> memref<2048xf32, #tpu.memory_space<hbm>>
        %dma_start3A_1590 = arith.constant 0 : i32
        %dma_start3A_1591 = tpu.memref_slice %arg5[%dma_start3A_1584, %dma_start3A_1585, %dma_start3A_1590] : memref<2x21x2048xf32, #tpu.memory_space<vmem>> -> memref<1x1x2048xf32, #tpu.memory_space<vmem>>
        %dma_start3A_1592 = tpu.memref_squeeze %dma_start3A_1591 : memref<1x1x2048xf32, #tpu.memory_space<vmem>> -> memref<2048xf32, #tpu.memory_space<vmem>>
        %dma_start3A_1593 = tpu.memref_slice %arg2[%add3A_1435] : memref<22020096xf32, #tpu.memory_space<hbm>> -> memref<2048xf32, #tpu.memory_space<hbm>>
        tpu.enqueue_dma source(%dma_start3A_1593 : memref<2048xf32, #tpu.memory_space<hbm>>) target(%dma_start3A_1592 : memref<2048xf32, #tpu.memory_space<vmem>>) target_semaphore(%arg9 : memref<!tpu.dma_semaphore, #tpu.memory_space<semaphore_mem>>)
        %dma_start3A_1594 = arith.constant 1 : i32
        %dma_start3A_1595 = arith.constant 10 : i32
        %dma_start3A_1596 = arith.constant 0 : i32
        %dma_start3A_1597 = tpu.memref_slice %arg5[%dma_start3A_1594, %dma_start3A_1595, %dma_start3A_1596] : memref<2x21x2048xf32, #tpu.memory_space<vmem>> -> memref<1x1x2048xf32, #tpu.memory_space<vmem>>
        %dma_start3A_1598 = tpu.memref_squeeze %dma_start3A_1597 : memref<1x1x2048xf32, #tpu.memory_space<vmem>> -> memref<2048xf32, #tpu.memory_space<vmem>>
        %dma_start3A_1599 = tpu.memref_slice %arg2[%add3A_1440] : memref<22020096xf32, #tpu.memory_space<hbm>> -> memref<2048xf32, #tpu.memory_space<hbm>>
        %dma_start3A_1600 = arith.constant 0 : i32
        %dma_start3A_1601 = tpu.memref_slice %arg5[%dma_start3A_1594, %dma_start3A_1595, %dma_start3A_1600] : memref<2x21x2048xf32, #tpu.memory_space<vmem>> -> memref<1x1x2048xf32, #tpu.memory_space<vmem>>
        %dma_start3A_1602 = tpu.memref_squeeze %dma_start3A_1601 : memref<1x1x2048xf32, #tpu.memory_space<vmem>> -> memref<2048xf32, #tpu.memory_space<vmem>>
        %dma_start3A_1603 = tpu.memref_slice %arg2[%add3A_1440] : memref<22020096xf32, #tpu.memory_space<hbm>> -> memref<2048xf32, #tpu.memory_space<hbm>>
        tpu.enqueue_dma source(%dma_start3A_1603 : memref<2048xf32, #tpu.memory_space<hbm>>) target(%dma_start3A_1602 : memref<2048xf32, #tpu.memory_space<vmem>>) target_semaphore(%arg9 : memref<!tpu.dma_semaphore, #tpu.memory_space<semaphore_mem>>)
        %dma_start3A_1604 = arith.constant 1 : i32
        %dma_start3A_1605 = arith.constant 11 : i32
        %dma_start3A_1606 = arith.constant 0 : i32
        %dma_start3A_1607 = tpu.memref_slice %arg5[%dma_start3A_1604, %dma_start3A_1605, %dma_start3A_1606] : memref<2x21x2048xf32, #tpu.memory_space<vmem>> -> memref<1x1x2048xf32, #tpu.memory_space<vmem>>
        %dma_start3A_1608 = tpu.memref_squeeze %dma_start3A_1607 : memref<1x1x2048xf32, #tpu.memory_space<vmem>> -> memref<2048xf32, #tpu.memory_space<vmem>>
        %dma_start3A_1609 = tpu.memref_slice %arg2[%add3A_1445] : memref<22020096xf32, #tpu.memory_space<hbm>> -> memref<2048xf32, #tpu.memory_space<hbm>>
        %dma_start3A_1610 = arith.constant 0 : i32
        %dma_start3A_1611 = tpu.memref_slice %arg5[%dma_start3A_1604, %dma_start3A_1605, %dma_start3A_1610] : memref<2x21x2048xf32, #tpu.memory_space<vmem>> -> memref<1x1x2048xf32, #tpu.memory_space<vmem>>
        %dma_start3A_1612 = tpu.memref_squeeze %dma_start3A_1611 : memref<1x1x2048xf32, #tpu.memory_space<vmem>> -> memref<2048xf32, #tpu.memory_space<vmem>>
        %dma_start3A_1613 = tpu.memref_slice %arg2[%add3A_1445] : memref<22020096xf32, #tpu.memory_space<hbm>> -> memref<2048xf32, #tpu.memory_space<hbm>>
        tpu.enqueue_dma source(%dma_start3A_1613 : memref<2048xf32, #tpu.memory_space<hbm>>) target(%dma_start3A_1612 : memref<2048xf32, #tpu.memory_space<vmem>>) target_semaphore(%arg9 : memref<!tpu.dma_semaphore, #tpu.memory_space<semaphore_mem>>)
        %dma_start3A_1614 = arith.constant 1 : i32
        %dma_start3A_1615 = arith.constant 12 : i32
        %dma_start3A_1616 = arith.constant 0 : i32
        %dma_start3A_1617 = tpu.memref_slice %arg5[%dma_start3A_1614, %dma_start3A_1615, %dma_start3A_1616] : memref<2x21x2048xf32, #tpu.memory_space<vmem>> -> memref<1x1x2048xf32, #tpu.memory_space<vmem>>
        %dma_start3A_1618 = tpu.memref_squeeze %dma_start3A_1617 : memref<1x1x2048xf32, #tpu.memory_space<vmem>> -> memref<2048xf32, #tpu.memory_space<vmem>>
        %dma_start3A_1619 = tpu.memref_slice %arg2[%add3A_1450] : memref<22020096xf32, #tpu.memory_space<hbm>> -> memref<2048xf32, #tpu.memory_space<hbm>>
        %dma_start3A_1620 = arith.constant 0 : i32
        %dma_start3A_1621 = tpu.memref_slice %arg5[%dma_start3A_1614, %dma_start3A_1615, %dma_start3A_1620] : memref<2x21x2048xf32, #tpu.memory_space<vmem>> -> memref<1x1x2048xf32, #tpu.memory_space<vmem>>
        %dma_start3A_1622 = tpu.memref_squeeze %dma_start3A_1621 : memref<1x1x2048xf32, #tpu.memory_space<vmem>> -> memref<2048xf32, #tpu.memory_space<vmem>>
        %dma_start3A_1623 = tpu.memref_slice %arg2[%add3A_1450] : memref<22020096xf32, #tpu.memory_space<hbm>> -> memref<2048xf32, #tpu.memory_space<hbm>>
        tpu.enqueue_dma source(%dma_start3A_1623 : memref<2048xf32, #tpu.memory_space<hbm>>) target(%dma_start3A_1622 : memref<2048xf32, #tpu.memory_space<vmem>>) target_semaphore(%arg9 : memref<!tpu.dma_semaphore, #tpu.memory_space<semaphore_mem>>)
        %dma_start3A_1624 = arith.constant 1 : i32
        %dma_start3A_1625 = arith.constant 13 : i32
        %dma_start3A_1626 = arith.constant 0 : i32
        %dma_start3A_1627 = tpu.memref_slice %arg5[%dma_start3A_1624, %dma_start3A_1625, %dma_start3A_1626] : memref<2x21x2048xf32, #tpu.memory_space<vmem>> -> memref<1x1x2048xf32, #tpu.memory_space<vmem>>
        %dma_start3A_1628 = tpu.memref_squeeze %dma_start3A_1627 : memref<1x1x2048xf32, #tpu.memory_space<vmem>> -> memref<2048xf32, #tpu.memory_space<vmem>>
        %dma_start3A_1629 = tpu.memref_slice %arg2[%add3A_1455] : memref<22020096xf32, #tpu.memory_space<hbm>> -> memref<2048xf32, #tpu.memory_space<hbm>>
        %dma_start3A_1630 = arith.constant 0 : i32
        %dma_start3A_1631 = tpu.memref_slice %arg5[%dma_start3A_1624, %dma_start3A_1625, %dma_start3A_1630] : memref<2x21x2048xf32, #tpu.memory_space<vmem>> -> memref<1x1x2048xf32, #tpu.memory_space<vmem>>
        %dma_start3A_1632 = tpu.memref_squeeze %dma_start3A_1631 : memref<1x1x2048xf32, #tpu.memory_space<vmem>> -> memref<2048xf32, #tpu.memory_space<vmem>>
        %dma_start3A_1633 = tpu.memref_slice %arg2[%add3A_1455] : memref<22020096xf32, #tpu.memory_space<hbm>> -> memref<2048xf32, #tpu.memory_space<hbm>>
        tpu.enqueue_dma source(%dma_start3A_1633 : memref<2048xf32, #tpu.memory_space<hbm>>) target(%dma_start3A_1632 : memref<2048xf32, #tpu.memory_space<vmem>>) target_semaphore(%arg9 : memref<!tpu.dma_semaphore, #tpu.memory_space<semaphore_mem>>)
        %dma_start3A_1634 = arith.constant 1 : i32
        %dma_start3A_1635 = arith.constant 14 : i32
        %dma_start3A_1636 = arith.constant 0 : i32
        %dma_start3A_1637 = tpu.memref_slice %arg5[%dma_start3A_1634, %dma_start3A_1635, %dma_start3A_1636] : memref<2x21x2048xf32, #tpu.memory_space<vmem>> -> memref<1x1x2048xf32, #tpu.memory_space<vmem>>
        %dma_start3A_1638 = tpu.memref_squeeze %dma_start3A_1637 : memref<1x1x2048xf32, #tpu.memory_space<vmem>> -> memref<2048xf32, #tpu.memory_space<vmem>>
        %dma_start3A_1639 = tpu.memref_slice %arg2[%add3A_1460] : memref<22020096xf32, #tpu.memory_space<hbm>> -> memref<2048xf32, #tpu.memory_space<hbm>>
        %dma_start3A_1640 = arith.constant 0 : i32
        %dma_start3A_1641 = tpu.memref_slice %arg5[%dma_start3A_1634, %dma_start3A_1635, %dma_start3A_1640] : memref<2x21x2048xf32, #tpu.memory_space<vmem>> -> memref<1x1x2048xf32, #tpu.memory_space<vmem>>
        %dma_start3A_1642 = tpu.memref_squeeze %dma_start3A_1641 : memref<1x1x2048xf32, #tpu.memory_space<vmem>> -> memref<2048xf32, #tpu.memory_space<vmem>>
        %dma_start3A_1643 = tpu.memref_slice %arg2[%add3A_1460] : memref<22020096xf32, #tpu.memory_space<hbm>> -> memref<2048xf32, #tpu.memory_space<hbm>>
        tpu.enqueue_dma source(%dma_start3A_1643 : memref<2048xf32, #tpu.memory_space<hbm>>) target(%dma_start3A_1642 : memref<2048xf32, #tpu.memory_space<vmem>>) target_semaphore(%arg9 : memref<!tpu.dma_semaphore, #tpu.memory_space<semaphore_mem>>)
        %dma_start3A_1644 = arith.constant 1 : i32
        %dma_start3A_1645 = arith.constant 15 : i32
        %dma_start3A_1646 = arith.constant 0 : i32
        %dma_start3A_1647 = tpu.memref_slice %arg5[%dma_start3A_1644, %dma_start3A_1645, %dma_start3A_1646] : memref<2x21x2048xf32, #tpu.memory_space<vmem>> -> memref<1x1x2048xf32, #tpu.memory_space<vmem>>
        %dma_start3A_1648 = tpu.memref_squeeze %dma_start3A_1647 : memref<1x1x2048xf32, #tpu.memory_space<vmem>> -> memref<2048xf32, #tpu.memory_space<vmem>>
        %dma_start3A_1649 = tpu.memref_slice %arg2[%add3A_1465] : memref<22020096xf32, #tpu.memory_space<hbm>> -> memref<2048xf32, #tpu.memory_space<hbm>>
        %dma_start3A_1650 = arith.constant 0 : i32
        %dma_start3A_1651 = tpu.memref_slice %arg5[%dma_start3A_1644, %dma_start3A_1645, %dma_start3A_1650] : memref<2x21x2048xf32, #tpu.memory_space<vmem>> -> memref<1x1x2048xf32, #tpu.memory_space<vmem>>
        %dma_start3A_1652 = tpu.memref_squeeze %dma_start3A_1651 : memref<1x1x2048xf32, #tpu.memory_space<vmem>> -> memref<2048xf32, #tpu.memory_space<vmem>>
        %dma_start3A_1653 = tpu.memref_slice %arg2[%add3A_1465] : memref<22020096xf32, #tpu.memory_space<hbm>> -> memref<2048xf32, #tpu.memory_space<hbm>>
        tpu.enqueue_dma source(%dma_start3A_1653 : memref<2048xf32, #tpu.memory_space<hbm>>) target(%dma_start3A_1652 : memref<2048xf32, #tpu.memory_space<vmem>>) target_semaphore(%arg9 : memref<!tpu.dma_semaphore, #tpu.memory_space<semaphore_mem>>)
        %dma_start3A_1654 = arith.constant 1 : i32
        %dma_start3A_1655 = arith.constant 16 : i32
        %dma_start3A_1656 = arith.constant 0 : i32
        %dma_start3A_1657 = tpu.memref_slice %arg5[%dma_start3A_1654, %dma_start3A_1655, %dma_start3A_1656] : memref<2x21x2048xf32, #tpu.memory_space<vmem>> -> memref<1x1x2048xf32, #tpu.memory_space<vmem>>
        %dma_start3A_1658 = tpu.memref_squeeze %dma_start3A_1657 : memref<1x1x2048xf32, #tpu.memory_space<vmem>> -> memref<2048xf32, #tpu.memory_space<vmem>>
        %dma_start3A_1659 = tpu.memref_slice %arg2[%add3A_1470] : memref<22020096xf32, #tpu.memory_space<hbm>> -> memref<2048xf32, #tpu.memory_space<hbm>>
        %dma_start3A_1660 = arith.constant 0 : i32
        %dma_start3A_1661 = tpu.memref_slice %arg5[%dma_start3A_1654, %dma_start3A_1655, %dma_start3A_1660] : memref<2x21x2048xf32, #tpu.memory_space<vmem>> -> memref<1x1x2048xf32, #tpu.memory_space<vmem>>
        %dma_start3A_1662 = tpu.memref_squeeze %dma_start3A_1661 : memref<1x1x2048xf32, #tpu.memory_space<vmem>> -> memref<2048xf32, #tpu.memory_space<vmem>>
        %dma_start3A_1663 = tpu.memref_slice %arg2[%add3A_1470] : memref<22020096xf32, #tpu.memory_space<hbm>> -> memref<2048xf32, #tpu.memory_space<hbm>>
        tpu.enqueue_dma source(%dma_start3A_1663 : memref<2048xf32, #tpu.memory_space<hbm>>) target(%dma_start3A_1662 : memref<2048xf32, #tpu.memory_space<vmem>>) target_semaphore(%arg9 : memref<!tpu.dma_semaphore, #tpu.memory_space<semaphore_mem>>)
        %dma_start3A_1664 = arith.constant 1 : i32
        %dma_start3A_1665 = arith.constant 17 : i32
        %dma_start3A_1666 = arith.constant 0 : i32
        %dma_start3A_1667 = tpu.memref_slice %arg5[%dma_start3A_1664, %dma_start3A_1665, %dma_start3A_1666] : memref<2x21x2048xf32, #tpu.memory_space<vmem>> -> memref<1x1x2048xf32, #tpu.memory_space<vmem>>
        %dma_start3A_1668 = tpu.memref_squeeze %dma_start3A_1667 : memref<1x1x2048xf32, #tpu.memory_space<vmem>> -> memref<2048xf32, #tpu.memory_space<vmem>>
        %dma_start3A_1669 = tpu.memref_slice %arg2[%add3A_1475] : memref<22020096xf32, #tpu.memory_space<hbm>> -> memref<2048xf32, #tpu.memory_space<hbm>>
        %dma_start3A_1670 = arith.constant 0 : i32
        %dma_start3A_1671 = tpu.memref_slice %arg5[%dma_start3A_1664, %dma_start3A_1665, %dma_start3A_1670] : memref<2x21x2048xf32, #tpu.memory_space<vmem>> -> memref<1x1x2048xf32, #tpu.memory_space<vmem>>
        %dma_start3A_1672 = tpu.memref_squeeze %dma_start3A_1671 : memref<1x1x2048xf32, #tpu.memory_space<vmem>> -> memref<2048xf32, #tpu.memory_space<vmem>>
        %dma_start3A_1673 = tpu.memref_slice %arg2[%add3A_1475] : memref<22020096xf32, #tpu.memory_space<hbm>> -> memref<2048xf32, #tpu.memory_space<hbm>>
        tpu.enqueue_dma source(%dma_start3A_1673 : memref<2048xf32, #tpu.memory_space<hbm>>) target(%dma_start3A_1672 : memref<2048xf32, #tpu.memory_space<vmem>>) target_semaphore(%arg9 : memref<!tpu.dma_semaphore, #tpu.memory_space<semaphore_mem>>)
        %dma_start3A_1674 = arith.constant 1 : i32
        %dma_start3A_1675 = arith.constant 18 : i32
        %dma_start3A_1676 = arith.constant 0 : i32
        %dma_start3A_1677 = tpu.memref_slice %arg5[%dma_start3A_1674, %dma_start3A_1675, %dma_start3A_1676] : memref<2x21x2048xf32, #tpu.memory_space<vmem>> -> memref<1x1x2048xf32, #tpu.memory_space<vmem>>
        %dma_start3A_1678 = tpu.memref_squeeze %dma_start3A_1677 : memref<1x1x2048xf32, #tpu.memory_space<vmem>> -> memref<2048xf32, #tpu.memory_space<vmem>>
        %dma_start3A_1679 = tpu.memref_slice %arg2[%add3A_1480] : memref<22020096xf32, #tpu.memory_space<hbm>> -> memref<2048xf32, #tpu.memory_space<hbm>>
        %dma_start3A_1680 = arith.constant 0 : i32
        %dma_start3A_1681 = tpu.memref_slice %arg5[%dma_start3A_1674, %dma_start3A_1675, %dma_start3A_1680] : memref<2x21x2048xf32, #tpu.memory_space<vmem>> -> memref<1x1x2048xf32, #tpu.memory_space<vmem>>
        %dma_start3A_1682 = tpu.memref_squeeze %dma_start3A_1681 : memref<1x1x2048xf32, #tpu.memory_space<vmem>> -> memref<2048xf32, #tpu.memory_space<vmem>>
        %dma_start3A_1683 = tpu.memref_slice %arg2[%add3A_1480] : memref<22020096xf32, #tpu.memory_space<hbm>> -> memref<2048xf32, #tpu.memory_space<hbm>>
        tpu.enqueue_dma source(%dma_start3A_1683 : memref<2048xf32, #tpu.memory_space<hbm>>) target(%dma_start3A_1682 : memref<2048xf32, #tpu.memory_space<vmem>>) target_semaphore(%arg9 : memref<!tpu.dma_semaphore, #tpu.memory_space<semaphore_mem>>)
        %dma_start3A_1684 = arith.constant 1 : i32
        %dma_start3A_1685 = arith.constant 19 : i32
        %dma_start3A_1686 = arith.constant 0 : i32
        %dma_start3A_1687 = tpu.memref_slice %arg5[%dma_start3A_1684, %dma_start3A_1685, %dma_start3A_1686] : memref<2x21x2048xf32, #tpu.memory_space<vmem>> -> memref<1x1x2048xf32, #tpu.memory_space<vmem>>
        %dma_start3A_1688 = tpu.memref_squeeze %dma_start3A_1687 : memref<1x1x2048xf32, #tpu.memory_space<vmem>> -> memref<2048xf32, #tpu.memory_space<vmem>>
        %dma_start3A_1689 = tpu.memref_slice %arg2[%add3A_1485] : memref<22020096xf32, #tpu.memory_space<hbm>> -> memref<2048xf32, #tpu.memory_space<hbm>>
        %dma_start3A_1690 = arith.constant 0 : i32
        %dma_start3A_1691 = tpu.memref_slice %arg5[%dma_start3A_1684, %dma_start3A_1685, %dma_start3A_1690] : memref<2x21x2048xf32, #tpu.memory_space<vmem>> -> memref<1x1x2048xf32, #tpu.memory_space<vmem>>
        %dma_start3A_1692 = tpu.memref_squeeze %dma_start3A_1691 : memref<1x1x2048xf32, #tpu.memory_space<vmem>> -> memref<2048xf32, #tpu.memory_space<vmem>>
        %dma_start3A_1693 = tpu.memref_slice %arg2[%add3A_1485] : memref<22020096xf32, #tpu.memory_space<hbm>> -> memref<2048xf32, #tpu.memory_space<hbm>>
        tpu.enqueue_dma source(%dma_start3A_1693 : memref<2048xf32, #tpu.memory_space<hbm>>) target(%dma_start3A_1692 : memref<2048xf32, #tpu.memory_space<vmem>>) target_semaphore(%arg9 : memref<!tpu.dma_semaphore, #tpu.memory_space<semaphore_mem>>)
        %dma_start3A_1694 = arith.constant 1 : i32
        %dma_start3A_1695 = arith.constant 20 : i32
        %dma_start3A_1696 = arith.constant 0 : i32
        %dma_start3A_1697 = tpu.memref_slice %arg5[%dma_start3A_1694, %dma_start3A_1695, %dma_start3A_1696] : memref<2x21x2048xf32, #tpu.memory_space<vmem>> -> memref<1x1x2048xf32, #tpu.memory_space<vmem>>
        %dma_start3A_1698 = tpu.memref_squeeze %dma_start3A_1697 : memref<1x1x2048xf32, #tpu.memory_space<vmem>> -> memref<2048xf32, #tpu.memory_space<vmem>>
        %dma_start3A_1699 = tpu.memref_slice %arg2[%add3A_1490] : memref<22020096xf32, #tpu.memory_space<hbm>> -> memref<2048xf32, #tpu.memory_space<hbm>>
        %dma_start3A_1700 = arith.constant 0 : i32
        %dma_start3A_1701 = tpu.memref_slice %arg5[%dma_start3A_1694, %dma_start3A_1695, %dma_start3A_1700] : memref<2x21x2048xf32, #tpu.memory_space<vmem>> -> memref<1x1x2048xf32, #tpu.memory_space<vmem>>
        %dma_start3A_1702 = tpu.memref_squeeze %dma_start3A_1701 : memref<1x1x2048xf32, #tpu.memory_space<vmem>> -> memref<2048xf32, #tpu.memory_space<vmem>>
        %dma_start3A_1703 = tpu.memref_slice %arg2[%add3A_1490] : memref<22020096xf32, #tpu.memory_space<hbm>> -> memref<2048xf32, #tpu.memory_space<hbm>>
        tpu.enqueue_dma source(%dma_start3A_1703 : memref<2048xf32, #tpu.memory_space<hbm>>) target(%dma_start3A_1702 : memref<2048xf32, #tpu.memory_space<vmem>>) target_semaphore(%arg9 : memref<!tpu.dma_semaphore, #tpu.memory_space<semaphore_mem>>)
        %dma_start3A_1704 = arith.constant 1 : i32
        %dma_start3A_1705 = arith.constant 0 : i32
        %dma_start3A_1706 = tpu.memref_slice %arg6[%dma_start3A_1704, %dma_start3A_1705] : memref<2x2048xi32, #tpu.memory_space<vmem>> -> memref<1x2048xi32, #tpu.memory_space<vmem>>
        %dma_start3A_1707 = tpu.memref_squeeze %dma_start3A_1706 : memref<1x2048xi32, #tpu.memory_space<vmem>> -> memref<2048xi32, #tpu.memory_space<vmem>>
        %dma_start3A_1708 = tpu.memref_slice %arg3[%add3A_1493] : memref<1048576xi32, #tpu.memory_space<hbm>> -> memref<2048xi32, #tpu.memory_space<hbm>>
        %dma_start3A_1709 = arith.constant 0 : i32
        %dma_start3A_1710 = tpu.memref_slice %arg6[%dma_start3A_1704, %dma_start3A_1709] : memref<2x2048xi32, #tpu.memory_space<vmem>> -> memref<1x2048xi32, #tpu.memory_space<vmem>>
        %dma_start3A_1711 = tpu.memref_squeeze %dma_start3A_1710 : memref<1x2048xi32, #tpu.memory_space<vmem>> -> memref<2048xi32, #tpu.memory_space<vmem>>
        %dma_start3A_1712 = tpu.memref_slice %arg3[%add3A_1493] : memref<1048576xi32, #tpu.memory_space<hbm>> -> memref<2048xi32, #tpu.memory_space<hbm>>
        tpu.enqueue_dma source(%dma_start3A_1712 : memref<2048xi32, #tpu.memory_space<hbm>>) target(%dma_start3A_1711 : memref<2048xi32, #tpu.memory_space<vmem>>) target_semaphore(%arg9 : memref<!tpu.dma_semaphore, #tpu.memory_space<semaphore_mem>>)
      } else {
      }
      %scan3A_1380 = arith.constant 0 : i32
      scf.yield %scan3A_1380 : i32
    }
    %scan3A_694 = arith.constant 8 : i32
    "tpu.region"() ({
      %run_scoped3A = tpu.sem_alloc : memref<!tpu.dma_semaphore, #tpu.memory_space<semaphore_mem>>
      %dma_start3A_695 = arith.constant 0 : i32
      %dma_start3A_696 = tpu.memref_slice %arg4[%add3A, %dma_start3A_695] : memref<32x21504xi32, #tpu.memory_space<hbm>> -> memref<1x21504xi32, #tpu.memory_space<hbm>>
      %dma_start3A_697 = tpu.memref_squeeze %dma_start3A_696 : memref<1x21504xi32, #tpu.memory_space<hbm>> -> memref<21504xi32, #tpu.memory_space<hbm>>
      %dma_start3A_698 = arith.constant 0 : i32
      %dma_start3A_699 = tpu.memref_slice %arg4[%add3A, %dma_start3A_698] : memref<32x21504xi32, #tpu.memory_space<hbm>> -> memref<1x21504xi32, #tpu.memory_space<hbm>>
      %dma_start3A_700 = tpu.memref_squeeze %dma_start3A_699 : memref<1x21504xi32, #tpu.memory_space<hbm>> -> memref<21504xi32, #tpu.memory_space<hbm>>
      tpu.enqueue_dma source(%arg7 : memref<21504xi32, #tpu.memory_space<vmem>>) target(%dma_start3A_700 : memref<21504xi32, #tpu.memory_space<hbm>>) target_semaphore(%run_scoped3A : memref<!tpu.dma_semaphore, #tpu.memory_space<semaphore_mem>>)
      %dma_wait3A = arith.constant 0 : i32
      %dma_wait3A_701 = tpu.memref_slice %arg4[%add3A, %dma_wait3A] : memref<32x21504xi32, #tpu.memory_space<hbm>> -> memref<1x21504xi32, #tpu.memory_space<hbm>>
      %dma_wait3A_702 = tpu.memref_squeeze %dma_wait3A_701 : memref<1x21504xi32, #tpu.memory_space<hbm>> -> memref<21504xi32, #tpu.memory_space<hbm>>
      %dma_wait3A_703 = arith.constant 0 : i32
      %dma_wait3A_704 = tpu.memref_slice %arg4[%add3A, %dma_wait3A_703] : memref<32x21504xi32, #tpu.memory_space<hbm>> -> memref<1x21504xi32, #tpu.memory_space<hbm>>
      %dma_wait3A_705 = tpu.memref_squeeze %dma_wait3A_704 : memref<1x21504xi32, #tpu.memory_space<hbm>> -> memref<21504xi32, #tpu.memory_space<hbm>>
      tpu.wait_dma2 semaphore(%run_scoped3A : memref<!tpu.dma_semaphore, #tpu.memory_space<semaphore_mem>>) src(%arg7 : memref<21504xi32, #tpu.memory_space<vmem>>) dst(%dma_wait3A_705 : memref<21504xi32, #tpu.memory_space<hbm>>)
      tpu.yield
    }) : () -> ()
    return
  }
}

module attributes {stable_mosaic.version = 14 : i64} {
  func.func @body(%arg0: memref<32x2x21x512xi32, #tpu.memory_space<vmem>>, %arg1: memref<1x1xf32, #tpu.memory_space<smem>>) attributes {dimension_semantics = [], scalar_prefetch = 0 : i64, scratch_operands = 0 : i64, tpu.core_type = #tpu.core_type<tc>} {
    %get3A = arith.constant 0 : index
    %get3A_0 = arith.constant 0 : index
    %get3A_1 = arith.constant 0 : index
    %get3A_2 = arith.constant 0 : index
    %get3A_3 = vector.load %arg0[%get3A, %get3A_0, %get3A_1, %get3A_2] : memref<32x2x21x512xi32, #tpu.memory_space<vmem>>, vector<32x2x21x512xi32>
    %reduce_sum3A = arith.constant dense<0> : vector<2x21x512xi32>
    %reduce_sum3A_4 = vector.multi_reduction <add>, %get3A_3, %reduce_sum3A [0] : vector<32x2x21x512xi32> to vector<2x21x512xi32>
    %slice3A = vector.extract_strided_slice %reduce_sum3A_4 {offsets = [0, 0, 0], sizes = [1, 21, 512], strides = [1, 1, 1]} : vector<2x21x512xi32> to vector<1x21x512xi32>
    %squeeze3A = vector.shape_cast %slice3A : vector<1x21x512xi32> to vector<21x512xi32>
    %convert_element_type3A = arith.sitofp %squeeze3A : vector<21x512xi32> to vector<21x512xf32>
    %slice3A_5 = vector.extract_strided_slice %reduce_sum3A_4 {offsets = [1, 0, 0], sizes = [1, 21, 512], strides = [1, 1, 1]} : vector<2x21x512xi32> to vector<1x21x512xi32>
    %squeeze3A_6 = vector.shape_cast %slice3A_5 : vector<1x21x512xi32> to vector<21x512xi32>
    %convert_element_type3A_7 = arith.sitofp %squeeze3A_6 : vector<21x512xi32> to vector<21x512xf32>
    %reduce_sum3A_8 = arith.constant dense<0.000000e+00> : vector<21xf32>
    %reduce_sum3A_9 = vector.multi_reduction <add>, %convert_element_type3A, %reduce_sum3A_8 [1] : vector<21x512xf32> to vector<21xf32>
    %broadcast_in_dim3A = vector.shape_cast %reduce_sum3A_9 : vector<21xf32> to vector<21x1xf32>
    %reduce_sum3A_10 = arith.constant dense<0.000000e+00> : vector<21xf32>
    %reduce_sum3A_11 = vector.multi_reduction <add>, %convert_element_type3A_7, %reduce_sum3A_10 [1] : vector<21x512xf32> to vector<21xf32>
    %broadcast_in_dim3A_12 = vector.shape_cast %reduce_sum3A_11 : vector<21xf32> to vector<21x1xf32>
    %broadcast_in_dim3A_13 = arith.constant 0.000000e+00 : f32
    %broadcast_in_dim3A_14 = vector.broadcast %broadcast_in_dim3A_13 : f32 to vector<21x1xf32>
    %slice3A_15 = vector.extract_strided_slice %convert_element_type3A {offsets = [0, 0], sizes = [21, 511], strides = [1, 1]} : vector<21x512xf32> to vector<21x511xf32>
    %concatenate3A = tpu.concatenate %broadcast_in_dim3A_14, %slice3A_15 in 1 : vector<21x1xf32>, vector<21x511xf32> -> vector<21x512xf32>
    %add3A = arith.addf %convert_element_type3A, %concatenate3A : vector<21x512xf32>
    %broadcast_in_dim3A_16 = arith.constant 0.000000e+00 : f32
    %broadcast_in_dim3A_17 = vector.broadcast %broadcast_in_dim3A_16 : f32 to vector<21x2xf32>
    %slice3A_18 = vector.extract_strided_slice %add3A {offsets = [0, 0], sizes = [21, 510], strides = [1, 1]} : vector<21x512xf32> to vector<21x510xf32>
    %concatenate3A_19 = tpu.concatenate %broadcast_in_dim3A_17, %slice3A_18 in 1 : vector<21x2xf32>, vector<21x510xf32> -> vector<21x512xf32>
    %add3A_20 = arith.addf %add3A, %concatenate3A_19 : vector<21x512xf32>
    %broadcast_in_dim3A_21 = arith.constant 0.000000e+00 : f32
    %broadcast_in_dim3A_22 = vector.broadcast %broadcast_in_dim3A_21 : f32 to vector<21x4xf32>
    %slice3A_23 = vector.extract_strided_slice %add3A_20 {offsets = [0, 0], sizes = [21, 508], strides = [1, 1]} : vector<21x512xf32> to vector<21x508xf32>
    %concatenate3A_24 = tpu.concatenate %broadcast_in_dim3A_22, %slice3A_23 in 1 : vector<21x4xf32>, vector<21x508xf32> -> vector<21x512xf32>
    %add3A_25 = arith.addf %add3A_20, %concatenate3A_24 : vector<21x512xf32>
    %broadcast_in_dim3A_26 = arith.constant 0.000000e+00 : f32
    %broadcast_in_dim3A_27 = vector.broadcast %broadcast_in_dim3A_26 : f32 to vector<21x8xf32>
    %slice3A_28 = vector.extract_strided_slice %add3A_25 {offsets = [0, 0], sizes = [21, 504], strides = [1, 1]} : vector<21x512xf32> to vector<21x504xf32>
    %concatenate3A_29 = tpu.concatenate %broadcast_in_dim3A_27, %slice3A_28 in 1 : vector<21x8xf32>, vector<21x504xf32> -> vector<21x512xf32>
    %add3A_30 = arith.addf %add3A_25, %concatenate3A_29 : vector<21x512xf32>
    %broadcast_in_dim3A_31 = arith.constant 0.000000e+00 : f32
    %broadcast_in_dim3A_32 = vector.broadcast %broadcast_in_dim3A_31 : f32 to vector<21x16xf32>
    %slice3A_33 = vector.extract_strided_slice %add3A_30 {offsets = [0, 0], sizes = [21, 496], strides = [1, 1]} : vector<21x512xf32> to vector<21x496xf32>
    %concatenate3A_34 = tpu.concatenate %broadcast_in_dim3A_32, %slice3A_33 in 1 : vector<21x16xf32>, vector<21x496xf32> -> vector<21x512xf32>
    %add3A_35 = arith.addf %add3A_30, %concatenate3A_34 : vector<21x512xf32>
    %broadcast_in_dim3A_36 = arith.constant 0.000000e+00 : f32
    %broadcast_in_dim3A_37 = vector.broadcast %broadcast_in_dim3A_36 : f32 to vector<21x32xf32>
    %slice3A_38 = vector.extract_strided_slice %add3A_35 {offsets = [0, 0], sizes = [21, 480], strides = [1, 1]} : vector<21x512xf32> to vector<21x480xf32>
    %concatenate3A_39 = tpu.concatenate %broadcast_in_dim3A_37, %slice3A_38 in 1 : vector<21x32xf32>, vector<21x480xf32> -> vector<21x512xf32>
    %add3A_40 = arith.addf %add3A_35, %concatenate3A_39 : vector<21x512xf32>
    %broadcast_in_dim3A_41 = arith.constant 0.000000e+00 : f32
    %broadcast_in_dim3A_42 = vector.broadcast %broadcast_in_dim3A_41 : f32 to vector<21x64xf32>
    %slice3A_43 = vector.extract_strided_slice %add3A_40 {offsets = [0, 0], sizes = [21, 448], strides = [1, 1]} : vector<21x512xf32> to vector<21x448xf32>
    %concatenate3A_44 = tpu.concatenate %broadcast_in_dim3A_42, %slice3A_43 in 1 : vector<21x64xf32>, vector<21x448xf32> -> vector<21x512xf32>
    %add3A_45 = arith.addf %add3A_40, %concatenate3A_44 : vector<21x512xf32>
    %broadcast_in_dim3A_46 = arith.constant 0.000000e+00 : f32
    %broadcast_in_dim3A_47 = vector.broadcast %broadcast_in_dim3A_46 : f32 to vector<21x128xf32>
    %slice3A_48 = vector.extract_strided_slice %add3A_45 {offsets = [0, 0], sizes = [21, 384], strides = [1, 1]} : vector<21x512xf32> to vector<21x384xf32>
    %concatenate3A_49 = tpu.concatenate %broadcast_in_dim3A_47, %slice3A_48 in 1 : vector<21x128xf32>, vector<21x384xf32> -> vector<21x512xf32>
    %add3A_50 = arith.addf %add3A_45, %concatenate3A_49 : vector<21x512xf32>
    %broadcast_in_dim3A_51 = arith.constant 0.000000e+00 : f32
    %broadcast_in_dim3A_52 = vector.broadcast %broadcast_in_dim3A_51 : f32 to vector<21x256xf32>
    %slice3A_53 = vector.extract_strided_slice %add3A_50 {offsets = [0, 0], sizes = [21, 256], strides = [1, 1]} : vector<21x512xf32> to vector<21x256xf32>
    %concatenate3A_54 = tpu.concatenate %broadcast_in_dim3A_52, %slice3A_53 in 1 : vector<21x256xf32>, vector<21x256xf32> -> vector<21x512xf32>
    %add3A_55 = arith.addf %add3A_50, %concatenate3A_54 : vector<21x512xf32>
    %broadcast_in_dim3A_56 = arith.constant 0.000000e+00 : f32
    %broadcast_in_dim3A_57 = vector.broadcast %broadcast_in_dim3A_56 : f32 to vector<21x1xf32>
    %slice3A_58 = vector.extract_strided_slice %convert_element_type3A_7 {offsets = [0, 0], sizes = [21, 511], strides = [1, 1]} : vector<21x512xf32> to vector<21x511xf32>
    %concatenate3A_59 = tpu.concatenate %broadcast_in_dim3A_57, %slice3A_58 in 1 : vector<21x1xf32>, vector<21x511xf32> -> vector<21x512xf32>
    %add3A_60 = arith.addf %convert_element_type3A_7, %concatenate3A_59 : vector<21x512xf32>
    %broadcast_in_dim3A_61 = arith.constant 0.000000e+00 : f32
    %broadcast_in_dim3A_62 = vector.broadcast %broadcast_in_dim3A_61 : f32 to vector<21x2xf32>
    %slice3A_63 = vector.extract_strided_slice %add3A_60 {offsets = [0, 0], sizes = [21, 510], strides = [1, 1]} : vector<21x512xf32> to vector<21x510xf32>
    %concatenate3A_64 = tpu.concatenate %broadcast_in_dim3A_62, %slice3A_63 in 1 : vector<21x2xf32>, vector<21x510xf32> -> vector<21x512xf32>
    %add3A_65 = arith.addf %add3A_60, %concatenate3A_64 : vector<21x512xf32>
    %broadcast_in_dim3A_66 = arith.constant 0.000000e+00 : f32
    %broadcast_in_dim3A_67 = vector.broadcast %broadcast_in_dim3A_66 : f32 to vector<21x4xf32>
    %slice3A_68 = vector.extract_strided_slice %add3A_65 {offsets = [0, 0], sizes = [21, 508], strides = [1, 1]} : vector<21x512xf32> to vector<21x508xf32>
    %concatenate3A_69 = tpu.concatenate %broadcast_in_dim3A_67, %slice3A_68 in 1 : vector<21x4xf32>, vector<21x508xf32> -> vector<21x512xf32>
    %add3A_70 = arith.addf %add3A_65, %concatenate3A_69 : vector<21x512xf32>
    %broadcast_in_dim3A_71 = arith.constant 0.000000e+00 : f32
    %broadcast_in_dim3A_72 = vector.broadcast %broadcast_in_dim3A_71 : f32 to vector<21x8xf32>
    %slice3A_73 = vector.extract_strided_slice %add3A_70 {offsets = [0, 0], sizes = [21, 504], strides = [1, 1]} : vector<21x512xf32> to vector<21x504xf32>
    %concatenate3A_74 = tpu.concatenate %broadcast_in_dim3A_72, %slice3A_73 in 1 : vector<21x8xf32>, vector<21x504xf32> -> vector<21x512xf32>
    %add3A_75 = arith.addf %add3A_70, %concatenate3A_74 : vector<21x512xf32>
    %broadcast_in_dim3A_76 = arith.constant 0.000000e+00 : f32
    %broadcast_in_dim3A_77 = vector.broadcast %broadcast_in_dim3A_76 : f32 to vector<21x16xf32>
    %slice3A_78 = vector.extract_strided_slice %add3A_75 {offsets = [0, 0], sizes = [21, 496], strides = [1, 1]} : vector<21x512xf32> to vector<21x496xf32>
    %concatenate3A_79 = tpu.concatenate %broadcast_in_dim3A_77, %slice3A_78 in 1 : vector<21x16xf32>, vector<21x496xf32> -> vector<21x512xf32>
    %add3A_80 = arith.addf %add3A_75, %concatenate3A_79 : vector<21x512xf32>
    %broadcast_in_dim3A_81 = arith.constant 0.000000e+00 : f32
    %broadcast_in_dim3A_82 = vector.broadcast %broadcast_in_dim3A_81 : f32 to vector<21x32xf32>
    %slice3A_83 = vector.extract_strided_slice %add3A_80 {offsets = [0, 0], sizes = [21, 480], strides = [1, 1]} : vector<21x512xf32> to vector<21x480xf32>
    %concatenate3A_84 = tpu.concatenate %broadcast_in_dim3A_82, %slice3A_83 in 1 : vector<21x32xf32>, vector<21x480xf32> -> vector<21x512xf32>
    %add3A_85 = arith.addf %add3A_80, %concatenate3A_84 : vector<21x512xf32>
    %broadcast_in_dim3A_86 = arith.constant 0.000000e+00 : f32
    %broadcast_in_dim3A_87 = vector.broadcast %broadcast_in_dim3A_86 : f32 to vector<21x64xf32>
    %slice3A_88 = vector.extract_strided_slice %add3A_85 {offsets = [0, 0], sizes = [21, 448], strides = [1, 1]} : vector<21x512xf32> to vector<21x448xf32>
    %concatenate3A_89 = tpu.concatenate %broadcast_in_dim3A_87, %slice3A_88 in 1 : vector<21x64xf32>, vector<21x448xf32> -> vector<21x512xf32>
    %add3A_90 = arith.addf %add3A_85, %concatenate3A_89 : vector<21x512xf32>
    %broadcast_in_dim3A_91 = arith.constant 0.000000e+00 : f32
    %broadcast_in_dim3A_92 = vector.broadcast %broadcast_in_dim3A_91 : f32 to vector<21x128xf32>
    %slice3A_93 = vector.extract_strided_slice %add3A_90 {offsets = [0, 0], sizes = [21, 384], strides = [1, 1]} : vector<21x512xf32> to vector<21x384xf32>
    %concatenate3A_94 = tpu.concatenate %broadcast_in_dim3A_92, %slice3A_93 in 1 : vector<21x128xf32>, vector<21x384xf32> -> vector<21x512xf32>
    %add3A_95 = arith.addf %add3A_90, %concatenate3A_94 : vector<21x512xf32>
    %broadcast_in_dim3A_96 = arith.constant 0.000000e+00 : f32
    %broadcast_in_dim3A_97 = vector.broadcast %broadcast_in_dim3A_96 : f32 to vector<21x256xf32>
    %slice3A_98 = vector.extract_strided_slice %add3A_95 {offsets = [0, 0], sizes = [21, 256], strides = [1, 1]} : vector<21x512xf32> to vector<21x256xf32>
    %concatenate3A_99 = tpu.concatenate %broadcast_in_dim3A_97, %slice3A_98 in 1 : vector<21x256xf32>, vector<21x256xf32> -> vector<21x512xf32>
    %add3A_100 = arith.addf %add3A_95, %concatenate3A_99 : vector<21x512xf32>
    %sub3A = vector.broadcast %broadcast_in_dim3A : vector<21x1xf32> to vector<21x512xf32>
    %sub3A_101 = arith.subf %sub3A, %add3A_55 : vector<21x512xf32>
    %add3A_102 = vector.broadcast %broadcast_in_dim3A_12 : vector<21x1xf32> to vector<21x512xf32>
    %add3A_103 = arith.addf %add3A_102, %sub3A_101 : vector<21x512xf32>
    %max3A = arith.constant 1.000000e+00 : f32
    %max3A_104 = vector.broadcast %max3A : f32 to vector<21x512xf32>
    %max3A_105 = arith.maximumf %add3A_103, %max3A_104 : vector<21x512xf32>
    %div3A = arith.divf %add3A_100, %max3A_105 : vector<21x512xf32>
    %sub3A_106 = arith.constant 1.000000e+00 : f32
    %sub3A_107 = vector.broadcast %sub3A_106 : f32 to vector<21x512xf32>
    %sub3A_108 = arith.subf %sub3A_107, %div3A : vector<21x512xf32>
    %reduce_sum3A_109 = arith.constant dense<0.000000e+00> : vector<21xf32>
    %reduce_sum3A_110 = vector.multi_reduction <add>, %sub3A_108, %reduce_sum3A_109 [1] : vector<21x512xf32> to vector<21xf32>
    %broadcast_in_dim3A_111 = vector.shape_cast %reduce_sum3A_110 : vector<21xf32> to vector<21x1xf32>
    %add3A_112 = arith.constant 5.000000e-01 : f32
    %add3A_113 = vector.broadcast %add3A_112 : f32 to vector<21x1xf32>
    %add3A_114 = arith.addf %add3A_113, %broadcast_in_dim3A_111 : vector<21x1xf32>
    %div3A_115 = arith.constant 5.120000e+02 : f32
    %div3A_116 = vector.broadcast %div3A_115 : f32 to vector<21x1xf32>
    %div3A_117 = arith.divf %add3A_114, %div3A_116 : vector<21x1xf32>
    %gt3A = arith.constant 0.000000e+00 : f32
    %gt3A_118 = vector.broadcast %gt3A : f32 to vector<21x1xf32>
    %gt3A_119 = arith.cmpf ogt, %broadcast_in_dim3A_12, %gt3A_118 : vector<21x1xf32>
    %convert_element_type3A_120 = arith.extui %gt3A_119 : vector<21x1xi1> to vector<21x1xi32>
    %convert_element_type3A_121 = arith.sitofp %convert_element_type3A_120 : vector<21x1xi32> to vector<21x1xf32>
    %mul3A = arith.mulf %div3A_117, %convert_element_type3A_121 : vector<21x1xf32>
    %reduce_sum3A_122 = vector.shape_cast %mul3A : vector<21x1xf32> to vector<1x21x1xf32>
    %reduce_sum3A_123 = arith.constant dense<0.000000e+00> : vector<1xf32>
    %reduce_sum3A_124 = vector.multi_reduction <add>, %reduce_sum3A_122, %reduce_sum3A_123 [1, 2] : vector<1x21x1xf32> to vector<1xf32>
    %reduce_sum3A_125 = vector.shape_cast %reduce_sum3A_124 : vector<1xf32> to vector<1x1x1xf32>
    %reduce_sum3A_126 = vector.extract %reduce_sum3A_125[0, 0, 0] : f32 from vector<1x1x1xf32>
    %reduce_sum3A_127 = vector.shape_cast %convert_element_type3A_121 : vector<21x1xf32> to vector<1x21x1xf32>
    %reduce_sum3A_128 = arith.constant dense<0.000000e+00> : vector<1xf32>
    %reduce_sum3A_129 = vector.multi_reduction <add>, %reduce_sum3A_127, %reduce_sum3A_128 [1, 2] : vector<1x21x1xf32> to vector<1xf32>
    %reduce_sum3A_130 = vector.shape_cast %reduce_sum3A_129 : vector<1xf32> to vector<1x1x1xf32>
    %reduce_sum3A_131 = vector.extract %reduce_sum3A_130[0, 0, 0] : f32 from vector<1x1x1xf32>
    %max3A_132 = arith.constant 1.000000e+00 : f32
    %max3A_133 = arith.maximumf %reduce_sum3A_131, %max3A_132 : f32
    %div3A_134 = arith.divf %reduce_sum3A_126, %max3A_133 : f32
    %swap3A = arith.constant 0 : index
    %swap3A_135 = arith.constant 0 : index
    %swap3A_136 = memref.load %arg1[%swap3A, %swap3A_135] : memref<1x1xf32, #tpu.memory_space<smem>>
    memref.store %div3A_134, %arg1[%swap3A, %swap3A_135] : memref<1x1xf32, #tpu.memory_space<smem>>
    return
  }
}

</mosaic_0001>

<sc_bundles>
// kernel: kernel.4.cloned.1.call-start
scs
__scs_entry_jumppad:
0x0: {  	(pc) =	sbr.rel $0x88, $3  }
0x1: {  	(tag) =	ssettag $0x0;
	lr =	simm.s32 $0x1  }
0x2: {  	[smem:$0x3F9F] =	sst lr;
	_ =	strace $0xD0000000  }
0x3: {  	_ = 	snop  }
0x4: {  	_ = 	snop  }
0x5: {  	_ = 	snop  }
0x6: {  	_ = 	snop  }
0x7: {  	_ = 	snop  }
__scs_overlays_trampoline_lowered:
0x8: {  	[smem:$0x3FAE] =	sst s0  }
0x9: {  	[smem:$0x3FAF] =	sst s1  }
0xa: {  	[smem:$0x3FB0] =	sst s2  }
0xb: {  	[smem:$0x3FB1] =	sst s3  }
0xc: {  	[smem:$0x3FB2] =	sst s4  }
0xd: {  	[smem:$0x3FB3] =	sst s5  }
0xe: {  	[smem:$0x3FB4] =	sst s6  }
0xf: {  	[smem:$0x3FB5] =	sst s7  }
0x10: {  	[smem:$0x3FB6] =	sst s8  }
0x11: {  	[smem:$0x3FB7] =	sst s9;
	s0 =	simm.s32 @!p0 $0x0  }
0x12: {  	s1 =	sld [smem:$0x3F9D];
	s0 =	simm.s32 @p0 $0x1  }
0x13: {  	[smem:$0x3FB8] =	sst s0;
	s0 =	simm.s32 @!p1 $0x0  }
0x14: {  	s2 =	sld [smem:$0x3F9C];
	s0 =	simm.s32 @p1 $0x1  }
0x15: {  	[smem:$0x3FB9] =	sst s0;
	s0 =	simm.s32 @!p2 $0x0  }
0x16: {  	s3 =	sld [smem:$0x3FDB];
	s0 =	simm.s32 @p2 $0x1  }
0x17: {  	s4 =	simm.s32 $0x1BF5;
	[smem:$0x3FBB] =	sst s0  }
0x18: {  	s0 =	sld [smem:$0x3F9E];
	_ =	swait.ge [sflag:s4], $0x0  }
0x19: {  	s7 =	sld [smem:$0x3F9F]  }
0x1a: {  	s8 =	sadd.s32 $0xFFFFE003, lr  }
0x1b: {  	s9 =	sadd.s32 $0xFFFFFEF7, lr;
	s5 =	simm.s32 $0xFFFFFFFF;
	p2 =	slt.u32 s8, $0xFFFFF086  }
0x1c: {  	p1 =	slt.u32 s9, $0xF7A;
	s5 =	simm.s32 @!p2 $0x0  }
0x1d: {  	s5 =	simm.s32 @p1 $0x1;
	p0 =	seq.s32 s7, s2  }
0x1e: {  	s7 =	smul.u32 @!p0 $0xF7A, s2;
	p2 =	seq.s32 @!p0 s5, $0x0  }
0x1f: {  	s9 =	smul.u32 $0xF7A, s1;
	s8 =	simm.s32 @!p0 $0x1BF5;
	p2 =	por !p2, p0  }
0x20: {  	[sflag:s8] =	ssyncset.s32 @!p0 $0xFFFFF086;
	s6 =	sadd.s32 @!p0 s3, s7;
	s7 =	simm.s32 @!p0 $0x108  }
0x21: {  	s3 =	sadd.s32 s3, s9;
	s6 =	sadd.s32 @!p0 $0x88, s6;
	s7 =	simm.s32 @p2 $0x1082  }
0x22: {  	[simem:s7], [sflag:s8] =	dma.local @!p0 [hbm:s6], $0xF7A  }
0x23: {  	s9 =	sor.u32 $0xD0000000, s2;
	s6 =	simm.s32 $0x108;
	_ =	swait.ge @!p0 [sflag:s8], $0x0  }
0x24: {  	s3 =	sadd.s32 $0x88, s3;
	s6 =	simm.s32 @!p1 $0x1082;
	[sflag:s4] =	ssyncset.s32 $0xFFFFF086  }
0x25: {  	[simem:s6], [sflag:s4] =	dma.local [hbm:s3], $0xF7A  }
0x26: {  	[smem:$0x3F9F] =	sst s1;
	(tag) =	ssettag s2;
	_ =	strace s9  }
0x27: {  	s1 =	sld [smem:$0x3FAF]  }
0x28: {  	s2 =	sld [smem:$0x3FB0]  }
0x29: {  	s4 =	sld [smem:$0x3FB2]  }
0x2a: {  	p0 =	seq.s32 s5, $0x0;
	s5 =	sld [smem:$0x3FB3]  }
0x2b: {  	s6 =	sld [smem:$0x3FB4]  }
0x2c: {  	s7 =	sld [smem:$0x3FB5]  }
0x2d: {  	s3 =	simm.s32 $0x108;
	s8 =	sld [smem:$0x3FB6]  }
0x2e: {  	s3 =	simm.s32 @!p0 $0x1082;
	s9 =	sld [smem:$0x3FB7]  }
0x2f: {  	lr =	sadd.s32 s0, s3;
	s0 =	sld [smem:$0x3FAE]  }
0x30: {  	s3 =	sld [smem:$0x3FB1]  }
0x31: {  	[smem:$0x3FBA] =	sst s10  }
0x32: {  	s10 =	sld [smem:$0x3FB8];
	_ =	sdelay $0x3  }
0x33: {  	p0 =	seq.s32 s10, $0x1;
	s10 =	sld [smem:$0x3FBA];
	_ =	sdelay $0x3  }
0x34: {  	[smem:$0x3FBA] =	sst s10  }
0x35: {  	s10 =	sld [smem:$0x3FB9];
	_ =	sdelay $0x3  }
0x36: {  	p1 =	seq.s32 s10, $0x1;
	s10 =	sld [smem:$0x3FBA];
	_ =	sdelay $0x3  }
0x37: {  	[smem:$0x3FBA] =	sst s10  }
0x38: {  	s10 =	sld [smem:$0x3FBB]  }
0x39: {  	_ = 	snop;
	(pc) =	sbr.ind lr, $3  }
0x3a: {  	_ = 	snop  }
0x3b: {  	_ = 	snop  }
0x3c: {  	p2 =	seq.s32 s10, $0x1;
	s10 =	sld [smem:$0x3FBA]  }
0x3d: {  	_ =	shalt  }
0x3e: {  	_ =	shalt  }
0x3f: {  	_ =	shalt  }
0x40: {  	_ =	shalt  }
0x41: {  	_ =	shalt  }
0x42: {  	_ =	shalt  }
0x43: {  	_ =	shalt  }
0x44: {  	_ =	shalt  }
0x45: {  	_ =	shalt  }
0x46: {  	_ =	shalt  }
0x47: {  	_ =	shalt  }
0x48: {  	_ =	shalt  }
0x49: {  	_ =	shalt  }
0x4a: {  	_ =	shalt  }
0x4b: {  	_ =	shalt  }
0x4c: {  	_ =	shalt  }
0x4d: {  	_ =	shalt  }
0x4e: {  	_ =	shalt  }
0x4f: {  	_ =	shalt  }
0x50: {  	_ =	shalt  }
0x51: {  	_ =	shalt  }
0x52: {  	_ =	shalt  }
0x53: {  	_ =	shalt  }
0x54: {  	_ =	shalt  }
0x55: {  	_ =	shalt  }
0x56: {  	_ =	shalt  }
0x57: {  	_ =	shalt  }
0x58: {  	_ =	shalt  }
0x59: {  	_ =	shalt  }
0x5a: {  	_ =	shalt  }
0x5b: {  	_ =	shalt  }
0x5c: {  	_ =	shalt  }
0x5d: {  	_ =	shalt  }
0x5e: {  	_ =	shalt  }
0x5f: {  	_ =	shalt  }
0x60: {  	_ =	shalt  }
0x61: {  	_ =	shalt  }
0x62: {  	_ =	shalt  }
0x63: {  	_ =	shalt  }
0x64: {  	_ =	shalt  }
0x65: {  	_ =	shalt  }
0x66: {  	_ =	shalt  }
0x67: {  	_ =	shalt  }
0x68: {  	_ =	shalt  }
0x69: {  	_ =	shalt  }
0x6a: {  	_ =	shalt  }
0x6b: {  	_ =	shalt  }
0x6c: {  	_ =	shalt  }
0x6d: {  	_ =	shalt  }
0x6e: {  	_ =	shalt  }
0x6f: {  	_ =	shalt  }
0x70: {  	_ =	shalt  }
0x71: {  	_ =	shalt  }
0x72: {  	_ =	shalt  }
0x73: {  	_ =	shalt  }
0x74: {  	_ =	shalt  }
0x75: {  	_ =	shalt  }
0x76: {  	_ =	shalt  }
0x77: {  	_ =	shalt  }
0x78: {  	_ =	shalt  }
0x79: {  	_ =	shalt  }
0x7a: {  	_ =	shalt  }
0x7b: {  	_ =	shalt  }
0x7c: {  	_ =	shalt  }
0x7d: {  	_ =	shalt  }
0x7e: {  	_ =	shalt  }
0x7f: {  	_ =	shalt  }
0x80: {  	_ =	shalt  }
0x81: {  	_ =	shalt  }
0x82: {  	_ =	shalt  }
0x83: {  	_ =	shalt  }
0x84: {  	_ =	shalt  }
0x85: {  	_ =	shalt  }
0x86: {  	_ =	shalt  }
0x87: {  	_ =	shalt  }
.Lfunc_end0:
.L_simem_size_0:
called_computation_lowered:
.L_overlay_start_0:
0x88: {  	s2 =	sld [smem:$0x3FD9]  }
0x89: {  	s3 =	sld [smem:$0x3FFE];
	_ =	sdelay $0x1  }
0x8a: {  	s1 =	srdreg.scid  }
0x8b: {  	s0 =	sand.u32 $0x1, s1  }
0x8c: {  	s17 =	sshll.u32 s0, $0xA;
	s2 =	sadd.s32 s3, s2  }
0x8d: {  	s2 =	sadd.s32 s2, s17  }
0x8e: {  	[smem:$0x3FC6] =	sst s2  }
0x8f: {  	_ = 	snop  }
0x90: {  	s2 =	sld [smem:$0x3FC9]  }
0x91: {  	s18 =	sld [smem:$0x3FC8];
	(tm) =	ssettm $0x1  }
0x92: {  	s4 =	sld [smem:$0x3FFB];
	_ =	sdelay $0x3  }
0x93: {  	_ =	strace s4  }
0x94: {  	s4 =	sld [smem:$0x3FFC];
	_ =	sdelay $0x3  }
0x95: {  	_ =	strace s4  }
0x96: {  	s4 =	sld [smem:$0x3FFD];
	_ =	sdelay $0x3  }
0x97: {  	_ =	strace s4  }
0x98: {  	_ =	strace $0x8FFFFFFF  }
0x99: {  	s19 =	sld [smem:$0x3FDB];
	_ =	sdelay $0x1  }
0x9a: {  	s5 =	simm.s32 $_scs_section_size  }
0x9b: {  	s6 =	simm.s32 $_size__tile_overlayer_lowered;
	s7 =	simm.s32 $_tile_overlayer_lowered  }
0x9c: {  	s22 =	simm.s32 $0x1BFF;
	s21 =	sshll.u32 s7, $0x1;
	s4 =	sadd.s32 s5, s19  }
0x9d: {  	s8 =	simm.s32 $0x0;
	s20 =	sshll.u32 s6, $0x1;
	s6 =	sadd.s32 s21, s4  }
0x9e: {  	[timem:s8], [sflag:s22] =	dma.local [hbm:s6], s20  }
0x9f: {  	_ =	swait.ge [sflag:s22], s20  }
0xa0: {  	s5 =	ssub.s32 $0x0, s20;
	[sflag:s22] =	ssyncset.done $0x0  }
0xa1: {  	[sflag:s22] =	ssyncadd.s32 s5;
	_ =	sdelay $0x1  }
0xa2: {  	s23 =	simm.s32 $0x1B8B  }
0xa3: {  	_ =	swait.ge [sflag:s23], $0x1  }
0xa4: {  	[sflag:s23] =	ssyncset.done $0x0  }
0xa5: {  	s25 =	simm.s32 $0x1B8E;
	s24 =	sld [smem:$0x3FFE];
	[sflag:s23] =	ssyncadd.s32 $0xFFFFFFFF  }
0xa6: {  	s26 =	simm.s32 $execute0_lowered;
	[smem:$0x3FD2] =	sst s25  }
0xa7: {  	s6 =	sshll.u32 s26, $0x1;
	_ =	strace $0x80000046;
	[dreg:$0x1] =	wrdreg $0xFFFFFFFF  }
0xa8: {  	s28 =	simm.s32 $_size_execute0_lowered;
	s4 =	sadd.s32 s4, s6;
	[dreg:$0x0] =	wrdreg $0x0  }
0xa9: {  	s6 =	sshll.u32 s28, $0x1;
	[dreg:$0x2] =	wrdreg s4  }
0xaa: {  	[dreg:$0x3] =	wrdreg s6  }
0xab: {  	[dreg:$0x4] =	wrdreg $0xC0  }
0xac: {  	_ =	task [dreg:s8], $0x5FFFF  }
0xad: {  	[dreg:$0x1] =	wrdreg $0xFFFFFFFF  }
0xae: {  	[dreg:$0x0] =	wrdreg $0x60  }
0xaf: {  	[dreg:$0x2] =	wrdreg s2  }
0xb0: {  	[dreg:$0x3] =	wrdreg s18  }
0xb1: {  	[dreg:$0x4] =	wrdreg s24  }
0xb2: {  	[dreg:$0x5] =	wrdreg $0x9  }
0xb3: {  	_ =	task.clear_ibuf [dreg:s8], $0x6FFFF;
	_ =	strace $0x90000046  }
0xb4: {  	s29 =	simm.s32 $0x9;
	_ =	strace $0x80000048  }
0xb5: {  	_ =	swait.ge [sflag:s29], $0x1  }
0xb6: {  	[sflag:s29] =	ssyncadd.s32 $0xFFFFFFFF  }
0xb7: {  	_ =	strace $0x90000048  }
0xb8: {  	_ =	sfence  }
0xb9: {  	s30 =	sld [smem:$0x0];
	_ =	sdelay $0x2  }
0xba: {  	s31 =	sshll.u32 s1, $0xD;
	s1 =	sshrl.u32 s1, $0x2  }
0xbb: {  	s3 =	sand.u32 $0x4000, s31;
	s1 =	sadd.s32 s1, s30  }
0xbc: {  	s0 =	sor.u32 s3, s0;
	s1 =	sshll.u32 s1, $0x11  }
0xbd: {  	s0 =	sor.u32 s1, s0  }
0xbe: {  	s0 =	sadd.s32 $0x8F2B, s0  }
0xbf: {  	[sflag:s0] =	ssyncadd.remote.s32 $0x1  }
0xc0: {  	_ =	sfence.sel $0xFFFF  }
0xc1: {  	[dreg:$0x0] =	wrdreg $0xFFFFFFFF;
	(pc) =	sbr.abs _section_cstart, $3  }
0xc2: {  	[dreg:$0x1] =	wrdreg $0xFFFFFFFF  }
0xc3: {  	_ =	task.clear_ibuf [dreg:s8], $0x2FFFF;
	_ =	strace $0x9FFFFFFF  }
0xc4: {  	(tm) =	ssettm $0x7FFFFFFF  }
0xc5: {  	_ =	shalt  }
tec
execute0_lowered:
.L_overlay_start_1:
0x0: {  	(tag) =	ssettag $0x1  }
0x1: {  	s1 =	rddreg [dreg:$0x0]  }
0x2: {  	s0 =	srdreg.scid;
	s5 =	stileid.u32  }
0x3: {  	s31 =	rddreg [dreg:$0x1];
	s0 =	sand.u32 $0x1, s0;
	s3 =	sshll.u32 s5, $0x1  }
0x4: {  	s2 =	rddreg [dreg:$0x2];
	s8 =	sor.u32 s0, s3;
	s0 =	ssub.s32 $0x2, s0  }
0x5: {  	s4 =	simm.s32 $0x0;
	s3 =	smul.u32 $0xA80, s8;
	s26 =	sshrl.u32 s0, $0x1  }
0x6: {  	[smem:$0x7FF] =	sst s4;
	s7 =	sshrl.u32 s5, $0x2;
	s0 =	ssub.s32 s0, s26  }
0x7: {  	_ =	strace $0x80000047;
	s2 =	sadd.s32 s3, s2;
	[smem:$0x7FA] =	sst s0  }
0x8: {  	s3 =	smul.u32 $0x540000, s7;
	s0 =	sshll.u32 s8, $0xF;
	[smem:$0x7F8] =	sst s2  }
0x9: {  	s5 =	sshll.u32 s7, $0x12;
	s8 =	sshll.u32 s8, $0xC;
	[dreg:$0x4] =	wrdreg s0  }
0xa: {  	s7 =	ssub.s32 s0, s5;
	s22 =	sadd.s32 $0x40000, s3;
	s17 =	sadd.s32 $0x80000, s3  }
0xb: {  	s19 =	sadd.s32 $0xC0000, s3;
	s21 =	sadd.s32 $0x100000, s3;
	s18 =	sadd.s32 $0x140000, s3  }
0xc: {  	s20 =	sadd.s32 $0x180000, s3;
	s16 =	sadd.s32 $0x1C0000, s3;
	[dreg:$0x11] =	wrdreg s7  }
0xd: {  	s13 =	sadd.s32 s3, s7;
	s30 =	sadd.s32 $0x200000, s3;
	[dreg:$0x12] =	wrdreg s22  }
0xe: {  	s29 =	sadd.s32 $0x240000, s3;
	s28 =	sadd.s32 $0x380000, s3;
	[dreg:$0x15] =	wrdreg s17  }
0xf: {  	s0 =	sadd.s32 s22, s7;
	s2 =	sadd.s32 s17, s7;
	[dreg:$0x17] =	wrdreg s19  }
0x10: {  	s9 =	sadd.s32 s19, s7;
	s10 =	sadd.s32 s21, s7;
	[dreg:$0x18] =	wrdreg s21  }
0x11: {  	s11 =	sadd.s32 s18, s7;
	s12 =	sadd.s32 s20, s7;
	[dreg:$0x1b] =	wrdreg s18  }
0x12: {  	s14 =	sadd.s32 s16, s7;
	s13 =	sshrl.u32 s13, $0x3;
	[dreg:$0x1d] =	wrdreg s20  }
0x13: {  	s26 =	sadd.s32 s30, s7;
	s5 =	sadd.s32 s29, s7;
	[dreg:$0x1e] =	wrdreg s16  }
0x14: {  	s0 =	sshrl.u32 s0, $0x3;
	s13 =	sadd.s32 s1, s13;
	s6 =	sshrl.u32 s2, $0x3  }
0x15: {  	s9 =	sshrl.u32 s9, $0x3;
	s23 =	sshrl.u32 s11, $0x3;
	s24 =	sshrl.u32 s12, $0x3  }
0x16: {  	s25 =	sshrl.u32 s14, $0x3;
	[dreg:$0x5] =	wrdreg s13;
	s0 =	sadd.s32 s1, s0  }
0x17: {  	s13 =	sshrl.u32 s10, $0x3;
	[dreg:$0x6] =	wrdreg s0;
	s0 =	sadd.s32 s1, s6  }
0x18: {  	s2 =	sshrl.u32 s26, $0x3;
	s15 =	sadd.s32 s1, s13;
	[dreg:$0x7] =	wrdreg s0  }
0x19: {  	s26 =	sadd.s32 s28, s7;
	s0 =	sadd.s32 s1, s9;
	[dreg:$0x9] =	wrdreg s15  }
0x1a: {  	[dreg:$0x8] =	wrdreg s0;
	s0 =	sadd.s32 s1, s23;
	s23 =	sadd.s32 $0x280000, s3  }
0x1b: {  	[dreg:$0xa] =	wrdreg s0;
	s0 =	sadd.s32 s1, s24;
	s6 =	sadd.s32 s23, s7  }
0x1c: {  	s24 =	sadd.s32 $0x300000, s3;
	[dreg:$0xb] =	wrdreg s0;
	s0 =	sadd.s32 s1, s25  }
0x1d: {  	s25 =	sadd.s32 $0x2C0000, s3;
	s9 =	sshrl.u32 s6, $0x3;
	s12 =	sadd.s32 s24, s7  }
0x1e: {  	[dreg:$0xc] =	wrdreg s0;
	s0 =	sadd.s32 s1, s2;
	s10 =	sadd.s32 s25, s7  }
0x1f: {  	s2 =	sshrl.u32 s12, $0x3;
	[dreg:$0xd] =	wrdreg s0;
	s0 =	sshrl.u32 s5, $0x3  }
0x20: {  	s11 =	sshrl.u32 s10, $0x3;
	s5 =	sadd.s32 $0x340000, s3;
	s14 =	sadd.s32 s1, s2  }
0x21: {  	s10 =	sshrl.u32 s26, $0x3;
	s26 =	sadd.s32 $0x400000, s3;
	s0 =	sadd.s32 s1, s0  }
0x22: {  	s13 =	sadd.s32 s5, s7;
	[dreg:$0x13] =	wrdreg s14;
	s14 =	sadd.s32 s26, s7  }
0x23: {  	[dreg:$0xe] =	wrdreg s0;
	s0 =	sadd.s32 s1, s9;
	s15 =	sshrl.u32 s13, $0x3  }
0x24: {  	s13 =	sadd.s32 $0x3C0000, s3;
	[dreg:$0xf] =	wrdreg s0;
	s0 =	sadd.s32 s1, s11  }
0x25: {  	s6 =	sadd.s32 s1, s15;
	s12 =	sadd.s32 s13, s7;
	[dreg:$0x10] =	wrdreg s0  }
0x26: {  	s11 =	sadd.s32 s1, s10;
	[dreg:$0x14] =	wrdreg s6;
	s2 =	sshrl.u32 s12, $0x3  }
0x27: {  	[dreg:$0x16] =	wrdreg s11;
	s0 =	sshrl.u32 s14, $0x3;
	s15 =	sadd.s32 s1, s2  }
0x28: {  	s12 =	sadd.s32 $0x440000, s3;
	s10 =	sadd.s32 s1, s0;
	[dreg:$0x19] =	wrdreg s15  }
0x29: {  	s6 =	sadd.s32 s12, s7;
	[dreg:$0x1a] =	wrdreg s10;
	s15 =	sadd.s32 $0x480000, s3  }
0x2a: {  	s11 =	sshrl.u32 s6, $0x3;
	s6 =	sadd.s32 $0x500000, s3;
	s0 =	sadd.s32 s15, s7  }
0x2b: {  	s14 =	sadd.s32 s1, s11;
	s11 =	sadd.s32 $0x4C0000, s3;
	s9 =	sshrl.u32 s0, $0x3  }
0x2c: {  	[dreg:$0x1c] =	wrdreg s14;
	s2 =	sadd.s32 s11, s7;
	s14 =	sadd.s32 s1, s9  }
0x2d: {  	s0 =	sshrl.u32 s2, $0x3;
	s2 =	sadd.s32 s6, s7;
	[dreg:$0x1f] =	wrdreg s14  }
0x2e: {  	s14 =	sadd.s32 s1, s0;
	s2 =	sshrl.u32 s2, $0x3;
	s0 =	smov.u32 s15  }
0x2f: {  	[smem:$0x7D9] =	sst s14;
	s10 =	sadd.s32 s1, s2;
	s14 =	sadd.s32 s31, s8  }
0x30: {  	s8 =	sor.u32 $0x800, s7;
	s2 =	smov.u32 s25;
	[smem:$0x7DA] =	sst s10  }
0x31: {  	s31 =	smov.u32 s5;
	[smem:$0x7FC] =	sst s14;
	s9 =	sadd.s32 s22, s8  }
0x32: {  	s10 =	sadd.s32 s17, s8;
	s14 =	sadd.s32 s19, s8;
	s17 =	sadd.s32 s21, s8  }
0x33: {  	s19 =	sadd.s32 s18, s8;
	s21 =	sadd.s32 s20, s8;
	s16 =	sadd.s32 s16, s8  }
0x34: {  	s20 =	smov.u32 s30;
	s30 =	sadd.s32 s30, s8;
	s22 =	smov.u32 s29  }
0x35: {  	s18 =	sadd.s32 s29, s8;
	s29 =	smov.u32 s23;
	[smem:$0x7E1] =	sst s16  }
0x36: {  	s23 =	sadd.s32 s23, s8;
	s5 =	sadd.s32 s5, s8;
	[smem:$0x7E5] =	sst s18  }
0x37: {  	s25 =	sadd.s32 s25, s8;
	s7 =	sadd.s32 s28, s8;
	[smem:$0x7EA] =	sst s5  }
0x38: {  	s16 =	smov.u32 s24;
	s24 =	sadd.s32 s24, s8;
	[smem:$0x7EB] =	sst s7  }
0x39: {  	s5 =	smov.u32 s13;
	s13 =	sadd.s32 s13, s8;
	s18 =	sadd.s32 s26, s8  }
0x3a: {  	s7 =	smov.u32 s12;
	s9 =	sshrl.u32 s9, $0x3;
	[smem:$0x7E9] =	sst s24  }
0x3b: {  	s10 =	sshrl.u32 s10, $0x3;
	s17 =	sshrl.u32 s17, $0x3;
	[smem:$0x7EF] =	sst s13  }
0x3c: {  	s24 =	smov.u32 s28;
	s28 =	smov.u32 s26;
	[smem:$0x7F0] =	sst s18  }
0x3d: {  	s26 =	sadd.s32 s12, s8;
	s12 =	sadd.s32 s15, s8;
	s18 =	smov.u32 s6  }
0x3e: {  	s13 =	sadd.s32 s6, s8;
	s6 =	sshrl.u32 s19, $0x3;
	s19 =	sld [smem:$0x7E1]  }
0x3f: {  	s15 =	smov.u32 s11;
	s9 =	sadd.s32 s1, s9;
	[smem:$0x7F1] =	sst s26  }
0x40: {  	s11 =	sadd.s32 s11, s8;
	s10 =	sadd.s32 s1, s10;
	[smem:$0x7DC] =	sst s9  }
0x41: {  	s8 =	sadd.s32 s3, s8;
	[smem:$0x7DD] =	sst s10;
	s9 =	sadd.s32 s1, s17  }
0x42: {  	s8 =	sshrl.u32 s8, $0x3;
	[smem:$0x7DF] =	sst s9  }
0x43: {  	s8 =	sadd.s32 s1, s8;
	s9 =	sld [smem:$0x7E9]  }
0x44: {  	s14 =	sshrl.u32 s14, $0x3;
	s17 =	sshrl.u32 s21, $0x3;
	[smem:$0x7DB] =	sst s8  }
0x45: {  	s8 =	sadd.s32 s1, s14;
	s21 =	sshrl.u32 s19, $0x3;
	s19 =	sld [smem:$0x7E5]  }
0x46: {  	s23 =	sshrl.u32 s23, $0x3;
	s14 =	sadd.s32 s1, s6;
	[smem:$0x7DE] =	sst s8  }
0x47: {  	s6 =	sshrl.u32 s30, $0x3;
	[smem:$0x7E0] =	sst s14;
	s8 =	sadd.s32 s1, s17  }
0x48: {  	s17 =	sadd.s32 s1, s6;
	s6 =	sadd.s32 s1, s23;
	s23 =	sld [smem:$0x7F0]  }
0x49: {  	s14 =	sadd.s32 s1, s21;
	[smem:$0x7E2] =	sst s8  }
0x4a: {  	[smem:$0x7E3] =	sst s14  }
0x4b: {  	[smem:$0x7E4] =	sst s17  }
0x4c: {  	[smem:$0x7E7] =	sst s6  }
0x4d: {  	s14 =	sld [smem:$0x7EA]  }
0x4e: {  	s25 =	sshrl.u32 s25, $0x3;
	s17 =	sld [smem:$0x7EB]  }
0x4f: {  	s8 =	sadd.s32 s1, s25;
	s10 =	sshrl.u32 s9, $0x3;
	s25 =	sld [smem:$0x7F1]  }
0x50: {  	s26 =	smov.u32 s3;
	[smem:$0x7E8] =	sst s8;
	s8 =	sadd.s32 s1, s10  }
0x51: {  	s21 =	sshrl.u32 s19, $0x3;
	s10 =	sshrl.u32 s12, $0x3;
	[smem:$0x7EC] =	sst s8  }
0x52: {  	s12 =	sshrl.u32 s11, $0x3;
	s3 =	sadd.s32 s1, s21;
	s21 =	sld [smem:$0x7EF]  }
0x53: {  	[smem:$0x7E6] =	sst s3;
	s3 =	sshrl.u32 s14, $0x3;
	s6 =	sshrl.u32 s17, $0x3  }
0x54: {  	s8 =	sshrl.u32 s25, $0x3;
	s17 =	sadd.s32 s1, s12;
	s25 =	sld [smem:$0x7FC]  }
0x55: {  	s3 =	sadd.s32 s1, s3;
	[smem:$0x7F6] =	sst s17  }
0x56: {  	s19 =	sadd.s32 s1, s6;
	s6 =	sshrl.u32 s23, $0x3;
	s23 =	sld [smem:$0x7FA]  }
0x57: {  	[smem:$0x7ED] =	sst s3  }
0x58: {  	s9 =	sadd.s32 s1, s8;
	[smem:$0x7EE] =	sst s19  }
0x59: {  	s14 =	sshrl.u32 s13, $0x3;
	[smem:$0x7F4] =	sst s9  }
0x5a: {  	s3 =	sshrl.u32 s21, $0x3;
	s6 =	sadd.s32 s1, s6;
	s21 =	sld [smem:$0x7F8]  }
0x5b: {  	s19 =	sadd.s32 s1, s14;
	[smem:$0x7F3] =	sst s6  }
0x5c: {  	s3 =	sadd.s32 s1, s3;
	[smem:$0x7F7] =	sst s19  }
.Ltmp0:
0x5d: {  	[smem:$0x7F2] =	sst s3;
	s3 =	sadd.s32 s1, s10;
	(pc) =	sbr.rel .LBB2_1-.Ltmp0, $4  }
0x5e: {  	s30 =	simm.s32 $0x2;
	[smem:$0x7F5] =	sst s3;
	s3 =	sadd.s32 $0x400, s21  }
0x5f: {  	v3 =	vlaneseq.u32;
	s17 =	simm.s32 $0xA800;
	[smem:$0x7F9] =	sst s3;
	s3 =	smax.u32 s23, $0x1  }
0x60: {  	v0 =	vimm.s32 $0x0;
	v1 =	vimm.s32 $0x1;
	v2 =	vshrl.u32 v3, $0x3;
	s8 =	simm.s32 $0x0;
	[smem:$0x7FB] =	sst s3;
	s3 =	sadd.s32 $0x100, s25  }
0x61: {  	v4 =	vimm.s32 $0xFFFFFFFF;
	v3 =	vand.u32 $0x7, v3;
	v2 =	vmul.u32 $0x8, v2;
	s23 =	simm.s32 $0x1;
	s25 =	simm.s32 $0x16000;
	[smem:$0x7FD] =	sst s3  }
.LBB2_12:
0x62: {  	s3 =	sld [smem:$0x7F9];
	_ =	sdelay $0x1  }
0x63: {  	s6 =	simm.s32 $0x3  }
0x64: {  	[hbm4b:s3+s4] =	stream.linear.scatter [tilespmem:s25], [sflag:$0x3], $0x5400, $0x38;
	[tilespmem:$0x1B400] =	vst v63  }
0x65: {  	_ =	swait.ge [sflag:s6], $0x5400  }
0x66: {  	s8 =	sld [smem:$0x7D8]  }
0x67: {  	s21 =	sld [smem:$0x7FB];
	_ =	sdelay $0x1  }
0x68: {  	s8 =	sadd.s32 $0x1, s8  }
0x69: {  	p0 =	sne.s32 s8, s21  }
.Ltmp1:
0x6a: {  	_ = 	snop;
	(pc) =	sbr.rel @!p0 .LBB2_13-.Ltmp1, $3  }
0x6b: {  	_ =	sdelay $0x1  }
0x6c: {  	[sflag:s6] =	ssyncset.done $0x0  }
0x6d: {  	[sflag:s6] =	ssyncadd.s32 $0xFFFFAC00  }
.LBB2_1:
0x6e: {  	[smem:$0x7D8] =	sst s8;
	s3 =	simm.s32 $0x40;
	s6 =	simm.s32 $0x0  }
.LBB2_2:
0x6f: {  	p0 =	sne.s32 s3, $0x14FC0;
	[tilespmem:s6+$0x16000] =	vst v0;
	s6 =	smov.u32 s3;
	s3 =	sadd.s32 $0x40, s3  }
.Ltmp2:
0x70: {  	(pc) =	sbr.rel @p0 .LBB2_2-.Ltmp2, $2  }
0x71: {  	_ =	sdelay $0x2  }
0x72: {  	s6 =	sshra.s32 s6, $0x2  }
0x73: {  	s3 =	rddreg [dreg:$0x5]  }
0x74: {  	[tilespmem:s6+$0x16000] =	vst v0;
	s8 =	simm.s32 $0x0;
	s13 =	rddreg [dreg:$0x6]  }
0x75: {  	[tilespmem:s8], [sflag:$0x1] =	stream.linear.gather [hbm4b:s3+s8], $0x800, $0x38;
	[tilespmem:$0x1B400] =	vst v63  }
0x76: {  	s14 =	simm.s32 $0x800;
	s19 =	rddreg [dreg:$0x7]  }
0x77: {  	[tilespmem:s14], [sflag:$0x1] =	stream.linear.gather [hbm4b:s13+s8], $0x800, $0x38;
	[tilespmem:$0x1B400] =	vst v63  }
0x78: {  	s21 =	simm.s32 $0x1000;
	s9 =	rddreg [dreg:$0x8]  }
0x79: {  	[tilespmem:s21], [sflag:$0x1] =	stream.linear.gather [hbm4b:s19+s8], $0x800, $0x38;
	[tilespmem:$0x1B400] =	vst v63  }
0x7a: {  	s10 =	simm.s32 $0x1800;
	s11 =	rddreg [dreg:$0x9]  }
0x7b: {  	[tilespmem:s10], [sflag:$0x1] =	stream.linear.gather [hbm4b:s9+s8], $0x800, $0x38;
	[tilespmem:$0x1B400] =	vst v63  }
0x7c: {  	s12 =	simm.s32 $0x2000;
	s6 =	sld [smem:$0x7D9]  }
0x7d: {  	[tilespmem:s12], [sflag:$0x1] =	stream.linear.gather [hbm4b:s11+s8], $0x800, $0x38;
	[tilespmem:$0x1B400] =	vst v63  }
0x7e: {  	s13 =	rddreg [dreg:$0xa];
	s14 =	simm.s32 $0x2800  }
0x7f: {  	[tilespmem:s14], [sflag:$0x1] =	stream.linear.gather [hbm4b:s13+s8], $0x800, $0x38;
	[tilespmem:$0x1B400] =	vst v63  }
0x80: {  	s19 =	rddreg [dreg:$0xb];
	s21 =	simm.s32 $0x3000  }
0x81: {  	[tilespmem:s21], [sflag:$0x1] =	stream.linear.gather [hbm4b:s19+s8], $0x800, $0x38;
	[tilespmem:$0x1B400] =	vst v63  }
0x82: {  	s9 =	rddreg [dreg:$0xc];
	s10 =	simm.s32 $0x3800  }
0x83: {  	[tilespmem:s10], [sflag:$0x1] =	stream.linear.gather [hbm4b:s9+s8], $0x800, $0x38;
	[tilespmem:$0x1B400] =	vst v63  }
0x84: {  	s11 =	rddreg [dreg:$0xd];
	s12 =	simm.s32 $0x4000  }
0x85: {  	[tilespmem:s12], [sflag:$0x1] =	stream.linear.gather [hbm4b:s11+s8], $0x800, $0x38;
	[tilespmem:$0x1B400] =	vst v63  }
0x86: {  	s13 =	rddreg [dreg:$0xe];
	s14 =	simm.s32 $0x4800  }
0x87: {  	[tilespmem:s14], [sflag:$0x1] =	stream.linear.gather [hbm4b:s13+s8], $0x800, $0x38;
	[tilespmem:$0x1B400] =	vst v63  }
0x88: {  	s19 =	rddreg [dreg:$0xf];
	s21 =	simm.s32 $0x5000  }
0x89: {  	[tilespmem:s21], [sflag:$0x1] =	stream.linear.gather [hbm4b:s19+s8], $0x800, $0x38;
	[tilespmem:$0x1B400] =	vst v63  }
0x8a: {  	s9 =	rddreg [dreg:$0x10];
	s10 =	simm.s32 $0x5800  }
0x8b: {  	[tilespmem:s10], [sflag:$0x1] =	stream.linear.gather [hbm4b:s9+s8], $0x800, $0x38;
	[tilespmem:$0x1B400] =	vst v63  }
0x8c: {  	s11 =	rddreg [dreg:$0x13];
	s12 =	simm.s32 $0x6000  }
0x8d: {  	[tilespmem:s12], [sflag:$0x1] =	stream.linear.gather [hbm4b:s11+s8], $0x800, $0x38;
	[tilespmem:$0x1B400] =	vst v63  }
0x8e: {  	s13 =	rddreg [dreg:$0x14];
	s14 =	simm.s32 $0x6800  }
0x8f: {  	[tilespmem:s14], [sflag:$0x1] =	stream.linear.gather [hbm4b:s13+s8], $0x800, $0x38;
	[tilespmem:$0x1B400] =	vst v63  }
0x90: {  	s19 =	rddreg [dreg:$0x16];
	s21 =	simm.s32 $0x7000  }
0x91: {  	[tilespmem:s21], [sflag:$0x1] =	stream.linear.gather [hbm4b:s19+s8], $0x800, $0x38;
	[tilespmem:$0x1B400] =	vst v63  }
0x92: {  	s9 =	rddreg [dreg:$0x19];
	s10 =	simm.s32 $0x7800  }
0x93: {  	[tilespmem:s10], [sflag:$0x1] =	stream.linear.gather [hbm4b:s9+s8], $0x800, $0x38;
	[tilespmem:$0x1B400] =	vst v63  }
0x94: {  	s11 =	rddreg [dreg:$0x1a];
	s12 =	simm.s32 $0x8000  }
0x95: {  	[tilespmem:s12], [sflag:$0x1] =	stream.linear.gather [hbm4b:s11+s8], $0x800, $0x38;
	[tilespmem:$0x1B400] =	vst v63  }
0x96: {  	s13 =	rddreg [dreg:$0x1c];
	s14 =	simm.s32 $0x8800  }
0x97: {  	[tilespmem:s14], [sflag:$0x1] =	stream.linear.gather [hbm4b:s13+s8], $0x800, $0x38;
	[tilespmem:$0x1B400] =	vst v63  }
0x98: {  	s19 =	rddreg [dreg:$0x1f];
	s21 =	simm.s32 $0x9000  }
0x99: {  	[tilespmem:s21], [sflag:$0x1] =	stream.linear.gather [hbm4b:s19+s8], $0x800, $0x38;
	[tilespmem:$0x1B400] =	vst v63  }
0x9a: {  	s9 =	simm.s32 $0x9800;
	s10 =	sld [smem:$0x7DA]  }
0x9b: {  	[tilespmem:s9], [sflag:$0x1] =	stream.linear.gather [hbm4b:s6+s8], $0x800, $0x38;
	[tilespmem:$0x1B400] =	vst v63  }
0x9c: {  	s11 =	simm.s32 $0xA000;
	s12 =	sld [smem:$0x7FC]  }
0x9d: {  	[tilespmem:s11], [sflag:$0x1] =	stream.linear.gather [hbm4b:s10+s8], $0x800, $0x38;
	[tilespmem:$0x1B400] =	vst v63  }
0x9e: {  	s13 =	simm.s32 $0x15000;
	s14 =	sld [smem:$0x7DB]  }
0x9f: {  	[tilespmem:s13], [sflag:$0x1] =	stream.linear.gather [hbm4b:s12+s8], $0x800, $0x38;
	[tilespmem:$0x1B400] =	vst v63  }
0xa0: {  	s19 =	sld [smem:$0x7DC]  }
0xa1: {  	[tilespmem:s17], [sflag:$0x2] =	stream.linear.gather [hbm4b:s14+s8], $0x800, $0x38;
	[tilespmem:$0x1B400] =	vst v63  }
0xa2: {  	s21 =	simm.s32 $0xB000;
	s9 =	sld [smem:$0x7DD]  }
0xa3: {  	[tilespmem:s21], [sflag:$0x2] =	stream.linear.gather [hbm4b:s19+s8], $0x800, $0x38;
	[tilespmem:$0x1B400] =	vst v63  }
0xa4: {  	s10 =	simm.s32 $0xB800;
	s11 =	sld [smem:$0x7DE]  }
0xa5: {  	[tilespmem:s10], [sflag:$0x2] =	stream.linear.gather [hbm4b:s9+s8], $0x800, $0x38;
	[tilespmem:$0x1B400] =	vst v63  }
0xa6: {  	s12 =	simm.s32 $0xC000;
	s13 =	sld [smem:$0x7DF]  }
0xa7: {  	[tilespmem:s12], [sflag:$0x2] =	stream.linear.gather [hbm4b:s11+s8], $0x800, $0x38;
	[tilespmem:$0x1B400] =	vst v63  }
0xa8: {  	s14 =	simm.s32 $0xC800;
	s19 =	sld [smem:$0x7E0]  }
0xa9: {  	[tilespmem:s14], [sflag:$0x2] =	stream.linear.gather [hbm4b:s13+s8], $0x800, $0x38;
	[tilespmem:$0x1B400] =	vst v63  }
0xaa: {  	s21 =	simm.s32 $0xD000;
	s9 =	sld [smem:$0x7E2]  }
0xab: {  	[tilespmem:s21], [sflag:$0x2] =	stream.linear.gather [hbm4b:s19+s8], $0x800, $0x38;
	[tilespmem:$0x1B400] =	vst v63  }
0xac: {  	s10 =	simm.s32 $0xD800;
	s11 =	sld [smem:$0x7E3]  }
0xad: {  	[tilespmem:s10], [sflag:$0x2] =	stream.linear.gather [hbm4b:s9+s8], $0x800, $0x38;
	[tilespmem:$0x1B400] =	vst v63  }
0xae: {  	s12 =	simm.s32 $0xE000;
	s13 =	sld [smem:$0x7E4]  }
0xaf: {  	[tilespmem:s12], [sflag:$0x2] =	stream.linear.gather [hbm4b:s11+s8], $0x800, $0x38;
	[tilespmem:$0x1B400] =	vst v63  }
0xb0: {  	s14 =	simm.s32 $0xE800;
	s19 =	sld [smem:$0x7E6]  }
0xb1: {  	[tilespmem:s14], [sflag:$0x2] =	stream.linear.gather [hbm4b:s13+s8], $0x800, $0x38;
	[tilespmem:$0x1B400] =	vst v63  }
0xb2: {  	s21 =	simm.s32 $0xF000;
	s9 =	sld [smem:$0x7E7]  }
0xb3: {  	[tilespmem:s21], [sflag:$0x2] =	stream.linear.gather [hbm4b:s19+s8], $0x800, $0x38;
	[tilespmem:$0x1B400] =	vst v63  }
0xb4: {  	s10 =	simm.s32 $0xF800;
	s11 =	sld [smem:$0x7E8]  }
0xb5: {  	[tilespmem:s10], [sflag:$0x2] =	stream.linear.gather [hbm4b:s9+s8], $0x800, $0x38;
	[tilespmem:$0x1B400] =	vst v63  }
0xb6: {  	s12 =	simm.s32 $0x10000;
	s13 =	sld [smem:$0x7EC]  }
0xb7: {  	[tilespmem:s12], [sflag:$0x2] =	stream.linear.gather [hbm4b:s11+s8], $0x800, $0x38;
	[tilespmem:$0x1B400] =	vst v63  }
0xb8: {  	s14 =	simm.s32 $0x10800;
	s19 =	sld [smem:$0x7ED]  }
0xb9: {  	[tilespmem:s14], [sflag:$0x2] =	stream.linear.gather [hbm4b:s13+s8], $0x800, $0x38;
	[tilespmem:$0x1B400] =	vst v63  }
0xba: {  	s21 =	simm.s32 $0x11000;
	s9 =	sld [smem:$0x7EE]  }
0xbb: {  	[tilespmem:s21], [sflag:$0x2] =	stream.linear.gather [hbm4b:s19+s8], $0x800, $0x38;
	[tilespmem:$0x1B400] =	vst v63  }
0xbc: {  	s10 =	simm.s32 $0x11800;
	s11 =	sld [smem:$0x7F2]  }
0xbd: {  	[tilespmem:s10], [sflag:$0x2] =	stream.linear.gather [hbm4b:s9+s8], $0x800, $0x38;
	[tilespmem:$0x1B400] =	vst v63  }
0xbe: {  	s12 =	simm.s32 $0x12000;
	s13 =	sld [smem:$0x7F3]  }
0xbf: {  	[tilespmem:s12], [sflag:$0x2] =	stream.linear.gather [hbm4b:s11+s8], $0x800, $0x38;
	[tilespmem:$0x1B400] =	vst v63  }
0xc0: {  	s14 =	simm.s32 $0x12800;
	s19 =	sld [smem:$0x7F4]  }
0xc1: {  	[tilespmem:s14], [sflag:$0x2] =	stream.linear.gather [hbm4b:s13+s8], $0x800, $0x38;
	[tilespmem:$0x1B400] =	vst v63  }
0xc2: {  	s21 =	simm.s32 $0x13000;
	s9 =	sld [smem:$0x7F5]  }
0xc3: {  	[tilespmem:s21], [sflag:$0x2] =	stream.linear.gather [hbm4b:s19+s8], $0x800, $0x38;
	[tilespmem:$0x1B400] =	vst v63  }
0xc4: {  	s10 =	simm.s32 $0x13800;
	s11 =	sld [smem:$0x7F6]  }
0xc5: {  	[tilespmem:s10], [sflag:$0x2] =	stream.linear.gather [hbm4b:s9+s8], $0x800, $0x38;
	[tilespmem:$0x1B400] =	vst v63  }
0xc6: {  	s12 =	simm.s32 $0x14000;
	s13 =	sld [smem:$0x7F7]  }
0xc7: {  	[tilespmem:s12], [sflag:$0x2] =	stream.linear.gather [hbm4b:s11+s8], $0x800, $0x38;
	[tilespmem:$0x1B400] =	vst v63  }
0xc8: {  	s14 =	simm.s32 $0x14800;
	s19 =	sld [smem:$0x7FD]  }
0xc9: {  	[tilespmem:s14], [sflag:$0x2] =	stream.linear.gather [hbm4b:s13+s8], $0x800, $0x38;
	[tilespmem:$0x1B400] =	vst v63  }
0xca: {  	s3 =	simm.s32 $0x0;
	s21 =	simm.s32 $0x15800  }
0xcb: {  	[tilespmem:s21], [sflag:$0x2] =	stream.linear.gather [hbm4b:s19+s8], $0x800, $0x38;
	[tilespmem:$0x1B400] =	vst v63  }
.LBB2_4:
0xcc: {  	_ =	swait.ge [sflag:s23], $0x800  }
0xcd: {  	[sflag:s23] =	ssyncset.done $0x0  }
0xce: {  	[sflag:s23] =	ssyncadd.s32 $0xFFFFF800  }
0xcf: {  	_ =	swait.ge [sflag:s23], $0x800  }
0xd0: {  	[sflag:s23] =	ssyncset.done $0x0  }
0xd1: {  	[sflag:s23] =	ssyncadd.s32 $0xFFFFF800  }
0xd2: {  	_ =	swait.ge [sflag:s23], $0x800  }
0xd3: {  	[sflag:s23] =	ssyncset.done $0x0  }
0xd4: {  	[sflag:s23] =	ssyncadd.s32 $0xFFFFF800  }
0xd5: {  	_ =	swait.ge [sflag:s23], $0x800  }
0xd6: {  	[sflag:s23] =	ssyncset.done $0x0  }
0xd7: {  	[sflag:s23] =	ssyncadd.s32 $0xFFFFF800  }
0xd8: {  	_ =	swait.ge [sflag:s23], $0x800  }
0xd9: {  	[sflag:s23] =	ssyncset.done $0x0  }
0xda: {  	[sflag:s23] =	ssyncadd.s32 $0xFFFFF800  }
0xdb: {  	_ =	swait.ge [sflag:s23], $0x800  }
0xdc: {  	[sflag:s23] =	ssyncset.done $0x0  }
0xdd: {  	[sflag:s23] =	ssyncadd.s32 $0xFFFFF800  }
0xde: {  	_ =	swait.ge [sflag:s23], $0x800  }
0xdf: {  	[sflag:s23] =	ssyncset.done $0x0  }
0xe0: {  	[sflag:s23] =	ssyncadd.s32 $0xFFFFF800  }
0xe1: {  	_ =	swait.ge [sflag:s23], $0x800  }
0xe2: {  	[sflag:s23] =	ssyncset.done $0x0  }
0xe3: {  	[sflag:s23] =	ssyncadd.s32 $0xFFFFF800  }
0xe4: {  	_ =	swait.ge [sflag:s23], $0x800  }
0xe5: {  	[sflag:s23] =	ssyncset.done $0x0  }
0xe6: {  	[sflag:s23] =	ssyncadd.s32 $0xFFFFF800  }
0xe7: {  	_ =	swait.ge [sflag:s23], $0x800  }
0xe8: {  	[sflag:s23] =	ssyncset.done $0x0  }
0xe9: {  	[sflag:s23] =	ssyncadd.s32 $0xFFFFF800  }
0xea: {  	_ =	swait.ge [sflag:s23], $0x800  }
0xeb: {  	[sflag:s23] =	ssyncset.done $0x0  }
0xec: {  	[sflag:s23] =	ssyncadd.s32 $0xFFFFF800  }
0xed: {  	_ =	swait.ge [sflag:s23], $0x800  }
0xee: {  	[sflag:s23] =	ssyncset.done $0x0  }
0xef: {  	[sflag:s23] =	ssyncadd.s32 $0xFFFFF800  }
0xf0: {  	_ =	swait.ge [sflag:s23], $0x800  }
0xf1: {  	[sflag:s23] =	ssyncset.done $0x0  }
0xf2: {  	[sflag:s23] =	ssyncadd.s32 $0xFFFFF800  }
0xf3: {  	_ =	swait.ge [sflag:s23], $0x800  }
0xf4: {  	[sflag:s23] =	ssyncset.done $0x0  }
0xf5: {  	[sflag:s23] =	ssyncadd.s32 $0xFFFFF800  }
0xf6: {  	_ =	swait.ge [sflag:s23], $0x800  }
0xf7: {  	[sflag:s23] =	ssyncset.done $0x0  }
0xf8: {  	[sflag:s23] =	ssyncadd.s32 $0xFFFFF800  }
0xf9: {  	_ =	swait.ge [sflag:s23], $0x800  }
0xfa: {  	[sflag:s23] =	ssyncset.done $0x0  }
0xfb: {  	[sflag:s23] =	ssyncadd.s32 $0xFFFFF800  }
0xfc: {  	_ =	swait.ge [sflag:s23], $0x800  }
0xfd: {  	[sflag:s23] =	ssyncset.done $0x0  }
0xfe: {  	[sflag:s23] =	ssyncadd.s32 $0xFFFFF800  }
0xff: {  	_ =	swait.ge [sflag:s23], $0x800  }
0x100: {  	[sflag:s23] =	ssyncset.done $0x0  }
0x101: {  	[sflag:s23] =	ssyncadd.s32 $0xFFFFF800  }
0x102: {  	_ =	swait.ge [sflag:s23], $0x800  }
0x103: {  	[sflag:s23] =	ssyncset.done $0x0  }
0x104: {  	[sflag:s23] =	ssyncadd.s32 $0xFFFFF800  }
0x105: {  	_ =	swait.ge [sflag:s23], $0x800  }
0x106: {  	[sflag:s23] =	ssyncset.done $0x0  }
0x107: {  	[sflag:s23] =	ssyncadd.s32 $0xFFFFF800  }
0x108: {  	_ =	swait.ge [sflag:s23], $0x800  }
0x109: {  	[sflag:s23] =	ssyncset.done $0x0  }
0x10a: {  	[sflag:s23] =	ssyncadd.s32 $0xFFFFF800  }
0x10b: {  	_ =	swait.ge [sflag:s23], $0x800  }
0x10c: {  	[sflag:s23] =	ssyncset.done $0x0  }
0x10d: {  	s12 =	simm.s32 $0x0;
	[sflag:s23] =	ssyncadd.s32 $0xFFFFF800  }
0x10e: {  	v5 =	vld [tilespmem:s12+$0x0];
	_ =	sdelay $0x4  }
0x10f: {  	v5 =	vadd.f32 $1.000000000e+00, v5;
	_ =	sdelay $0x1  }
0x110: {  	v5 =	vshra.s32 v5, $0xE  }
0x111: {  	v5 =	vadd.s32 $0xFFFF0200, v5;
	_ =	sdelay $0x3  }
0x112: {  	v12 =	vld [tilespmem:s12+$0x15000]  }
0x113: {  	[tilespmem:v5+s25+$0x0] =	vst.idx.add.s32.msk $0xffff, v1  }
0x114: {  	v5 =	vld [tilespmem:s12+$0x800];
	_ =	sdelay $0x4  }
0x115: {  	v5 =	vadd.f32 $1.000000000e+00, v5;
	_ =	sdelay $0x1  }
0x116: {  	v5 =	vshra.s32 v5, $0xE  }
0x117: {  	v5 =	vadd.s32 $0xFFFF0400, v5;
	_ =	sdelay $0x4  }
0x118: {  	[tilespmem:v5+s25+$0x0] =	vst.idx.add.s32.msk $0xffff, v1  }
0x119: {  	v5 =	vld [tilespmem:s12+$0x1000];
	_ =	sdelay $0x4  }
0x11a: {  	v5 =	vadd.f32 $1.000000000e+00, v5;
	_ =	sdelay $0x1  }
0x11b: {  	v5 =	vshra.s32 v5, $0xE  }
0x11c: {  	v5 =	vadd.s32 $0xFFFF0600, v5;
	_ =	sdelay $0x4  }
0x11d: {  	[tilespmem:v5+s25+$0x0] =	vst.idx.add.s32.msk $0xffff, v1  }
0x11e: {  	v5 =	vld [tilespmem:s12+$0x1800]  }
0x11f: {  	s13 =	simm.s32 $0x10  }
0x120: {  	v6 =	vld [tilespmem:s13+$0x0];
	_ =	sdelay $0x2  }
0x121: {  	v5 =	vadd.f32 $1.000000000e+00, v5;
	_ =	sdelay $0x1  }
0x122: {  	v6 =	vadd.f32 $1.000000000e+00, v6;
	v5 =	vshra.s32 v5, $0xE  }
0x123: {  	v5 =	vadd.s32 $0xFFFF0800, v5  }
0x124: {  	v6 =	vshra.s32 v6, $0xE  }
0x125: {  	v6 =	vadd.s32 $0xFFFF0200, v6;
	_ =	sdelay $0x2  }
0x126: {  	[tilespmem:v5+s25+$0x0] =	vst.idx.add.s32.msk $0xffff, v1  }
0x127: {  	v5 =	vld [tilespmem:s13+$0x15000]  }
0x128: {  	[tilespmem:v6+s25+$0x0] =	vst.idx.add.s32.msk $0xffff, v1  }
0x129: {  	v7 =	vld [tilespmem:s12+$0x2000]  }
0x12a: {  	v6 =	vld [tilespmem:s13+$0x800];
	_ =	sdelay $0x3  }
0x12b: {  	v7 =	vadd.f32 $1.000000000e+00, v7  }
0x12c: {  	v6 =	vadd.f32 $1.000000000e+00, v6  }
0x12d: {  	v7 =	vshra.s32 v7, $0xE  }
0x12e: {  	v6 =	vshra.s32 v6, $0xE;
	v7 =	vadd.s32 $0xFFFF0A00, v7  }
0x12f: {  	v6 =	vadd.s32 $0xFFFF0400, v6;
	_ =	sdelay $0x3  }
0x130: {  	[tilespmem:v7+s25+$0x0] =	vst.idx.add.s32.msk $0xffff, v1  }
0x131: {  	[tilespmem:v6+s25+$0x0] =	vst.idx.add.s32.msk $0xffff, v1  }
0x132: {  	v7 =	vld [tilespmem:s12+$0x2800]  }
0x133: {  	v6 =	vld [tilespmem:s13+$0x1000];
	_ =	sdelay $0x3  }
0x134: {  	v7 =	vadd.f32 $1.000000000e+00, v7  }
0x135: {  	v6 =	vadd.f32 $1.000000000e+00, v6  }
0x136: {  	v7 =	vshra.s32 v7, $0xE  }
0x137: {  	v6 =	vshra.s32 v6, $0xE;
	v7 =	vadd.s32 $0xFFFF0C00, v7  }
0x138: {  	v6 =	vadd.s32 $0xFFFF0600, v6;
	_ =	sdelay $0x3  }
0x139: {  	[tilespmem:v7+s25+$0x0] =	vst.idx.add.s32.msk $0xffff, v1  }
0x13a: {  	[tilespmem:v6+s25+$0x0] =	vst.idx.add.s32.msk $0xffff, v1  }
0x13b: {  	v7 =	vld [tilespmem:s12+$0x3000]  }
0x13c: {  	v6 =	vld [tilespmem:s13+$0x1800];
	_ =	sdelay $0x3  }
0x13d: {  	v7 =	vadd.f32 $1.000000000e+00, v7  }
0x13e: {  	s6 =	simm.s32 $0x20;
	v6 =	vadd.f32 $1.000000000e+00, v6  }
0x13f: {  	v8 =	vld [tilespmem:s6+$0x0];
	v7 =	vshra.s32 v7, $0xE  }
0x140: {  	v6 =	vshra.s32 v6, $0xE;
	v7 =	vadd.s32 $0xFFFF0E00, v7  }
0x141: {  	v6 =	vadd.s32 $0xFFFF0800, v6;
	_ =	sdelay $0x2  }
0x142: {  	v8 =	vadd.f32 $1.000000000e+00, v8  }
0x143: {  	[tilespmem:v7+s25+$0x0] =	vst.idx.add.s32.msk $0xffff, v1  }
0x144: {  	v8 =	vshra.s32 v8, $0xE;
	[tilespmem:v6+s25+$0x0] =	vst.idx.add.s32.msk $0xffff, v1  }
0x145: {  	v7 =	vadd.s32 $0xFFFF0200, v8;
	v8 =	vld [tilespmem:s12+$0x3800]  }
0x146: {  	v9 =	vld [tilespmem:s13+$0x2000];
	_ =	sdelay $0x3  }
0x147: {  	v6 =	vld [tilespmem:s6+$0x15000];
	v8 =	vadd.f32 $1.000000000e+00, v8  }
0x148: {  	[tilespmem:v7+s25+$0x0] =	vst.idx.add.s32.msk $0xffff, v1;
	v9 =	vadd.f32 $1.000000000e+00, v9  }
0x149: {  	v7 =	vld [tilespmem:s6+$0x800];
	v8 =	vshra.s32 v8, $0xE  }
0x14a: {  	v9 =	vshra.s32 v9, $0xE;
	v8 =	vadd.s32 $0xFFFF1000, v8  }
0x14b: {  	v9 =	vadd.s32 $0xFFFF0A00, v9;
	_ =	sdelay $0x2  }
0x14c: {  	v7 =	vadd.f32 $1.000000000e+00, v7  }
0x14d: {  	[tilespmem:v8+s25+$0x0] =	vst.idx.add.s32.msk $0xffff, v1  }
0x14e: {  	v7 =	vshra.s32 v7, $0xE;
	[tilespmem:v9+s25+$0x0] =	vst.idx.add.s32.msk $0xffff, v1  }
0x14f: {  	v7 =	vadd.s32 $0xFFFF0400, v7;
	v8 =	vld [tilespmem:s12+$0x4000]  }
0x150: {  	v9 =	vld [tilespmem:s13+$0x2800];
	_ =	sdelay $0x3  }
0x151: {  	[tilespmem:v7+s25+$0x0] =	vst.idx.add.s32.msk $0xffff, v1;
	v8 =	vadd.f32 $1.000000000e+00, v8  }
0x152: {  	v7 =	vld [tilespmem:s6+$0x1000];
	v9 =	vadd.f32 $1.000000000e+00, v9  }
0x153: {  	v8 =	vshra.s32 v8, $0xE  }
0x154: {  	v9 =	vshra.s32 v9, $0xE;
	v8 =	vadd.s32 $0xFFFF1200, v8  }
0x155: {  	v9 =	vadd.s32 $0xFFFF0C00, v9;
	_ =	sdelay $0x1  }
0x156: {  	v7 =	vadd.f32 $1.000000000e+00, v7;
	_ =	sdelay $0x1  }
0x157: {  	v7 =	vshra.s32 v7, $0xE;
	[tilespmem:v8+s25+$0x0] =	vst.idx.add.s32.msk $0xffff, v1  }
0x158: {  	v7 =	vadd.s32 $0xFFFF0600, v7;
	[tilespmem:v9+s25+$0x0] =	vst.idx.add.s32.msk $0xffff, v1  }
0x159: {  	v8 =	vld [tilespmem:s12+$0x4800]  }
0x15a: {  	v9 =	vld [tilespmem:s13+$0x3000];
	_ =	sdelay $0x2  }
0x15b: {  	[tilespmem:v7+s25+$0x0] =	vst.idx.add.s32.msk $0xffff, v1  }
0x15c: {  	v7 =	vld [tilespmem:s6+$0x1800];
	v8 =	vadd.f32 $1.000000000e+00, v8  }
0x15d: {  	v9 =	vadd.f32 $1.000000000e+00, v9  }
0x15e: {  	s8 =	simm.s32 $0x30;
	v8 =	vshra.s32 v8, $0xE  }
0x15f: {  	v10 =	vld [tilespmem:s8+$0x0];
	v9 =	vshra.s32 v9, $0xE;
	v8 =	vadd.s32 $0xFFFF1400, v8  }
0x160: {  	v9 =	vadd.s32 $0xFFFF0E00, v9  }
0x161: {  	v7 =	vadd.f32 $1.000000000e+00, v7;
	_ =	sdelay $0x1  }
0x162: {  	v7 =	vshra.s32 v7, $0xE  }
0x163: {  	v10 =	vadd.f32 $1.000000000e+00, v10;
	v7 =	vadd.s32 $0xFFFF0800, v7;
	[tilespmem:v8+s25+$0x0] =	vst.idx.add.s32.msk $0xffff, v1  }
0x164: {  	[tilespmem:v9+s25+$0x0] =	vst.idx.add.s32.msk $0xffff, v1  }
0x165: {  	v10 =	vshra.s32 v10, $0xE;
	v8 =	vld [tilespmem:s12+$0x5000]  }
0x166: {  	v9 =	vadd.s32 $0xFFFF0200, v10;
	v10 =	vld [tilespmem:s13+$0x3800];
	_ =	sdelay $0x1  }
0x167: {  	[tilespmem:v7+s25+$0x0] =	vst.idx.add.s32.msk $0xffff, v1  }
0x168: {  	v7 =	vld [tilespmem:s8+$0x15000]  }
0x169: {  	v11 =	vld [tilespmem:s6+$0x2000];
	v8 =	vadd.f32 $1.000000000e+00, v8  }
0x16a: {  	[tilespmem:v9+s25+$0x0] =	vst.idx.add.s32.msk $0xffff, v1;
	v10 =	vadd.f32 $1.000000000e+00, v10  }
0x16b: {  	v9 =	vld [tilespmem:s8+$0x800];
	v8 =	vshra.s32 v8, $0xE  }
0x16c: {  	v10 =	vshra.s32 v10, $0xE;
	v8 =	vadd.s32 $0xFFFF1600, v8  }
0x16d: {  	v10 =	vadd.s32 $0xFFFF1000, v10  }
0x16e: {  	v11 =	vadd.f32 $1.000000000e+00, v11;
	_ =	sdelay $0x1  }
0x16f: {  	v9 =	vadd.f32 $1.000000000e+00, v9;
	v11 =	vshra.s32 v11, $0xE  }
0x170: {  	v11 =	vadd.s32 $0xFFFF0A00, v11;
	[tilespmem:v8+s25+$0x0] =	vst.idx.add.s32.msk $0xffff, v1  }
0x171: {  	v8 =	vshra.s32 v9, $0xE;
	[tilespmem:v10+s25+$0x0] =	vst.idx.add.s32.msk $0xffff, v1  }
0x172: {  	v9 =	vld [tilespmem:s12+$0x5800];
	v8 =	vadd.s32 $0xFFFF0400, v8  }
0x173: {  	v10 =	vld [tilespmem:s13+$0x4000];
	_ =	sdelay $0x1  }
0x174: {  	[tilespmem:v11+s25+$0x0] =	vst.idx.add.s32.msk $0xffff, v1  }
0x175: {  	v11 =	vld [tilespmem:s6+$0x2800]  }
0x176: {  	v9 =	vadd.f32 $1.000000000e+00, v9;
	[tilespmem:v8+s25+$0x0] =	vst.idx.add.s32.msk $0xffff, v1  }
0x177: {  	v10 =	vadd.f32 $1.000000000e+00, v10;
	v8 =	vld [tilespmem:s8+$0x1000]  }
0x178: {  	v9 =	vshra.s32 v9, $0xE  }
0x179: {  	v10 =	vshra.s32 v10, $0xE;
	v9 =	vadd.s32 $0xFFFF1800, v9  }
0x17a: {  	v10 =	vadd.s32 $0xFFFF1200, v10;
	v11 =	vadd.f32 $1.000000000e+00, v11;
	_ =	sdelay $0x1  }
0x17b: {  	v8 =	vadd.f32 $1.000000000e+00, v8;
	v11 =	vshra.s32 v11, $0xE  }
0x17c: {  	v11 =	vadd.s32 $0xFFFF0C00, v11  }
0x17d: {  	[tilespmem:v9+s25+$0x0] =	vst.idx.add.s32.msk $0xffff, v1;
	v8 =	vshra.s32 v8, $0xE  }
0x17e: {  	[tilespmem:v10+s25+$0x0] =	vst.idx.add.s32.msk $0xffff, v1;
	v8 =	vadd.s32 $0xFFFF0600, v8  }
0x17f: {  	v9 =	vld [tilespmem:s12+$0x6000]  }
0x180: {  	v10 =	vld [tilespmem:s13+$0x4800]  }
0x181: {  	[tilespmem:v11+s25+$0x0] =	vst.idx.add.s32.msk $0xffff, v1  }
0x182: {  	v11 =	vld [tilespmem:s6+$0x3000]  }
0x183: {  	[tilespmem:v8+s25+$0x0] =	vst.idx.add.s32.msk $0xffff, v1  }
0x184: {  	v8 =	vadd.f32 $1.000000000e+00, v9;
	v9 =	vld [tilespmem:s8+$0x1800]  }
0x185: {  	v10 =	vadd.f32 $1.000000000e+00, v10  }
0x186: {  	v8 =	vshra.s32 v8, $0xE  }
0x187: {  	s9 =	simm.s32 $0x40;
	v10 =	vshra.s32 v10, $0xE;
	v8 =	vadd.s32 $0xFFFF1A00, v8;
	v11 =	vadd.f32 $1.000000000e+00, v11  }
0x188: {  	v13 =	vld [tilespmem:s9+$0x0];
	v10 =	vadd.s32 $0xFFFF1400, v10  }
0x189: {  	v9 =	vadd.f32 $1.000000000e+00, v9;
	v11 =	vshra.s32 v11, $0xE  }
0x18a: {  	v11 =	vadd.s32 $0xFFFF0E00, v11  }
0x18b: {  	v9 =	vshra.s32 v9, $0xE  }
0x18c: {  	[tilespmem:v8+s25+$0x0] =	vst.idx.add.s32.msk $0xffff, v1;
	v8 =	vadd.s32 $0xFFFF0800, v9  }
0x18d: {  	[tilespmem:v10+s25+$0x0] =	vst.idx.add.s32.msk $0xffff, v1;
	v9 =	vadd.f32 $1.000000000e+00, v13  }
0x18e: {  	v10 =	vld [tilespmem:s13+$0x5000]  }
0x18f: {  	v9 =	vshra.s32 v9, $0xE;
	[tilespmem:v11+s25+$0x0] =	vst.idx.add.s32.msk $0xffff, v1  }
0x190: {  	v9 =	vadd.s32 $0xFFFF0200, v9;
	v11 =	vld [tilespmem:s6+$0x3800]  }
0x191: {  	[tilespmem:v8+s25+$0x0] =	vst.idx.add.s32.msk $0xffff, v1  }
0x192: {  	v13 =	vld [tilespmem:s8+$0x2000]  }
0x193: {  	v14 =	vld [tilespmem:s12+$0x6800];
	v10 =	vadd.f32 $1.000000000e+00, v10  }
0x194: {  	v8 =	vld [tilespmem:s9+$0x15000]  }
0x195: {  	v10 =	vshra.s32 v10, $0xE;
	[tilespmem:v9+s25+$0x0] =	vst.idx.add.s32.msk $0xffff, v1;
	v11 =	vadd.f32 $1.000000000e+00, v11  }
0x196: {  	v9 =	vadd.s32 $0xFFFF1600, v10;
	v10 =	vld [tilespmem:s9+$0x800]  }
0x197: {  	v13 =	vadd.f32 $1.000000000e+00, v13;
	v11 =	vshra.s32 v11, $0xE  }
0x198: {  	v11 =	vadd.s32 $0xFFFF1000, v11  }
0x199: {  	v14 =	vadd.f32 $1.000000000e+00, v14;
	v13 =	vshra.s32 v13, $0xE  }
0x19a: {  	v13 =	vadd.s32 $0xFFFF0A00, v13  }
0x19b: {  	v14 =	vshra.s32 v14, $0xE;
	[tilespmem:v9+s25+$0x0] =	vst.idx.add.s32.msk $0xffff, v1;
	v9 =	vadd.f32 $1.000000000e+00, v10  }
0x19c: {  	v10 =	vadd.s32 $0xFFFF1C00, v14;
	v14 =	vld [tilespmem:s13+$0x5800]  }
0x19d: {  	v9 =	vshra.s32 v9, $0xE;
	[tilespmem:v11+s25+$0x0] =	vst.idx.add.s32.msk $0xffff, v1  }
0x19e: {  	v9 =	vadd.s32 $0xFFFF0400, v9;
	v11 =	vld [tilespmem:s6+$0x4000]  }
0x19f: {  	[tilespmem:v13+s25+$0x0] =	vst.idx.add.s32.msk $0xffff, v1  }
0x1a0: {  	v13 =	vld [tilespmem:s8+$0x2800]  }
0x1a1: {  	[tilespmem:v10+s25+$0x0] =	vst.idx.add.s32.msk $0xffff, v1;
	v10 =	vadd.f32 $1.000000000e+00, v14  }
0x1a2: {  	v14 =	vld [tilespmem:s12+$0x7000]  }
0x1a3: {  	v10 =	vshra.s32 v10, $0xE;
	[tilespmem:v9+s25+$0x0] =	vst.idx.add.s32.msk $0xffff, v1;
	v11 =	vadd.f32 $1.000000000e+00, v11  }
0x1a4: {  	v9 =	vadd.s32 $0xFFFF1800, v10;
	v10 =	vld [tilespmem:s9+$0x1000]  }
0x1a5: {  	v13 =	vadd.f32 $1.000000000e+00, v13;
	v11 =	vshra.s32 v11, $0xE  }
0x1a6: {  	v11 =	vadd.s32 $0xFFFF1200, v11  }
0x1a7: {  	v14 =	vadd.f32 $1.000000000e+00, v14;
	v13 =	vshra.s32 v13, $0xE  }
0x1a8: {  	v13 =	vadd.s32 $0xFFFF0C00, v13  }
0x1a9: {  	v14 =	vshra.s32 v14, $0xE;
	[tilespmem:v9+s25+$0x0] =	vst.idx.add.s32.msk $0xffff, v1;
	v9 =	vadd.f32 $1.000000000e+00, v10  }
0x1aa: {  	v10 =	vadd.s32 $0xFFFF1E00, v14;
	v14 =	vld [tilespmem:s13+$0x6000]  }
0x1ab: {  	v9 =	vshra.s32 v9, $0xE;
	[tilespmem:v11+s25+$0x0] =	vst.idx.add.s32.msk $0xffff, v1  }
0x1ac: {  	v9 =	vadd.s32 $0xFFFF0600, v9;
	v11 =	vld [tilespmem:s6+$0x4800]  }
0x1ad: {  	[tilespmem:v13+s25+$0x0] =	vst.idx.add.s32.msk $0xffff, v1  }
0x1ae: {  	v13 =	vld [tilespmem:s8+$0x3000]  }
0x1af: {  	[tilespmem:v10+s25+$0x0] =	vst.idx.add.s32.msk $0xffff, v1  }
0x1b0: {  	v14 =	vadd.f32 $1.000000000e+00, v14;
	v10 =	vld [tilespmem:s12+$0x7800]  }
0x1b1: {  	[tilespmem:v9+s25+$0x0] =	vst.idx.add.s32.msk $0xffff, v1;
	v11 =	vadd.f32 $1.000000000e+00, v11  }
0x1b2: {  	v9 =	vshra.s32 v14, $0xE;
	v14 =	vld [tilespmem:s9+$0x1800]  }
0x1b3: {  	v9 =	vadd.s32 $0xFFFF1A00, v9;
	v13 =	vadd.f32 $1.000000000e+00, v13;
	v11 =	vshra.s32 v11, $0xE  }
0x1b4: {  	v11 =	vadd.s32 $0xFFFF1400, v11  }
0x1b5: {  	s10 =	simm.s32 $0x50;
	v13 =	vshra.s32 v13, $0xE  }
0x1b6: {  	v15 =	vld [tilespmem:s10+$0x0];
	v10 =	vadd.f32 $1.000000000e+00, v10;
	v13 =	vadd.s32 $0xFFFF0E00, v13  }
0x1b7: {  	v14 =	vadd.f32 $1.000000000e+00, v14  }
0x1b8: {  	v10 =	vshra.s32 v10, $0xE;
	[tilespmem:v9+s25+$0x0] =	vst.idx.add.s32.msk $0xffff, v1  }
0x1b9: {  	v9 =	vadd.s32 $0xFFFF2000, v10;
	v10 =	vshra.s32 v14, $0xE;
	[tilespmem:v11+s25+$0x0] =	vst.idx.add.s32.msk $0xffff, v1  }
0x1ba: {  	v10 =	vadd.s32 $0xFFFF0800, v10;
	v11 =	vld [tilespmem:s6+$0x5000]  }
0x1bb: {  	v14 =	vadd.f32 $1.000000000e+00, v15;
	[tilespmem:v13+s25+$0x0] =	vst.idx.add.s32.msk $0xffff, v1  }
0x1bc: {  	v13 =	vld [tilespmem:s8+$0x3800]  }
0x1bd: {  	v15 =	vld [tilespmem:s13+$0x6800];
	v14 =	vshra.s32 v14, $0xE  }
0x1be: {  	[tilespmem:v9+s25+$0x0] =	vst.idx.add.s32.msk $0xffff, v1;
	v14 =	vadd.s32 $0xFFFF0200, v14  }
0x1bf: {  	[tilespmem:v10+s25+$0x0] =	vst.idx.add.s32.msk $0xffff, v1;
	v9 =	vadd.f32 $1.000000000e+00, v11  }
0x1c0: {  	v10 =	vld [tilespmem:s9+$0x2000]  }
0x1c1: {  	v11 =	vld [tilespmem:s12+$0x8000];
	v13 =	vadd.f32 $1.000000000e+00, v13;
	v9 =	vshra.s32 v9, $0xE  }
0x1c2: {  	v16 =	vadd.s32 $0xFFFF1600, v9;
	v9 =	vld [tilespmem:s10+$0x15000]  }
0x1c3: {  	v15 =	vadd.f32 $1.000000000e+00, v15;
	[tilespmem:v14+s25+$0x0] =	vst.idx.add.s32.msk $0xffff, v1;
	v13 =	vshra.s32 v13, $0xE  }
0x1c4: {  	v14 =	vld [tilespmem:s10+$0x800];
	v13 =	vadd.s32 $0xFFFF1000, v13  }
0x1c5: {  	v15 =	vshra.s32 v15, $0xE;
	v10 =	vadd.f32 $1.000000000e+00, v10  }
0x1c6: {  	v15 =	vadd.s32 $0xFFFF1C00, v15  }
0x1c7: {  	v11 =	vadd.f32 $1.000000000e+00, v11;
	v10 =	vshra.s32 v10, $0xE;
	[tilespmem:v16+s25+$0x0] =	vst.idx.add.s32.msk $0xffff, v1  }
0x1c8: {  	v10 =	vadd.s32 $0xFFFF0A00, v10;
	v16 =	vld [tilespmem:s6+$0x5800]  }
0x1c9: {  	v11 =	vshra.s32 v11, $0xE;
	v14 =	vadd.f32 $1.000000000e+00, v14;
	[tilespmem:v13+s25+$0x0] =	vst.idx.add.s32.msk $0xffff, v1  }
0x1ca: {  	v11 =	vadd.s32 $0xFFFF2200, v11;
	v13 =	vld [tilespmem:s8+$0x4000]  }
0x1cb: {  	[tilespmem:v15+s25+$0x0] =	vst.idx.add.s32.msk $0xffff, v1;
	v14 =	vshra.s32 v14, $0xE  }
0x1cc: {  	v15 =	vld [tilespmem:s13+$0x7000];
	v14 =	vadd.s32 $0xFFFF0400, v14  }
0x1cd: {  	[tilespmem:v10+s25+$0x0] =	vst.idx.add.s32.msk $0xffff, v1;
	v16 =	vadd.f32 $1.000000000e+00, v16  }
0x1ce: {  	v10 =	vld [tilespmem:s9+$0x2800]  }
0x1cf: {  	[tilespmem:v11+s25+$0x0] =	vst.idx.add.s32.msk $0xffff, v1;
	v13 =	vadd.f32 $1.000000000e+00, v13;
	v11 =	vshra.s32 v16, $0xE  }
0x1d0: {  	v16 =	vld [tilespmem:s12+$0x8800];
	v11 =	vadd.s32 $0xFFFF1800, v11  }
0x1d1: {  	v15 =	vadd.f32 $1.000000000e+00, v15;
	[tilespmem:v14+s25+$0x0] =	vst.idx.add.s32.msk $0xffff, v1;
	v13 =	vshra.s32 v13, $0xE  }
0x1d2: {  	v14 =	vld [tilespmem:s10+$0x1000];
	v13 =	vadd.s32 $0xFFFF1200, v13  }
0x1d3: {  	v15 =	vshra.s32 v15, $0xE;
	v10 =	vadd.f32 $1.000000000e+00, v10  }
0x1d4: {  	v15 =	vadd.s32 $0xFFFF1E00, v15  }
0x1d5: {  	v10 =	vshra.s32 v10, $0xE;
	v16 =	vadd.f32 $1.000000000e+00, v16;
	[tilespmem:v11+s25+$0x0] =	vst.idx.add.s32.msk $0xffff, v1  }
0x1d6: {  	v10 =	vadd.s32 $0xFFFF0C00, v10;
	v11 =	vld [tilespmem:s6+$0x6000]  }
0x1d7: {  	v16 =	vshra.s32 v16, $0xE;
	v14 =	vadd.f32 $1.000000000e+00, v14;
	[tilespmem:v13+s25+$0x0] =	vst.idx.add.s32.msk $0xffff, v1  }
0x1d8: {  	v13 =	vadd.s32 $0xFFFF2400, v16;
	v16 =	vld [tilespmem:s8+$0x4800]  }
0x1d9: {  	[tilespmem:v15+s25+$0x0] =	vst.idx.add.s32.msk $0xffff, v1;
	v14 =	vshra.s32 v14, $0xE  }
0x1da: {  	v15 =	vld [tilespmem:s13+$0x7800];
	v14 =	vadd.s32 $0xFFFF0600, v14  }
0x1db: {  	[tilespmem:v10+s25+$0x0] =	vst.idx.add.s32.msk $0xffff, v1;
	v11 =	vadd.f32 $1.000000000e+00, v11  }
0x1dc: {  	v10 =	vld [tilespmem:s9+$0x3000]  }
0x1dd: {  	[tilespmem:v13+s25+$0x0] =	vst.idx.add.s32.msk $0xffff, v1;
	v13 =	vadd.f32 $1.000000000e+00, v16;
	v11 =	vshra.s32 v11, $0xE  }
0x1de: {  	v16 =	vld [tilespmem:s12+$0x9000];
	v11 =	vadd.s32 $0xFFFF1A00, v11  }
0x1df: {  	[tilespmem:v14+s25+$0x0] =	vst.idx.add.s32.msk $0xffff, v1;
	v13 =	vshra.s32 v13, $0xE  }
0x1e0: {  	v14 =	vadd.f32 $1.000000000e+00, v15;
	v15 =	vld [tilespmem:s10+$0x1800];
	v13 =	vadd.s32 $0xFFFF1400, v13  }
0x1e1: {  	v10 =	vadd.f32 $1.000000000e+00, v10  }
0x1e2: {  	v14 =	vshra.s32 v14, $0xE  }
0x1e3: {  	s11 =	simm.s32 $0x60;
	v14 =	vadd.s32 $0xFFFF2000, v14;
	v10 =	vshra.s32 v10, $0xE;
	[tilespmem:v11+s25+$0x0] =	vst.idx.add.s32.msk $0xffff, v1  }
0x1e4: {  	v10 =	vadd.s32 $0xFFFF0E00, v10;
	v11 =	vadd.f32 $1.000000000e+00, v16;
	v16 =	vld [tilespmem:s11+$0x0]  }
0x1e5: {  	v15 =	vadd.f32 $1.000000000e+00, v15;
	[tilespmem:v13+s25+$0x0] =	vst.idx.add.s32.msk $0xffff, v1  }
0x1e6: {  	v11 =	vshra.s32 v11, $0xE;
	v13 =	vld [tilespmem:s8+$0x5000]  }
0x1e7: {  	v17 =	vld [tilespmem:s6+$0x6800];
	v11 =	vadd.s32 $0xFFFF2600, v11;
	v15 =	vshra.s32 v15, $0xE  }
0x1e8: {  	[tilespmem:v14+s25+$0x0] =	vst.idx.add.s32.msk $0xffff, v1;
	v14 =	vadd.s32 $0xFFFF0800, v15  }
0x1e9: {  	[tilespmem:v10+s25+$0x0] =	vst.idx.add.s32.msk $0xffff, v1;
	v15 =	vadd.f32 $1.000000000e+00, v16  }
0x1ea: {  	v10 =	vld [tilespmem:s9+$0x3800]  }
0x1eb: {  	v16 =	vld [tilespmem:s13+$0x8000];
	v15 =	vshra.s32 v15, $0xE;
	v13 =	vadd.f32 $1.000000000e+00, v13  }
0x1ec: {  	[tilespmem:v11+s25+$0x0] =	vst.idx.add.s32.msk $0xffff, v1;
	v11 =	vadd.s32 $0xFFFF0200, v15  }
0x1ed: {  	v15 =	vadd.f32 $1.000000000e+00, v17;
	[tilespmem:v14+s25+$0x0] =	vst.idx.add.s32.msk $0xffff, v1;
	v13 =	vshra.s32 v13, $0xE  }
0x1ee: {  	v14 =	vld [tilespmem:s10+$0x2000];
	v13 =	vadd.s32 $0xFFFF1600, v13  }
0x1ef: {  	v17 =	vld [tilespmem:s12+$0x9800];
	v15 =	vshra.s32 v15, $0xE;
	v18 =	vadd.f32 $1.000000000e+00, v10  }
0x1f0: {  	v10 =	vld [tilespmem:s11+$0x15000];
	v15 =	vadd.s32 $0xFFFF1C00, v15  }
0x1f1: {  	v16 =	vadd.f32 $1.000000000e+00, v16;
	[tilespmem:v11+s25+$0x0] =	vst.idx.add.s32.msk $0xffff, v1;
	v11 =	vshra.s32 v18, $0xE  }
0x1f2: {  	v18 =	vld [tilespmem:s11+$0x800];
	v11 =	vadd.s32 $0xFFFF1000, v11  }
0x1f3: {  	v16 =	vshra.s32 v16, $0xE;
	v14 =	vadd.f32 $1.000000000e+00, v14;
	[tilespmem:v13+s25+$0x0] =	vst.idx.add.s32.msk $0xffff, v1  }
0x1f4: {  	v13 =	vadd.s32 $0xFFFF2200, v16;
	v16 =	vld [tilespmem:s8+$0x5800]  }
0x1f5: {  	[tilespmem:v15+s25+$0x0] =	vst.idx.add.s32.msk $0xffff, v1;
	v15 =	vadd.f32 $1.000000000e+00, v17;
	v14 =	vshra.s32 v14, $0xE  }
0x1f6: {  	v17 =	vld [tilespmem:s6+$0x7000];
	v14 =	vadd.s32 $0xFFFF0A00, v14  }
0x1f7: {  	v15 =	vshra.s32 v15, $0xE;
	v18 =	vadd.f32 $1.000000000e+00, v18;
	[tilespmem:v11+s25+$0x0] =	vst.idx.add.s32.msk $0xffff, v1  }
0x1f8: {  	v11 =	vadd.s32 $0xFFFF2800, v15;
	v15 =	vld [tilespmem:s9+$0x4000]  }
0x1f9: {  	[tilespmem:v13+s25+$0x0] =	vst.idx.add.s32.msk $0xffff, v1;
	v13 =	vshra.s32 v18, $0xE;
	v16 =	vadd.f32 $1.000000000e+00, v16  }
0x1fa: {  	v18 =	vld [tilespmem:s13+$0x8800];
	v13 =	vadd.s32 $0xFFFF0400, v13  }
0x1fb: {  	v17 =	vadd.f32 $1.000000000e+00, v17;
	[tilespmem:v14+s25+$0x0] =	vst.idx.add.s32.msk $0xffff, v1;
	v14 =	vshra.s32 v16, $0xE  }
0x1fc: {  	v16 =	vld [tilespmem:s10+$0x2800];
	v14 =	vadd.s32 $0xFFFF1800, v14  }
0x1fd: {  	[tilespmem:v11+s25+$0x0] =	vst.idx.add.s32.msk $0xffff, v1;
	v11 =	vshra.s32 v17, $0xE;
	v15 =	vadd.f32 $1.000000000e+00, v15  }
0x1fe: {  	v17 =	vld [tilespmem:s12+$0xA000];
	v11 =	vadd.s32 $0xFFFF1E00, v11  }
0x1ff: {  	v18 =	vadd.f32 $1.000000000e+00, v18;
	[tilespmem:v13+s25+$0x0] =	vst.idx.add.s32.msk $0xffff, v1;
	v13 =	vshra.s32 v15, $0xE  }
0x200: {  	v15 =	vld [tilespmem:s11+$0x1000];
	v13 =	vadd.s32 $0xFFFF1200, v13  }
0x201: {  	v16 =	vadd.f32 $1.000000000e+00, v16;
	[tilespmem:v14+s25+$0x0] =	vst.idx.add.s32.msk $0xffff, v1;
	v14 =	vshra.s32 v18, $0xE  }
0x202: {  	v18 =	vld [tilespmem:s8+$0x6000];
	v14 =	vadd.s32 $0xFFFF2400, v14  }
0x203: {  	[tilespmem:v11+s25+$0x0] =	vst.idx.add.s32.msk $0xffff, v1;
	v16 =	vshra.s32 v16, $0xE  }
0x204: {  	v11 =	vadd.f32 $1.000000000e+00, v17;
	v17 =	vld [tilespmem:s6+$0x7800];
	v16 =	vadd.s32 $0xFFFF0C00, v16  }
0x205: {  	v15 =	vadd.f32 $1.000000000e+00, v15;
	[tilespmem:v13+s25+$0x0] =	vst.idx.add.s32.msk $0xffff, v1  }
0x206: {  	v11 =	vshra.s32 v11, $0xE;
	v13 =	vld [tilespmem:s9+$0x4800]  }
0x207: {  	v11 =	vadd.s32 $0xFFFF2A00, v11;
	v15 =	vshra.s32 v15, $0xE;
	v18 =	vadd.f32 $1.000000000e+00, v18;
	[tilespmem:v14+s25+$0x0] =	vst.idx.add.s32.msk $0xffff, v1  }
0x208: {  	v14 =	vadd.s32 $0xFFFF0600, v15;
	v15 =	vld [tilespmem:s13+$0x9000]  }
0x209: {  	[tilespmem:v16+s25+$0x0] =	vst.idx.add.s32.msk $0xffff, v1;
	v16 =	vshra.s32 v18, $0xE  }
0x20a: {  	v17 =	vadd.f32 $1.000000000e+00, v17;
	v16 =	vadd.s32 $0xFFFF1A00, v16  }
0x20b: {  	v18 =	vld [tilespmem:s10+$0x3000];
	v13 =	vadd.f32 $1.000000000e+00, v13  }
0x20c: {  	v17 =	vshra.s32 v17, $0xE;
	[tilespmem:v11+s25+$0x0] =	vst.idx.add.s32.msk $0xffff, v1  }
0x20d: {  	[tilespmem:v14+s25+$0x0] =	vst.idx.add.s32.msk $0xffff, v1;
	v11 =	vshra.s32 v13, $0xE;
	v13 =	vadd.s32 $0xFFFF2000, v17  }
0x20e: {  	v14 =	vadd.f32 $1.000000000e+00, v15;
	v15 =	vld [tilespmem:s11+$0x1800];
	v11 =	vadd.s32 $0xFFFF1400, v11  }
0x20f: {  	s12 =	simm.s32 $0x70;
	[tilespmem:v16+s25+$0x0] =	vst.idx.add.s32.msk $0xffff, v1  }
0x210: {  	v17 =	vadd.f32 $1.000000000e+00, v18;
	v14 =	vshra.s32 v14, $0xE;
	v18 =	vld [tilespmem:s12+$0x0]  }
0x211: {  	v16 =	vld [tilespmem:s8+$0x6800];
	v14 =	vadd.s32 $0xFFFF2600, v14  }
0x212: {  	s14 =	simm.s32 $0x0;
	v19 =	vshll.u32 v12, $0xB;
	v17 =	vshra.s32 v17, $0xE;
	[tilespmem:v13+s25+$0x0] =	vst.idx.add.s32.msk $0xffff, v1  }
0x213: {  	v17 =	vadd.s32 $0xFFFF0E00, v17;
	v13 =	vadd.s32 s14, v19;
	v15 =	vadd.f32 $1.000000000e+00, v15;
	[tilespmem:v11+s25+$0x0] =	vst.idx.add.s32.msk $0xffff, v1  }
0x214: {  	v11 =	vadd.s32 v3, v13;
	v19 =	vld [tilespmem:s6+$0x8000]  }
0x215: {  	v13 =	vld [tilespmem:s9+$0x5000];
	v11 =	vadd.s32 v2, v11;
	v15 =	vshra.s32 v15, $0xE  }
0x216: {  	v16 =	vadd.f32 $1.000000000e+00, v16;
	[tilespmem:v14+s25+$0x0] =	vst.idx.add.s32.msk $0xffff, v1;
	v15 =	vadd.s32 $0xFFFF0800, v15  }
0x217: {  	v14 =	vadd.f32 $1.000000000e+00, v18;
	v18 =	vld [tilespmem:s13+$0x9800]  }
0x218: {  	[tilespmem:v17+s25+$0x0] =	vst.idx.add.s32.msk $0xffff, v1;
	v16 =	vshra.s32 v16, $0xE  }
0x219: {  	v14 =	vshra.s32 v14, $0xE;
	v17 =	vld [tilespmem:s10+$0x3800];
	v16 =	vadd.s32 $0xFFFF1C00, v16  }
0x21a: {  	v14 =	vadd.s32 $0xFFFF0200, v14;
	v13 =	vadd.f32 $1.000000000e+00, v13;
	v20 =	vld.idx.msk [tilespmem:v11+s4+$0x0], $0xffff  }
0x21b: {  	[tilespmem:v15+s25+$0x0] =	vst.idx.add.s32.msk $0xffff, v1  }
0x21c: {  	v11 =	vshra.s32 v13, $0xE;
	v13 =	vadd.f32 $1.000000000e+00, v19;
	v15 =	vld [tilespmem:s11+$0x2000]  }
0x21d: {  	v19 =	vadd.s32 $0xFFFF1600, v11;
	v11 =	vld [tilespmem:s12+$0x15000]  }
0x21e: {  	v17 =	vadd.f32 $1.000000000e+00, v17;
	[tilespmem:v16+s25+$0x0] =	vst.idx.add.s32.msk $0xffff, v1;
	v13 =	vshra.s32 v13, $0xE  }
0x21f: {  	[tilespmem:v14+s25+$0x0] =	vst.idx.add.s32.msk $0xffff, v1;
	v13 =	vadd.s32 $0xFFFF2200, v13  }
0x220: {  	v16 =	vadd.f32 $1.000000000e+00, v18;
	v21 =	vld [tilespmem:s8+$0x7000];
	v14 =	vshra.s32 v17, $0xE  }
0x221: {  	v17 =	vld [tilespmem:s12+$0x800];
	v14 =	vadd.s32 $0xFFFF1000, v14;
	v15 =	vadd.f32 $1.000000000e+00, v15  }
0x222: {  	v22 =	vshll.u32 v5, $0xB;
	v18 =	vadd.f32 $1.000000000e+00, v20;
	v16 =	vshra.s32 v16, $0xE;
	[tilespmem:v19+s25+$0x0] =	vst.idx.add.s32.msk $0xffff, v1  }
0x223: {  	v16 =	vadd.s32 $0xFFFF2800, v16;
	v19 =	vshll.u32 v12, $0x9;
	v12 =	vld [tilespmem:s9+$0x5800];
	v15 =	vshra.s32 v15, $0xE  }
0x224: {  	v20 =	vsub.f32 $2.000000000e+00, v20;
	v18 =	vshra.s32 v18, $0xE;
	[tilespmem:v13+s25+$0x0] =	vst.idx.add.s32.msk $0xffff, v1;
	v15 =	vadd.s32 $0xFFFF0A00, v15  }
0x225: {  	s19 =	simm.s32 $0x10;
	v23 =	vadd.s32 v19, v18;
	v13 =	vand.u32 $0x7, v18;
	v21 =	vadd.f32 $1.000000000e+00, v21;
	v24 =	vld [tilespmem:s6+$0x8800]  }
0x226: {  	v18 =	vadd.s32 s19, v22;
	v17 =	vadd.f32 $1.000000000e+00, v17;
	[tilespmem:v14+s25+$0x0] =	vst.idx.add.s32.msk $0xffff, v1;
	v14 =	vand.u32 $0xFFFFFFF8, v23  }
0x227: {  	v22 =	vshll.u32 v6, $0xB;
	v21 =	vshra.s32 v21, $0xE;
	v23 =	vld [tilespmem:s10+$0x4000];
	v13 =	vor.u32 v13, v14  }
0x228: {  	s21 =	simm.s32 $0x20;
	[tilespmem:v16+s25+$0x0] =	vst.idx.add.s32.msk $0xffff, v1;
	v14 =	vshra.s32 v17, $0xE;
	v21 =	vadd.s32 $0xFFFF1E00, v21;
	v12 =	vadd.f32 $1.000000000e+00, v12  }
0x229: {  	v17 =	vadd.s32 v3, v18;
	v18 =	vadd.s32 s21, v22;
	v14 =	vadd.s32 $0xFFFF0400, v14;
	[tilespmem:v15+s25+$0x0] =	vst.idx.add.s32.msk $0xffff, v1  }
0x22a: {  	v16 =	vadd.s32 v3, v18;
	v12 =	vshra.s32 v12, $0xE;
	v18 =	vld [tilespmem:s11+$0x2800]  }
0x22b: {  	v20 =	vshra.s32 v20, $0xE;
	v25 =	vld [tilespmem:s13+$0xA000];
	v12 =	vadd.s32 $0xFFFF1800, v12  }
0x22c: {  	vm0 =	vlt.s32 v20, $0xFFFF;
	s19 =	simm.s32 $0x30;
	v22 =	vshll.u32 v7, $0xB;
	v23 =	vadd.f32 $1.000000000e+00, v23  }
0x22d: {  	s21 =	simm.s32 $0x40;
	v13 =	vadd.s32 $0xFFFF0200, v13;
	v15 =	vadd.s32 s19, v22;
	v22 =	vshll.u32 v8, $0xB;
	[tilespmem:v21+s25+$0x0] =	vst.idx.add.s32.msk $0xffff, v1  }
0x22e: {  	v24 =	vadd.f32 $1.000000000e+00, v24;
	v22 =	vadd.s32 s21, v22;
	[tilespmem:v14+s25+$0x0] =	vst.idx.add.s32.msk $0xffff, v1;
	v23 =	vshra.s32 v23, $0xE  }
0x22f: {  	v14 =	vadd.s32 v3, v22;
	v22 =	vld [tilespmem:s12+$0x1000];
	v23 =	vadd.s32 $0xFFFF1200, v23;
	v18 =	vadd.f32 $1.000000000e+00, v18  }
0x230: {  	s21 =	simm.s32 $0x60;
	v25 =	vadd.f32 $1.000000000e+00, v25;
	[tilespmem:v12+s25+$0x0] =	vst.idx.add.s32.msk $0xffff, v1;
	v12 =	vshra.s32 v24, $0xE;
	v24 =	vshll.u32 v10, $0xB  }
0x231: {  	v26 =	vld [tilespmem:s9+$0x6000];
	v27 =	vadd.s32 $0xFFFF2400, v12;
	v12 =	vshra.s32 v18, $0xE;
	v18 =	vadd.s32 s21, v24  }
0x232: {  	[tilespmem:v13+s25+$0x0] =	vst.idx.add.s32.msk $0xffff, v4;
	v21 =	vadd.s32 $0xFFFF0C00, v12;
	v12 =	vadd.s32 v3, v18;
	v18 =	vnsel vm0, $0xFFFF, v20  }
0x233: {  	v24 =	vld [tilespmem:s8+$0x7800];
	v20 =	vshra.s32 v25, $0xE;
	v19 =	vadd.s32 v19, v18  }
0x234: {  	v22 =	vadd.f32 $1.000000000e+00, v22;
	[tilespmem:v23+s25+$0x0] =	vst.idx.add.s32.msk $0xffff, v1;
	v18 =	vand.u32 $0x7, v18;
	v19 =	vand.u32 $0xFFFFFFF8, v19  }
0x235: {  	v28 =	vadd.s32 $0xFFFF2A00, v20;
	v20 =	vshll.u32 v11, $0xB;
	v23 =	vld [tilespmem:s10+$0x4800];
	v19 =	vor.u32 v18, v19  }
0x236: {  	s13 =	simm.s32 $0x70;
	v22 =	vshra.s32 v22, $0xE;
	[tilespmem:v27+s25+$0x0] =	vst.idx.add.s32.msk $0xffff, v1;
	v26 =	vadd.f32 $1.000000000e+00, v26;
	v19 =	vadd.s32 $0xFFFF2C00, v19  }
0x237: {  	s19 =	simm.s32 $0x50;
	v13 =	vshll.u32 v9, $0xB;
	v18 =	vadd.s32 s13, v20;
	v25 =	vadd.s32 $0xFFFF0600, v22;
	v20 =	vld [tilespmem:s6+$0x9000]  }
0x238: {  	v13 =	vadd.s32 s19, v13;
	[tilespmem:v21+s25+$0x0] =	vst.idx.add.s32.msk $0xffff, v1;
	v21 =	vadd.f32 $1.000000000e+00, v24;
	v22 =	vshra.s32 v26, $0xE  }
0x239: {  	v15 =	vadd.s32 v3, v15;
	v13 =	vadd.s32 v3, v13;
	v24 =	vld [tilespmem:s11+$0x3000];
	v22 =	vadd.s32 $0xFFFF1A00, v22  }
0x23a: {  	s19 =	simm.s32 $0x200;
	v18 =	vadd.s32 v3, v18;
	[tilespmem:v28+s25+$0x0] =	vst.idx.add.s32.msk $0xffff, v1;
	v23 =	vadd.f32 $1.000000000e+00, v23;
	v21 =	vshra.s32 v21, $0xE  }
.LBB2_5:
0x23b: {  	s14 =	sshra.s32 s19, $0x2;
	p0 =	sne.s32 s19, $0x1FC0;
	s19 =	sadd.s32 $0x40, s19;
	[tilespmem:v19+s25+$0x0] =	vst.idx.add.s32.msk $0xffff, v1  }
0x23c: {  	v21 =	vadd.s32 $0xFFFF2000, v21;
	[tilespmem:v25+s25+$0x0] =	vst.idx.add.s32.msk $0xffff, v1;
	v19 =	vshra.s32 v23, $0xE;
	v20 =	vadd.f32 $1.000000000e+00, v20  }
0x23d: {  	v23 =	vld [tilespmem:s12+$0x1800];
	v19 =	vadd.s32 $0xFFFF1400, v19  }
0x23e: {  	v24 =	vadd.f32 $1.000000000e+00, v24;
	[tilespmem:v22+s25+$0x0] =	vst.idx.add.s32.msk $0xffff, v1;
	v20 =	vshra.s32 v20, $0xE  }
0x23f: {  	v22 =	vld [tilespmem:s9+$0x6800]  }
0x240: {  	v20 =	vadd.s32 $0xFFFF2600, v20;
	v25 =	vld [tilespmem:s14+$0x0];
	v24 =	vshra.s32 v24, $0xE  }
0x241: {  	v24 =	vadd.s32 $0xFFFF0E00, v24;
	[tilespmem:v21+s25+$0x0] =	vst.idx.add.s32.msk $0xffff, v1  }
0x242: {  	v21 =	vadd.f32 $1.000000000e+00, v23;
	[tilespmem:v19+s25+$0x0] =	vst.idx.add.s32.msk $0xffff, v1  }
0x243: {  	v19 =	vld [tilespmem:s10+$0x5000]  }
0x244: {  	v26 =	vadd.s32 v2, v17;
	v17 =	vmovc v16;
	v16 =	vmovc v15;
	v21 =	vshra.s32 v21, $0xE;
	v22 =	vadd.f32 $1.000000000e+00, v22;
	v23 =	vld [tilespmem:s8+$0x8000]  }
0x245: {  	v15 =	vmovc v14;
	v14 =	vmovc v13;
	v13 =	vmov v12;
	v25 =	vadd.f32 $1.000000000e+00, v25;
	v21 =	vadd.s32 $0xFFFF0800, v21;
	[tilespmem:v20+s25+$0x0] =	vst.idx.add.s32.msk $0xffff, v1  }
0x246: {  	v12 =	vmov v18;
	[tilespmem:v24+s25+$0x0] =	vst.idx.add.s32.msk $0xffff, v1;
	v20 =	vshra.s32 v22, $0xE  }
0x247: {  	v18 =	vshra.s32 v25, $0xE;
	v22 =	vld [tilespmem:s11+$0x3800];
	v20 =	vadd.s32 $0xFFFF1C00, v20  }
0x248: {  	v19 =	vadd.f32 $1.000000000e+00, v19;
	v24 =	vld [tilespmem:s6+$0x9800]  }
0x249: {  	v18 =	vadd.s32 $0xFFFF0200, v18;
	v23 =	vadd.f32 $1.000000000e+00, v23;
	v25 =	vld.idx.msk [tilespmem:v26+s4+$0x0], $0xffff  }
0x24a: {  	[tilespmem:v21+s25+$0x0] =	vst.idx.add.s32.msk $0xffff, v1;
	v19 =	vshra.s32 v19, $0xE  }
0x24b: {  	v21 =	vld [tilespmem:s12+$0x2000];
	v19 =	vadd.s32 $0xFFFF1600, v19;
	v23 =	vshra.s32 v23, $0xE  }
0x24c: {  	v22 =	vadd.f32 $1.000000000e+00, v22;
	[tilespmem:v20+s25+$0x0] =	vst.idx.add.s32.msk $0xffff, v1  }
0x24d: {  	v20 =	vld [tilespmem:s14+$0x15000];
	v24 =	vadd.f32 $1.000000000e+00, v24  }
0x24e: {  	[tilespmem:v18+s25+$0x0] =	vst.idx.add.s32.msk $0xffff, v1;
	v18 =	vshra.s32 v22, $0xE;
	v22 =	vadd.s32 $0xFFFF2200, v23  }
0x24f: {  	v26 =	vadd.f32 $1.000000000e+00, v25;
	v25 =	vsub.f32 $2.000000000e+00, v25;
	v23 =	vld [tilespmem:s14+$0x800];
	v18 =	vadd.s32 $0xFFFF1000, v18  }
0x250: {  	v21 =	vadd.f32 $1.000000000e+00, v21;
	[tilespmem:v19+s25+$0x0] =	vst.idx.add.s32.msk $0xffff, v1;
	v19 =	vshll.u32 v5, $0x9;
	v5 =	vmovc v6;
	v6 =	vmovc v7;
	v7 =	vmov v8  }
0x251: {  	v24 =	vshra.s32 v24, $0xE;
	v26 =	vshra.s32 v26, $0xE;
	v25 =	vshra.s32 v25, $0xE;
	v8 =	vmovc v9;
	v9 =	vmovc v10;
	v27 =	vld [tilespmem:s10+$0x5800]  }
0x252: {  	v24 =	vadd.s32 $0xFFFF2800, v24;
	v10 =	vmovc v11;
	v29 =	vadd.s32 v19, v26;
	v21 =	vshra.s32 v21, $0xE;
	v28 =	vld [tilespmem:s9+$0x7000];
	v11 =	vmovc v20  }
0x253: {  	vm0 =	vlt.s32 v25, $0xFFFF;
	v20 =	vadd.s32 $0xFFFF0A00, v21;
	[tilespmem:v22+s25+$0x0] =	vst.idx.add.s32.msk $0xffff, v1;
	v21 =	vand.u32 $0x7, v26  }
0x254: {  	v22 =	vadd.f32 $1.000000000e+00, v23;
	[tilespmem:v18+s25+$0x0] =	vst.idx.add.s32.msk $0xffff, v1;
	v18 =	vand.u32 $0xFFFFFFF8, v29;
	v23 =	vnsel vm0, $0xFFFF, v25  }
0x255: {  	v25 =	vld [tilespmem:s11+$0x4000];
	v18 =	vor.u32 v21, v18;
	v19 =	vadd.s32 v19, v23;
	v21 =	vand.u32 $0x7, v23  }
0x256: {  	v22 =	vshra.s32 v22, $0xE;
	v23 =	vadd.f32 $1.000000000e+00, v27;
	v26 =	vld [tilespmem:s8+$0x8800];
	v27 =	vadd.s32 $0xFFFF0200, v18  }
0x257: {  	v19 =	vand.u32 $0xFFFFFFF8, v19;
	v22 =	vadd.s32 $0xFFFF0400, v22;
	v18 =	vadd.f32 $1.000000000e+00, v28;
	[tilespmem:v24+s25+$0x0] =	vst.idx.add.s32.msk $0xffff, v1  }
0x258: {  	s13 =	sadd.s32 $0x10, s13;
	v24 =	vshll.u32 v11, $0xB;
	v19 =	vor.u32 v21, v19;
	[tilespmem:v20+s25+$0x0] =	vst.idx.add.s32.msk $0xffff, v1;
	v20 =	vshra.s32 v23, $0xE  }
0x259: {  	v21 =	vadd.s32 s13, v24;
	v23 =	vld [tilespmem:s12+$0x2800];
	v20 =	vadd.s32 $0xFFFF1800, v20;
	v24 =	vshra.s32 v18, $0xE  }
0x25a: {  	v18 =	vadd.s32 v3, v21;
	v21 =	vadd.f32 $1.000000000e+00, v25;
	v25 =	vld [tilespmem:s6+$0xA000];
	s6 =	smov.u32 s8;
	s8 =	smov.u32 s9;
	s9 =	smov.u32 s10  }
0x25b: {  	v24 =	vadd.s32 $0xFFFF1E00, v24;
	s10 =	smov.u32 s11;
	s11 =	smov.u32 s12;
	s12 =	smov.u32 s14;
	v26 =	vadd.f32 $1.000000000e+00, v26;
	[tilespmem:v27+s25+$0x0] =	vst.idx.add.s32.msk $0xffff, v4  }
0x25c: {  	[tilespmem:v22+s25+$0x0] =	vst.idx.add.s32.msk $0xffff, v1;
	v21 =	vshra.s32 v21, $0xE  }
0x25d: {  	v22 =	vld [tilespmem:s12+$0x1000];
	v21 =	vadd.s32 $0xFFFF1200, v21  }
0x25e: {  	v23 =	vadd.f32 $1.000000000e+00, v23;
	[tilespmem:v20+s25+$0x0] =	vst.idx.add.s32.msk $0xffff, v1;
	v20 =	vshra.s32 v26, $0xE  }
0x25f: {  	v26 =	vld [tilespmem:s9+$0x6000];
	v20 =	vadd.s32 $0xFFFF2400, v20;
	v25 =	vadd.f32 $1.000000000e+00, v25  }
0x260: {  	v23 =	vshra.s32 v23, $0xE;
	[tilespmem:v24+s25+$0x0] =	vst.idx.add.s32.msk $0xffff, v1  }
0x261: {  	v23 =	vadd.s32 $0xFFFF0C00, v23;
	v24 =	vld [tilespmem:s8+$0x7800];
	v25 =	vshra.s32 v25, $0xE  }
0x262: {  	v22 =	vadd.f32 $1.000000000e+00, v22;
	[tilespmem:v21+s25+$0x0] =	vst.idx.add.s32.msk $0xffff, v1  }
0x263: {  	v27 =	vadd.s32 $0xFFFF2A00, v25;
	v21 =	vld [tilespmem:s10+$0x4800]  }
.Ltmp3:
0x264: {  	v19 =	vadd.s32 $0xFFFF2C00, v19;
	v22 =	vshra.s32 v22, $0xE;
	v26 =	vadd.f32 $1.000000000e+00, v26;
	[tilespmem:v20+s25+$0x0] =	vst.idx.add.s32.msk $0xffff, v1;
	(pc) =	sbr.rel @p0 .LBB2_5-.Ltmp3, $4  }
0x265: {  	v25 =	vadd.s32 $0xFFFF0600, v22;
	v20 =	vld [tilespmem:s6+$0x9000]  }
0x266: {  	[tilespmem:v23+s25+$0x0] =	vst.idx.add.s32.msk $0xffff, v1;
	v22 =	vshra.s32 v26, $0xE;
	v26 =	vadd.f32 $1.000000000e+00, v24  }
0x267: {  	v24 =	vld [tilespmem:s11+$0x3000];
	v22 =	vadd.s32 $0xFFFF1A00, v22  }
0x268: {  	v23 =	vadd.f32 $1.000000000e+00, v21;
	v21 =	vshra.s32 v26, $0xE;
	[tilespmem:v27+s25+$0x0] =	vst.idx.add.s32.msk $0xffff, v1  }
0x269: {  	_ =	sdelay $0x3  }
0x26a: {  	[tilespmem:v25+s25+$0x0] =	vst.idx.add.s32.msk $0xffff, v1  }
0x26b: {  	v25 =	vld [tilespmem:s12+$0x1800];
	_ =	sdelay $0x4  }
0x26c: {  	v25 =	vadd.f32 $1.000000000e+00, v25;
	_ =	sdelay $0x1  }
0x26d: {  	v25 =	vshra.s32 v25, $0xE  }
0x26e: {  	v25 =	vadd.s32 $0xFFFF0800, v25;
	_ =	sdelay $0x4  }
0x26f: {  	[tilespmem:v25+s25+$0x0] =	vst.idx.add.s32.msk $0xffff, v1  }
0x270: {  	v25 =	vld [tilespmem:s12+$0x2000];
	_ =	sdelay $0x4  }
0x271: {  	v25 =	vadd.f32 $1.000000000e+00, v25;
	_ =	sdelay $0x1  }
0x272: {  	v25 =	vshra.s32 v25, $0xE  }
0x273: {  	v25 =	vadd.s32 $0xFFFF0A00, v25;
	_ =	sdelay $0x4  }
0x274: {  	[tilespmem:v25+s25+$0x0] =	vst.idx.add.s32.msk $0xffff, v1  }
0x275: {  	v25 =	vld [tilespmem:s12+$0x2800];
	_ =	sdelay $0x2  }
0x276: {  	v24 =	vadd.f32 $1.000000000e+00, v24;
	_ =	sdelay $0x1  }
0x277: {  	v24 =	vshra.s32 v24, $0xE;
	v25 =	vadd.f32 $1.000000000e+00, v25  }
0x278: {  	v24 =	vadd.s32 $0xFFFF0E00, v24  }
0x279: {  	v25 =	vshra.s32 v25, $0xE  }
0x27a: {  	v25 =	vadd.s32 $0xFFFF0C00, v25;
	_ =	sdelay $0x2  }
0x27b: {  	[tilespmem:v24+s25+$0x0] =	vst.idx.add.s32.msk $0xffff, v1  }
0x27c: {  	v35 =	vld [tilespmem:s11+$0x3800]  }
0x27d: {  	[tilespmem:v25+s25+$0x0] =	vst.idx.add.s32.msk $0xffff, v1  }
0x27e: {  	v25 =	vld [tilespmem:s12+$0x3000];
	_ =	sdelay $0x2  }
0x27f: {  	v36 =	vadd.f32 $1.000000000e+00, v35;
	_ =	sdelay $0x1  }
0x280: {  	v24 =	vshra.s32 v36, $0xE;
	v25 =	vadd.f32 $1.000000000e+00, v25  }
0x281: {  	v24 =	vadd.s32 $0xFFFF1000, v24  }
0x282: {  	v25 =	vshra.s32 v25, $0xE  }
0x283: {  	v34 =	vadd.s32 $0xFFFF0E00, v25;
	_ =	sdelay $0x2  }
0x284: {  	[tilespmem:v24+s25+$0x0] =	vst.idx.add.s32.msk $0xffff, v1  }
0x285: {  	v39 =	vld [tilespmem:s11+$0x4000]  }
0x286: {  	[tilespmem:v34+s25+$0x0] =	vst.idx.add.s32.msk $0xffff, v1  }
0x287: {  	v37 =	vld [tilespmem:s12+$0x3800];
	_ =	sdelay $0x2  }
0x288: {  	v40 =	vadd.f32 $1.000000000e+00, v39;
	_ =	sdelay $0x1  }
0x289: {  	v24 =	vshra.s32 v40, $0xE;
	v25 =	vadd.f32 $1.000000000e+00, v37  }
0x28a: {  	v24 =	vadd.s32 $0xFFFF1200, v24  }
0x28b: {  	v25 =	vshra.s32 v25, $0xE  }
0x28c: {  	v38 =	vadd.s32 $0xFFFF1000, v25;
	_ =	sdelay $0x2  }
0x28d: {  	[tilespmem:v24+s25+$0x0] =	vst.idx.add.s32.msk $0xffff, v1  }
0x28e: {  	v43 =	vld [tilespmem:s11+$0x4800]  }
0x28f: {  	[tilespmem:v38+s25+$0x0] =	vst.idx.add.s32.msk $0xffff, v1  }
0x290: {  	v23 =	vshra.s32 v23, $0xE;
	v41 =	vld [tilespmem:s12+$0x4000]  }
0x291: {  	v23 =	vadd.s32 $0xFFFF1400, v23;
	_ =	sdelay $0x1  }
0x292: {  	v44 =	vadd.f32 $1.000000000e+00, v43;
	_ =	sdelay $0x1  }
0x293: {  	v46 =	vshra.s32 v44, $0xE;
	v25 =	vadd.f32 $1.000000000e+00, v41  }
0x294: {  	[tilespmem:v23+s25+$0x0] =	vst.idx.add.s32.msk $0xffff, v1;
	v23 =	vadd.s32 $0xFFFF1400, v46  }
0x295: {  	v25 =	vshra.s32 v25, $0xE  }
0x296: {  	v42 =	vadd.s32 $0xFFFF1200, v25;
	_ =	sdelay $0x2  }
0x297: {  	[tilespmem:v23+s25+$0x0] =	vst.idx.add.s32.msk $0xffff, v1  }
0x298: {  	v49 =	vld [tilespmem:s11+$0x5000]  }
0x299: {  	[tilespmem:v42+s25+$0x0] =	vst.idx.add.s32.msk $0xffff, v1  }
0x29a: {  	v45 =	vld [tilespmem:s12+$0x4800];
	_ =	sdelay $0x2  }
0x29b: {  	v47 =	vld [tilespmem:s10+$0x5000];
	v50 =	vadd.f32 $1.000000000e+00, v49;
	_ =	sdelay $0x1  }
0x29c: {  	v23 =	vshra.s32 v50, $0xE;
	v25 =	vadd.f32 $1.000000000e+00, v45  }
0x29d: {  	v23 =	vadd.s32 $0xFFFF1600, v23  }
0x29e: {  	v25 =	vshra.s32 v25, $0xE  }
0x29f: {  	v24 =	vadd.f32 $1.000000000e+00, v47;
	v48 =	vadd.s32 $0xFFFF1400, v25;
	_ =	sdelay $0x1  }
0x2a0: {  	v24 =	vshra.s32 v24, $0xE  }
0x2a1: {  	v24 =	vadd.s32 $0xFFFF1600, v24;
	[tilespmem:v23+s25+$0x0] =	vst.idx.add.s32.msk $0xffff, v1  }
0x2a2: {  	v53 =	vld [tilespmem:s11+$0x5800]  }
0x2a3: {  	[tilespmem:v48+s25+$0x0] =	vst.idx.add.s32.msk $0xffff, v1  }
0x2a4: {  	v51 =	vld [tilespmem:s12+$0x5000];
	_ =	sdelay $0x1  }
0x2a5: {  	[tilespmem:v24+s25+$0x0] =	vst.idx.add.s32.msk $0xffff, v1  }
0x2a6: {  	v24 =	vld [tilespmem:s10+$0x5800];
	v54 =	vadd.f32 $1.000000000e+00, v53;
	_ =	sdelay $0x1  }
0x2a7: {  	v23 =	vshra.s32 v54, $0xE;
	v25 =	vadd.f32 $1.000000000e+00, v51  }
0x2a8: {  	v23 =	vadd.s32 $0xFFFF1800, v23  }
0x2a9: {  	v25 =	vshra.s32 v25, $0xE  }
0x2aa: {  	v24 =	vadd.f32 $1.000000000e+00, v24;
	v52 =	vadd.s32 $0xFFFF1600, v25  }
0x2ab: {  	[tilespmem:v22+s25+$0x0] =	vst.idx.add.s32.msk $0xffff, v1  }
0x2ac: {  	v22 =	vld [tilespmem:s9+$0x6800];
	v24 =	vshra.s32 v24, $0xE  }
0x2ad: {  	v24 =	vadd.s32 $0xFFFF1800, v24;
	[tilespmem:v23+s25+$0x0] =	vst.idx.add.s32.msk $0xffff, v1  }
0x2ae: {  	v57 =	vld [tilespmem:s11+$0x6000]  }
0x2af: {  	[tilespmem:v52+s25+$0x0] =	vst.idx.add.s32.msk $0xffff, v1  }
0x2b0: {  	v55 =	vld [tilespmem:s12+$0x5800]  }
0x2b1: {  	v22 =	vadd.f32 $1.000000000e+00, v22  }
0x2b2: {  	[tilespmem:v24+s25+$0x0] =	vst.idx.add.s32.msk $0xffff, v1  }
0x2b3: {  	v22 =	vshra.s32 v22, $0xE;
	v24 =	vld [tilespmem:s10+$0x6000];
	v58 =	vadd.f32 $1.000000000e+00, v57  }
0x2b4: {  	v22 =	vadd.s32 $0xFFFF1C00, v22  }
0x2b5: {  	v23 =	vshra.s32 v58, $0xE;
	v25 =	vadd.f32 $1.000000000e+00, v55  }
0x2b6: {  	v23 =	vadd.s32 $0xFFFF1A00, v23  }
0x2b7: {  	v25 =	vshra.s32 v25, $0xE  }
0x2b8: {  	v24 =	vadd.f32 $1.000000000e+00, v24;
	v56 =	vadd.s32 $0xFFFF1800, v25  }
0x2b9: {  	[tilespmem:v22+s25+$0x0] =	vst.idx.add.s32.msk $0xffff, v1  }
0x2ba: {  	v22 =	vld [tilespmem:s9+$0x7000];
	v24 =	vshra.s32 v24, $0xE  }
0x2bb: {  	v24 =	vadd.s32 $0xFFFF1A00, v24;
	[tilespmem:v23+s25+$0x0] =	vst.idx.add.s32.msk $0xffff, v1  }
0x2bc: {  	v61 =	vld [tilespmem:s11+$0x6800]  }
0x2bd: {  	[tilespmem:v56+s25+$0x0] =	vst.idx.add.s32.msk $0xffff, v1  }
0x2be: {  	v59 =	vld [tilespmem:s12+$0x6000]  }
0x2bf: {  	v22 =	vadd.f32 $1.000000000e+00, v22  }
0x2c0: {  	[tilespmem:v24+s25+$0x0] =	vst.idx.add.s32.msk $0xffff, v1  }
0x2c1: {  	v22 =	vshra.s32 v22, $0xE;
	v24 =	vld [tilespmem:s10+$0x6800];
	v62 =	vadd.f32 $1.000000000e+00, v61  }
0x2c2: {  	v22 =	vadd.s32 $0xFFFF1E00, v22  }
0x2c3: {  	v23 =	vshra.s32 v62, $0xE;
	v25 =	vadd.f32 $1.000000000e+00, v59  }
0x2c4: {  	v23 =	vadd.s32 $0xFFFF1C00, v23  }
0x2c5: {  	v25 =	vshra.s32 v25, $0xE  }
0x2c6: {  	v24 =	vadd.f32 $1.000000000e+00, v24;
	v60 =	vadd.s32 $0xFFFF1A00, v25  }
0x2c7: {  	[tilespmem:v22+s25+$0x0] =	vst.idx.add.s32.msk $0xffff, v1  }
0x2c8: {  	v22 =	vld [tilespmem:s9+$0x7800];
	v24 =	vshra.s32 v24, $0xE  }
0x2c9: {  	v24 =	vadd.s32 $0xFFFF1C00, v24;
	[tilespmem:v23+s25+$0x0] =	vst.idx.add.s32.msk $0xffff, v1  }
0x2ca: {  	v29 =	vld [tilespmem:s11+$0x7000]  }
0x2cb: {  	[tilespmem:v60+s25+$0x0] =	vst.idx.add.s32.msk $0xffff, v1  }
0x2cc: {  	v63 =	vld [tilespmem:s12+$0x6800]  }
0x2cd: {  	v21 =	vadd.s32 $0xFFFF2000, v21;
	v22 =	vadd.f32 $1.000000000e+00, v22  }
0x2ce: {  	[tilespmem:v24+s25+$0x0] =	vst.idx.add.s32.msk $0xffff, v1  }
0x2cf: {  	v22 =	vshra.s32 v22, $0xE;
	v24 =	vld [tilespmem:s10+$0x7000];
	v32 =	vadd.f32 $1.000000000e+00, v29  }
0x2d0: {  	v22 =	vadd.s32 $0xFFFF2000, v22  }
0x2d1: {  	v34 =	vshra.s32 v32, $0xE;
	v25 =	vadd.f32 $1.000000000e+00, v63  }
0x2d2: {  	[tilespmem:v21+s25+$0x0] =	vst.idx.add.s32.msk $0xffff, v1;
	v21 =	vadd.s32 $0xFFFF1E00, v34  }
0x2d3: {  	v25 =	vshra.s32 v25, $0xE  }
0x2d4: {  	v31 =	vld [tilespmem:s8+$0x8000];
	v24 =	vadd.f32 $1.000000000e+00, v24;
	v28 =	vadd.s32 $0xFFFF1C00, v25  }
0x2d5: {  	[tilespmem:v22+s25+$0x0] =	vst.idx.add.s32.msk $0xffff, v1  }
0x2d6: {  	v22 =	vld [tilespmem:s9+$0x8000];
	v24 =	vshra.s32 v24, $0xE  }
0x2d7: {  	v30 =	vadd.s32 $0xFFFF1E00, v24;
	[tilespmem:v21+s25+$0x0] =	vst.idx.add.s32.msk $0xffff, v1  }
0x2d8: {  	v38 =	vld [tilespmem:s11+$0x7800]  }
0x2d9: {  	v35 =	vadd.f32 $1.000000000e+00, v31;
	[tilespmem:v28+s25+$0x0] =	vst.idx.add.s32.msk $0xffff, v1  }
0x2da: {  	v33 =	vld [tilespmem:s12+$0x7000]  }
0x2db: {  	v22 =	vadd.f32 $1.000000000e+00, v22;
	v23 =	vshra.s32 v35, $0xE  }
0x2dc: {  	[tilespmem:v30+s25+$0x0] =	vst.idx.add.s32.msk $0xffff, v1;
	v23 =	vadd.s32 $0xFFFF2200, v23  }
0x2dd: {  	v41 =	vshra.s32 v22, $0xE;
	v36 =	vld [tilespmem:s10+$0x7800];
	v42 =	vadd.f32 $1.000000000e+00, v38  }
0x2de: {  	v21 =	vadd.s32 $0xFFFF2200, v41  }
0x2df: {  	v22 =	vshra.s32 v42, $0xE;
	v25 =	vadd.f32 $1.000000000e+00, v33  }
0x2e0: {  	v22 =	vadd.s32 $0xFFFF2000, v22  }
0x2e1: {  	[tilespmem:v23+s25+$0x0] =	vst.idx.add.s32.msk $0xffff, v1;
	v25 =	vshra.s32 v25, $0xE  }
0x2e2: {  	v24 =	vadd.f32 $1.000000000e+00, v36;
	v40 =	vld [tilespmem:s8+$0x8800];
	v37 =	vadd.s32 $0xFFFF1E00, v25  }
0x2e3: {  	[tilespmem:v21+s25+$0x0] =	vst.idx.add.s32.msk $0xffff, v1  }
0x2e4: {  	v24 =	vshra.s32 v24, $0xE;
	v21 =	vld [tilespmem:s9+$0x8800]  }
0x2e5: {  	v20 =	vadd.f32 $1.000000000e+00, v20;
	v39 =	vadd.s32 $0xFFFF2000, v24;
	[tilespmem:v22+s25+$0x0] =	vst.idx.add.s32.msk $0xffff, v1  }
0x2e6: {  	v47 =	vld [tilespmem:s11+$0x8000]  }
0x2e7: {  	v20 =	vshra.s32 v20, $0xE;
	v44 =	vadd.f32 $1.000000000e+00, v40;
	[tilespmem:v37+s25+$0x0] =	vst.idx.add.s32.msk $0xffff, v1  }
0x2e8: {  	v20 =	vadd.s32 $0xFFFF2600, v20;
	v43 =	vld [tilespmem:s12+$0x7800]  }
0x2e9: {  	v23 =	vshra.s32 v44, $0xE;
	v21 =	vadd.f32 $1.000000000e+00, v21  }
0x2ea: {  	[tilespmem:v39+s25+$0x0] =	vst.idx.add.s32.msk $0xffff, v1;
	v23 =	vadd.s32 $0xFFFF2400, v23  }
0x2eb: {  	v45 =	vld [tilespmem:s10+$0x8000];
	v21 =	vshra.s32 v21, $0xE;
	v50 =	vadd.f32 $1.000000000e+00, v47  }
0x2ec: {  	v21 =	vadd.s32 $0xFFFF2400, v21  }
0x2ed: {  	[tilespmem:v20+s25+$0x0] =	vst.idx.add.s32.msk $0xffff, v1;
	v22 =	vshra.s32 v50, $0xE;
	v25 =	vadd.f32 $1.000000000e+00, v43  }
0x2ee: {  	v20 =	vld [tilespmem:s6+$0x9800];
	v22 =	vadd.s32 $0xFFFF2200, v22  }
0x2ef: {  	[tilespmem:v23+s25+$0x0] =	vst.idx.add.s32.msk $0xffff, v1;
	v25 =	vshra.s32 v25, $0xE  }
0x2f0: {  	v24 =	vadd.f32 $1.000000000e+00, v45;
	v49 =	vld [tilespmem:s8+$0x9000];
	v46 =	vadd.s32 $0xFFFF2000, v25  }
0x2f1: {  	[tilespmem:v21+s25+$0x0] =	vst.idx.add.s32.msk $0xffff, v1  }
0x2f2: {  	v24 =	vshra.s32 v24, $0xE;
	v21 =	vld [tilespmem:s9+$0x9000]  }
0x2f3: {  	v48 =	vadd.s32 $0xFFFF2200, v24;
	[tilespmem:v22+s25+$0x0] =	vst.idx.add.s32.msk $0xffff, v1  }
0x2f4: {  	v20 =	vadd.f32 $1.000000000e+00, v20;
	v55 =	vld [tilespmem:s11+$0x8800]  }
0x2f5: {  	v52 =	vadd.f32 $1.000000000e+00, v49;
	[tilespmem:v46+s25+$0x0] =	vst.idx.add.s32.msk $0xffff, v1  }
0x2f6: {  	v20 =	vshra.s32 v20, $0xE;
	v51 =	vld [tilespmem:s12+$0x8000]  }
0x2f7: {  	v20 =	vadd.s32 $0xFFFF2800, v20;
	v23 =	vshra.s32 v52, $0xE;
	v21 =	vadd.f32 $1.000000000e+00, v21  }
0x2f8: {  	[tilespmem:v48+s25+$0x0] =	vst.idx.add.s32.msk $0xffff, v1;
	v23 =	vadd.s32 $0xFFFF2600, v23  }
0x2f9: {  	v53 =	vld [tilespmem:s10+$0x8800];
	v21 =	vshra.s32 v21, $0xE;
	v58 =	vadd.f32 $1.000000000e+00, v55  }
0x2fa: {  	v21 =	vadd.s32 $0xFFFF2600, v21  }
0x2fb: {  	v22 =	vshra.s32 v58, $0xE;
	v25 =	vadd.f32 $1.000000000e+00, v51  }
0x2fc: {  	[tilespmem:v20+s25+$0x0] =	vst.idx.add.s32.msk $0xffff, v1;
	v22 =	vadd.s32 $0xFFFF2400, v22  }
0x2fd: {  	[tilespmem:v23+s25+$0x0] =	vst.idx.add.s32.msk $0xffff, v1;
	v25 =	vshra.s32 v25, $0xE  }
0x2fe: {  	v24 =	vadd.f32 $1.000000000e+00, v53;
	v57 =	vld [tilespmem:s8+$0x9800];
	v54 =	vadd.s32 $0xFFFF2200, v25  }
0x2ff: {  	[tilespmem:v21+s25+$0x0] =	vst.idx.add.s32.msk $0xffff, v1  }
0x300: {  	v24 =	vshra.s32 v24, $0xE;
	v21 =	vld [tilespmem:s9+$0x9800]  }
0x301: {  	v56 =	vadd.s32 $0xFFFF2400, v24;
	[tilespmem:v22+s25+$0x0] =	vst.idx.add.s32.msk $0xffff, v1  }
0x302: {  	v63 =	vld [tilespmem:s11+$0x9000]  }
0x303: {  	v60 =	vadd.f32 $1.000000000e+00, v57;
	[tilespmem:v54+s25+$0x0] =	vst.idx.add.s32.msk $0xffff, v1  }
0x304: {  	v59 =	vld [tilespmem:s12+$0x8800]  }
0x305: {  	v17 =	vadd.s32 v2, v17;
	v20 =	vld [tilespmem:s6+$0xA000];
	v23 =	vshra.s32 v60, $0xE;
	v21 =	vadd.f32 $1.000000000e+00, v21  }
0x306: {  	[tilespmem:v56+s25+$0x0] =	vst.idx.add.s32.msk $0xffff, v1;
	v23 =	vadd.s32 $0xFFFF2800, v23  }
0x307: {  	v61 =	vld [tilespmem:s10+$0x9000];
	v21 =	vshra.s32 v21, $0xE;
	v30 =	vadd.f32 $1.000000000e+00, v63  }
0x308: {  	v21 =	vadd.s32 $0xFFFF2800, v21  }
0x309: {  	v22 =	vshra.s32 v30, $0xE;
	v25 =	vadd.f32 $1.000000000e+00, v59  }
0x30a: {  	v17 =	vld.idx.msk [tilespmem:v17+s4+$0x0], $0xffff;
	v22 =	vadd.s32 $0xFFFF2600, v22  }
0x30b: {  	v20 =	vadd.f32 $1.000000000e+00, v20;
	[tilespmem:v23+s25+$0x0] =	vst.idx.add.s32.msk $0xffff, v1;
	v25 =	vshra.s32 v25, $0xE  }
0x30c: {  	v24 =	vadd.f32 $1.000000000e+00, v61;
	v29 =	vld [tilespmem:s8+$0xA000];
	v62 =	vadd.s32 $0xFFFF2400, v25  }
0x30d: {  	v20 =	vshra.s32 v20, $0xE;
	[tilespmem:v21+s25+$0x0] =	vst.idx.add.s32.msk $0xffff, v1  }
0x30e: {  	v20 =	vadd.s32 $0xFFFF2A00, v20;
	v24 =	vshra.s32 v24, $0xE;
	v21 =	vld [tilespmem:s9+$0xA000]  }
0x30f: {  	v28 =	vadd.s32 $0xFFFF2600, v24;
	[tilespmem:v22+s25+$0x0] =	vst.idx.add.s32.msk $0xffff, v1  }
0x310: {  	v37 =	vld [tilespmem:s11+$0x9800]  }
0x311: {  	[tilespmem:v62+s25+$0x0] =	vst.idx.add.s32.msk $0xffff, v1  }
0x312: {  	v32 =	vadd.f32 $1.000000000e+00, v29;
	v31 =	vld [tilespmem:s12+$0x9000]  }
0x313: {  	v16 =	vadd.s32 v2, v16;
	[tilespmem:v20+s25+$0x0] =	vst.idx.add.s32.msk $0xffff, v1  }
0x314: {  	[tilespmem:v28+s25+$0x0] =	vst.idx.add.s32.msk $0xffff, v1;
	v20 =	vshra.s32 v32, $0xE  }
0x315: {  	v23 =	vld [tilespmem:s10+$0x9800];
	v20 =	vadd.s32 $0xFFFF2A00, v20;
	v40 =	vadd.f32 $1.000000000e+00, v37  }
0x316: {  	v15 =	vadd.s32 v2, v15  }
0x317: {  	v39 =	vadd.f32 $1.000000000e+00, v21;
	v21 =	vshra.s32 v40, $0xE;
	v33 =	vadd.f32 $1.000000000e+00, v31  }
0x318: {  	v26 =	vadd.f32 $1.000000000e+00, v17;
	v17 =	vsub.f32 $2.000000000e+00, v17;
	v16 =	vld.idx.msk [tilespmem:v16+s4+$0x0], $0xffff;
	v21 =	vadd.s32 $0xFFFF2800, v21  }
0x319: {  	v5 =	vshll.u32 v5, $0x9;
	v6 =	vshll.u32 v6, $0x9;
	v24 =	vshra.s32 v33, $0xE  }
0x31a: {  	v17 =	vshra.s32 v17, $0xE;
	v23 =	vadd.f32 $1.000000000e+00, v23;
	[tilespmem:v20+s25+$0x0] =	vst.idx.add.s32.msk $0xffff, v1;
	v35 =	vadd.s32 $0xFFFF2600, v24  }
0x31b: {  	v14 =	vadd.s32 v2, v14;
	vm0 =	vlt.s32 v17, $0xFFFF;
	v34 =	vshra.s32 v26, $0xE;
	v15 =	vld.idx.msk [tilespmem:v15+s4+$0x0], $0xffff  }
0x31c: {  	v17 =	vnsel vm0, $0xFFFF, v17;
	v36 =	vadd.s32 v5, v34;
	v23 =	vshra.s32 v23, $0xE  }
0x31d: {  	v5 =	vadd.s32 v5, v17;
	v38 =	vadd.f32 $1.000000000e+00, v16;
	v23 =	vadd.s32 $0xFFFF2800, v23;
	[tilespmem:v21+s25+$0x0] =	vst.idx.add.s32.msk $0xffff, v1  }
0x31e: {  	v17 =	vand.u32 $0x7, v17;
	v5 =	vand.u32 $0xFFFFFFF8, v5;
	v16 =	vsub.f32 $2.000000000e+00, v16;
	v21 =	vld [tilespmem:s11+$0xA000]  }
0x31f: {  	v7 =	vshll.u32 v7, $0x9;
	v5 =	vor.u32 v17, v5;
	v17 =	vshra.s32 v38, $0xE;
	[tilespmem:v35+s25+$0x0] =	vst.idx.add.s32.msk $0xffff, v1  }
0x320: {  	v16 =	vshra.s32 v16, $0xE;
	v43 =	vadd.f32 $1.000000000e+00, v15;
	v15 =	vsub.f32 $2.000000000e+00, v15;
	v22 =	vld [tilespmem:s12+$0x9800]  }
0x321: {  	v41 =	vadd.s32 v6, v17;
	vm10 =	vlt.s32 v16, $0xFFFF;
	v17 =	vand.u32 $0x7, v17  }
0x322: {  	[tilespmem:v23+s25+$0x0] =	vst.idx.add.s32.msk $0xffff, v1;
	v23 =	vand.u32 $0xFFFFFFF8, v41;
	v20 =	vshra.s32 v39, $0xE;
	v15 =	vshra.s32 v15, $0xE  }
0x323: {  	v17 =	vor.u32 v17, v23;
	v20 =	vadd.s32 $0xFFFF2A00, v20;
	vm11 =	vlt.s32 v15, $0xFFFF  }
0x324: {  	v15 =	vnsel vm11, $0xFFFF, v15;
	v46 =	vshra.s32 v43, $0xE;
	v47 =	vadd.f32 $1.000000000e+00, v21  }
0x325: {  	v23 =	vadd.s32 v7, v46;
	v7 =	vadd.s32 v7, v15;
	v22 =	vadd.f32 $1.000000000e+00, v22  }
0x326: {  	v15 =	vand.u32 $0x7, v15;
	v7 =	vand.u32 $0xFFFFFFF8, v7;
	v50 =	vshra.s32 v47, $0xE  }
0x327: {  	v42 =	vld [tilespmem:s10+$0xA000];
	v7 =	vor.u32 v15, v7;
	v15 =	vadd.s32 $0xFFFF2A00, v50;
	v44 =	vshra.s32 v22, $0xE  }
0x328: {  	v16 =	vnsel vm10, $0xFFFF, v16;
	[tilespmem:v20+s25+$0x0] =	vst.idx.add.s32.msk $0xffff, v1;
	v20 =	vadd.s32 $0xFFFF2800, v44  }
0x329: {  	v6 =	vadd.s32 v6, v16  }
0x32a: {  	v12 =	vadd.s32 v2, v12;
	v16 =	vand.u32 $0x7, v16;
	v6 =	vand.u32 $0xFFFFFFF8, v6;
	v14 =	vld.idx.msk [tilespmem:v14+s4+$0x0], $0xffff  }
0x32b: {  	v6 =	vor.u32 v16, v6;
	v17 =	vadd.s32 $0xFFFF0200, v17  }
0x32c: {  	v13 =	vadd.s32 v2, v13;
	v8 =	vshll.u32 v8, $0x9;
	v6 =	vadd.s32 $0xFFFF2C00, v6;
	[tilespmem:v15+s25+$0x0] =	vst.idx.add.s32.msk $0xffff, v1  }
0x32d: {  	v18 =	vadd.s32 v2, v18;
	v9 =	vshll.u32 v9, $0x9;
	v45 =	vadd.f32 $1.000000000e+00, v42;
	[tilespmem:v20+s25+$0x0] =	vst.idx.add.s32.msk $0xffff, v1  }
0x32e: {  	v10 =	vshll.u32 v10, $0x9;
	v5 =	vadd.s32 $0xFFFF2C00, v5;
	v16 =	vand.u32 $0x7, v46;
	v48 =	vld [tilespmem:s12+$0xA000]  }
0x32f: {  	v23 =	vand.u32 $0xFFFFFFF8, v23;
	v49 =	vadd.f32 $1.000000000e+00, v14;
	v12 =	vld.idx.msk [tilespmem:v12+s4+$0x0], $0xffff;
	v22 =	vshra.s32 v45, $0xE  }
0x330: {  	[tilespmem:v17+s25+$0x0] =	vst.idx.add.s32.msk $0xffff, v4;
	v16 =	vor.u32 v16, v23;
	v14 =	vsub.f32 $2.000000000e+00, v14;
	v22 =	vadd.s32 $0xFFFF2A00, v22  }
0x331: {  	[tilespmem:v6+s25+$0x0] =	vst.idx.add.s32.msk $0xffff, v1;
	v6 =	vshll.u32 v11, $0x9;
	v16 =	vadd.s32 $0xFFFF0200, v16;
	v51 =	vshra.s32 v49, $0xE  }
0x332: {  	v14 =	vshra.s32 v14, $0xE;
	v25 =	vand.u32 $0x7, v34;
	v24 =	vand.u32 $0xFFFFFFF8, v36  }
0x333: {  	vm12 =	vlt.s32 v14, $0xFFFF;
	v24 =	vor.u32 v25, v24;
	v21 =	vadd.f32 $1.000000000e+00, v48  }
0x334: {  	v57 =	vadd.f32 $1.000000000e+00, v12;
	v12 =	vsub.f32 $2.000000000e+00, v12;
	v24 =	vadd.s32 $0xFFFF0200, v24  }
0x335: {  	v52 =	vadd.s32 v8, v51;
	v14 =	vnsel vm12, $0xFFFF, v14;
	[tilespmem:v22+s25+$0x0] =	vst.idx.add.s32.msk $0xffff, v1;
	v21 =	vshra.s32 v21, $0xE  }
0x336: {  	v8 =	vadd.s32 v8, v14;
	v12 =	vshra.s32 v12, $0xE;
	v13 =	vld.idx.msk [tilespmem:v13+s4+$0x0], $0xffff;
	v54 =	vadd.s32 $0xFFFF2A00, v21  }
0x337: {  	v14 =	vand.u32 $0x7, v14;
	v8 =	vand.u32 $0xFFFFFFF8, v8;
	vm14 =	vlt.s32 v12, $0xFFFF  }
0x338: {  	v8 =	vor.u32 v14, v8;
	v58 =	vshra.s32 v57, $0xE;
	v12 =	vnsel vm14, $0xFFFF, v12  }
0x339: {  	v7 =	vadd.s32 $0xFFFF2C00, v7;
	v15 =	vadd.s32 v10, v58;
	v10 =	vadd.s32 v10, v12;
	[tilespmem:v24+s25+$0x0] =	vst.idx.add.s32.msk $0xffff, v4  }
0x33a: {  	v8 =	vadd.s32 $0xFFFF2C00, v8;
	v10 =	vand.u32 $0xFFFFFFF8, v10;
	[tilespmem:v5+s25+$0x0] =	vst.idx.add.s32.msk $0xffff, v1;
	v5 =	vand.u32 $0x7, v12  }
0x33b: {  	v5 =	vor.u32 v5, v10;
	v53 =	vadd.f32 $1.000000000e+00, v13;
	v13 =	vsub.f32 $2.000000000e+00, v13;
	[tilespmem:v54+s25+$0x0] =	vst.idx.add.s32.msk $0xffff, v1  }
0x33c: {  	v15 =	vand.u32 $0xFFFFFFF8, v15;
	v5 =	vadd.s32 $0xFFFF2C00, v5;
	v20 =	vand.u32 $0x7, v51;
	v18 =	vld.idx.msk [tilespmem:v18+s4+$0x0], $0xffff  }
0x33d: {  	v22 =	vand.u32 $0xFFFFFFF8, v52;
	v55 =	vshra.s32 v53, $0xE;
	v13 =	vshra.s32 v13, $0xE  }
0x33e: {  	v20 =	vor.u32 v20, v22;
	v56 =	vadd.s32 v9, v55;
	vm13 =	vlt.s32 v13, $0xFFFF  }
0x33f: {  	v21 =	vand.u32 $0x7, v55;
	v14 =	vand.u32 $0xFFFFFFF8, v56;
	v13 =	vnsel vm13, $0xFFFF, v13  }
0x340: {  	v20 =	vadd.s32 $0xFFFF0200, v20;
	v14 =	vor.u32 v21, v14;
	v9 =	vadd.s32 v9, v13  }
0x341: {  	v13 =	vand.u32 $0x7, v13;
	v9 =	vand.u32 $0xFFFFFFF8, v9;
	v59 =	vsub.f32 $2.000000000e+00, v18  }
0x342: {  	v14 =	vadd.s32 $0xFFFF0200, v14;
	v9 =	vor.u32 v13, v9;
	v60 =	vadd.f32 $1.000000000e+00, v18  }
0x343: {  	v13 =	vand.u32 $0x7, v58;
	v9 =	vadd.s32 $0xFFFF2C00, v9;
	v61 =	vshra.s32 v59, $0xE  }
0x344: {  	[tilespmem:v19+s25+$0x0] =	vst.idx.add.s32.msk $0xffff, v1;
	v13 =	vor.u32 v13, v15;
	v62 =	vshra.s32 v60, $0xE;
	vm15 =	vlt.s32 v61, $0xFFFF  }
0x345: {  	[tilespmem:v16+s25+$0x0] =	vst.idx.add.s32.msk $0xffff, v4;
	v13 =	vadd.s32 $0xFFFF0200, v13;
	v12 =	vadd.s32 v6, v62;
	v10 =	vnsel vm15, $0xFFFF, v61  }
0x346: {  	[tilespmem:v7+s25+$0x0] =	vst.idx.add.s32.msk $0xffff, v1;
	v7 =	vand.u32 $0x7, v62;
	v63 =	vand.u32 $0xFFFFFFF8, v12;
	v6 =	vadd.s32 v6, v10  }
0x347: {  	[tilespmem:v20+s25+$0x0] =	vst.idx.add.s32.msk $0xffff, v4;
	v7 =	vor.u32 v7, v63;
	v10 =	vand.u32 $0x7, v10;
	v6 =	vand.u32 $0xFFFFFFF8, v6  }
0x348: {  	[tilespmem:v8+s25+$0x0] =	vst.idx.add.s32.msk $0xffff, v1;
	v7 =	vadd.s32 $0xFFFF0200, v7;
	v6 =	vor.u32 v10, v6  }
0x349: {  	p0 =	seq.s32 s3, $0x7;
	[tilespmem:v14+s25+$0x0] =	vst.idx.add.s32.msk $0xffff, v4;
	v6 =	vadd.s32 $0xFFFF2C00, v6  }
.Ltmp4:
0x34a: {  	[tilespmem:v9+s25+$0x0] =	vst.idx.add.s32.msk $0xffff, v1;
	(pc) =	sbr.rel @p0 .LBB2_8-.Ltmp4, $4  }
0x34b: {  	[tilespmem:v13+s25+$0x0] =	vst.idx.add.s32.msk $0xffff, v4  }
0x34c: {  	[tilespmem:v5+s25+$0x0] =	vst.idx.add.s32.msk $0xffff, v1  }
0x34d: {  	[tilespmem:v7+s25+$0x0] =	vst.idx.add.s32.msk $0xffff, v4  }
0x34e: {  	s19 =	sshll.u32 s3, $0xC;
	[tilespmem:v6+s25+$0x0] =	vst.idx.add.s32.msk $0xffff, v1  }
0x34f: {  	s6 =	sadd.s32 $0x1000, s19;
	s8 =	rddreg [dreg:$0x11]  }
0x350: {  	s8 =	sadd.s32 s8, s6  }
0x351: {  	s9 =	sadd.s32 s26, s8  }
0x352: {  	s9 =	sshrl.u32 s9, $0x3  }
0x353: {  	s11 =	rddreg [dreg:$0x12];
	s9 =	sadd.s32 s1, s9  }
0x354: {  	[tilespmem:s4], [sflag:$0x1] =	stream.linear.gather [hbm4b:s9+s4], $0x800, $0x38;
	[tilespmem:$0x1B400] =	vst v63  }
0x355: {  	s9 =	sadd.s32 s11, s8  }
0x356: {  	s9 =	sshrl.u32 s9, $0x3  }
0x357: {  	s10 =	simm.s32 $0x800;
	s12 =	rddreg [dreg:$0x15];
	s9 =	sadd.s32 s1, s9  }
0x358: {  	[tilespmem:s10], [sflag:$0x1] =	stream.linear.gather [hbm4b:s9+s4], $0x800, $0x38;
	[tilespmem:$0x1B400] =	vst v63  }
0x359: {  	s9 =	sadd.s32 s12, s8  }
0x35a: {  	s9 =	sshrl.u32 s9, $0x3  }
0x35b: {  	s13 =	simm.s32 $0x1000;
	s14 =	rddreg [dreg:$0x17];
	s9 =	sadd.s32 s1, s9  }
0x35c: {  	[tilespmem:s13], [sflag:$0x1] =	stream.linear.gather [hbm4b:s9+s4], $0x800, $0x38;
	[tilespmem:$0x1B400] =	vst v63  }
0x35d: {  	s9 =	sadd.s32 s14, s8  }
0x35e: {  	s9 =	sshrl.u32 s9, $0x3  }
0x35f: {  	s21 =	simm.s32 $0x1800;
	s10 =	rddreg [dreg:$0x18];
	s9 =	sadd.s32 s1, s9  }
0x360: {  	[tilespmem:s21], [sflag:$0x1] =	stream.linear.gather [hbm4b:s9+s4], $0x800, $0x38;
	[tilespmem:$0x1B400] =	vst v63  }
0x361: {  	s9 =	sadd.s32 s10, s8  }
0x362: {  	s9 =	sshrl.u32 s9, $0x3  }
0x363: {  	s11 =	simm.s32 $0x2000;
	s12 =	rddreg [dreg:$0x1b];
	s9 =	sadd.s32 s1, s9  }
0x364: {  	[tilespmem:s11], [sflag:$0x1] =	stream.linear.gather [hbm4b:s9+s4], $0x800, $0x38;
	[tilespmem:$0x1B400] =	vst v63  }
0x365: {  	s9 =	sadd.s32 s12, s8  }
0x366: {  	s9 =	sshrl.u32 s9, $0x3  }
0x367: {  	s13 =	simm.s32 $0x2800;
	s14 =	rddreg [dreg:$0x1d];
	s9 =	sadd.s32 s1, s9  }
0x368: {  	[tilespmem:s13], [sflag:$0x1] =	stream.linear.gather [hbm4b:s9+s4], $0x800, $0x38;
	[tilespmem:$0x1B400] =	vst v63  }
0x369: {  	s9 =	sadd.s32 s14, s8  }
0x36a: {  	s9 =	sshrl.u32 s9, $0x3  }
0x36b: {  	s21 =	simm.s32 $0x3000;
	s10 =	rddreg [dreg:$0x1e];
	s9 =	sadd.s32 s1, s9  }
0x36c: {  	[tilespmem:s21], [sflag:$0x1] =	stream.linear.gather [hbm4b:s9+s4], $0x800, $0x38;
	[tilespmem:$0x1B400] =	vst v63  }
0x36d: {  	s9 =	sadd.s32 s10, s8  }
0x36e: {  	s9 =	sshrl.u32 s9, $0x3  }
0x36f: {  	s11 =	simm.s32 $0x3800;
	s12 =	sadd.s32 s20, s8;
	s9 =	sadd.s32 s1, s9  }
0x370: {  	[tilespmem:s11], [sflag:$0x1] =	stream.linear.gather [hbm4b:s9+s4], $0x800, $0x38;
	[tilespmem:$0x1B400] =	vst v63  }
0x371: {  	s9 =	sshrl.u32 s12, $0x3  }
0x372: {  	s13 =	simm.s32 $0x4000;
	s14 =	sadd.s32 s22, s8;
	s9 =	sadd.s32 s1, s9  }
0x373: {  	[tilespmem:s13], [sflag:$0x1] =	stream.linear.gather [hbm4b:s9+s4], $0x800, $0x38;
	[tilespmem:$0x1B400] =	vst v63  }
0x374: {  	s9 =	sshrl.u32 s14, $0x3  }
0x375: {  	s21 =	simm.s32 $0x4800;
	s10 =	sadd.s32 s29, s8;
	s9 =	sadd.s32 s1, s9  }
0x376: {  	[tilespmem:s21], [sflag:$0x1] =	stream.linear.gather [hbm4b:s9+s4], $0x800, $0x38;
	[tilespmem:$0x1B400] =	vst v63  }
0x377: {  	s9 =	sshrl.u32 s10, $0x3  }
0x378: {  	s11 =	simm.s32 $0x5000;
	s12 =	sadd.s32 s2, s8;
	s9 =	sadd.s32 s1, s9  }
0x379: {  	[tilespmem:s11], [sflag:$0x1] =	stream.linear.gather [hbm4b:s9+s4], $0x800, $0x38;
	[tilespmem:$0x1B400] =	vst v63  }
0x37a: {  	s9 =	sshrl.u32 s12, $0x3  }
0x37b: {  	s13 =	simm.s32 $0x5800;
	s14 =	sadd.s32 s16, s8;
	s9 =	sadd.s32 s1, s9  }
0x37c: {  	[tilespmem:s13], [sflag:$0x1] =	stream.linear.gather [hbm4b:s9+s4], $0x800, $0x38;
	[tilespmem:$0x1B400] =	vst v63  }
0x37d: {  	s9 =	sshrl.u32 s14, $0x3  }
0x37e: {  	s21 =	simm.s32 $0x6000;
	s10 =	sadd.s32 s31, s8;
	s9 =	sadd.s32 s1, s9  }
0x37f: {  	[tilespmem:s21], [sflag:$0x1] =	stream.linear.gather [hbm4b:s9+s4], $0x800, $0x38;
	[tilespmem:$0x1B400] =	vst v63  }
0x380: {  	s9 =	sshrl.u32 s10, $0x3  }
0x381: {  	s11 =	simm.s32 $0x6800;
	s12 =	sadd.s32 s24, s8;
	s9 =	sadd.s32 s1, s9  }
0x382: {  	[tilespmem:s11], [sflag:$0x1] =	stream.linear.gather [hbm4b:s9+s4], $0x800, $0x38;
	[tilespmem:$0x1B400] =	vst v63  }
0x383: {  	s9 =	sshrl.u32 s12, $0x3  }
0x384: {  	s13 =	simm.s32 $0x7000;
	s14 =	sadd.s32 s5, s8;
	s9 =	sadd.s32 s1, s9  }
0x385: {  	[tilespmem:s13], [sflag:$0x1] =	stream.linear.gather [hbm4b:s9+s4], $0x800, $0x38;
	[tilespmem:$0x1B400] =	vst v63  }
0x386: {  	s9 =	sshrl.u32 s14, $0x3  }
0x387: {  	s21 =	simm.s32 $0x7800;
	s10 =	sadd.s32 s28, s8;
	s9 =	sadd.s32 s1, s9  }
0x388: {  	[tilespmem:s21], [sflag:$0x1] =	stream.linear.gather [hbm4b:s9+s4], $0x800, $0x38;
	[tilespmem:$0x1B400] =	vst v63  }
0x389: {  	s9 =	sshrl.u32 s10, $0x3  }
0x38a: {  	s11 =	simm.s32 $0x8000;
	s12 =	sadd.s32 s7, s8;
	s9 =	sadd.s32 s1, s9  }
0x38b: {  	[tilespmem:s11], [sflag:$0x1] =	stream.linear.gather [hbm4b:s9+s4], $0x800, $0x38;
	[tilespmem:$0x1B400] =	vst v63  }
0x38c: {  	s9 =	sshrl.u32 s12, $0x3  }
0x38d: {  	s13 =	simm.s32 $0x8800;
	s14 =	sadd.s32 s0, s8;
	s9 =	sadd.s32 s1, s9  }
0x38e: {  	[tilespmem:s13], [sflag:$0x1] =	stream.linear.gather [hbm4b:s9+s4], $0x800, $0x38;
	[tilespmem:$0x1B400] =	vst v63  }
0x38f: {  	s10 =	sadd.s32 s15, s8;
	s8 =	sadd.s32 s18, s8;
	s9 =	sshrl.u32 s14, $0x3  }
0x390: {  	s21 =	simm.s32 $0x9000;
	s8 =	sshrl.u32 s8, $0x3;
	s9 =	sadd.s32 s1, s9  }
0x391: {  	[tilespmem:s21], [sflag:$0x1] =	stream.linear.gather [hbm4b:s9+s4], $0x800, $0x38;
	[tilespmem:$0x1B400] =	vst v63  }
0x392: {  	s11 =	simm.s32 $0x9800;
	s13 =	rddreg [dreg:$0x4];
	s9 =	sshrl.u32 s10, $0x3  }
0x393: {  	s8 =	sadd.s32 s1, s8;
	s6 =	sadd.s32 s13, s6;
	s9 =	sadd.s32 s1, s9  }
0x394: {  	[tilespmem:s11], [sflag:$0x1] =	stream.linear.gather [hbm4b:s9+s4], $0x800, $0x38;
	[tilespmem:$0x1B400] =	vst v63  }
0x395: {  	s12 =	simm.s32 $0xA000;
	s14 =	rddreg [dreg:$0x1];
	s6 =	sshrl.u32 s6, $0x3  }
0x396: {  	[tilespmem:s12], [sflag:$0x1] =	stream.linear.gather [hbm4b:s8+s4], $0x800, $0x38;
	[tilespmem:$0x1B400] =	vst v63  }
0x397: {  	s21 =	simm.s32 $0x15000;
	s6 =	sadd.s32 s14, s6  }
0x398: {  	[tilespmem:s21], [sflag:$0x1] =	stream.linear.gather [hbm4b:s6+s4], $0x800, $0x38;
	[tilespmem:$0x1B400] =	vst v63  }
.LBB2_8:
0x399: {  	_ =	swait.ge [sflag:s30], $0x800  }
0x39a: {  	[sflag:s30] =	ssyncset.done $0x0  }
0x39b: {  	[sflag:s30] =	ssyncadd.s32 $0xFFFFF800  }
0x39c: {  	_ =	swait.ge [sflag:s30], $0x800  }
0x39d: {  	[sflag:s30] =	ssyncset.done $0x0  }
0x39e: {  	[sflag:s30] =	ssyncadd.s32 $0xFFFFF800  }
0x39f: {  	_ =	swait.ge [sflag:s30], $0x800  }
0x3a0: {  	[sflag:s30] =	ssyncset.done $0x0  }
0x3a1: {  	[sflag:s30] =	ssyncadd.s32 $0xFFFFF800  }
0x3a2: {  	_ =	swait.ge [sflag:s30], $0x800  }
0x3a3: {  	[sflag:s30] =	ssyncset.done $0x0  }
0x3a4: {  	[sflag:s30] =	ssyncadd.s32 $0xFFFFF800  }
0x3a5: {  	_ =	swait.ge [sflag:s30], $0x800  }
0x3a6: {  	[sflag:s30] =	ssyncset.done $0x0  }
0x3a7: {  	[sflag:s30] =	ssyncadd.s32 $0xFFFFF800  }
0x3a8: {  	_ =	swait.ge [sflag:s30], $0x800  }
0x3a9: {  	[sflag:s30] =	ssyncset.done $0x0  }
0x3aa: {  	[sflag:s30] =	ssyncadd.s32 $0xFFFFF800  }
0x3ab: {  	_ =	swait.ge [sflag:s30], $0x800  }
0x3ac: {  	[sflag:s30] =	ssyncset.done $0x0  }
0x3ad: {  	[sflag:s30] =	ssyncadd.s32 $0xFFFFF800  }
0x3ae: {  	_ =	swait.ge [sflag:s30], $0x800  }
0x3af: {  	[sflag:s30] =	ssyncset.done $0x0  }
0x3b0: {  	[sflag:s30] =	ssyncadd.s32 $0xFFFFF800  }
0x3b1: {  	_ =	swait.ge [sflag:s30], $0x800  }
0x3b2: {  	[sflag:s30] =	ssyncset.done $0x0  }
0x3b3: {  	[sflag:s30] =	ssyncadd.s32 $0xFFFFF800  }
0x3b4: {  	_ =	swait.ge [sflag:s30], $0x800  }
0x3b5: {  	[sflag:s30] =	ssyncset.done $0x0  }
0x3b6: {  	[sflag:s30] =	ssyncadd.s32 $0xFFFFF800  }
0x3b7: {  	_ =	swait.ge [sflag:s30], $0x800  }
0x3b8: {  	[sflag:s30] =	ssyncset.done $0x0  }
0x3b9: {  	[sflag:s30] =	ssyncadd.s32 $0xFFFFF800  }
0x3ba: {  	_ =	swait.ge [sflag:s30], $0x800  }
0x3bb: {  	[sflag:s30] =	ssyncset.done $0x0  }
0x3bc: {  	[sflag:s30] =	ssyncadd.s32 $0xFFFFF800  }
0x3bd: {  	_ =	swait.ge [sflag:s30], $0x800  }
0x3be: {  	[sflag:s30] =	ssyncset.done $0x0  }
0x3bf: {  	[sflag:s30] =	ssyncadd.s32 $0xFFFFF800  }
0x3c0: {  	_ =	swait.ge [sflag:s30], $0x800  }
0x3c1: {  	[sflag:s30] =	ssyncset.done $0x0  }
0x3c2: {  	[sflag:s30] =	ssyncadd.s32 $0xFFFFF800  }
0x3c3: {  	_ =	swait.ge [sflag:s30], $0x800  }
0x3c4: {  	[sflag:s30] =	ssyncset.done $0x0  }
0x3c5: {  	[sflag:s30] =	ssyncadd.s32 $0xFFFFF800  }
0x3c6: {  	_ =	swait.ge [sflag:s30], $0x800  }
0x3c7: {  	[sflag:s30] =	ssyncset.done $0x0  }
0x3c8: {  	[sflag:s30] =	ssyncadd.s32 $0xFFFFF800  }
0x3c9: {  	_ =	swait.ge [sflag:s30], $0x800  }
0x3ca: {  	[sflag:s30] =	ssyncset.done $0x0  }
0x3cb: {  	[sflag:s30] =	ssyncadd.s32 $0xFFFFF800  }
0x3cc: {  	_ =	swait.ge [sflag:s30], $0x800  }
0x3cd: {  	[sflag:s30] =	ssyncset.done $0x0  }
0x3ce: {  	[sflag:s30] =	ssyncadd.s32 $0xFFFFF800  }
0x3cf: {  	_ =	swait.ge [sflag:s30], $0x800  }
0x3d0: {  	[sflag:s30] =	ssyncset.done $0x0  }
0x3d1: {  	[sflag:s30] =	ssyncadd.s32 $0xFFFFF800  }
0x3d2: {  	_ =	swait.ge [sflag:s30], $0x800  }
0x3d3: {  	[sflag:s30] =	ssyncset.done $0x0  }
0x3d4: {  	[sflag:s30] =	ssyncadd.s32 $0xFFFFF800  }
0x3d5: {  	_ =	swait.ge [sflag:s30], $0x800  }
0x3d6: {  	[sflag:s30] =	ssyncset.done $0x0  }
0x3d7: {  	[sflag:s30] =	ssyncadd.s32 $0xFFFFF800  }
0x3d8: {  	_ =	swait.ge [sflag:s30], $0x800  }
0x3d9: {  	[sflag:s30] =	ssyncset.done $0x0  }
0x3da: {  	s12 =	simm.s32 $0x0;
	[sflag:s30] =	ssyncadd.s32 $0xFFFFF800  }
0x3db: {  	v5 =	vld [tilespmem:s12+$0xA800];
	_ =	sdelay $0x4  }
0x3dc: {  	v5 =	vadd.f32 $1.000000000e+00, v5;
	_ =	sdelay $0x1  }
0x3dd: {  	v5 =	vshra.s32 v5, $0xE  }
0x3de: {  	v5 =	vadd.s32 $0xFFFF0200, v5;
	_ =	sdelay $0x3  }
0x3df: {  	v12 =	vld [tilespmem:s12+$0x15800]  }
0x3e0: {  	[tilespmem:v5+s25+$0x0] =	vst.idx.add.s32.msk $0xffff, v1  }
0x3e1: {  	v5 =	vld [tilespmem:s12+$0xB000];
	_ =	sdelay $0x4  }
0x3e2: {  	v5 =	vadd.f32 $1.000000000e+00, v5;
	_ =	sdelay $0x1  }
0x3e3: {  	v5 =	vshra.s32 v5, $0xE  }
0x3e4: {  	v5 =	vadd.s32 $0xFFFF0400, v5;
	_ =	sdelay $0x4  }
0x3e5: {  	[tilespmem:v5+s25+$0x0] =	vst.idx.add.s32.msk $0xffff, v1  }
0x3e6: {  	v5 =	vld [tilespmem:s12+$0xB800];
	_ =	sdelay $0x4  }
0x3e7: {  	v5 =	vadd.f32 $1.000000000e+00, v5;
	_ =	sdelay $0x1  }
0x3e8: {  	v5 =	vshra.s32 v5, $0xE  }
0x3e9: {  	v5 =	vadd.s32 $0xFFFF0600, v5;
	_ =	sdelay $0x4  }
0x3ea: {  	[tilespmem:v5+s25+$0x0] =	vst.idx.add.s32.msk $0xffff, v1  }
0x3eb: {  	v5 =	vld [tilespmem:s12+$0xC000]  }
0x3ec: {  	s13 =	simm.s32 $0x10  }
0x3ed: {  	v6 =	vld [tilespmem:s13+$0xA800];
	_ =	sdelay $0x2  }
0x3ee: {  	v5 =	vadd.f32 $1.000000000e+00, v5;
	_ =	sdelay $0x1  }
0x3ef: {  	v6 =	vadd.f32 $1.000000000e+00, v6;
	v5 =	vshra.s32 v5, $0xE  }
0x3f0: {  	v5 =	vadd.s32 $0xFFFF0800, v5  }
0x3f1: {  	v6 =	vshra.s32 v6, $0xE  }
0x3f2: {  	v6 =	vadd.s32 $0xFFFF0200, v6;
	_ =	sdelay $0x2  }
0x3f3: {  	[tilespmem:v5+s25+$0x0] =	vst.idx.add.s32.msk $0xffff, v1  }
0x3f4: {  	v5 =	vld [tilespmem:s13+$0x15800]  }
0x3f5: {  	[tilespmem:v6+s25+$0x0] =	vst.idx.add.s32.msk $0xffff, v1  }
0x3f6: {  	v7 =	vld [tilespmem:s12+$0xC800]  }
0x3f7: {  	v6 =	vld [tilespmem:s13+$0xB000];
	_ =	sdelay $0x3  }
0x3f8: {  	v7 =	vadd.f32 $1.000000000e+00, v7  }
0x3f9: {  	v6 =	vadd.f32 $1.000000000e+00, v6  }
0x3fa: {  	v7 =	vshra.s32 v7, $0xE  }
0x3fb: {  	v6 =	vshra.s32 v6, $0xE;
	v7 =	vadd.s32 $0xFFFF0A00, v7  }
0x3fc: {  	v6 =	vadd.s32 $0xFFFF0400, v6;
	_ =	sdelay $0x3  }
0x3fd: {  	[tilespmem:v7+s25+$0x0] =	vst.idx.add.s32.msk $0xffff, v1  }
0x3fe: {  	[tilespmem:v6+s25+$0x0] =	vst.idx.add.s32.msk $0xffff, v1  }
0x3ff: {  	v7 =	vld [tilespmem:s12+$0xD000]  }
0x400: {  	v6 =	vld [tilespmem:s13+$0xB800];
	_ =	sdelay $0x3  }
0x401: {  	v7 =	vadd.f32 $1.000000000e+00, v7  }
0x402: {  	v6 =	vadd.f32 $1.000000000e+00, v6  }
0x403: {  	v7 =	vshra.s32 v7, $0xE  }
0x404: {  	v6 =	vshra.s32 v6, $0xE;
	v7 =	vadd.s32 $0xFFFF0C00, v7  }
0x405: {  	v6 =	vadd.s32 $0xFFFF0600, v6;
	_ =	sdelay $0x3  }
0x406: {  	[tilespmem:v7+s25+$0x0] =	vst.idx.add.s32.msk $0xffff, v1  }
0x407: {  	[tilespmem:v6+s25+$0x0] =	vst.idx.add.s32.msk $0xffff, v1  }
0x408: {  	v7 =	vld [tilespmem:s12+$0xD800]  }
0x409: {  	v6 =	vld [tilespmem:s13+$0xC000];
	_ =	sdelay $0x3  }
0x40a: {  	v7 =	vadd.f32 $1.000000000e+00, v7  }
0x40b: {  	s6 =	simm.s32 $0x20;
	v6 =	vadd.f32 $1.000000000e+00, v6  }
0x40c: {  	v8 =	vld [tilespmem:s6+$0xA800];
	v7 =	vshra.s32 v7, $0xE  }
0x40d: {  	v6 =	vshra.s32 v6, $0xE;
	v7 =	vadd.s32 $0xFFFF0E00, v7  }
0x40e: {  	v6 =	vadd.s32 $0xFFFF0800, v6;
	_ =	sdelay $0x2  }
0x40f: {  	v8 =	vadd.f32 $1.000000000e+00, v8  }
0x410: {  	[tilespmem:v7+s25+$0x0] =	vst.idx.add.s32.msk $0xffff, v1  }
0x411: {  	v8 =	vshra.s32 v8, $0xE;
	[tilespmem:v6+s25+$0x0] =	vst.idx.add.s32.msk $0xffff, v1  }
0x412: {  	v7 =	vadd.s32 $0xFFFF0200, v8;
	v8 =	vld [tilespmem:s12+$0xE000]  }
0x413: {  	v9 =	vld [tilespmem:s13+$0xC800];
	_ =	sdelay $0x3  }
0x414: {  	v6 =	vld [tilespmem:s6+$0x15800];
	v8 =	vadd.f32 $1.000000000e+00, v8  }
0x415: {  	[tilespmem:v7+s25+$0x0] =	vst.idx.add.s32.msk $0xffff, v1;
	v9 =	vadd.f32 $1.000000000e+00, v9  }
0x416: {  	v7 =	vld [tilespmem:s6+$0xB000];
	v8 =	vshra.s32 v8, $0xE  }
0x417: {  	v9 =	vshra.s32 v9, $0xE;
	v8 =	vadd.s32 $0xFFFF1000, v8  }
0x418: {  	v9 =	vadd.s32 $0xFFFF0A00, v9;
	_ =	sdelay $0x2  }
0x419: {  	v7 =	vadd.f32 $1.000000000e+00, v7  }
0x41a: {  	[tilespmem:v8+s25+$0x0] =	vst.idx.add.s32.msk $0xffff, v1  }
0x41b: {  	v7 =	vshra.s32 v7, $0xE;
	[tilespmem:v9+s25+$0x0] =	vst.idx.add.s32.msk $0xffff, v1  }
0x41c: {  	v7 =	vadd.s32 $0xFFFF0400, v7;
	v8 =	vld [tilespmem:s12+$0xE800]  }
0x41d: {  	v9 =	vld [tilespmem:s13+$0xD000];
	_ =	sdelay $0x3  }
0x41e: {  	[tilespmem:v7+s25+$0x0] =	vst.idx.add.s32.msk $0xffff, v1;
	v8 =	vadd.f32 $1.000000000e+00, v8  }
0x41f: {  	v7 =	vld [tilespmem:s6+$0xB800];
	v9 =	vadd.f32 $1.000000000e+00, v9  }
0x420: {  	v8 =	vshra.s32 v8, $0xE  }
0x421: {  	v9 =	vshra.s32 v9, $0xE;
	v8 =	vadd.s32 $0xFFFF1200, v8  }
0x422: {  	v9 =	vadd.s32 $0xFFFF0C00, v9;
	_ =	sdelay $0x1  }
0x423: {  	v7 =	vadd.f32 $1.000000000e+00, v7;
	_ =	sdelay $0x1  }
0x424: {  	v7 =	vshra.s32 v7, $0xE;
	[tilespmem:v8+s25+$0x0] =	vst.idx.add.s32.msk $0xffff, v1  }
0x425: {  	v7 =	vadd.s32 $0xFFFF0600, v7;
	[tilespmem:v9+s25+$0x0] =	vst.idx.add.s32.msk $0xffff, v1  }
0x426: {  	v8 =	vld [tilespmem:s12+$0xF000]  }
0x427: {  	v9 =	vld [tilespmem:s13+$0xD800];
	_ =	sdelay $0x2  }
0x428: {  	[tilespmem:v7+s25+$0x0] =	vst.idx.add.s32.msk $0xffff, v1  }
0x429: {  	v7 =	vld [tilespmem:s6+$0xC000];
	v8 =	vadd.f32 $1.000000000e+00, v8  }
0x42a: {  	v9 =	vadd.f32 $1.000000000e+00, v9  }
0x42b: {  	s8 =	simm.s32 $0x30;
	v8 =	vshra.s32 v8, $0xE  }
0x42c: {  	v10 =	vld [tilespmem:s8+$0xA800];
	v9 =	vshra.s32 v9, $0xE;
	v8 =	vadd.s32 $0xFFFF1400, v8  }
0x42d: {  	v9 =	vadd.s32 $0xFFFF0E00, v9  }
0x42e: {  	v7 =	vadd.f32 $1.000000000e+00, v7;
	_ =	sdelay $0x1  }
0x42f: {  	v7 =	vshra.s32 v7, $0xE  }
0x430: {  	v10 =	vadd.f32 $1.000000000e+00, v10;
	v7 =	vadd.s32 $0xFFFF0800, v7;
	[tilespmem:v8+s25+$0x0] =	vst.idx.add.s32.msk $0xffff, v1  }
0x431: {  	[tilespmem:v9+s25+$0x0] =	vst.idx.add.s32.msk $0xffff, v1  }
0x432: {  	v10 =	vshra.s32 v10, $0xE;
	v8 =	vld [tilespmem:s12+$0xF800]  }
0x433: {  	v9 =	vadd.s32 $0xFFFF0200, v10;
	v10 =	vld [tilespmem:s13+$0xE000];
	_ =	sdelay $0x1  }
0x434: {  	[tilespmem:v7+s25+$0x0] =	vst.idx.add.s32.msk $0xffff, v1  }
0x435: {  	v7 =	vld [tilespmem:s8+$0x15800]  }
0x436: {  	v11 =	vld [tilespmem:s6+$0xC800];
	v8 =	vadd.f32 $1.000000000e+00, v8  }
0x437: {  	[tilespmem:v9+s25+$0x0] =	vst.idx.add.s32.msk $0xffff, v1;
	v10 =	vadd.f32 $1.000000000e+00, v10  }
0x438: {  	v9 =	vld [tilespmem:s8+$0xB000];
	v8 =	vshra.s32 v8, $0xE  }
0x439: {  	v10 =	vshra.s32 v10, $0xE;
	v8 =	vadd.s32 $0xFFFF1600, v8  }
0x43a: {  	v10 =	vadd.s32 $0xFFFF1000, v10  }
0x43b: {  	v11 =	vadd.f32 $1.000000000e+00, v11;
	_ =	sdelay $0x1  }
0x43c: {  	v9 =	vadd.f32 $1.000000000e+00, v9;
	v11 =	vshra.s32 v11, $0xE  }
0x43d: {  	v11 =	vadd.s32 $0xFFFF0A00, v11;
	[tilespmem:v8+s25+$0x0] =	vst.idx.add.s32.msk $0xffff, v1  }
0x43e: {  	v8 =	vshra.s32 v9, $0xE;
	[tilespmem:v10+s25+$0x0] =	vst.idx.add.s32.msk $0xffff, v1  }
0x43f: {  	v9 =	vld [tilespmem:s12+$0x10000];
	v8 =	vadd.s32 $0xFFFF0400, v8  }
0x440: {  	v10 =	vld [tilespmem:s13+$0xE800];
	_ =	sdelay $0x1  }
0x441: {  	[tilespmem:v11+s25+$0x0] =	vst.idx.add.s32.msk $0xffff, v1  }
0x442: {  	v11 =	vld [tilespmem:s6+$0xD000]  }
0x443: {  	v9 =	vadd.f32 $1.000000000e+00, v9;
	[tilespmem:v8+s25+$0x0] =	vst.idx.add.s32.msk $0xffff, v1  }
0x444: {  	v10 =	vadd.f32 $1.000000000e+00, v10;
	v8 =	vld [tilespmem:s8+$0xB800]  }
0x445: {  	v9 =	vshra.s32 v9, $0xE  }
0x446: {  	v10 =	vshra.s32 v10, $0xE;
	v9 =	vadd.s32 $0xFFFF1800, v9  }
0x447: {  	v10 =	vadd.s32 $0xFFFF1200, v10;
	v11 =	vadd.f32 $1.000000000e+00, v11;
	_ =	sdelay $0x1  }
0x448: {  	v8 =	vadd.f32 $1.000000000e+00, v8;
	v11 =	vshra.s32 v11, $0xE  }
0x449: {  	v11 =	vadd.s32 $0xFFFF0C00, v11  }
0x44a: {  	[tilespmem:v9+s25+$0x0] =	vst.idx.add.s32.msk $0xffff, v1;
	v8 =	vshra.s32 v8, $0xE  }
0x44b: {  	[tilespmem:v10+s25+$0x0] =	vst.idx.add.s32.msk $0xffff, v1;
	v8 =	vadd.s32 $0xFFFF0600, v8  }
0x44c: {  	v9 =	vld [tilespmem:s12+$0x10800]  }
0x44d: {  	v10 =	vld [tilespmem:s13+$0xF000]  }
0x44e: {  	[tilespmem:v11+s25+$0x0] =	vst.idx.add.s32.msk $0xffff, v1  }
0x44f: {  	v11 =	vld [tilespmem:s6+$0xD800]  }
0x450: {  	[tilespmem:v8+s25+$0x0] =	vst.idx.add.s32.msk $0xffff, v1  }
0x451: {  	v8 =	vadd.f32 $1.000000000e+00, v9;
	v9 =	vld [tilespmem:s8+$0xC000]  }
0x452: {  	v10 =	vadd.f32 $1.000000000e+00, v10  }
0x453: {  	v8 =	vshra.s32 v8, $0xE  }
0x454: {  	s9 =	simm.s32 $0x40;
	v10 =	vshra.s32 v10, $0xE;
	v8 =	vadd.s32 $0xFFFF1A00, v8;
	v11 =	vadd.f32 $1.000000000e+00, v11  }
0x455: {  	v13 =	vld [tilespmem:s9+$0xA800];
	v10 =	vadd.s32 $0xFFFF1400, v10  }
0x456: {  	v9 =	vadd.f32 $1.000000000e+00, v9;
	v11 =	vshra.s32 v11, $0xE  }
0x457: {  	v11 =	vadd.s32 $0xFFFF0E00, v11  }
0x458: {  	v9 =	vshra.s32 v9, $0xE  }
0x459: {  	[tilespmem:v8+s25+$0x0] =	vst.idx.add.s32.msk $0xffff, v1;
	v8 =	vadd.s32 $0xFFFF0800, v9  }
0x45a: {  	[tilespmem:v10+s25+$0x0] =	vst.idx.add.s32.msk $0xffff, v1;
	v9 =	vadd.f32 $1.000000000e+00, v13  }
0x45b: {  	v10 =	vld [tilespmem:s13+$0xF800]  }
0x45c: {  	v9 =	vshra.s32 v9, $0xE;
	[tilespmem:v11+s25+$0x0] =	vst.idx.add.s32.msk $0xffff, v1  }
0x45d: {  	v9 =	vadd.s32 $0xFFFF0200, v9;
	v11 =	vld [tilespmem:s6+$0xE000]  }
0x45e: {  	[tilespmem:v8+s25+$0x0] =	vst.idx.add.s32.msk $0xffff, v1  }
0x45f: {  	v13 =	vld [tilespmem:s8+$0xC800]  }
0x460: {  	v14 =	vld [tilespmem:s12+$0x11000];
	v10 =	vadd.f32 $1.000000000e+00, v10  }
0x461: {  	v8 =	vld [tilespmem:s9+$0x15800]  }
0x462: {  	v10 =	vshra.s32 v10, $0xE;
	[tilespmem:v9+s25+$0x0] =	vst.idx.add.s32.msk $0xffff, v1;
	v11 =	vadd.f32 $1.000000000e+00, v11  }
0x463: {  	v9 =	vadd.s32 $0xFFFF1600, v10;
	v10 =	vld [tilespmem:s9+$0xB000]  }
0x464: {  	v13 =	vadd.f32 $1.000000000e+00, v13;
	v11 =	vshra.s32 v11, $0xE  }
0x465: {  	v11 =	vadd.s32 $0xFFFF1000, v11  }
0x466: {  	v14 =	vadd.f32 $1.000000000e+00, v14;
	v13 =	vshra.s32 v13, $0xE  }
0x467: {  	v13 =	vadd.s32 $0xFFFF0A00, v13  }
0x468: {  	v14 =	vshra.s32 v14, $0xE;
	[tilespmem:v9+s25+$0x0] =	vst.idx.add.s32.msk $0xffff, v1;
	v9 =	vadd.f32 $1.000000000e+00, v10  }
0x469: {  	v10 =	vadd.s32 $0xFFFF1C00, v14;
	v14 =	vld [tilespmem:s13+$0x10000]  }
0x46a: {  	v9 =	vshra.s32 v9, $0xE;
	[tilespmem:v11+s25+$0x0] =	vst.idx.add.s32.msk $0xffff, v1  }
0x46b: {  	v9 =	vadd.s32 $0xFFFF0400, v9;
	v11 =	vld [tilespmem:s6+$0xE800]  }
0x46c: {  	[tilespmem:v13+s25+$0x0] =	vst.idx.add.s32.msk $0xffff, v1  }
0x46d: {  	v13 =	vld [tilespmem:s8+$0xD000]  }
0x46e: {  	[tilespmem:v10+s25+$0x0] =	vst.idx.add.s32.msk $0xffff, v1;
	v10 =	vadd.f32 $1.000000000e+00, v14  }
0x46f: {  	v14 =	vld [tilespmem:s12+$0x11800]  }
0x470: {  	v10 =	vshra.s32 v10, $0xE;
	[tilespmem:v9+s25+$0x0] =	vst.idx.add.s32.msk $0xffff, v1;
	v11 =	vadd.f32 $1.000000000e+00, v11  }
0x471: {  	v9 =	vadd.s32 $0xFFFF1800, v10;
	v10 =	vld [tilespmem:s9+$0xB800]  }
0x472: {  	v13 =	vadd.f32 $1.000000000e+00, v13;
	v11 =	vshra.s32 v11, $0xE  }
0x473: {  	v11 =	vadd.s32 $0xFFFF1200, v11  }
0x474: {  	v14 =	vadd.f32 $1.000000000e+00, v14;
	v13 =	vshra.s32 v13, $0xE  }
0x475: {  	v13 =	vadd.s32 $0xFFFF0C00, v13  }
0x476: {  	v14 =	vshra.s32 v14, $0xE;
	[tilespmem:v9+s25+$0x0] =	vst.idx.add.s32.msk $0xffff, v1;
	v9 =	vadd.f32 $1.000000000e+00, v10  }
0x477: {  	v10 =	vadd.s32 $0xFFFF1E00, v14;
	v14 =	vld [tilespmem:s13+$0x10800]  }
0x478: {  	v9 =	vshra.s32 v9, $0xE;
	[tilespmem:v11+s25+$0x0] =	vst.idx.add.s32.msk $0xffff, v1  }
0x479: {  	v9 =	vadd.s32 $0xFFFF0600, v9;
	v11 =	vld [tilespmem:s6+$0xF000]  }
0x47a: {  	[tilespmem:v13+s25+$0x0] =	vst.idx.add.s32.msk $0xffff, v1  }
0x47b: {  	v13 =	vld [tilespmem:s8+$0xD800]  }
0x47c: {  	[tilespmem:v10+s25+$0x0] =	vst.idx.add.s32.msk $0xffff, v1  }
0x47d: {  	v14 =	vadd.f32 $1.000000000e+00, v14;
	v10 =	vld [tilespmem:s12+$0x12000]  }
0x47e: {  	[tilespmem:v9+s25+$0x0] =	vst.idx.add.s32.msk $0xffff, v1;
	v11 =	vadd.f32 $1.000000000e+00, v11  }
0x47f: {  	v9 =	vshra.s32 v14, $0xE;
	v14 =	vld [tilespmem:s9+$0xC000]  }
0x480: {  	v9 =	vadd.s32 $0xFFFF1A00, v9;
	v13 =	vadd.f32 $1.000000000e+00, v13;
	v11 =	vshra.s32 v11, $0xE  }
0x481: {  	v11 =	vadd.s32 $0xFFFF1400, v11  }
0x482: {  	s10 =	simm.s32 $0x50;
	v13 =	vshra.s32 v13, $0xE  }
0x483: {  	v15 =	vld [tilespmem:s10+$0xA800];
	v10 =	vadd.f32 $1.000000000e+00, v10;
	v13 =	vadd.s32 $0xFFFF0E00, v13  }
0x484: {  	v14 =	vadd.f32 $1.000000000e+00, v14  }
0x485: {  	v10 =	vshra.s32 v10, $0xE;
	[tilespmem:v9+s25+$0x0] =	vst.idx.add.s32.msk $0xffff, v1  }
0x486: {  	v9 =	vadd.s32 $0xFFFF2000, v10;
	v10 =	vshra.s32 v14, $0xE;
	[tilespmem:v11+s25+$0x0] =	vst.idx.add.s32.msk $0xffff, v1  }
0x487: {  	v10 =	vadd.s32 $0xFFFF0800, v10;
	v11 =	vld [tilespmem:s6+$0xF800]  }
0x488: {  	v14 =	vadd.f32 $1.000000000e+00, v15;
	[tilespmem:v13+s25+$0x0] =	vst.idx.add.s32.msk $0xffff, v1  }
0x489: {  	v13 =	vld [tilespmem:s8+$0xE000]  }
0x48a: {  	v15 =	vld [tilespmem:s13+$0x11000];
	v14 =	vshra.s32 v14, $0xE  }
0x48b: {  	[tilespmem:v9+s25+$0x0] =	vst.idx.add.s32.msk $0xffff, v1;
	v14 =	vadd.s32 $0xFFFF0200, v14  }
0x48c: {  	[tilespmem:v10+s25+$0x0] =	vst.idx.add.s32.msk $0xffff, v1;
	v9 =	vadd.f32 $1.000000000e+00, v11  }
0x48d: {  	v10 =	vld [tilespmem:s9+$0xC800]  }
0x48e: {  	v11 =	vld [tilespmem:s12+$0x12800];
	v13 =	vadd.f32 $1.000000000e+00, v13;
	v9 =	vshra.s32 v9, $0xE  }
0x48f: {  	v16 =	vadd.s32 $0xFFFF1600, v9;
	v9 =	vld [tilespmem:s10+$0x15800]  }
0x490: {  	v15 =	vadd.f32 $1.000000000e+00, v15;
	[tilespmem:v14+s25+$0x0] =	vst.idx.add.s32.msk $0xffff, v1;
	v13 =	vshra.s32 v13, $0xE  }
0x491: {  	v14 =	vld [tilespmem:s10+$0xB000];
	v13 =	vadd.s32 $0xFFFF1000, v13  }
0x492: {  	v15 =	vshra.s32 v15, $0xE;
	v10 =	vadd.f32 $1.000000000e+00, v10  }
0x493: {  	v15 =	vadd.s32 $0xFFFF1C00, v15  }
0x494: {  	v11 =	vadd.f32 $1.000000000e+00, v11;
	v10 =	vshra.s32 v10, $0xE;
	[tilespmem:v16+s25+$0x0] =	vst.idx.add.s32.msk $0xffff, v1  }
0x495: {  	v10 =	vadd.s32 $0xFFFF0A00, v10;
	v16 =	vld [tilespmem:s6+$0x10000]  }
0x496: {  	v11 =	vshra.s32 v11, $0xE;
	v14 =	vadd.f32 $1.000000000e+00, v14;
	[tilespmem:v13+s25+$0x0] =	vst.idx.add.s32.msk $0xffff, v1  }
0x497: {  	v11 =	vadd.s32 $0xFFFF2200, v11;
	v13 =	vld [tilespmem:s8+$0xE800]  }
0x498: {  	[tilespmem:v15+s25+$0x0] =	vst.idx.add.s32.msk $0xffff, v1;
	v14 =	vshra.s32 v14, $0xE  }
0x499: {  	v15 =	vld [tilespmem:s13+$0x11800];
	v14 =	vadd.s32 $0xFFFF0400, v14  }
0x49a: {  	[tilespmem:v10+s25+$0x0] =	vst.idx.add.s32.msk $0xffff, v1;
	v16 =	vadd.f32 $1.000000000e+00, v16  }
0x49b: {  	v10 =	vld [tilespmem:s9+$0xD000]  }
0x49c: {  	[tilespmem:v11+s25+$0x0] =	vst.idx.add.s32.msk $0xffff, v1;
	v13 =	vadd.f32 $1.000000000e+00, v13;
	v11 =	vshra.s32 v16, $0xE  }
0x49d: {  	v16 =	vld [tilespmem:s12+$0x13000];
	v11 =	vadd.s32 $0xFFFF1800, v11  }
0x49e: {  	v15 =	vadd.f32 $1.000000000e+00, v15;
	[tilespmem:v14+s25+$0x0] =	vst.idx.add.s32.msk $0xffff, v1;
	v13 =	vshra.s32 v13, $0xE  }
0x49f: {  	v14 =	vld [tilespmem:s10+$0xB800];
	v13 =	vadd.s32 $0xFFFF1200, v13  }
0x4a0: {  	v15 =	vshra.s32 v15, $0xE;
	v10 =	vadd.f32 $1.000000000e+00, v10  }
0x4a1: {  	v15 =	vadd.s32 $0xFFFF1E00, v15  }
0x4a2: {  	v10 =	vshra.s32 v10, $0xE;
	v16 =	vadd.f32 $1.000000000e+00, v16;
	[tilespmem:v11+s25+$0x0] =	vst.idx.add.s32.msk $0xffff, v1  }
0x4a3: {  	v10 =	vadd.s32 $0xFFFF0C00, v10;
	v11 =	vld [tilespmem:s6+$0x10800]  }
0x4a4: {  	v16 =	vshra.s32 v16, $0xE;
	v14 =	vadd.f32 $1.000000000e+00, v14;
	[tilespmem:v13+s25+$0x0] =	vst.idx.add.s32.msk $0xffff, v1  }
0x4a5: {  	v13 =	vadd.s32 $0xFFFF2400, v16;
	v16 =	vld [tilespmem:s8+$0xF000]  }
0x4a6: {  	[tilespmem:v15+s25+$0x0] =	vst.idx.add.s32.msk $0xffff, v1;
	v14 =	vshra.s32 v14, $0xE  }
0x4a7: {  	v15 =	vld [tilespmem:s13+$0x12000];
	v14 =	vadd.s32 $0xFFFF0600, v14  }
0x4a8: {  	[tilespmem:v10+s25+$0x0] =	vst.idx.add.s32.msk $0xffff, v1;
	v11 =	vadd.f32 $1.000000000e+00, v11  }
0x4a9: {  	v10 =	vld [tilespmem:s9+$0xD800]  }
0x4aa: {  	[tilespmem:v13+s25+$0x0] =	vst.idx.add.s32.msk $0xffff, v1;
	v13 =	vadd.f32 $1.000000000e+00, v16;
	v11 =	vshra.s32 v11, $0xE  }
0x4ab: {  	v16 =	vld [tilespmem:s12+$0x13800];
	v11 =	vadd.s32 $0xFFFF1A00, v11  }
0x4ac: {  	[tilespmem:v14+s25+$0x0] =	vst.idx.add.s32.msk $0xffff, v1;
	v13 =	vshra.s32 v13, $0xE  }
0x4ad: {  	v14 =	vadd.f32 $1.000000000e+00, v15;
	v15 =	vld [tilespmem:s10+$0xC000];
	v13 =	vadd.s32 $0xFFFF1400, v13  }
0x4ae: {  	v10 =	vadd.f32 $1.000000000e+00, v10  }
0x4af: {  	v14 =	vshra.s32 v14, $0xE  }
0x4b0: {  	s11 =	simm.s32 $0x60;
	v14 =	vadd.s32 $0xFFFF2000, v14;
	v10 =	vshra.s32 v10, $0xE;
	[tilespmem:v11+s25+$0x0] =	vst.idx.add.s32.msk $0xffff, v1  }
0x4b1: {  	v10 =	vadd.s32 $0xFFFF0E00, v10;
	v11 =	vadd.f32 $1.000000000e+00, v16;
	v16 =	vld [tilespmem:s11+$0xA800]  }
0x4b2: {  	v15 =	vadd.f32 $1.000000000e+00, v15;
	[tilespmem:v13+s25+$0x0] =	vst.idx.add.s32.msk $0xffff, v1  }
0x4b3: {  	v11 =	vshra.s32 v11, $0xE;
	v13 =	vld [tilespmem:s8+$0xF800]  }
0x4b4: {  	v17 =	vld [tilespmem:s6+$0x11000];
	v11 =	vadd.s32 $0xFFFF2600, v11;
	v15 =	vshra.s32 v15, $0xE  }
0x4b5: {  	[tilespmem:v14+s25+$0x0] =	vst.idx.add.s32.msk $0xffff, v1;
	v14 =	vadd.s32 $0xFFFF0800, v15  }
0x4b6: {  	[tilespmem:v10+s25+$0x0] =	vst.idx.add.s32.msk $0xffff, v1;
	v15 =	vadd.f32 $1.000000000e+00, v16  }
0x4b7: {  	v10 =	vld [tilespmem:s9+$0xE000]  }
0x4b8: {  	v16 =	vld [tilespmem:s13+$0x12800];
	v15 =	vshra.s32 v15, $0xE;
	v13 =	vadd.f32 $1.000000000e+00, v13  }
0x4b9: {  	[tilespmem:v11+s25+$0x0] =	vst.idx.add.s32.msk $0xffff, v1;
	v11 =	vadd.s32 $0xFFFF0200, v15  }
0x4ba: {  	v15 =	vadd.f32 $1.000000000e+00, v17;
	[tilespmem:v14+s25+$0x0] =	vst.idx.add.s32.msk $0xffff, v1;
	v13 =	vshra.s32 v13, $0xE  }
0x4bb: {  	v14 =	vld [tilespmem:s10+$0xC800];
	v13 =	vadd.s32 $0xFFFF1600, v13  }
0x4bc: {  	v17 =	vld [tilespmem:s12+$0x14000];
	v15 =	vshra.s32 v15, $0xE;
	v18 =	vadd.f32 $1.000000000e+00, v10  }
0x4bd: {  	v10 =	vld [tilespmem:s11+$0x15800];
	v15 =	vadd.s32 $0xFFFF1C00, v15  }
0x4be: {  	v16 =	vadd.f32 $1.000000000e+00, v16;
	[tilespmem:v11+s25+$0x0] =	vst.idx.add.s32.msk $0xffff, v1;
	v11 =	vshra.s32 v18, $0xE  }
0x4bf: {  	v18 =	vld [tilespmem:s11+$0xB000];
	v11 =	vadd.s32 $0xFFFF1000, v11  }
0x4c0: {  	v16 =	vshra.s32 v16, $0xE;
	v14 =	vadd.f32 $1.000000000e+00, v14;
	[tilespmem:v13+s25+$0x0] =	vst.idx.add.s32.msk $0xffff, v1  }
0x4c1: {  	v13 =	vadd.s32 $0xFFFF2200, v16;
	v16 =	vld [tilespmem:s8+$0x10000]  }
0x4c2: {  	[tilespmem:v15+s25+$0x0] =	vst.idx.add.s32.msk $0xffff, v1;
	v15 =	vadd.f32 $1.000000000e+00, v17;
	v14 =	vshra.s32 v14, $0xE  }
0x4c3: {  	v17 =	vld [tilespmem:s6+$0x11800];
	v14 =	vadd.s32 $0xFFFF0A00, v14  }
0x4c4: {  	v15 =	vshra.s32 v15, $0xE;
	v18 =	vadd.f32 $1.000000000e+00, v18;
	[tilespmem:v11+s25+$0x0] =	vst.idx.add.s32.msk $0xffff, v1  }
0x4c5: {  	v11 =	vadd.s32 $0xFFFF2800, v15;
	v15 =	vld [tilespmem:s9+$0xE800]  }
0x4c6: {  	[tilespmem:v13+s25+$0x0] =	vst.idx.add.s32.msk $0xffff, v1;
	v13 =	vshra.s32 v18, $0xE;
	v16 =	vadd.f32 $1.000000000e+00, v16  }
0x4c7: {  	v18 =	vld [tilespmem:s13+$0x13000];
	v13 =	vadd.s32 $0xFFFF0400, v13  }
0x4c8: {  	v17 =	vadd.f32 $1.000000000e+00, v17;
	[tilespmem:v14+s25+$0x0] =	vst.idx.add.s32.msk $0xffff, v1;
	v14 =	vshra.s32 v16, $0xE  }
0x4c9: {  	v16 =	vld [tilespmem:s10+$0xD000];
	v14 =	vadd.s32 $0xFFFF1800, v14  }
0x4ca: {  	[tilespmem:v11+s25+$0x0] =	vst.idx.add.s32.msk $0xffff, v1;
	v11 =	vshra.s32 v17, $0xE;
	v15 =	vadd.f32 $1.000000000e+00, v15  }
0x4cb: {  	v17 =	vld [tilespmem:s12+$0x14800];
	v11 =	vadd.s32 $0xFFFF1E00, v11  }
0x4cc: {  	v18 =	vadd.f32 $1.000000000e+00, v18;
	[tilespmem:v13+s25+$0x0] =	vst.idx.add.s32.msk $0xffff, v1;
	v13 =	vshra.s32 v15, $0xE  }
0x4cd: {  	v15 =	vld [tilespmem:s11+$0xB800];
	v13 =	vadd.s32 $0xFFFF1200, v13  }
0x4ce: {  	v16 =	vadd.f32 $1.000000000e+00, v16;
	[tilespmem:v14+s25+$0x0] =	vst.idx.add.s32.msk $0xffff, v1;
	v14 =	vshra.s32 v18, $0xE  }
0x4cf: {  	v18 =	vld [tilespmem:s8+$0x10800];
	v14 =	vadd.s32 $0xFFFF2400, v14  }
0x4d0: {  	[tilespmem:v11+s25+$0x0] =	vst.idx.add.s32.msk $0xffff, v1;
	v16 =	vshra.s32 v16, $0xE  }
0x4d1: {  	v11 =	vadd.f32 $1.000000000e+00, v17;
	v17 =	vld [tilespmem:s6+$0x12000];
	v16 =	vadd.s32 $0xFFFF0C00, v16  }
0x4d2: {  	v15 =	vadd.f32 $1.000000000e+00, v15;
	[tilespmem:v13+s25+$0x0] =	vst.idx.add.s32.msk $0xffff, v1  }
0x4d3: {  	v11 =	vshra.s32 v11, $0xE;
	v13 =	vld [tilespmem:s9+$0xF000]  }
0x4d4: {  	v11 =	vadd.s32 $0xFFFF2A00, v11;
	v15 =	vshra.s32 v15, $0xE;
	v18 =	vadd.f32 $1.000000000e+00, v18;
	[tilespmem:v14+s25+$0x0] =	vst.idx.add.s32.msk $0xffff, v1  }
0x4d5: {  	v14 =	vadd.s32 $0xFFFF0600, v15;
	v15 =	vld [tilespmem:s13+$0x13800]  }
0x4d6: {  	[tilespmem:v16+s25+$0x0] =	vst.idx.add.s32.msk $0xffff, v1;
	v16 =	vshra.s32 v18, $0xE  }
0x4d7: {  	v17 =	vadd.f32 $1.000000000e+00, v17;
	v16 =	vadd.s32 $0xFFFF1A00, v16  }
0x4d8: {  	v18 =	vld [tilespmem:s10+$0xD800];
	v13 =	vadd.f32 $1.000000000e+00, v13  }
0x4d9: {  	v17 =	vshra.s32 v17, $0xE;
	[tilespmem:v11+s25+$0x0] =	vst.idx.add.s32.msk $0xffff, v1  }
0x4da: {  	[tilespmem:v14+s25+$0x0] =	vst.idx.add.s32.msk $0xffff, v1;
	v11 =	vshra.s32 v13, $0xE;
	v13 =	vadd.s32 $0xFFFF2000, v17  }
0x4db: {  	v14 =	vadd.f32 $1.000000000e+00, v15;
	v15 =	vld [tilespmem:s11+$0xC000];
	v11 =	vadd.s32 $0xFFFF1400, v11  }
0x4dc: {  	s12 =	simm.s32 $0x70;
	[tilespmem:v16+s25+$0x0] =	vst.idx.add.s32.msk $0xffff, v1  }
0x4dd: {  	v17 =	vadd.f32 $1.000000000e+00, v18;
	v14 =	vshra.s32 v14, $0xE;
	v18 =	vld [tilespmem:s12+$0xA800]  }
0x4de: {  	v16 =	vld [tilespmem:s8+$0x11000];
	v14 =	vadd.s32 $0xFFFF2600, v14  }
0x4df: {  	s14 =	simm.s32 $0x0;
	v19 =	vshll.u32 v12, $0xB;
	v17 =	vshra.s32 v17, $0xE;
	[tilespmem:v13+s25+$0x0] =	vst.idx.add.s32.msk $0xffff, v1  }
0x4e0: {  	v17 =	vadd.s32 $0xFFFF0E00, v17;
	v13 =	vadd.s32 s14, v19;
	v15 =	vadd.f32 $1.000000000e+00, v15;
	[tilespmem:v11+s25+$0x0] =	vst.idx.add.s32.msk $0xffff, v1  }
0x4e1: {  	v11 =	vadd.s32 v3, v13;
	v19 =	vld [tilespmem:s6+$0x12800]  }
0x4e2: {  	v13 =	vld [tilespmem:s9+$0xF800];
	v11 =	vadd.s32 v2, v11;
	v15 =	vshra.s32 v15, $0xE  }
0x4e3: {  	v16 =	vadd.f32 $1.000000000e+00, v16;
	[tilespmem:v14+s25+$0x0] =	vst.idx.add.s32.msk $0xffff, v1;
	v15 =	vadd.s32 $0xFFFF0800, v15  }
0x4e4: {  	v14 =	vadd.f32 $1.000000000e+00, v18;
	v18 =	vld [tilespmem:s13+$0x14000]  }
0x4e5: {  	[tilespmem:v17+s25+$0x0] =	vst.idx.add.s32.msk $0xffff, v1;
	v16 =	vshra.s32 v16, $0xE  }
0x4e6: {  	v14 =	vshra.s32 v14, $0xE;
	v17 =	vld [tilespmem:s10+$0xE000];
	v16 =	vadd.s32 $0xFFFF1C00, v16  }
0x4e7: {  	v14 =	vadd.s32 $0xFFFF0200, v14;
	v13 =	vadd.f32 $1.000000000e+00, v13;
	v20 =	vld.idx.msk [tilespmem:v11+s17+$0x0], $0xffff  }
0x4e8: {  	[tilespmem:v15+s25+$0x0] =	vst.idx.add.s32.msk $0xffff, v1  }
0x4e9: {  	v11 =	vshra.s32 v13, $0xE;
	v13 =	vadd.f32 $1.000000000e+00, v19;
	v15 =	vld [tilespmem:s11+$0xC800]  }
0x4ea: {  	v19 =	vadd.s32 $0xFFFF1600, v11;
	v11 =	vld [tilespmem:s12+$0x15800]  }
0x4eb: {  	v17 =	vadd.f32 $1.000000000e+00, v17;
	[tilespmem:v16+s25+$0x0] =	vst.idx.add.s32.msk $0xffff, v1;
	v13 =	vshra.s32 v13, $0xE  }
0x4ec: {  	[tilespmem:v14+s25+$0x0] =	vst.idx.add.s32.msk $0xffff, v1;
	v13 =	vadd.s32 $0xFFFF2200, v13  }
0x4ed: {  	v16 =	vadd.f32 $1.000000000e+00, v18;
	v21 =	vld [tilespmem:s8+$0x11800];
	v14 =	vshra.s32 v17, $0xE  }
0x4ee: {  	v17 =	vld [tilespmem:s12+$0xB000];
	v14 =	vadd.s32 $0xFFFF1000, v14;
	v15 =	vadd.f32 $1.000000000e+00, v15  }
0x4ef: {  	v22 =	vshll.u32 v5, $0xB;
	v18 =	vadd.f32 $1.000000000e+00, v20;
	v16 =	vshra.s32 v16, $0xE;
	[tilespmem:v19+s25+$0x0] =	vst.idx.add.s32.msk $0xffff, v1  }
0x4f0: {  	v16 =	vadd.s32 $0xFFFF2800, v16;
	v19 =	vshll.u32 v12, $0x9;
	v12 =	vld [tilespmem:s9+$0x10000];
	v15 =	vshra.s32 v15, $0xE  }
0x4f1: {  	v20 =	vsub.f32 $2.000000000e+00, v20;
	v18 =	vshra.s32 v18, $0xE;
	[tilespmem:v13+s25+$0x0] =	vst.idx.add.s32.msk $0xffff, v1;
	v15 =	vadd.s32 $0xFFFF0A00, v15  }
0x4f2: {  	s21 =	simm.s32 $0x10;
	v23 =	vadd.s32 v19, v18;
	v13 =	vand.u32 $0x7, v18;
	v21 =	vadd.f32 $1.000000000e+00, v21;
	v24 =	vld [tilespmem:s6+$0x13000]  }
0x4f3: {  	v18 =	vadd.s32 s21, v22;
	v17 =	vadd.f32 $1.000000000e+00, v17;
	[tilespmem:v14+s25+$0x0] =	vst.idx.add.s32.msk $0xffff, v1;
	v14 =	vand.u32 $0xFFFFFFF8, v23  }
0x4f4: {  	v22 =	vshll.u32 v6, $0xB;
	v21 =	vshra.s32 v21, $0xE;
	v23 =	vld [tilespmem:s10+$0xE800];
	v13 =	vor.u32 v13, v14  }
0x4f5: {  	s21 =	simm.s32 $0x20;
	[tilespmem:v16+s25+$0x0] =	vst.idx.add.s32.msk $0xffff, v1;
	v14 =	vshra.s32 v17, $0xE;
	v21 =	vadd.s32 $0xFFFF1E00, v21;
	v12 =	vadd.f32 $1.000000000e+00, v12  }
0x4f6: {  	v17 =	vadd.s32 v3, v18;
	v18 =	vadd.s32 s21, v22;
	v14 =	vadd.s32 $0xFFFF0400, v14;
	[tilespmem:v15+s25+$0x0] =	vst.idx.add.s32.msk $0xffff, v1  }
0x4f7: {  	v16 =	vadd.s32 v3, v18;
	v12 =	vshra.s32 v12, $0xE;
	v18 =	vld [tilespmem:s11+$0xD000]  }
0x4f8: {  	v20 =	vshra.s32 v20, $0xE;
	v25 =	vld [tilespmem:s13+$0x14800];
	v12 =	vadd.s32 $0xFFFF1800, v12  }
0x4f9: {  	vm0 =	vlt.s32 v20, $0xFFFF;
	v22 =	vshll.u32 v7, $0xB;
	s21 =	simm.s32 $0x30;
	v23 =	vadd.f32 $1.000000000e+00, v23  }
0x4fa: {  	v13 =	vadd.s32 $0xFFFF0200, v13;
	v15 =	vadd.s32 s21, v22;
	v22 =	vshll.u32 v8, $0xB;
	s21 =	simm.s32 $0x40;
	[tilespmem:v21+s25+$0x0] =	vst.idx.add.s32.msk $0xffff, v1  }
0x4fb: {  	v24 =	vadd.f32 $1.000000000e+00, v24;
	v22 =	vadd.s32 s21, v22;
	[tilespmem:v14+s25+$0x0] =	vst.idx.add.s32.msk $0xffff, v1;
	v23 =	vshra.s32 v23, $0xE  }
0x4fc: {  	v14 =	vadd.s32 v3, v22;
	v22 =	vld [tilespmem:s12+$0xB800];
	v23 =	vadd.s32 $0xFFFF1200, v23;
	v18 =	vadd.f32 $1.000000000e+00, v18  }
0x4fd: {  	s21 =	simm.s32 $0x60;
	v25 =	vadd.f32 $1.000000000e+00, v25;
	[tilespmem:v12+s25+$0x0] =	vst.idx.add.s32.msk $0xffff, v1;
	v12 =	vshra.s32 v24, $0xE;
	v24 =	vshll.u32 v10, $0xB  }
0x4fe: {  	v26 =	vld [tilespmem:s9+$0x10800];
	v27 =	vadd.s32 $0xFFFF2400, v12;
	v12 =	vshra.s32 v18, $0xE;
	v18 =	vadd.s32 s21, v24  }
0x4ff: {  	[tilespmem:v13+s25+$0x0] =	vst.idx.add.s32.msk $0xffff, v4;
	v21 =	vadd.s32 $0xFFFF0C00, v12;
	v12 =	vadd.s32 v3, v18;
	v18 =	vnsel vm0, $0xFFFF, v20  }
0x500: {  	v24 =	vld [tilespmem:s8+$0x12000];
	v20 =	vshra.s32 v25, $0xE;
	v19 =	vadd.s32 v19, v18  }
0x501: {  	v22 =	vadd.f32 $1.000000000e+00, v22;
	[tilespmem:v23+s25+$0x0] =	vst.idx.add.s32.msk $0xffff, v1;
	v18 =	vand.u32 $0x7, v18;
	v19 =	vand.u32 $0xFFFFFFF8, v19  }
0x502: {  	v28 =	vadd.s32 $0xFFFF2A00, v20;
	v20 =	vshll.u32 v11, $0xB;
	v23 =	vld [tilespmem:s10+$0xF000];
	v19 =	vor.u32 v18, v19  }
0x503: {  	s13 =	simm.s32 $0x70;
	v22 =	vshra.s32 v22, $0xE;
	[tilespmem:v27+s25+$0x0] =	vst.idx.add.s32.msk $0xffff, v1;
	v26 =	vadd.f32 $1.000000000e+00, v26;
	v19 =	vadd.s32 $0xFFFF2C00, v19  }
0x504: {  	s14 =	simm.s32 $0x50;
	v13 =	vshll.u32 v9, $0xB;
	v18 =	vadd.s32 s13, v20;
	v25 =	vadd.s32 $0xFFFF0600, v22;
	v20 =	vld [tilespmem:s6+$0x13800]  }
0x505: {  	v13 =	vadd.s32 s14, v13;
	[tilespmem:v21+s25+$0x0] =	vst.idx.add.s32.msk $0xffff, v1;
	v21 =	vadd.f32 $1.000000000e+00, v24;
	v22 =	vshra.s32 v26, $0xE  }
0x506: {  	v15 =	vadd.s32 v3, v15;
	v13 =	vadd.s32 v3, v13;
	v24 =	vld [tilespmem:s11+$0xD800];
	v22 =	vadd.s32 $0xFFFF1A00, v22  }
0x507: {  	s14 =	simm.s32 $0x200;
	v18 =	vadd.s32 v3, v18;
	[tilespmem:v28+s25+$0x0] =	vst.idx.add.s32.msk $0xffff, v1;
	v23 =	vadd.f32 $1.000000000e+00, v23;
	v21 =	vshra.s32 v21, $0xE  }
.LBB2_9:
0x508: {  	s21 =	sshra.s32 s14, $0x2;
	p1 =	sne.s32 s14, $0x1FC0;
	s14 =	sadd.s32 $0x40, s14;
	[tilespmem:v19+s25+$0x0] =	vst.idx.add.s32.msk $0xffff, v1  }
0x509: {  	v21 =	vadd.s32 $0xFFFF2000, v21;
	[tilespmem:v25+s25+$0x0] =	vst.idx.add.s32.msk $0xffff, v1;
	v19 =	vshra.s32 v23, $0xE;
	v20 =	vadd.f32 $1.000000000e+00, v20  }
0x50a: {  	v23 =	vld [tilespmem:s12+$0xC000];
	v19 =	vadd.s32 $0xFFFF1400, v19  }
0x50b: {  	v24 =	vadd.f32 $1.000000000e+00, v24;
	[tilespmem:v22+s25+$0x0] =	vst.idx.add.s32.msk $0xffff, v1;
	v20 =	vshra.s32 v20, $0xE  }
0x50c: {  	v22 =	vld [tilespmem:s9+$0x11000]  }
0x50d: {  	v20 =	vadd.s32 $0xFFFF2600, v20;
	v25 =	vld [tilespmem:s21+$0xA800];
	v24 =	vshra.s32 v24, $0xE  }
0x50e: {  	v24 =	vadd.s32 $0xFFFF0E00, v24;
	[tilespmem:v21+s25+$0x0] =	vst.idx.add.s32.msk $0xffff, v1  }
0x50f: {  	v21 =	vadd.f32 $1.000000000e+00, v23;
	[tilespmem:v19+s25+$0x0] =	vst.idx.add.s32.msk $0xffff, v1  }
0x510: {  	v19 =	vld [tilespmem:s10+$0xF800]  }
0x511: {  	v26 =	vadd.s32 v2, v17;
	v17 =	vmovc v16;
	v16 =	vmovc v15;
	v21 =	vshra.s32 v21, $0xE;
	v22 =	vadd.f32 $1.000000000e+00, v22;
	v23 =	vld [tilespmem:s8+$0x12800]  }
0x512: {  	v15 =	vmovc v14;
	v14 =	vmovc v13;
	v13 =	vmov v12;
	v25 =	vadd.f32 $1.000000000e+00, v25;
	v21 =	vadd.s32 $0xFFFF0800, v21;
	[tilespmem:v20+s25+$0x0] =	vst.idx.add.s32.msk $0xffff, v1  }
0x513: {  	v12 =	vmov v18;
	[tilespmem:v24+s25+$0x0] =	vst.idx.add.s32.msk $0xffff, v1;
	v20 =	vshra.s32 v22, $0xE  }
0x514: {  	v18 =	vshra.s32 v25, $0xE;
	v22 =	vld [tilespmem:s11+$0xE000];
	v20 =	vadd.s32 $0xFFFF1C00, v20  }
0x515: {  	v19 =	vadd.f32 $1.000000000e+00, v19;
	v24 =	vld [tilespmem:s6+$0x14000]  }
0x516: {  	v18 =	vadd.s32 $0xFFFF0200, v18;
	v23 =	vadd.f32 $1.000000000e+00, v23;
	v25 =	vld.idx.msk [tilespmem:v26+s17+$0x0], $0xffff  }
0x517: {  	[tilespmem:v21+s25+$0x0] =	vst.idx.add.s32.msk $0xffff, v1;
	v19 =	vshra.s32 v19, $0xE  }
0x518: {  	v21 =	vld [tilespmem:s12+$0xC800];
	v19 =	vadd.s32 $0xFFFF1600, v19;
	v23 =	vshra.s32 v23, $0xE  }
0x519: {  	v22 =	vadd.f32 $1.000000000e+00, v22;
	[tilespmem:v20+s25+$0x0] =	vst.idx.add.s32.msk $0xffff, v1  }
0x51a: {  	v20 =	vld [tilespmem:s21+$0x15800];
	v24 =	vadd.f32 $1.000000000e+00, v24  }
0x51b: {  	[tilespmem:v18+s25+$0x0] =	vst.idx.add.s32.msk $0xffff, v1;
	v18 =	vshra.s32 v22, $0xE;
	v22 =	vadd.s32 $0xFFFF2200, v23  }
0x51c: {  	v26 =	vadd.f32 $1.000000000e+00, v25;
	v25 =	vsub.f32 $2.000000000e+00, v25;
	v23 =	vld [tilespmem:s21+$0xB000];
	v18 =	vadd.s32 $0xFFFF1000, v18  }
0x51d: {  	v21 =	vadd.f32 $1.000000000e+00, v21;
	[tilespmem:v19+s25+$0x0] =	vst.idx.add.s32.msk $0xffff, v1;
	v19 =	vshll.u32 v5, $0x9;
	v5 =	vmovc v6;
	v6 =	vmovc v7;
	v7 =	vmov v8  }
0x51e: {  	v24 =	vshra.s32 v24, $0xE;
	v26 =	vshra.s32 v26, $0xE;
	v25 =	vshra.s32 v25, $0xE;
	v8 =	vmovc v9;
	v9 =	vmovc v10;
	v27 =	vld [tilespmem:s10+$0x10000]  }
0x51f: {  	v24 =	vadd.s32 $0xFFFF2800, v24;
	v10 =	vmovc v11;
	v29 =	vadd.s32 v19, v26;
	v21 =	vshra.s32 v21, $0xE;
	v28 =	vld [tilespmem:s9+$0x11800];
	v11 =	vmovc v20  }
0x520: {  	vm0 =	vlt.s32 v25, $0xFFFF;
	v20 =	vadd.s32 $0xFFFF0A00, v21;
	[tilespmem:v22+s25+$0x0] =	vst.idx.add.s32.msk $0xffff, v1;
	v21 =	vand.u32 $0x7, v26  }
0x521: {  	v22 =	vadd.f32 $1.000000000e+00, v23;
	[tilespmem:v18+s25+$0x0] =	vst.idx.add.s32.msk $0xffff, v1;
	v18 =	vand.u32 $0xFFFFFFF8, v29;
	v23 =	vnsel vm0, $0xFFFF, v25  }
0x522: {  	v25 =	vld [tilespmem:s11+$0xE800];
	v18 =	vor.u32 v21, v18;
	v19 =	vadd.s32 v19, v23;
	v21 =	vand.u32 $0x7, v23  }
0x523: {  	v22 =	vshra.s32 v22, $0xE;
	v23 =	vadd.f32 $1.000000000e+00, v27;
	v26 =	vld [tilespmem:s8+$0x13000];
	v27 =	vadd.s32 $0xFFFF0200, v18  }
0x524: {  	v19 =	vand.u32 $0xFFFFFFF8, v19;
	v22 =	vadd.s32 $0xFFFF0400, v22;
	v18 =	vadd.f32 $1.000000000e+00, v28;
	[tilespmem:v24+s25+$0x0] =	vst.idx.add.s32.msk $0xffff, v1  }
0x525: {  	s13 =	sadd.s32 $0x10, s13;
	v24 =	vshll.u32 v11, $0xB;
	v19 =	vor.u32 v21, v19;
	[tilespmem:v20+s25+$0x0] =	vst.idx.add.s32.msk $0xffff, v1;
	v20 =	vshra.s32 v23, $0xE  }
0x526: {  	v21 =	vadd.s32 s13, v24;
	v23 =	vld [tilespmem:s12+$0xD000];
	v20 =	vadd.s32 $0xFFFF1800, v20;
	v24 =	vshra.s32 v18, $0xE  }
0x527: {  	v18 =	vadd.s32 v3, v21;
	v21 =	vadd.f32 $1.000000000e+00, v25;
	v25 =	vld [tilespmem:s6+$0x14800];
	s6 =	smov.u32 s8;
	s8 =	smov.u32 s9;
	s9 =	smov.u32 s10  }
0x528: {  	v24 =	vadd.s32 $0xFFFF1E00, v24;
	s10 =	smov.u32 s11;
	s11 =	smov.u32 s12;
	s12 =	smov.u32 s21;
	v26 =	vadd.f32 $1.000000000e+00, v26;
	[tilespmem:v27+s25+$0x0] =	vst.idx.add.s32.msk $0xffff, v4  }
0x529: {  	[tilespmem:v22+s25+$0x0] =	vst.idx.add.s32.msk $0xffff, v1;
	v21 =	vshra.s32 v21, $0xE  }
0x52a: {  	v22 =	vld [tilespmem:s12+$0xB800];
	v21 =	vadd.s32 $0xFFFF1200, v21  }
0x52b: {  	v23 =	vadd.f32 $1.000000000e+00, v23;
	[tilespmem:v20+s25+$0x0] =	vst.idx.add.s32.msk $0xffff, v1;
	v20 =	vshra.s32 v26, $0xE  }
0x52c: {  	v26 =	vld [tilespmem:s9+$0x10800];
	v20 =	vadd.s32 $0xFFFF2400, v20;
	v25 =	vadd.f32 $1.000000000e+00, v25  }
0x52d: {  	v23 =	vshra.s32 v23, $0xE;
	[tilespmem:v24+s25+$0x0] =	vst.idx.add.s32.msk $0xffff, v1  }
0x52e: {  	v23 =	vadd.s32 $0xFFFF0C00, v23;
	v24 =	vld [tilespmem:s8+$0x12000];
	v25 =	vshra.s32 v25, $0xE  }
0x52f: {  	v22 =	vadd.f32 $1.000000000e+00, v22;
	[tilespmem:v21+s25+$0x0] =	vst.idx.add.s32.msk $0xffff, v1  }
0x530: {  	v27 =	vadd.s32 $0xFFFF2A00, v25;
	v21 =	vld [tilespmem:s10+$0xF000]  }
.Ltmp5:
0x531: {  	v19 =	vadd.s32 $0xFFFF2C00, v19;
	v22 =	vshra.s32 v22, $0xE;
	v26 =	vadd.f32 $1.000000000e+00, v26;
	[tilespmem:v20+s25+$0x0] =	vst.idx.add.s32.msk $0xffff, v1;
	(pc) =	sbr.rel @p1 .LBB2_9-.Ltmp5, $4  }
0x532: {  	v25 =	vadd.s32 $0xFFFF0600, v22;
	v20 =	vld [tilespmem:s6+$0x13800]  }
0x533: {  	[tilespmem:v23+s25+$0x0] =	vst.idx.add.s32.msk $0xffff, v1;
	v22 =	vshra.s32 v26, $0xE;
	v26 =	vadd.f32 $1.000000000e+00, v24  }
0x534: {  	v24 =	vld [tilespmem:s11+$0xD800];
	v22 =	vadd.s32 $0xFFFF1A00, v22  }
0x535: {  	v23 =	vadd.f32 $1.000000000e+00, v21;
	v21 =	vshra.s32 v26, $0xE;
	[tilespmem:v27+s25+$0x0] =	vst.idx.add.s32.msk $0xffff, v1  }
0x536: {  	_ =	sdelay $0x3  }
0x537: {  	[tilespmem:v25+s25+$0x0] =	vst.idx.add.s32.msk $0xffff, v1  }
0x538: {  	v25 =	vld [tilespmem:s12+$0xC000];
	_ =	sdelay $0x4  }
0x539: {  	v25 =	vadd.f32 $1.000000000e+00, v25;
	_ =	sdelay $0x1  }
0x53a: {  	v25 =	vshra.s32 v25, $0xE  }
0x53b: {  	v25 =	vadd.s32 $0xFFFF0800, v25;
	_ =	sdelay $0x4  }
0x53c: {  	[tilespmem:v25+s25+$0x0] =	vst.idx.add.s32.msk $0xffff, v1  }
0x53d: {  	v25 =	vld [tilespmem:s12+$0xC800];
	_ =	sdelay $0x4  }
0x53e: {  	v25 =	vadd.f32 $1.000000000e+00, v25;
	_ =	sdelay $0x1  }
0x53f: {  	v25 =	vshra.s32 v25, $0xE  }
0x540: {  	v25 =	vadd.s32 $0xFFFF0A00, v25;
	_ =	sdelay $0x4  }
0x541: {  	[tilespmem:v25+s25+$0x0] =	vst.idx.add.s32.msk $0xffff, v1  }
0x542: {  	v25 =	vld [tilespmem:s12+$0xD000];
	_ =	sdelay $0x2  }
0x543: {  	v24 =	vadd.f32 $1.000000000e+00, v24;
	_ =	sdelay $0x1  }
0x544: {  	v24 =	vshra.s32 v24, $0xE;
	v25 =	vadd.f32 $1.000000000e+00, v25  }
0x545: {  	v24 =	vadd.s32 $0xFFFF0E00, v24  }
0x546: {  	v25 =	vshra.s32 v25, $0xE  }
0x547: {  	v25 =	vadd.s32 $0xFFFF0C00, v25;
	_ =	sdelay $0x2  }
0x548: {  	[tilespmem:v24+s25+$0x0] =	vst.idx.add.s32.msk $0xffff, v1  }
0x549: {  	v35 =	vld [tilespmem:s11+$0xE000]  }
0x54a: {  	[tilespmem:v25+s25+$0x0] =	vst.idx.add.s32.msk $0xffff, v1  }
0x54b: {  	v25 =	vld [tilespmem:s12+$0xD800];
	_ =	sdelay $0x2  }
0x54c: {  	v36 =	vadd.f32 $1.000000000e+00, v35;
	_ =	sdelay $0x1  }
0x54d: {  	v24 =	vshra.s32 v36, $0xE;
	v25 =	vadd.f32 $1.000000000e+00, v25  }
0x54e: {  	v24 =	vadd.s32 $0xFFFF1000, v24  }
0x54f: {  	v25 =	vshra.s32 v25, $0xE  }
0x550: {  	v34 =	vadd.s32 $0xFFFF0E00, v25;
	_ =	sdelay $0x2  }
0x551: {  	[tilespmem:v24+s25+$0x0] =	vst.idx.add.s32.msk $0xffff, v1  }
0x552: {  	v39 =	vld [tilespmem:s11+$0xE800]  }
0x553: {  	[tilespmem:v34+s25+$0x0] =	vst.idx.add.s32.msk $0xffff, v1  }
0x554: {  	v37 =	vld [tilespmem:s12+$0xE000];
	_ =	sdelay $0x2  }
0x555: {  	v40 =	vadd.f32 $1.000000000e+00, v39;
	_ =	sdelay $0x1  }
0x556: {  	v24 =	vshra.s32 v40, $0xE;
	v25 =	vadd.f32 $1.000000000e+00, v37  }
0x557: {  	v24 =	vadd.s32 $0xFFFF1200, v24  }
0x558: {  	v25 =	vshra.s32 v25, $0xE  }
0x559: {  	v38 =	vadd.s32 $0xFFFF1000, v25;
	_ =	sdelay $0x2  }
0x55a: {  	[tilespmem:v24+s25+$0x0] =	vst.idx.add.s32.msk $0xffff, v1  }
0x55b: {  	v43 =	vld [tilespmem:s11+$0xF000]  }
0x55c: {  	[tilespmem:v38+s25+$0x0] =	vst.idx.add.s32.msk $0xffff, v1  }
0x55d: {  	v23 =	vshra.s32 v23, $0xE;
	v41 =	vld [tilespmem:s12+$0xE800]  }
0x55e: {  	v23 =	vadd.s32 $0xFFFF1400, v23;
	_ =	sdelay $0x1  }
0x55f: {  	v44 =	vadd.f32 $1.000000000e+00, v43;
	_ =	sdelay $0x1  }
0x560: {  	v46 =	vshra.s32 v44, $0xE;
	v25 =	vadd.f32 $1.000000000e+00, v41  }
0x561: {  	[tilespmem:v23+s25+$0x0] =	vst.idx.add.s32.msk $0xffff, v1;
	v23 =	vadd.s32 $0xFFFF1400, v46  }
0x562: {  	v25 =	vshra.s32 v25, $0xE  }
0x563: {  	v42 =	vadd.s32 $0xFFFF1200, v25;
	_ =	sdelay $0x2  }
0x564: {  	[tilespmem:v23+s25+$0x0] =	vst.idx.add.s32.msk $0xffff, v1  }
0x565: {  	v49 =	vld [tilespmem:s11+$0xF800]  }
0x566: {  	[tilespmem:v42+s25+$0x0] =	vst.idx.add.s32.msk $0xffff, v1  }
0x567: {  	v45 =	vld [tilespmem:s12+$0xF000];
	_ =	sdelay $0x2  }
0x568: {  	v47 =	vld [tilespmem:s10+$0xF800];
	v50 =	vadd.f32 $1.000000000e+00, v49;
	_ =	sdelay $0x1  }
0x569: {  	v23 =	vshra.s32 v50, $0xE;
	v25 =	vadd.f32 $1.000000000e+00, v45  }
0x56a: {  	v23 =	vadd.s32 $0xFFFF1600, v23  }
0x56b: {  	v25 =	vshra.s32 v25, $0xE  }
0x56c: {  	v24 =	vadd.f32 $1.000000000e+00, v47;
	v48 =	vadd.s32 $0xFFFF1400, v25;
	_ =	sdelay $0x1  }
0x56d: {  	v24 =	vshra.s32 v24, $0xE  }
0x56e: {  	v24 =	vadd.s32 $0xFFFF1600, v24;
	[tilespmem:v23+s25+$0x0] =	vst.idx.add.s32.msk $0xffff, v1  }
0x56f: {  	v53 =	vld [tilespmem:s11+$0x10000]  }
0x570: {  	[tilespmem:v48+s25+$0x0] =	vst.idx.add.s32.msk $0xffff, v1  }
0x571: {  	v51 =	vld [tilespmem:s12+$0xF800];
	_ =	sdelay $0x1  }
0x572: {  	[tilespmem:v24+s25+$0x0] =	vst.idx.add.s32.msk $0xffff, v1  }
0x573: {  	v24 =	vld [tilespmem:s10+$0x10000];
	v54 =	vadd.f32 $1.000000000e+00, v53;
	_ =	sdelay $0x1  }
0x574: {  	v23 =	vshra.s32 v54, $0xE;
	v25 =	vadd.f32 $1.000000000e+00, v51  }
0x575: {  	v23 =	vadd.s32 $0xFFFF1800, v23  }
0x576: {  	v25 =	vshra.s32 v25, $0xE  }
0x577: {  	v24 =	vadd.f32 $1.000000000e+00, v24;
	v52 =	vadd.s32 $0xFFFF1600, v25  }
0x578: {  	[tilespmem:v22+s25+$0x0] =	vst.idx.add.s32.msk $0xffff, v1  }
0x579: {  	v22 =	vld [tilespmem:s9+$0x11000];
	v24 =	vshra.s32 v24, $0xE  }
0x57a: {  	v24 =	vadd.s32 $0xFFFF1800, v24;
	[tilespmem:v23+s25+$0x0] =	vst.idx.add.s32.msk $0xffff, v1  }
0x57b: {  	v57 =	vld [tilespmem:s11+$0x10800]  }
0x57c: {  	[tilespmem:v52+s25+$0x0] =	vst.idx.add.s32.msk $0xffff, v1  }
0x57d: {  	v55 =	vld [tilespmem:s12+$0x10000]  }
0x57e: {  	v22 =	vadd.f32 $1.000000000e+00, v22  }
0x57f: {  	[tilespmem:v24+s25+$0x0] =	vst.idx.add.s32.msk $0xffff, v1  }
0x580: {  	v22 =	vshra.s32 v22, $0xE;
	v24 =	vld [tilespmem:s10+$0x10800];
	v58 =	vadd.f32 $1.000000000e+00, v57  }
0x581: {  	v22 =	vadd.s32 $0xFFFF1C00, v22  }
0x582: {  	v23 =	vshra.s32 v58, $0xE;
	v25 =	vadd.f32 $1.000000000e+00, v55  }
0x583: {  	v23 =	vadd.s32 $0xFFFF1A00, v23  }
0x584: {  	v25 =	vshra.s32 v25, $0xE  }
0x585: {  	v24 =	vadd.f32 $1.000000000e+00, v24;
	v56 =	vadd.s32 $0xFFFF1800, v25  }
0x586: {  	[tilespmem:v22+s25+$0x0] =	vst.idx.add.s32.msk $0xffff, v1  }
0x587: {  	v22 =	vld [tilespmem:s9+$0x11800];
	v24 =	vshra.s32 v24, $0xE  }
0x588: {  	v24 =	vadd.s32 $0xFFFF1A00, v24;
	[tilespmem:v23+s25+$0x0] =	vst.idx.add.s32.msk $0xffff, v1  }
0x589: {  	v61 =	vld [tilespmem:s11+$0x11000]  }
0x58a: {  	[tilespmem:v56+s25+$0x0] =	vst.idx.add.s32.msk $0xffff, v1  }
0x58b: {  	v59 =	vld [tilespmem:s12+$0x10800]  }
0x58c: {  	v22 =	vadd.f32 $1.000000000e+00, v22  }
0x58d: {  	[tilespmem:v24+s25+$0x0] =	vst.idx.add.s32.msk $0xffff, v1  }
0x58e: {  	v22 =	vshra.s32 v22, $0xE;
	v24 =	vld [tilespmem:s10+$0x11000];
	v62 =	vadd.f32 $1.000000000e+00, v61  }
0x58f: {  	v22 =	vadd.s32 $0xFFFF1E00, v22  }
0x590: {  	v23 =	vshra.s32 v62, $0xE;
	v25 =	vadd.f32 $1.000000000e+00, v59  }
0x591: {  	v23 =	vadd.s32 $0xFFFF1C00, v23  }
0x592: {  	v25 =	vshra.s32 v25, $0xE  }
0x593: {  	v24 =	vadd.f32 $1.000000000e+00, v24;
	v60 =	vadd.s32 $0xFFFF1A00, v25  }
0x594: {  	[tilespmem:v22+s25+$0x0] =	vst.idx.add.s32.msk $0xffff, v1  }
0x595: {  	v22 =	vld [tilespmem:s9+$0x12000];
	v24 =	vshra.s32 v24, $0xE  }
0x596: {  	v24 =	vadd.s32 $0xFFFF1C00, v24;
	[tilespmem:v23+s25+$0x0] =	vst.idx.add.s32.msk $0xffff, v1  }
0x597: {  	v29 =	vld [tilespmem:s11+$0x11800]  }
0x598: {  	[tilespmem:v60+s25+$0x0] =	vst.idx.add.s32.msk $0xffff, v1  }
0x599: {  	v63 =	vld [tilespmem:s12+$0x11000]  }
0x59a: {  	v21 =	vadd.s32 $0xFFFF2000, v21;
	v22 =	vadd.f32 $1.000000000e+00, v22  }
0x59b: {  	[tilespmem:v24+s25+$0x0] =	vst.idx.add.s32.msk $0xffff, v1  }
0x59c: {  	v22 =	vshra.s32 v22, $0xE;
	v24 =	vld [tilespmem:s10+$0x11800];
	v32 =	vadd.f32 $1.000000000e+00, v29  }
0x59d: {  	v22 =	vadd.s32 $0xFFFF2000, v22  }
0x59e: {  	v34 =	vshra.s32 v32, $0xE;
	v25 =	vadd.f32 $1.000000000e+00, v63  }
0x59f: {  	[tilespmem:v21+s25+$0x0] =	vst.idx.add.s32.msk $0xffff, v1;
	v21 =	vadd.s32 $0xFFFF1E00, v34  }
0x5a0: {  	v25 =	vshra.s32 v25, $0xE  }
0x5a1: {  	v31 =	vld [tilespmem:s8+$0x12800];
	v24 =	vadd.f32 $1.000000000e+00, v24;
	v28 =	vadd.s32 $0xFFFF1C00, v25  }
0x5a2: {  	[tilespmem:v22+s25+$0x0] =	vst.idx.add.s32.msk $0xffff, v1  }
0x5a3: {  	v22 =	vld [tilespmem:s9+$0x12800];
	v24 =	vshra.s32 v24, $0xE  }
0x5a4: {  	v30 =	vadd.s32 $0xFFFF1E00, v24;
	[tilespmem:v21+s25+$0x0] =	vst.idx.add.s32.msk $0xffff, v1  }
0x5a5: {  	v38 =	vld [tilespmem:s11+$0x12000]  }
0x5a6: {  	v35 =	vadd.f32 $1.000000000e+00, v31;
	[tilespmem:v28+s25+$0x0] =	vst.idx.add.s32.msk $0xffff, v1  }
0x5a7: {  	v33 =	vld [tilespmem:s12+$0x11800]  }
0x5a8: {  	v22 =	vadd.f32 $1.000000000e+00, v22;
	v23 =	vshra.s32 v35, $0xE  }
0x5a9: {  	[tilespmem:v30+s25+$0x0] =	vst.idx.add.s32.msk $0xffff, v1;
	v23 =	vadd.s32 $0xFFFF2200, v23  }
0x5aa: {  	v41 =	vshra.s32 v22, $0xE;
	v36 =	vld [tilespmem:s10+$0x12000];
	v42 =	vadd.f32 $1.000000000e+00, v38  }
0x5ab: {  	v21 =	vadd.s32 $0xFFFF2200, v41  }
0x5ac: {  	v22 =	vshra.s32 v42, $0xE;
	v25 =	vadd.f32 $1.000000000e+00, v33  }
0x5ad: {  	v22 =	vadd.s32 $0xFFFF2000, v22  }
0x5ae: {  	[tilespmem:v23+s25+$0x0] =	vst.idx.add.s32.msk $0xffff, v1;
	v25 =	vshra.s32 v25, $0xE  }
0x5af: {  	v24 =	vadd.f32 $1.000000000e+00, v36;
	v40 =	vld [tilespmem:s8+$0x13000];
	v37 =	vadd.s32 $0xFFFF1E00, v25  }
0x5b0: {  	[tilespmem:v21+s25+$0x0] =	vst.idx.add.s32.msk $0xffff, v1  }
0x5b1: {  	v24 =	vshra.s32 v24, $0xE;
	v21 =	vld [tilespmem:s9+$0x13000]  }
0x5b2: {  	v20 =	vadd.f32 $1.000000000e+00, v20;
	v39 =	vadd.s32 $0xFFFF2000, v24;
	[tilespmem:v22+s25+$0x0] =	vst.idx.add.s32.msk $0xffff, v1  }
0x5b3: {  	v47 =	vld [tilespmem:s11+$0x12800]  }
0x5b4: {  	v20 =	vshra.s32 v20, $0xE;
	v44 =	vadd.f32 $1.000000000e+00, v40;
	[tilespmem:v37+s25+$0x0] =	vst.idx.add.s32.msk $0xffff, v1  }
0x5b5: {  	v20 =	vadd.s32 $0xFFFF2600, v20;
	v43 =	vld [tilespmem:s12+$0x12000]  }
0x5b6: {  	v23 =	vshra.s32 v44, $0xE;
	v21 =	vadd.f32 $1.000000000e+00, v21  }
0x5b7: {  	[tilespmem:v39+s25+$0x0] =	vst.idx.add.s32.msk $0xffff, v1;
	v23 =	vadd.s32 $0xFFFF2400, v23  }
0x5b8: {  	v45 =	vld [tilespmem:s10+$0x12800];
	v21 =	vshra.s32 v21, $0xE;
	v50 =	vadd.f32 $1.000000000e+00, v47  }
0x5b9: {  	v21 =	vadd.s32 $0xFFFF2400, v21  }
0x5ba: {  	[tilespmem:v20+s25+$0x0] =	vst.idx.add.s32.msk $0xffff, v1;
	v22 =	vshra.s32 v50, $0xE;
	v25 =	vadd.f32 $1.000000000e+00, v43  }
0x5bb: {  	v20 =	vld [tilespmem:s6+$0x14000];
	v22 =	vadd.s32 $0xFFFF2200, v22  }
0x5bc: {  	[tilespmem:v23+s25+$0x0] =	vst.idx.add.s32.msk $0xffff, v1;
	v25 =	vshra.s32 v25, $0xE  }
0x5bd: {  	v24 =	vadd.f32 $1.000000000e+00, v45;
	v49 =	vld [tilespmem:s8+$0x13800];
	v46 =	vadd.s32 $0xFFFF2000, v25  }
0x5be: {  	[tilespmem:v21+s25+$0x0] =	vst.idx.add.s32.msk $0xffff, v1  }
0x5bf: {  	v24 =	vshra.s32 v24, $0xE;
	v21 =	vld [tilespmem:s9+$0x13800]  }
0x5c0: {  	v48 =	vadd.s32 $0xFFFF2200, v24;
	[tilespmem:v22+s25+$0x0] =	vst.idx.add.s32.msk $0xffff, v1  }
0x5c1: {  	v20 =	vadd.f32 $1.000000000e+00, v20;
	v55 =	vld [tilespmem:s11+$0x13000]  }
0x5c2: {  	v52 =	vadd.f32 $1.000000000e+00, v49;
	[tilespmem:v46+s25+$0x0] =	vst.idx.add.s32.msk $0xffff, v1  }
0x5c3: {  	v20 =	vshra.s32 v20, $0xE;
	v51 =	vld [tilespmem:s12+$0x12800]  }
0x5c4: {  	v20 =	vadd.s32 $0xFFFF2800, v20;
	v23 =	vshra.s32 v52, $0xE;
	v21 =	vadd.f32 $1.000000000e+00, v21  }
0x5c5: {  	[tilespmem:v48+s25+$0x0] =	vst.idx.add.s32.msk $0xffff, v1;
	v23 =	vadd.s32 $0xFFFF2600, v23  }
0x5c6: {  	v53 =	vld [tilespmem:s10+$0x13000];
	v21 =	vshra.s32 v21, $0xE;
	v58 =	vadd.f32 $1.000000000e+00, v55  }
0x5c7: {  	v21 =	vadd.s32 $0xFFFF2600, v21  }
0x5c8: {  	v22 =	vshra.s32 v58, $0xE;
	v25 =	vadd.f32 $1.000000000e+00, v51  }
0x5c9: {  	[tilespmem:v20+s25+$0x0] =	vst.idx.add.s32.msk $0xffff, v1;
	v22 =	vadd.s32 $0xFFFF2400, v22  }
0x5ca: {  	[tilespmem:v23+s25+$0x0] =	vst.idx.add.s32.msk $0xffff, v1;
	v25 =	vshra.s32 v25, $0xE  }
0x5cb: {  	v24 =	vadd.f32 $1.000000000e+00, v53;
	v57 =	vld [tilespmem:s8+$0x14000];
	v54 =	vadd.s32 $0xFFFF2200, v25  }
0x5cc: {  	[tilespmem:v21+s25+$0x0] =	vst.idx.add.s32.msk $0xffff, v1  }
0x5cd: {  	v24 =	vshra.s32 v24, $0xE;
	v21 =	vld [tilespmem:s9+$0x14000]  }
0x5ce: {  	v56 =	vadd.s32 $0xFFFF2400, v24;
	[tilespmem:v22+s25+$0x0] =	vst.idx.add.s32.msk $0xffff, v1  }
0x5cf: {  	v63 =	vld [tilespmem:s11+$0x13800]  }
0x5d0: {  	v60 =	vadd.f32 $1.000000000e+00, v57;
	[tilespmem:v54+s25+$0x0] =	vst.idx.add.s32.msk $0xffff, v1  }
0x5d1: {  	v59 =	vld [tilespmem:s12+$0x13000]  }
0x5d2: {  	v17 =	vadd.s32 v2, v17;
	v20 =	vld [tilespmem:s6+$0x14800];
	v23 =	vshra.s32 v60, $0xE;
	v21 =	vadd.f32 $1.000000000e+00, v21  }
0x5d3: {  	[tilespmem:v56+s25+$0x0] =	vst.idx.add.s32.msk $0xffff, v1;
	v23 =	vadd.s32 $0xFFFF2800, v23  }
0x5d4: {  	v61 =	vld [tilespmem:s10+$0x13800];
	v21 =	vshra.s32 v21, $0xE;
	v30 =	vadd.f32 $1.000000000e+00, v63  }
0x5d5: {  	v21 =	vadd.s32 $0xFFFF2800, v21  }
0x5d6: {  	v22 =	vshra.s32 v30, $0xE;
	v25 =	vadd.f32 $1.000000000e+00, v59  }
0x5d7: {  	v17 =	vld.idx.msk [tilespmem:v17+s17+$0x0], $0xffff;
	v22 =	vadd.s32 $0xFFFF2600, v22  }
0x5d8: {  	v20 =	vadd.f32 $1.000000000e+00, v20;
	[tilespmem:v23+s25+$0x0] =	vst.idx.add.s32.msk $0xffff, v1;
	v25 =	vshra.s32 v25, $0xE  }
0x5d9: {  	v24 =	vadd.f32 $1.000000000e+00, v61;
	v29 =	vld [tilespmem:s8+$0x14800];
	v62 =	vadd.s32 $0xFFFF2400, v25  }
0x5da: {  	v20 =	vshra.s32 v20, $0xE;
	[tilespmem:v21+s25+$0x0] =	vst.idx.add.s32.msk $0xffff, v1  }
0x5db: {  	v20 =	vadd.s32 $0xFFFF2A00, v20;
	v24 =	vshra.s32 v24, $0xE;
	v21 =	vld [tilespmem:s9+$0x14800]  }
0x5dc: {  	v28 =	vadd.s32 $0xFFFF2600, v24;
	[tilespmem:v22+s25+$0x0] =	vst.idx.add.s32.msk $0xffff, v1  }
0x5dd: {  	v37 =	vld [tilespmem:s11+$0x14000]  }
0x5de: {  	[tilespmem:v62+s25+$0x0] =	vst.idx.add.s32.msk $0xffff, v1  }
0x5df: {  	v32 =	vadd.f32 $1.000000000e+00, v29;
	v31 =	vld [tilespmem:s12+$0x13800]  }
0x5e0: {  	v16 =	vadd.s32 v2, v16;
	[tilespmem:v20+s25+$0x0] =	vst.idx.add.s32.msk $0xffff, v1  }
0x5e1: {  	[tilespmem:v28+s25+$0x0] =	vst.idx.add.s32.msk $0xffff, v1;
	v20 =	vshra.s32 v32, $0xE  }
0x5e2: {  	v23 =	vld [tilespmem:s10+$0x14000];
	v20 =	vadd.s32 $0xFFFF2A00, v20;
	v40 =	vadd.f32 $1.000000000e+00, v37  }
0x5e3: {  	v15 =	vadd.s32 v2, v15  }
0x5e4: {  	v39 =	vadd.f32 $1.000000000e+00, v21;
	v21 =	vshra.s32 v40, $0xE;
	v33 =	vadd.f32 $1.000000000e+00, v31  }
0x5e5: {  	v26 =	vadd.f32 $1.000000000e+00, v17;
	v17 =	vsub.f32 $2.000000000e+00, v17;
	v16 =	vld.idx.msk [tilespmem:v16+s17+$0x0], $0xffff;
	v21 =	vadd.s32 $0xFFFF2800, v21  }
0x5e6: {  	v5 =	vshll.u32 v5, $0x9;
	v6 =	vshll.u32 v6, $0x9;
	v24 =	vshra.s32 v33, $0xE  }
0x5e7: {  	v17 =	vshra.s32 v17, $0xE;
	v23 =	vadd.f32 $1.000000000e+00, v23;
	[tilespmem:v20+s25+$0x0] =	vst.idx.add.s32.msk $0xffff, v1;
	v35 =	vadd.s32 $0xFFFF2600, v24  }
0x5e8: {  	v14 =	vadd.s32 v2, v14;
	vm0 =	vlt.s32 v17, $0xFFFF;
	v34 =	vshra.s32 v26, $0xE;
	v15 =	vld.idx.msk [tilespmem:v15+s17+$0x0], $0xffff  }
0x5e9: {  	v17 =	vnsel vm0, $0xFFFF, v17;
	v36 =	vadd.s32 v5, v34;
	v23 =	vshra.s32 v23, $0xE  }
0x5ea: {  	v5 =	vadd.s32 v5, v17;
	v38 =	vadd.f32 $1.000000000e+00, v16;
	v23 =	vadd.s32 $0xFFFF2800, v23;
	[tilespmem:v21+s25+$0x0] =	vst.idx.add.s32.msk $0xffff, v1  }
0x5eb: {  	v17 =	vand.u32 $0x7, v17;
	v5 =	vand.u32 $0xFFFFFFF8, v5;
	v16 =	vsub.f32 $2.000000000e+00, v16;
	v21 =	vld [tilespmem:s11+$0x14800]  }
0x5ec: {  	v7 =	vshll.u32 v7, $0x9;
	v5 =	vor.u32 v17, v5;
	v17 =	vshra.s32 v38, $0xE;
	[tilespmem:v35+s25+$0x0] =	vst.idx.add.s32.msk $0xffff, v1  }
0x5ed: {  	v16 =	vshra.s32 v16, $0xE;
	v43 =	vadd.f32 $1.000000000e+00, v15;
	v15 =	vsub.f32 $2.000000000e+00, v15;
	v22 =	vld [tilespmem:s12+$0x14000]  }
0x5ee: {  	v41 =	vadd.s32 v6, v17;
	vm10 =	vlt.s32 v16, $0xFFFF;
	v17 =	vand.u32 $0x7, v17  }
0x5ef: {  	[tilespmem:v23+s25+$0x0] =	vst.idx.add.s32.msk $0xffff, v1;
	v23 =	vand.u32 $0xFFFFFFF8, v41;
	v20 =	vshra.s32 v39, $0xE;
	v15 =	vshra.s32 v15, $0xE  }
0x5f0: {  	v17 =	vor.u32 v17, v23;
	v20 =	vadd.s32 $0xFFFF2A00, v20;
	vm11 =	vlt.s32 v15, $0xFFFF  }
0x5f1: {  	v15 =	vnsel vm11, $0xFFFF, v15;
	v46 =	vshra.s32 v43, $0xE;
	v47 =	vadd.f32 $1.000000000e+00, v21  }
0x5f2: {  	v23 =	vadd.s32 v7, v46;
	v7 =	vadd.s32 v7, v15;
	v22 =	vadd.f32 $1.000000000e+00, v22  }
0x5f3: {  	v15 =	vand.u32 $0x7, v15;
	v7 =	vand.u32 $0xFFFFFFF8, v7;
	v50 =	vshra.s32 v47, $0xE  }
0x5f4: {  	v42 =	vld [tilespmem:s10+$0x14800];
	v7 =	vor.u32 v15, v7;
	v15 =	vadd.s32 $0xFFFF2A00, v50;
	v44 =	vshra.s32 v22, $0xE  }
0x5f5: {  	v16 =	vnsel vm10, $0xFFFF, v16;
	[tilespmem:v20+s25+$0x0] =	vst.idx.add.s32.msk $0xffff, v1;
	v20 =	vadd.s32 $0xFFFF2800, v44  }
0x5f6: {  	v6 =	vadd.s32 v6, v16  }
0x5f7: {  	v12 =	vadd.s32 v2, v12;
	v16 =	vand.u32 $0x7, v16;
	v6 =	vand.u32 $0xFFFFFFF8, v6;
	v14 =	vld.idx.msk [tilespmem:v14+s17+$0x0], $0xffff  }
0x5f8: {  	v6 =	vor.u32 v16, v6;
	v17 =	vadd.s32 $0xFFFF0200, v17  }
0x5f9: {  	v13 =	vadd.s32 v2, v13;
	v8 =	vshll.u32 v8, $0x9;
	v6 =	vadd.s32 $0xFFFF2C00, v6;
	[tilespmem:v15+s25+$0x0] =	vst.idx.add.s32.msk $0xffff, v1  }
0x5fa: {  	v18 =	vadd.s32 v2, v18;
	v9 =	vshll.u32 v9, $0x9;
	v45 =	vadd.f32 $1.000000000e+00, v42;
	[tilespmem:v20+s25+$0x0] =	vst.idx.add.s32.msk $0xffff, v1  }
0x5fb: {  	v10 =	vshll.u32 v10, $0x9;
	v5 =	vadd.s32 $0xFFFF2C00, v5;
	v16 =	vand.u32 $0x7, v46;
	v48 =	vld [tilespmem:s12+$0x14800]  }
0x5fc: {  	v23 =	vand.u32 $0xFFFFFFF8, v23;
	v49 =	vadd.f32 $1.000000000e+00, v14;
	v12 =	vld.idx.msk [tilespmem:v12+s17+$0x0], $0xffff;
	v22 =	vshra.s32 v45, $0xE  }
0x5fd: {  	[tilespmem:v17+s25+$0x0] =	vst.idx.add.s32.msk $0xffff, v4;
	v16 =	vor.u32 v16, v23;
	v14 =	vsub.f32 $2.000000000e+00, v14;
	v22 =	vadd.s32 $0xFFFF2A00, v22  }
0x5fe: {  	[tilespmem:v6+s25+$0x0] =	vst.idx.add.s32.msk $0xffff, v1;
	v6 =	vshll.u32 v11, $0x9;
	v16 =	vadd.s32 $0xFFFF0200, v16;
	v51 =	vshra.s32 v49, $0xE  }
0x5ff: {  	v14 =	vshra.s32 v14, $0xE;
	v25 =	vand.u32 $0x7, v34;
	v24 =	vand.u32 $0xFFFFFFF8, v36  }
0x600: {  	vm12 =	vlt.s32 v14, $0xFFFF;
	v24 =	vor.u32 v25, v24;
	v21 =	vadd.f32 $1.000000000e+00, v48  }
0x601: {  	v57 =	vadd.f32 $1.000000000e+00, v12;
	v12 =	vsub.f32 $2.000000000e+00, v12;
	v24 =	vadd.s32 $0xFFFF0200, v24  }
0x602: {  	v52 =	vadd.s32 v8, v51;
	v14 =	vnsel vm12, $0xFFFF, v14;
	[tilespmem:v22+s25+$0x0] =	vst.idx.add.s32.msk $0xffff, v1;
	v21 =	vshra.s32 v21, $0xE  }
0x603: {  	v8 =	vadd.s32 v8, v14;
	v12 =	vshra.s32 v12, $0xE;
	v13 =	vld.idx.msk [tilespmem:v13+s17+$0x0], $0xffff;
	v54 =	vadd.s32 $0xFFFF2A00, v21  }
0x604: {  	v14 =	vand.u32 $0x7, v14;
	v8 =	vand.u32 $0xFFFFFFF8, v8;
	vm14 =	vlt.s32 v12, $0xFFFF  }
0x605: {  	v8 =	vor.u32 v14, v8;
	v58 =	vshra.s32 v57, $0xE;
	v12 =	vnsel vm14, $0xFFFF, v12  }
0x606: {  	v7 =	vadd.s32 $0xFFFF2C00, v7;
	v15 =	vadd.s32 v10, v58;
	v10 =	vadd.s32 v10, v12;
	[tilespmem:v24+s25+$0x0] =	vst.idx.add.s32.msk $0xffff, v4  }
0x607: {  	v8 =	vadd.s32 $0xFFFF2C00, v8;
	v10 =	vand.u32 $0xFFFFFFF8, v10;
	[tilespmem:v5+s25+$0x0] =	vst.idx.add.s32.msk $0xffff, v1;
	v5 =	vand.u32 $0x7, v12  }
0x608: {  	v5 =	vor.u32 v5, v10;
	v53 =	vadd.f32 $1.000000000e+00, v13;
	v13 =	vsub.f32 $2.000000000e+00, v13;
	[tilespmem:v54+s25+$0x0] =	vst.idx.add.s32.msk $0xffff, v1  }
0x609: {  	v15 =	vand.u32 $0xFFFFFFF8, v15;
	v5 =	vadd.s32 $0xFFFF2C00, v5;
	v20 =	vand.u32 $0x7, v51;
	v18 =	vld.idx.msk [tilespmem:v18+s17+$0x0], $0xffff  }
0x60a: {  	v22 =	vand.u32 $0xFFFFFFF8, v52;
	v55 =	vshra.s32 v53, $0xE;
	v13 =	vshra.s32 v13, $0xE  }
0x60b: {  	v20 =	vor.u32 v20, v22;
	v56 =	vadd.s32 v9, v55;
	vm13 =	vlt.s32 v13, $0xFFFF  }
0x60c: {  	v21 =	vand.u32 $0x7, v55;
	v14 =	vand.u32 $0xFFFFFFF8, v56;
	v13 =	vnsel vm13, $0xFFFF, v13  }
0x60d: {  	v20 =	vadd.s32 $0xFFFF0200, v20;
	v14 =	vor.u32 v21, v14;
	v9 =	vadd.s32 v9, v13  }
0x60e: {  	v13 =	vand.u32 $0x7, v13;
	v9 =	vand.u32 $0xFFFFFFF8, v9;
	v59 =	vsub.f32 $2.000000000e+00, v18  }
0x60f: {  	v14 =	vadd.s32 $0xFFFF0200, v14;
	v9 =	vor.u32 v13, v9;
	v60 =	vadd.f32 $1.000000000e+00, v18  }
0x610: {  	v13 =	vand.u32 $0x7, v58;
	v9 =	vadd.s32 $0xFFFF2C00, v9;
	v61 =	vshra.s32 v59, $0xE  }
0x611: {  	[tilespmem:v19+s25+$0x0] =	vst.idx.add.s32.msk $0xffff, v1;
	v13 =	vor.u32 v13, v15;
	v62 =	vshra.s32 v60, $0xE;
	vm15 =	vlt.s32 v61, $0xFFFF  }
0x612: {  	[tilespmem:v16+s25+$0x0] =	vst.idx.add.s32.msk $0xffff, v4;
	v13 =	vadd.s32 $0xFFFF0200, v13;
	v12 =	vadd.s32 v6, v62;
	v10 =	vnsel vm15, $0xFFFF, v61  }
0x613: {  	[tilespmem:v7+s25+$0x0] =	vst.idx.add.s32.msk $0xffff, v1;
	v7 =	vand.u32 $0x7, v62;
	v63 =	vand.u32 $0xFFFFFFF8, v12;
	v6 =	vadd.s32 v6, v10  }
0x614: {  	[tilespmem:v20+s25+$0x0] =	vst.idx.add.s32.msk $0xffff, v4;
	v7 =	vor.u32 v7, v63;
	v10 =	vand.u32 $0x7, v10;
	v6 =	vand.u32 $0xFFFFFFF8, v6  }
0x615: {  	[tilespmem:v8+s25+$0x0] =	vst.idx.add.s32.msk $0xffff, v1;
	v7 =	vadd.s32 $0xFFFF0200, v7;
	v6 =	vor.u32 v10, v6  }
0x616: {  	[tilespmem:v14+s25+$0x0] =	vst.idx.add.s32.msk $0xffff, v4;
	v6 =	vadd.s32 $0xFFFF2C00, v6  }
.Ltmp6:
0x617: {  	[tilespmem:v9+s25+$0x0] =	vst.idx.add.s32.msk $0xffff, v1;
	(pc) =	sbr.rel @p0 .LBB2_12-.Ltmp6, $4  }
0x618: {  	[tilespmem:v13+s25+$0x0] =	vst.idx.add.s32.msk $0xffff, v4  }
0x619: {  	[tilespmem:v5+s25+$0x0] =	vst.idx.add.s32.msk $0xffff, v1  }
0x61a: {  	[tilespmem:v7+s25+$0x0] =	vst.idx.add.s32.msk $0xffff, v4  }
0x61b: {  	[tilespmem:v6+s25+$0x0] =	vst.idx.add.s32.msk $0xffff, v1  }
0x61c: {  	s6 =	sadd.s32 $0x1800, s19;
	s8 =	rddreg [dreg:$0x11]  }
0x61d: {  	s8 =	sadd.s32 s8, s6  }
0x61e: {  	s9 =	sadd.s32 s26, s8  }
0x61f: {  	s9 =	sshrl.u32 s9, $0x3  }
0x620: {  	s12 =	rddreg [dreg:$0x12];
	s9 =	sadd.s32 s1, s9  }
0x621: {  	[tilespmem:s17], [sflag:$0x2] =	stream.linear.gather [hbm4b:s9+s4], $0x800, $0x38;
	[tilespmem:$0x1B400] =	vst v63  }
0x622: {  	s9 =	sadd.s32 s12, s8  }
0x623: {  	s9 =	sshrl.u32 s9, $0x3  }
0x624: {  	s10 =	simm.s32 $0xB000;
	s13 =	rddreg [dreg:$0x15];
	s9 =	sadd.s32 s1, s9  }
0x625: {  	[tilespmem:s10], [sflag:$0x2] =	stream.linear.gather [hbm4b:s9+s4], $0x800, $0x38;
	[tilespmem:$0x1B400] =	vst v63  }
0x626: {  	s9 =	sadd.s32 s13, s8  }
0x627: {  	s9 =	sshrl.u32 s9, $0x3  }
0x628: {  	s14 =	simm.s32 $0xB800;
	s19 =	rddreg [dreg:$0x17];
	s9 =	sadd.s32 s1, s9  }
0x629: {  	[tilespmem:s14], [sflag:$0x2] =	stream.linear.gather [hbm4b:s9+s4], $0x800, $0x38;
	[tilespmem:$0x1B400] =	vst v63  }
0x62a: {  	s9 =	sadd.s32 s19, s8  }
0x62b: {  	s9 =	sshrl.u32 s9, $0x3  }
0x62c: {  	s21 =	simm.s32 $0xC000;
	s11 =	rddreg [dreg:$0x18];
	s9 =	sadd.s32 s1, s9  }
0x62d: {  	[tilespmem:s21], [sflag:$0x2] =	stream.linear.gather [hbm4b:s9+s4], $0x800, $0x38;
	[tilespmem:$0x1B400] =	vst v63  }
0x62e: {  	s9 =	sadd.s32 s11, s8  }
0x62f: {  	s9 =	sshrl.u32 s9, $0x3  }
0x630: {  	s12 =	simm.s32 $0xC800;
	s13 =	rddreg [dreg:$0x1b];
	s9 =	sadd.s32 s1, s9  }
0x631: {  	[tilespmem:s12], [sflag:$0x2] =	stream.linear.gather [hbm4b:s9+s4], $0x800, $0x38;
	[tilespmem:$0x1B400] =	vst v63  }
0x632: {  	s9 =	sadd.s32 s13, s8  }
0x633: {  	s9 =	sshrl.u32 s9, $0x3  }
0x634: {  	s14 =	simm.s32 $0xD000;
	s19 =	rddreg [dreg:$0x1d];
	s9 =	sadd.s32 s1, s9  }
0x635: {  	[tilespmem:s14], [sflag:$0x2] =	stream.linear.gather [hbm4b:s9+s4], $0x800, $0x38;
	[tilespmem:$0x1B400] =	vst v63  }
0x636: {  	s9 =	sadd.s32 s19, s8  }
0x637: {  	s9 =	sshrl.u32 s9, $0x3  }
0x638: {  	s21 =	simm.s32 $0xD800;
	s11 =	rddreg [dreg:$0x1e];
	s9 =	sadd.s32 s1, s9  }
0x639: {  	[tilespmem:s21], [sflag:$0x2] =	stream.linear.gather [hbm4b:s9+s4], $0x800, $0x38;
	[tilespmem:$0x1B400] =	vst v63  }
0x63a: {  	s9 =	sadd.s32 s11, s8  }
0x63b: {  	s9 =	sshrl.u32 s9, $0x3  }
0x63c: {  	s12 =	simm.s32 $0xE000;
	s13 =	sadd.s32 s20, s8;
	s9 =	sadd.s32 s1, s9  }
0x63d: {  	[tilespmem:s12], [sflag:$0x2] =	stream.linear.gather [hbm4b:s9+s4], $0x800, $0x38;
	[tilespmem:$0x1B400] =	vst v63  }
0x63e: {  	s9 =	sshrl.u32 s13, $0x3  }
0x63f: {  	s14 =	simm.s32 $0xE800;
	s19 =	sadd.s32 s22, s8;
	s9 =	sadd.s32 s1, s9  }
0x640: {  	[tilespmem:s14], [sflag:$0x2] =	stream.linear.gather [hbm4b:s9+s4], $0x800, $0x38;
	[tilespmem:$0x1B400] =	vst v63  }
0x641: {  	s9 =	sshrl.u32 s19, $0x3  }
0x642: {  	s21 =	simm.s32 $0xF000;
	s11 =	sadd.s32 s29, s8;
	s9 =	sadd.s32 s1, s9  }
0x643: {  	[tilespmem:s21], [sflag:$0x2] =	stream.linear.gather [hbm4b:s9+s4], $0x800, $0x38;
	[tilespmem:$0x1B400] =	vst v63  }
0x644: {  	s9 =	sshrl.u32 s11, $0x3  }
0x645: {  	s12 =	simm.s32 $0xF800;
	s13 =	sadd.s32 s2, s8;
	s9 =	sadd.s32 s1, s9  }
0x646: {  	[tilespmem:s12], [sflag:$0x2] =	stream.linear.gather [hbm4b:s9+s4], $0x800, $0x38;
	[tilespmem:$0x1B400] =	vst v63  }
0x647: {  	s9 =	sshrl.u32 s13, $0x3  }
0x648: {  	s14 =	simm.s32 $0x10000;
	s19 =	sadd.s32 s16, s8;
	s9 =	sadd.s32 s1, s9  }
0x649: {  	[tilespmem:s14], [sflag:$0x2] =	stream.linear.gather [hbm4b:s9+s4], $0x800, $0x38;
	[tilespmem:$0x1B400] =	vst v63  }
0x64a: {  	s9 =	sshrl.u32 s19, $0x3  }
0x64b: {  	s21 =	simm.s32 $0x10800;
	s11 =	sadd.s32 s31, s8;
	s9 =	sadd.s32 s1, s9  }
0x64c: {  	[tilespmem:s21], [sflag:$0x2] =	stream.linear.gather [hbm4b:s9+s4], $0x800, $0x38;
	[tilespmem:$0x1B400] =	vst v63  }
0x64d: {  	s9 =	sshrl.u32 s11, $0x3  }
0x64e: {  	s12 =	simm.s32 $0x11000;
	s13 =	sadd.s32 s24, s8;
	s9 =	sadd.s32 s1, s9  }
0x64f: {  	[tilespmem:s12], [sflag:$0x2] =	stream.linear.gather [hbm4b:s9+s4], $0x800, $0x38;
	[tilespmem:$0x1B400] =	vst v63  }
0x650: {  	s9 =	sshrl.u32 s13, $0x3  }
0x651: {  	s14 =	simm.s32 $0x11800;
	s19 =	sadd.s32 s5, s8;
	s9 =	sadd.s32 s1, s9  }
0x652: {  	[tilespmem:s14], [sflag:$0x2] =	stream.linear.gather [hbm4b:s9+s4], $0x800, $0x38;
	[tilespmem:$0x1B400] =	vst v63  }
0x653: {  	s9 =	sshrl.u32 s19, $0x3  }
0x654: {  	s21 =	simm.s32 $0x12000;
	s11 =	sadd.s32 s28, s8;
	s9 =	sadd.s32 s1, s9  }
0x655: {  	[tilespmem:s21], [sflag:$0x2] =	stream.linear.gather [hbm4b:s9+s4], $0x800, $0x38;
	[tilespmem:$0x1B400] =	vst v63  }
0x656: {  	s9 =	sshrl.u32 s11, $0x3  }
0x657: {  	s12 =	simm.s32 $0x12800;
	s13 =	sadd.s32 s7, s8;
	s9 =	sadd.s32 s1, s9  }
0x658: {  	[tilespmem:s12], [sflag:$0x2] =	stream.linear.gather [hbm4b:s9+s4], $0x800, $0x38;
	[tilespmem:$0x1B400] =	vst v63  }
0x659: {  	s9 =	sshrl.u32 s13, $0x3  }
0x65a: {  	s14 =	simm.s32 $0x13000;
	s19 =	sadd.s32 s0, s8;
	s9 =	sadd.s32 s1, s9  }
0x65b: {  	[tilespmem:s14], [sflag:$0x2] =	stream.linear.gather [hbm4b:s9+s4], $0x800, $0x38;
	[tilespmem:$0x1B400] =	vst v63  }
0x65c: {  	s21 =	simm.s32 $0x13800;
	s9 =	sshrl.u32 s19, $0x3  }
0x65d: {  	s11 =	sadd.s32 s15, s8;
	s8 =	sadd.s32 s18, s8;
	s9 =	sadd.s32 s1, s9  }
0x65e: {  	[tilespmem:s21], [sflag:$0x2] =	stream.linear.gather [hbm4b:s9+s4], $0x800, $0x38;
	[tilespmem:$0x1B400] =	vst v63  }
0x65f: {  	s8 =	sshrl.u32 s8, $0x3;
	s9 =	sshrl.u32 s11, $0x3  }
0x660: {  	s12 =	simm.s32 $0x14000;
	s14 =	rddreg [dreg:$0x4];
	s9 =	sadd.s32 s1, s9  }
0x661: {  	[tilespmem:s12], [sflag:$0x2] =	stream.linear.gather [hbm4b:s9+s4], $0x800, $0x38;
	[tilespmem:$0x1B400] =	vst v63  }
.Ltmp7:
0x662: {  	s8 =	sadd.s32 s1, s8;
	s6 =	sadd.s32 s14, s6;
	(pc) =	sbr.rel .LBB2_4-.Ltmp7, $4  }
0x663: {  	s13 =	simm.s32 $0x14800;
	s19 =	rddreg [dreg:$0x1];
	s6 =	sshrl.u32 s6, $0x3  }
0x664: {  	[tilespmem:s13], [sflag:$0x2] =	stream.linear.gather [hbm4b:s8+s4], $0x800, $0x38;
	[tilespmem:$0x1B400] =	vst v63  }
0x665: {  	s3 =	sadd.s32 $0x1, s3;
	s21 =	simm.s32 $0x15800;
	s6 =	sadd.s32 s19, s6  }
0x666: {  	[tilespmem:s21], [sflag:$0x2] =	stream.linear.gather [hbm4b:s6+s4], $0x800, $0x38;
	[tilespmem:$0x1B400] =	vst v63  }
.LBB2_13:
0x667: {  	_ =	sfence.sel $0x180000  }
0x668: {  	[bflag:$0x0] =	sbarrier.arrive $0xFFFF  }
0x669: {  	_ =	strace $0x90000047  }
0x66a: {  	s0 =	stileid.u32;
	[bflag:$0x2] =	sbarrier.arrive $0xFFFF  }
0x66b: {  	p0 =	sne.s32 s0, $0x0;
	s0 =	rddreg [dreg:$0x3]  }
0x66c: {  	s0 =	sadd.s32 @!p0 $0x100000, s0  }
0x66d: {  	[sflag:s0] =	ssyncadd.tile.s32 @!p0 $0x1;
	_ =	shalt  }
.Lfunc_end2:
_tile_overlayer_lowered:
.L_overlay_start_2:
0x66e: {  	(tag) =	ssettag $0x2  }
0x66f: {  	s0 =	rddreg [dreg:$0x0];
	s2 =	stileid.u32  }
0x670: {  	s1 =	rddreg [dreg:$0x1];
	p0 =	sne.s32 s2, $0x0  }
0x671: {  	s3 =	rddreg [dreg:$0x2];
	[bflag:$0x3] =	sbarrier.arrive $0xFFFF;
	s2 =	simm.s32 @!p0 $0x1C03  }
0x672: {  	[timem:s3], [sflag:s2] =	dma.local @!p0 [hbm:s0], s1  }
0x673: {  	s0 =	simm.s32 @!p0 $0x3  }
0x674: {  	_ =	swait.ge @!p0 [sflag:s0], s1  }
0x675: {  	s1 =	ssub.s32 @!p0 $0x0, s1;
	[sflag:s0] =	ssyncset.done @!p0 $0x0  }
0x676: {  	[sflag:s0] =	ssyncadd.s32 @!p0 s1  }
0x677: {  	[bflag:$0x3] =	sbarrier.arrive $0xFFFF  }
0x678: {  	_ =	shalt  }

</sc_bundles>
